<compile_context>
chip_gen: v7x
topology: tpu7x:2x2x1
jax: 0.10.2.dev20260603
libtpu: 0.0.44.dev20260713+nightly
codegen_flags: <defaults>
</compile_context>

<pallas_src>
import jax
import jax.numpy as jnp
from jax import lax
from jax.experimental import pallas as pl
from jax.experimental.pallas import tpu as pltpu
from jax.experimental.pallas import tpu_sc as plsc

N_NODES = 10000
N_EDGES = 320000
D_IN = 128
D_HID = 256
D_OUT = 128

NC = 2
NS = 16
NW = NC * NS
EPT = N_EDGES // NW
CHUNK = 80
NCHUNK = EPT // CHUNK
NGRP = 5
GCH = NCHUNK // NGRP
NBUF = 3
RPT = 624
TAIL = N_NODES - NS * RPT
TAIL_OFF = NS * RPT

_sc_mesh = plsc.VectorSubcoreMesh(
    core_axis_name="c", subcore_axis_name="s", num_cores=NC, num_subcores=NS
)


def _sc_agg_body(x_hbm, edges_hbm, out_hbm, src_v, dst_v, rows_v, sems,
                 sidx, agg_sh):
    c = lax.axis_index("c")
    s = lax.axis_index("s")
    wid = c * NS + s

    pltpu.sync_copy(x_hbm.at[pl.ds(s * RPT, RPT)],
                    agg_sh.at[pl.ds(s * RPT, RPT)])

    @pl.when(s == 0)
    def _seed_tail():
        pltpu.sync_copy(x_hbm.at[pl.ds(TAIL_OFF, TAIL)],
                        agg_sh.at[pl.ds(TAIL_OFF, TAIL)])

    plsc.subcore_barrier()

    pltpu.sync_copy(edges_hbm.at[0, wid, 0], src_v.at[0])
    pltpu.sync_copy(edges_hbm.at[1, wid, 0], dst_v)
    for b in range(NBUF):
        pltpu.async_copy(x_hbm.at[src_v.at[0, b]], rows_v.at[b], sems[b])

    for g in range(NGRP):
        p = g % 2
        q = (g + 1) % 2
        phi = g % NBUF
        if g > 0:
            pltpu.sync_copy(edges_hbm.at[1, wid, g], dst_v)
        if g + 1 < NGRP:
            pltpu.async_copy(edges_hbm.at[0, wid, g + 1], src_v.at[q], sidx)

        def ring(i, carry, p=p, phi=phi):
            j = NBUF * i
            for b in range(NBUF):
                bb = (phi + b) % NBUF
                pltpu.make_async_copy(x_hbm.at[src_v.at[p, j + b]],
                                      rows_v.at[bb], sems[bb]).wait()
                pltpu.sync_copy(rows_v.at[bb], agg_sh.at[dst_v.at[j + b]],
                                add=True)
                pltpu.async_copy(x_hbm.at[src_v.at[p, j + NBUF + b]],
                                 rows_v.at[bb], sems[bb])
            return carry

        n_full = (GCH - NBUF - 1) // NBUF
        lax.fori_loop(0, n_full, ring, 0)
        for jj in range(NBUF * n_full, GCH - NBUF):
            bb = (phi + jj) % NBUF
            pltpu.make_async_copy(x_hbm.at[src_v.at[p, jj]],
                                  rows_v.at[bb], sems[bb]).wait()
            pltpu.sync_copy(rows_v.at[bb], agg_sh.at[dst_v.at[jj]], add=True)
            pltpu.async_copy(x_hbm.at[src_v.at[p, jj + NBUF]],
                             rows_v.at[bb], sems[bb])
        if g + 1 < NGRP:
            pltpu.make_async_copy(edges_hbm.at[0, wid, g + 1], src_v.at[q],
                                  sidx).wait()
        for t in range(NBUF):
            jj = GCH - NBUF + t
            bb = (phi + jj) % NBUF
            pltpu.make_async_copy(x_hbm.at[src_v.at[p, jj]],
                                  rows_v.at[bb], sems[bb]).wait()
            pltpu.sync_copy(rows_v.at[bb], agg_sh.at[dst_v.at[jj]], add=True)
            if g + 1 < NGRP:
                pltpu.async_copy(x_hbm.at[src_v.at[q, t]], rows_v.at[bb],
                                 sems[bb])
    plsc.subcore_barrier()
    pltpu.sync_copy(edges_hbm.at[0, wid, 0], src_v.at[0])
    plsc.subcore_barrier()

    pltpu.sync_copy(agg_sh.at[pl.ds(s * RPT, RPT)],
                    out_hbm.at[c, pl.ds(s * RPT, RPT)])

    @pl.when(s == 0)
    def _write_tail():
        pltpu.sync_copy(agg_sh.at[pl.ds(TAIL_OFF, TAIL)],
                        out_hbm.at[c, pl.ds(TAIL_OFF, TAIL)])


_sc_agg = pl.kernel(
    _sc_agg_body,
    out_type=jax.ShapeDtypeStruct((NC, N_NODES, D_IN), jnp.float32),
    mesh=_sc_mesh,
    scratch_types=[
        pltpu.VMEM((2, GCH, CHUNK), jnp.int32),
        pltpu.VMEM((GCH, CHUNK), jnp.int32),
        pltpu.VMEM((NBUF, CHUNK, D_IN), jnp.float32),
        [pltpu.SemaphoreType.DMA] * NBUF,
        pltpu.SemaphoreType.DMA,
        pltpu.VMEM_SHARED((N_NODES, D_IN), jnp.float32),
    ],
)


def _mlp_body(eps_ref, x_ref, p_ref, w1_ref, b1_ref, w2_ref, b2_ref, o_ref):
    z = x_ref[...] * (eps_ref[0, 0] - 1.0) + p_ref[0] + p_ref[1]
    h = jnp.dot(z, w1_ref[...], preferred_element_type=jnp.float32)
    h = jnp.maximum(h + b1_ref[...], 0.0)
    o = jnp.dot(h, w2_ref[...], preferred_element_type=jnp.float32)
    o_ref[...] = o + b2_ref[...]


_ROWS_BLK = 2000


def _mlp(eps2d, x, partials, W1, b1, W2, b2):
    grid = (N_NODES // _ROWS_BLK,)
    return pl.pallas_call(
        _mlp_body,
        grid=grid,
        in_specs=[
            pl.BlockSpec(memory_space=pltpu.SMEM),
            pl.BlockSpec((_ROWS_BLK, D_IN), lambda i: (i, 0)),
            pl.BlockSpec((NC, _ROWS_BLK, D_IN), lambda i: (0, i, 0)),
            pl.BlockSpec((D_IN, D_HID), lambda i: (0, 0)),
            pl.BlockSpec((1, D_HID), lambda i: (0, 0)),
            pl.BlockSpec((D_HID, D_OUT), lambda i: (0, 0)),
            pl.BlockSpec((1, D_OUT), lambda i: (0, 0)),
        ],
        out_specs=pl.BlockSpec((_ROWS_BLK, D_OUT), lambda i: (i, 0)),
        out_shape=jax.ShapeDtypeStruct((N_NODES, D_OUT), jnp.float32),
    )(eps2d, x, partials, W1, b1, W2, b2)


def kernel(x, edge_index, eps, W1, b1, W2, b2):
    edges = edge_index.reshape(2, NW, NGRP, GCH, CHUNK)
    partials = _sc_agg(x, edges)
    eps2d = eps.reshape(1, 1).astype(jnp.float32)
    return _mlp(eps2d, x, partials,
                W1, b1.reshape(1, D_HID), W2, b2.reshape(1, D_OUT))

# --- scband reference (transcript-rebuilt; emitter-appended) ---
"""Pipeline reference for scband-isomorphic-cell-14353780703961 (READ-ONLY COPY).

The authoritative reference and input builder live on the scoring server;
editing this copy changes nothing except your own understanding.
"""

import jax, jax.numpy as jnp
import numpy as np

N_NODES = 10000
N_EDGES = 320000
D_IN = 128
D_HID = 256  # hidden_multiplier 2.0 * in_channels
D_OUT = 128


def setup_inputs(seed: int = 0) -> dict:
    key = jax.random.key(seed)
    ks = jax.random.split(key, 7)
    x = jax.random.normal(ks[0], (N_NODES, D_IN), dtype=jnp.float32)
    edge_index = jax.random.randint(ks[1], (2, N_EDGES), 0, N_NODES, dtype=jnp.int32)
    # learned parameters of the GIN-style isomorphic cell
    eps = jnp.zeros((), dtype=jnp.float32)  # train_eps=True, init 0
    W1 = jax.random.normal(ks[2], (D_IN, D_HID), dtype=jnp.float32) * (1.0 / np.sqrt(D_IN))
    b1 = jnp.zeros((D_HID,), dtype=jnp.float32)
    W2 = jax.random.normal(ks[3], (D_HID, D_OUT), dtype=jnp.float32) * (1.0 / np.sqrt(D_HID))
    b2 = jnp.zeros((D_OUT,), dtype=jnp.float32)
    return {"x": x, "edge_index": edge_index, "eps": eps, "W1": W1, "b1": b1, "W2": W2, "b2": b2}


def reference(x, edge_index, eps, W1, b1, W2, b2):
    # GIN / isomorphic message passing cell:
    #   h_i = MLP( (1 + eps) * x_i + sum_{j in N(i)} x_j )
    src = edge_index[0]
    dst = edge_index[1]
    msgs = jnp.take(x, src, axis=0)                                # gather  [E, D]
    agg = jax.ops.segment_sum(msgs, dst, num_segments=x.shape[0])  # scatter-add [N, D]
    h = (1.0 + eps) * x + agg
    h = jax.nn.relu(h @ W1 + b1)
    out = h @ W2 + b2
    return out

if __name__ == "__main__":
    import jax
    _d = setup_inputs()
    print(jax.jit(kernel)(*tuple(_d.values())))

</pallas_src>

<mosaic_0001>
#map = affine_map<(d0, d1) -> (0, 0)>
#map1 = affine_map<(d0, d1) -> (0, 0, 0, 0, 0)>
#map2 = affine_map<(d0, d1) -> (0, 0, 0)>
module attributes {stable_mosaic.version = 14 : i64} {
  func.func @_sc_agg_body(%arg0: i32, %arg1: i32, %arg2: memref<10000x128xf32, #tpu.memory_space<hbm>>, %arg3: memref<2x32x5x25x80xi32, #tpu.memory_space<hbm>>, %arg4: memref<2x10000x128xf32, #tpu.memory_space<hbm>>, %arg5: memref<2x25x80xi32, #tpu.memory_space<vmem>>, %arg6: memref<25x80xi32, #tpu.memory_space<vmem>>, %arg7: memref<3x80x128xf32, #tpu.memory_space<vmem>>, %arg8: memref<!tpu.dma_semaphore, #tpu.memory_space<semaphore_mem>>, %arg9: memref<!tpu.dma_semaphore, #tpu.memory_space<semaphore_mem>>, %arg10: memref<!tpu.dma_semaphore, #tpu.memory_space<semaphore_mem>>, %arg11: memref<!tpu.dma_semaphore, #tpu.memory_space<semaphore_mem>>, %arg12: memref<10000x128xf32, #tpu.memory_space<vmem_shared>>) attributes {dimension_semantics = [#tpu.dimension_semantics<core_parallel>, #tpu.dimension_semantics<subcore_parallel>], iteration_bounds = array<i64: 2, 16>, scalar_prefetch = 0 : i64, scratch_operands = 8 : i64, tpu.core_type = #tpu.core_type<sc_vector_subcore>, window_params = [{transform_indices = #map}, {transform_indices = #map1}, {transform_indices = #map2}]} {
    %mul3A = arith.constant 16 : i32
    %mul3A_0 = arith.muli %arg0, %mul3A : i32
    %add3A = arith.addi %mul3A_0, %arg1 : i32
    %mul3A_1 = arith.constant 624 : i32
    %mul3A_2 = arith.muli %arg1, %mul3A_1 : i32
    %mul3A_3 = arith.constant 624 : i32
    %mul3A_4 = arith.muli %arg1, %mul3A_3 : i32
    "tpu.region"() ({
      %run_scoped3A_772 = tpu.sem_alloc : memref<!tpu.dma_semaphore, #tpu.memory_space<semaphore_mem>>
      %dma_start3A_773 = arith.constant 0 : i32
      %dma_start3A_774 = tpu.memref_slice %arg12[%mul3A_4, %dma_start3A_773] : memref<10000x128xf32, #tpu.memory_space<vmem_shared>> -> memref<624x128xf32, #tpu.memory_space<vmem_shared>>
      %dma_start3A_775 = arith.constant 0 : i32
      %dma_start3A_776 = tpu.memref_slice %arg2[%mul3A_2, %dma_start3A_775] : memref<10000x128xf32, #tpu.memory_space<hbm>> -> memref<624x128xf32, #tpu.memory_space<hbm>>
      tpu.enqueue_dma source(%dma_start3A_776 : memref<624x128xf32, #tpu.memory_space<hbm>>) target(%dma_start3A_774 : memref<624x128xf32, #tpu.memory_space<vmem_shared>>) target_semaphore(%run_scoped3A_772 : memref<!tpu.dma_semaphore, #tpu.memory_space<semaphore_mem>>)
      %dma_wait3A_777 = arith.constant 0 : i32
      %dma_wait3A_778 = tpu.memref_slice %arg12[%mul3A_4, %dma_wait3A_777] : memref<10000x128xf32, #tpu.memory_space<vmem_shared>> -> memref<624x128xf32, #tpu.memory_space<vmem_shared>>
      %dma_wait3A_779 = arith.constant 0 : i32
      %dma_wait3A_780 = tpu.memref_slice %arg2[%mul3A_2, %dma_wait3A_779] : memref<10000x128xf32, #tpu.memory_space<hbm>> -> memref<624x128xf32, #tpu.memory_space<hbm>>
      tpu.wait_dma2 semaphore(%run_scoped3A_772 : memref<!tpu.dma_semaphore, #tpu.memory_space<semaphore_mem>>) src(%dma_wait3A_780 : memref<624x128xf32, #tpu.memory_space<hbm>>) dst(%dma_wait3A_778 : memref<624x128xf32, #tpu.memory_space<vmem_shared>>)
      tpu.yield
    }) : () -> ()
    %eq3A = arith.constant 0 : i32
    %eq3A_5 = arith.cmpi eq, %arg1, %eq3A : i32
    %convert_element_type3A = arith.extui %eq3A_5 : i1 to i32
    %cond3A = arith.constant 0 : i32
    %cond3A_6 = arith.cmpi ne, %convert_element_type3A, %cond3A : i32
    scf.if %cond3A_6 {
      "tpu.region"() ({
        %run_scoped3A_772 = tpu.sem_alloc : memref<!tpu.dma_semaphore, #tpu.memory_space<semaphore_mem>>
        %dma_start3A_773 = arith.constant 9984 : i32
        %dma_start3A_774 = arith.constant 0 : i32
        %dma_start3A_775 = tpu.memref_slice %arg12[%dma_start3A_773, %dma_start3A_774] : memref<10000x128xf32, #tpu.memory_space<vmem_shared>> -> memref<16x128xf32, #tpu.memory_space<vmem_shared>>
        %dma_start3A_776 = arith.constant 9984 : i32
        %dma_start3A_777 = arith.constant 0 : i32
        %dma_start3A_778 = tpu.memref_slice %arg2[%dma_start3A_776, %dma_start3A_777] : memref<10000x128xf32, #tpu.memory_space<hbm>> -> memref<16x128xf32, #tpu.memory_space<hbm>>
        tpu.enqueue_dma source(%dma_start3A_778 : memref<16x128xf32, #tpu.memory_space<hbm>>) target(%dma_start3A_775 : memref<16x128xf32, #tpu.memory_space<vmem_shared>>) target_semaphore(%run_scoped3A_772 : memref<!tpu.dma_semaphore, #tpu.memory_space<semaphore_mem>>)
        %dma_wait3A_779 = arith.constant 9984 : i32
        %dma_wait3A_780 = arith.constant 0 : i32
        %dma_wait3A_781 = tpu.memref_slice %arg12[%dma_wait3A_779, %dma_wait3A_780] : memref<10000x128xf32, #tpu.memory_space<vmem_shared>> -> memref<16x128xf32, #tpu.memory_space<vmem_shared>>
        %dma_wait3A_782 = arith.constant 9984 : i32
        %dma_wait3A_783 = arith.constant 0 : i32
        %dma_wait3A_784 = tpu.memref_slice %arg2[%dma_wait3A_782, %dma_wait3A_783] : memref<10000x128xf32, #tpu.memory_space<hbm>> -> memref<16x128xf32, #tpu.memory_space<hbm>>
        tpu.wait_dma2 semaphore(%run_scoped3A_772 : memref<!tpu.dma_semaphore, #tpu.memory_space<semaphore_mem>>) src(%dma_wait3A_784 : memref<16x128xf32, #tpu.memory_space<hbm>>) dst(%dma_wait3A_781 : memref<16x128xf32, #tpu.memory_space<vmem_shared>>)
        tpu.yield
      }) : () -> ()
    } else {
    }
    %barrier3A = arith.constant 0 : index
    tpu.barrier barrier_id(%barrier3A)
    %run_scoped3A = arith.constant 0 : i32
    %run_scoped3A_7 = arith.constant 0 : i32
    %run_scoped3A_8 = arith.constant 0 : i32
    "tpu.region"() ({
      %run_scoped3A_772 = tpu.sem_alloc : memref<!tpu.dma_semaphore, #tpu.memory_space<semaphore_mem>>
      %dma_start3A_773 = arith.constant 0 : i32
      %dma_start3A_774 = arith.constant 0 : i32
      %dma_start3A_775 = tpu.memref_slice %arg5[%run_scoped3A_8, %dma_start3A_773, %dma_start3A_774] : memref<2x25x80xi32, #tpu.memory_space<vmem>> -> memref<1x25x80xi32, #tpu.memory_space<vmem>>
      %dma_start3A_776 = tpu.memref_squeeze %dma_start3A_775 : memref<1x25x80xi32, #tpu.memory_space<vmem>> -> memref<25x80xi32, #tpu.memory_space<vmem>>
      %dma_start3A_777 = arith.constant 0 : i32
      %dma_start3A_778 = arith.constant 0 : i32
      %dma_start3A_779 = tpu.memref_slice %arg3[%run_scoped3A, %add3A, %run_scoped3A_7, %dma_start3A_777, %dma_start3A_778] : memref<2x32x5x25x80xi32, #tpu.memory_space<hbm>> -> memref<1x1x1x25x80xi32, #tpu.memory_space<hbm>>
      %dma_start3A_780 = tpu.memref_squeeze %dma_start3A_779 : memref<1x1x1x25x80xi32, #tpu.memory_space<hbm>> -> memref<25x80xi32, #tpu.memory_space<hbm>>
      %dma_start3A_781 = arith.constant 0 : i32
      %dma_start3A_782 = arith.constant 0 : i32
      %dma_start3A_783 = tpu.memref_slice %arg5[%run_scoped3A_8, %dma_start3A_781, %dma_start3A_782] : memref<2x25x80xi32, #tpu.memory_space<vmem>> -> memref<1x25x80xi32, #tpu.memory_space<vmem>>
      %dma_start3A_784 = tpu.memref_squeeze %dma_start3A_783 : memref<1x25x80xi32, #tpu.memory_space<vmem>> -> memref<25x80xi32, #tpu.memory_space<vmem>>
      %dma_start3A_785 = arith.constant 0 : i32
      %dma_start3A_786 = arith.constant 0 : i32
      %dma_start3A_787 = tpu.memref_slice %arg3[%run_scoped3A, %add3A, %run_scoped3A_7, %dma_start3A_785, %dma_start3A_786] : memref<2x32x5x25x80xi32, #tpu.memory_space<hbm>> -> memref<1x1x1x25x80xi32, #tpu.memory_space<hbm>>
      %dma_start3A_788 = tpu.memref_squeeze %dma_start3A_787 : memref<1x1x1x25x80xi32, #tpu.memory_space<hbm>> -> memref<25x80xi32, #tpu.memory_space<hbm>>
      tpu.enqueue_dma source(%dma_start3A_788 : memref<25x80xi32, #tpu.memory_space<hbm>>) target(%dma_start3A_784 : memref<25x80xi32, #tpu.memory_space<vmem>>) target_semaphore(%run_scoped3A_772 : memref<!tpu.dma_semaphore, #tpu.memory_space<semaphore_mem>>)
      %dma_wait3A_789 = arith.constant 0 : i32
      %dma_wait3A_790 = arith.constant 0 : i32
      %dma_wait3A_791 = tpu.memref_slice %arg5[%run_scoped3A_8, %dma_wait3A_789, %dma_wait3A_790] : memref<2x25x80xi32, #tpu.memory_space<vmem>> -> memref<1x25x80xi32, #tpu.memory_space<vmem>>
      %dma_wait3A_792 = tpu.memref_squeeze %dma_wait3A_791 : memref<1x25x80xi32, #tpu.memory_space<vmem>> -> memref<25x80xi32, #tpu.memory_space<vmem>>
      %dma_wait3A_793 = arith.constant 0 : i32
      %dma_wait3A_794 = arith.constant 0 : i32
      %dma_wait3A_795 = tpu.memref_slice %arg3[%run_scoped3A, %add3A, %run_scoped3A_7, %dma_wait3A_793, %dma_wait3A_794] : memref<2x32x5x25x80xi32, #tpu.memory_space<hbm>> -> memref<1x1x1x25x80xi32, #tpu.memory_space<hbm>>
      %dma_wait3A_796 = tpu.memref_squeeze %dma_wait3A_795 : memref<1x1x1x25x80xi32, #tpu.memory_space<hbm>> -> memref<25x80xi32, #tpu.memory_space<hbm>>
      %dma_wait3A_797 = arith.constant 0 : i32
      %dma_wait3A_798 = arith.constant 0 : i32
      %dma_wait3A_799 = tpu.memref_slice %arg5[%run_scoped3A_8, %dma_wait3A_797, %dma_wait3A_798] : memref<2x25x80xi32, #tpu.memory_space<vmem>> -> memref<1x25x80xi32, #tpu.memory_space<vmem>>
      %dma_wait3A_800 = tpu.memref_squeeze %dma_wait3A_799 : memref<1x25x80xi32, #tpu.memory_space<vmem>> -> memref<25x80xi32, #tpu.memory_space<vmem>>
      %dma_wait3A_801 = arith.constant 0 : i32
      %dma_wait3A_802 = arith.constant 0 : i32
      %dma_wait3A_803 = tpu.memref_slice %arg3[%run_scoped3A, %add3A, %run_scoped3A_7, %dma_wait3A_801, %dma_wait3A_802] : memref<2x32x5x25x80xi32, #tpu.memory_space<hbm>> -> memref<1x1x1x25x80xi32, #tpu.memory_space<hbm>>
      %dma_wait3A_804 = tpu.memref_squeeze %dma_wait3A_803 : memref<1x1x1x25x80xi32, #tpu.memory_space<hbm>> -> memref<25x80xi32, #tpu.memory_space<hbm>>
      tpu.wait_dma2 semaphore(%run_scoped3A_772 : memref<!tpu.dma_semaphore, #tpu.memory_space<semaphore_mem>>) src(%dma_wait3A_804 : memref<25x80xi32, #tpu.memory_space<hbm>>) dst(%dma_wait3A_800 : memref<25x80xi32, #tpu.memory_space<vmem>>)
      tpu.yield
    }) : () -> ()
    %run_scoped3A_9 = arith.constant 1 : i32
    %run_scoped3A_10 = arith.constant 0 : i32
    "tpu.region"() ({
      %run_scoped3A_772 = tpu.sem_alloc : memref<!tpu.dma_semaphore, #tpu.memory_space<semaphore_mem>>
      %dma_start3A_773 = arith.constant 0 : i32
      %dma_start3A_774 = arith.constant 0 : i32
      %dma_start3A_775 = tpu.memref_slice %arg3[%run_scoped3A_9, %add3A, %run_scoped3A_10, %dma_start3A_773, %dma_start3A_774] : memref<2x32x5x25x80xi32, #tpu.memory_space<hbm>> -> memref<1x1x1x25x80xi32, #tpu.memory_space<hbm>>
      %dma_start3A_776 = tpu.memref_squeeze %dma_start3A_775 : memref<1x1x1x25x80xi32, #tpu.memory_space<hbm>> -> memref<25x80xi32, #tpu.memory_space<hbm>>
      %dma_start3A_777 = arith.constant 0 : i32
      %dma_start3A_778 = arith.constant 0 : i32
      %dma_start3A_779 = tpu.memref_slice %arg3[%run_scoped3A_9, %add3A, %run_scoped3A_10, %dma_start3A_777, %dma_start3A_778] : memref<2x32x5x25x80xi32, #tpu.memory_space<hbm>> -> memref<1x1x1x25x80xi32, #tpu.memory_space<hbm>>
      %dma_start3A_780 = tpu.memref_squeeze %dma_start3A_779 : memref<1x1x1x25x80xi32, #tpu.memory_space<hbm>> -> memref<25x80xi32, #tpu.memory_space<hbm>>
      tpu.enqueue_dma source(%dma_start3A_780 : memref<25x80xi32, #tpu.memory_space<hbm>>) target(%arg6 : memref<25x80xi32, #tpu.memory_space<vmem>>) target_semaphore(%run_scoped3A_772 : memref<!tpu.dma_semaphore, #tpu.memory_space<semaphore_mem>>)
      %dma_wait3A_781 = arith.constant 0 : i32
      %dma_wait3A_782 = arith.constant 0 : i32
      %dma_wait3A_783 = tpu.memref_slice %arg3[%run_scoped3A_9, %add3A, %run_scoped3A_10, %dma_wait3A_781, %dma_wait3A_782] : memref<2x32x5x25x80xi32, #tpu.memory_space<hbm>> -> memref<1x1x1x25x80xi32, #tpu.memory_space<hbm>>
      %dma_wait3A_784 = tpu.memref_squeeze %dma_wait3A_783 : memref<1x1x1x25x80xi32, #tpu.memory_space<hbm>> -> memref<25x80xi32, #tpu.memory_space<hbm>>
      %dma_wait3A_785 = arith.constant 0 : i32
      %dma_wait3A_786 = arith.constant 0 : i32
      %dma_wait3A_787 = tpu.memref_slice %arg3[%run_scoped3A_9, %add3A, %run_scoped3A_10, %dma_wait3A_785, %dma_wait3A_786] : memref<2x32x5x25x80xi32, #tpu.memory_space<hbm>> -> memref<1x1x1x25x80xi32, #tpu.memory_space<hbm>>
      %dma_wait3A_788 = tpu.memref_squeeze %dma_wait3A_787 : memref<1x1x1x25x80xi32, #tpu.memory_space<hbm>> -> memref<25x80xi32, #tpu.memory_space<hbm>>
      tpu.wait_dma2 semaphore(%run_scoped3A_772 : memref<!tpu.dma_semaphore, #tpu.memory_space<semaphore_mem>>) src(%dma_wait3A_788 : memref<25x80xi32, #tpu.memory_space<hbm>>) dst(%arg6 : memref<25x80xi32, #tpu.memory_space<vmem>>)
      tpu.yield
    }) : () -> ()
    %dma_start3A = arith.constant 0 : i32
    %dma_start3A_11 = arith.constant 0 : i32
    %dma_start3A_12 = arith.constant 0 : i32
    %dma_start3A_13 = arith.constant 0 : i32
    %dma_start3A_14 = arith.constant 0 : i32
    %dma_start3A_15 = tpu.memref_slice %arg7[%dma_start3A_12, %dma_start3A_13, %dma_start3A_14] : memref<3x80x128xf32, #tpu.memory_space<vmem>> -> memref<1x80x128xf32, #tpu.memory_space<vmem>>
    %dma_start3A_16 = tpu.memref_squeeze %dma_start3A_15 : memref<1x80x128xf32, #tpu.memory_space<vmem>> -> memref<80x128xf32, #tpu.memory_space<vmem>>
    %dma_start3A_17 = arith.constant 0 : i32
    %dma_start3A_18 = tpu.memref_slice %arg5[%dma_start3A, %dma_start3A_11, %dma_start3A_17] : memref<2x25x80xi32, #tpu.memory_space<vmem>> -> memref<1x1x80xi32, #tpu.memory_space<vmem>>
    %dma_start3A_19 = tpu.memref_squeeze %dma_start3A_18 : memref<1x1x80xi32, #tpu.memory_space<vmem>> -> memref<80xi32, #tpu.memory_space<vmem>>
    %dma_start3A_20 = arith.constant 0 : i32
    %dma_start3A_21 = arith.constant 0 : i32
    %dma_start3A_22 = tpu.memref_slice %arg2[%dma_start3A_20, %dma_start3A_21] : memref<10000x128xf32, #tpu.memory_space<hbm>> -> memref<10000x128xf32, #tpu.memory_space<hbm>>
    tpu.enqueue_indirect_dma source(%dma_start3A_22 : memref<10000x128xf32, #tpu.memory_space<hbm>>) target(%dma_start3A_16 : memref<80x128xf32, #tpu.memory_space<vmem>>) offsets(%dma_start3A_19 : memref<80xi32, #tpu.memory_space<vmem>>) semaphore(%arg8 : memref<!tpu.dma_semaphore, #tpu.memory_space<semaphore_mem>>)
    %dma_start3A_23 = arith.constant 0 : i32
    %dma_start3A_24 = arith.constant 1 : i32
    %dma_start3A_25 = arith.constant 1 : i32
    %dma_start3A_26 = arith.constant 0 : i32
    %dma_start3A_27 = arith.constant 0 : i32
    %dma_start3A_28 = tpu.memref_slice %arg7[%dma_start3A_25, %dma_start3A_26, %dma_start3A_27] : memref<3x80x128xf32, #tpu.memory_space<vmem>> -> memref<1x80x128xf32, #tpu.memory_space<vmem>>
    %dma_start3A_29 = tpu.memref_squeeze %dma_start3A_28 : memref<1x80x128xf32, #tpu.memory_space<vmem>> -> memref<80x128xf32, #tpu.memory_space<vmem>>
    %dma_start3A_30 = arith.constant 0 : i32
    %dma_start3A_31 = tpu.memref_slice %arg5[%dma_start3A_23, %dma_start3A_24, %dma_start3A_30] : memref<2x25x80xi32, #tpu.memory_space<vmem>> -> memref<1x1x80xi32, #tpu.memory_space<vmem>>
    %dma_start3A_32 = tpu.memref_squeeze %dma_start3A_31 : memref<1x1x80xi32, #tpu.memory_space<vmem>> -> memref<80xi32, #tpu.memory_space<vmem>>
    %dma_start3A_33 = arith.constant 0 : i32
    %dma_start3A_34 = arith.constant 0 : i32
    %dma_start3A_35 = tpu.memref_slice %arg2[%dma_start3A_33, %dma_start3A_34] : memref<10000x128xf32, #tpu.memory_space<hbm>> -> memref<10000x128xf32, #tpu.memory_space<hbm>>
    tpu.enqueue_indirect_dma source(%dma_start3A_35 : memref<10000x128xf32, #tpu.memory_space<hbm>>) target(%dma_start3A_29 : memref<80x128xf32, #tpu.memory_space<vmem>>) offsets(%dma_start3A_32 : memref<80xi32, #tpu.memory_space<vmem>>) semaphore(%arg9 : memref<!tpu.dma_semaphore, #tpu.memory_space<semaphore_mem>>)
    %dma_start3A_36 = arith.constant 0 : i32
    %dma_start3A_37 = arith.constant 2 : i32
    %dma_start3A_38 = arith.constant 2 : i32
    %dma_start3A_39 = arith.constant 0 : i32
    %dma_start3A_40 = arith.constant 0 : i32
    %dma_start3A_41 = tpu.memref_slice %arg7[%dma_start3A_38, %dma_start3A_39, %dma_start3A_40] : memref<3x80x128xf32, #tpu.memory_space<vmem>> -> memref<1x80x128xf32, #tpu.memory_space<vmem>>
    %dma_start3A_42 = tpu.memref_squeeze %dma_start3A_41 : memref<1x80x128xf32, #tpu.memory_space<vmem>> -> memref<80x128xf32, #tpu.memory_space<vmem>>
    %dma_start3A_43 = arith.constant 0 : i32
    %dma_start3A_44 = tpu.memref_slice %arg5[%dma_start3A_36, %dma_start3A_37, %dma_start3A_43] : memref<2x25x80xi32, #tpu.memory_space<vmem>> -> memref<1x1x80xi32, #tpu.memory_space<vmem>>
    %dma_start3A_45 = tpu.memref_squeeze %dma_start3A_44 : memref<1x1x80xi32, #tpu.memory_space<vmem>> -> memref<80xi32, #tpu.memory_space<vmem>>
    %dma_start3A_46 = arith.constant 0 : i32
    %dma_start3A_47 = arith.constant 0 : i32
    %dma_start3A_48 = tpu.memref_slice %arg2[%dma_start3A_46, %dma_start3A_47] : memref<10000x128xf32, #tpu.memory_space<hbm>> -> memref<10000x128xf32, #tpu.memory_space<hbm>>
    tpu.enqueue_indirect_dma source(%dma_start3A_48 : memref<10000x128xf32, #tpu.memory_space<hbm>>) target(%dma_start3A_42 : memref<80x128xf32, #tpu.memory_space<vmem>>) offsets(%dma_start3A_45 : memref<80xi32, #tpu.memory_space<vmem>>) semaphore(%arg10 : memref<!tpu.dma_semaphore, #tpu.memory_space<semaphore_mem>>)
    %dma_start3A_49 = arith.constant 0 : i32
    %dma_start3A_50 = arith.constant 1 : i32
    %dma_start3A_51 = arith.constant 1 : i32
    %dma_start3A_52 = arith.constant 0 : i32
    %dma_start3A_53 = arith.constant 0 : i32
    %dma_start3A_54 = tpu.memref_slice %arg5[%dma_start3A_51, %dma_start3A_52, %dma_start3A_53] : memref<2x25x80xi32, #tpu.memory_space<vmem>> -> memref<1x25x80xi32, #tpu.memory_space<vmem>>
    %dma_start3A_55 = tpu.memref_squeeze %dma_start3A_54 : memref<1x25x80xi32, #tpu.memory_space<vmem>> -> memref<25x80xi32, #tpu.memory_space<vmem>>
    %dma_start3A_56 = arith.constant 0 : i32
    %dma_start3A_57 = arith.constant 0 : i32
    %dma_start3A_58 = tpu.memref_slice %arg3[%dma_start3A_49, %add3A, %dma_start3A_50, %dma_start3A_56, %dma_start3A_57] : memref<2x32x5x25x80xi32, #tpu.memory_space<hbm>> -> memref<1x1x1x25x80xi32, #tpu.memory_space<hbm>>
    %dma_start3A_59 = tpu.memref_squeeze %dma_start3A_58 : memref<1x1x1x25x80xi32, #tpu.memory_space<hbm>> -> memref<25x80xi32, #tpu.memory_space<hbm>>
    %dma_start3A_60 = arith.constant 0 : i32
    %dma_start3A_61 = arith.constant 0 : i32
    %dma_start3A_62 = tpu.memref_slice %arg5[%dma_start3A_51, %dma_start3A_60, %dma_start3A_61] : memref<2x25x80xi32, #tpu.memory_space<vmem>> -> memref<1x25x80xi32, #tpu.memory_space<vmem>>
    %dma_start3A_63 = tpu.memref_squeeze %dma_start3A_62 : memref<1x25x80xi32, #tpu.memory_space<vmem>> -> memref<25x80xi32, #tpu.memory_space<vmem>>
    %dma_start3A_64 = arith.constant 0 : i32
    %dma_start3A_65 = arith.constant 0 : i32
    %dma_start3A_66 = tpu.memref_slice %arg3[%dma_start3A_49, %add3A, %dma_start3A_50, %dma_start3A_64, %dma_start3A_65] : memref<2x32x5x25x80xi32, #tpu.memory_space<hbm>> -> memref<1x1x1x25x80xi32, #tpu.memory_space<hbm>>
    %dma_start3A_67 = tpu.memref_squeeze %dma_start3A_66 : memref<1x1x1x25x80xi32, #tpu.memory_space<hbm>> -> memref<25x80xi32, #tpu.memory_space<hbm>>
    tpu.enqueue_dma source(%dma_start3A_67 : memref<25x80xi32, #tpu.memory_space<hbm>>) target(%dma_start3A_63 : memref<25x80xi32, #tpu.memory_space<vmem>>) target_semaphore(%arg11 : memref<!tpu.dma_semaphore, #tpu.memory_space<semaphore_mem>>)
    %scan3A = arith.constant 0 : i32
    %scan3A_68 = arith.constant 0 : i32
    %scan3A_69 = arith.constant 7 : i32
    %scan3A_70 = arith.addi %scan3A_68, %scan3A_69 : i32
    %scan3A_71 = arith.constant 1 : i32
    scf.for %scan3A_772 = %scan3A_68 to %scan3A_70 step %scan3A_71  : i32 {
      %mul3A_773 = arith.constant 3 : i32
      %mul3A_774 = arith.muli %mul3A_773, %scan3A_772 : i32
      %add3A_775 = arith.constant 0 : i32
      %add3A_776 = arith.addi %mul3A_774, %add3A_775 : i32
      %dma_wait3A_777 = arith.constant 0 : i32
      %dma_wait3A_778 = arith.constant 0 : i32
      %dma_wait3A_779 = arith.constant 0 : i32
      %dma_wait3A_780 = arith.constant 0 : i32
      %dma_wait3A_781 = tpu.memref_slice %arg7[%dma_wait3A_778, %dma_wait3A_779, %dma_wait3A_780] : memref<3x80x128xf32, #tpu.memory_space<vmem>> -> memref<1x80x128xf32, #tpu.memory_space<vmem>>
      %dma_wait3A_782 = tpu.memref_squeeze %dma_wait3A_781 : memref<1x80x128xf32, #tpu.memory_space<vmem>> -> memref<80x128xf32, #tpu.memory_space<vmem>>
      %dma_wait3A_783 = arith.constant 0 : i32
      %dma_wait3A_784 = tpu.memref_slice %arg5[%dma_wait3A_777, %add3A_776, %dma_wait3A_783] : memref<2x25x80xi32, #tpu.memory_space<vmem>> -> memref<1x1x80xi32, #tpu.memory_space<vmem>>
      %dma_wait3A_785 = tpu.memref_squeeze %dma_wait3A_784 : memref<1x1x80xi32, #tpu.memory_space<vmem>> -> memref<80xi32, #tpu.memory_space<vmem>>
      %dma_wait3A_786 = arith.constant 0 : i32
      %dma_wait3A_787 = arith.constant 0 : i32
      %dma_wait3A_788 = tpu.memref_slice %arg2[%dma_wait3A_786, %dma_wait3A_787] : memref<10000x128xf32, #tpu.memory_space<hbm>> -> memref<10000x128xf32, #tpu.memory_space<hbm>>
      tpu.wait_indirect_dma semaphore(%arg8 : memref<!tpu.dma_semaphore, #tpu.memory_space<semaphore_mem>>) src(%dma_wait3A_788 : memref<10000x128xf32, #tpu.memory_space<hbm>>) dst(%dma_wait3A_782 : memref<80x128xf32, #tpu.memory_space<vmem>>)
      %add3A_789 = arith.constant 0 : i32
      %add3A_790 = arith.addi %mul3A_774, %add3A_789 : i32
      %run_scoped3A_791 = arith.constant 0 : i32
      "tpu.region"() ({
        %run_scoped3A_874 = tpu.sem_alloc : memref<!tpu.dma_semaphore, #tpu.memory_space<semaphore_mem>>
        %dma_start3A_875 = arith.constant 0 : i32
        %dma_start3A_876 = arith.constant 0 : i32
        %dma_start3A_877 = tpu.memref_slice %arg7[%run_scoped3A_791, %dma_start3A_875, %dma_start3A_876] : memref<3x80x128xf32, #tpu.memory_space<vmem>> -> memref<1x80x128xf32, #tpu.memory_space<vmem>>
        %dma_start3A_878 = tpu.memref_squeeze %dma_start3A_877 : memref<1x80x128xf32, #tpu.memory_space<vmem>> -> memref<80x128xf32, #tpu.memory_space<vmem>>
        %dma_start3A_879 = arith.constant 0 : i32
        %dma_start3A_880 = tpu.memref_slice %arg6[%add3A_790, %dma_start3A_879] : memref<25x80xi32, #tpu.memory_space<vmem>> -> memref<1x80xi32, #tpu.memory_space<vmem>>
        %dma_start3A_881 = tpu.memref_squeeze %dma_start3A_880 : memref<1x80xi32, #tpu.memory_space<vmem>> -> memref<80xi32, #tpu.memory_space<vmem>>
        %dma_start3A_882 = arith.constant 0 : i32
        %dma_start3A_883 = arith.constant 0 : i32
        %dma_start3A_884 = tpu.memref_slice %arg12[%dma_start3A_882, %dma_start3A_883] : memref<10000x128xf32, #tpu.memory_space<vmem_shared>> -> memref<10000x128xf32, #tpu.memory_space<vmem_shared>>
        tpu.enqueue_indirect_dma source(%dma_start3A_878 : memref<80x128xf32, #tpu.memory_space<vmem>>) target(%dma_start3A_884 : memref<10000x128xf32, #tpu.memory_space<vmem_shared>>) offsets(%dma_start3A_881 : memref<80xi32, #tpu.memory_space<vmem>>) semaphore(%run_scoped3A_874 : memref<!tpu.dma_semaphore, #tpu.memory_space<semaphore_mem>>) {add = true}
        %dma_wait3A_885 = arith.constant 0 : i32
        %dma_wait3A_886 = arith.constant 0 : i32
        %dma_wait3A_887 = tpu.memref_slice %arg7[%run_scoped3A_791, %dma_wait3A_885, %dma_wait3A_886] : memref<3x80x128xf32, #tpu.memory_space<vmem>> -> memref<1x80x128xf32, #tpu.memory_space<vmem>>
        %dma_wait3A_888 = tpu.memref_squeeze %dma_wait3A_887 : memref<1x80x128xf32, #tpu.memory_space<vmem>> -> memref<80x128xf32, #tpu.memory_space<vmem>>
        %dma_wait3A_889 = arith.constant 0 : i32
        %dma_wait3A_890 = tpu.memref_slice %arg6[%add3A_790, %dma_wait3A_889] : memref<25x80xi32, #tpu.memory_space<vmem>> -> memref<1x80xi32, #tpu.memory_space<vmem>>
        %dma_wait3A_891 = tpu.memref_squeeze %dma_wait3A_890 : memref<1x80xi32, #tpu.memory_space<vmem>> -> memref<80xi32, #tpu.memory_space<vmem>>
        %dma_wait3A_892 = arith.constant 0 : i32
        %dma_wait3A_893 = arith.constant 0 : i32
        %dma_wait3A_894 = tpu.memref_slice %arg12[%dma_wait3A_892, %dma_wait3A_893] : memref<10000x128xf32, #tpu.memory_space<vmem_shared>> -> memref<10000x128xf32, #tpu.memory_space<vmem_shared>>
        tpu.wait_indirect_dma semaphore(%run_scoped3A_874 : memref<!tpu.dma_semaphore, #tpu.memory_space<semaphore_mem>>) src(%dma_wait3A_888 : memref<80x128xf32, #tpu.memory_space<vmem>>) dst(%dma_wait3A_894 : memref<10000x128xf32, #tpu.memory_space<vmem_shared>>)
        tpu.yield
      }) : () -> ()
      %add3A_792 = arith.constant 3 : i32
      %add3A_793 = arith.addi %mul3A_774, %add3A_792 : i32
      %add3A_794 = arith.constant 0 : i32
      %add3A_795 = arith.addi %add3A_793, %add3A_794 : i32
      %dma_start3A_796 = arith.constant 0 : i32
      %dma_start3A_797 = arith.constant 0 : i32
      %dma_start3A_798 = arith.constant 0 : i32
      %dma_start3A_799 = arith.constant 0 : i32
      %dma_start3A_800 = tpu.memref_slice %arg7[%dma_start3A_797, %dma_start3A_798, %dma_start3A_799] : memref<3x80x128xf32, #tpu.memory_space<vmem>> -> memref<1x80x128xf32, #tpu.memory_space<vmem>>
      %dma_start3A_801 = tpu.memref_squeeze %dma_start3A_800 : memref<1x80x128xf32, #tpu.memory_space<vmem>> -> memref<80x128xf32, #tpu.memory_space<vmem>>
      %dma_start3A_802 = arith.constant 0 : i32
      %dma_start3A_803 = tpu.memref_slice %arg5[%dma_start3A_796, %add3A_795, %dma_start3A_802] : memref<2x25x80xi32, #tpu.memory_space<vmem>> -> memref<1x1x80xi32, #tpu.memory_space<vmem>>
      %dma_start3A_804 = tpu.memref_squeeze %dma_start3A_803 : memref<1x1x80xi32, #tpu.memory_space<vmem>> -> memref<80xi32, #tpu.memory_space<vmem>>
      %dma_start3A_805 = arith.constant 0 : i32
      %dma_start3A_806 = arith.constant 0 : i32
      %dma_start3A_807 = tpu.memref_slice %arg2[%dma_start3A_805, %dma_start3A_806] : memref<10000x128xf32, #tpu.memory_space<hbm>> -> memref<10000x128xf32, #tpu.memory_space<hbm>>
      tpu.enqueue_indirect_dma source(%dma_start3A_807 : memref<10000x128xf32, #tpu.memory_space<hbm>>) target(%dma_start3A_801 : memref<80x128xf32, #tpu.memory_space<vmem>>) offsets(%dma_start3A_804 : memref<80xi32, #tpu.memory_space<vmem>>) semaphore(%arg8 : memref<!tpu.dma_semaphore, #tpu.memory_space<semaphore_mem>>)
      %add3A_808 = arith.constant 1 : i32
      %add3A_809 = arith.addi %mul3A_774, %add3A_808 : i32
      %dma_wait3A_810 = arith.constant 0 : i32
      %dma_wait3A_811 = arith.constant 1 : i32
      %dma_wait3A_812 = arith.constant 0 : i32
      %dma_wait3A_813 = arith.constant 0 : i32
      %dma_wait3A_814 = tpu.memref_slice %arg7[%dma_wait3A_811, %dma_wait3A_812, %dma_wait3A_813] : memref<3x80x128xf32, #tpu.memory_space<vmem>> -> memref<1x80x128xf32, #tpu.memory_space<vmem>>
      %dma_wait3A_815 = tpu.memref_squeeze %dma_wait3A_814 : memref<1x80x128xf32, #tpu.memory_space<vmem>> -> memref<80x128xf32, #tpu.memory_space<vmem>>
      %dma_wait3A_816 = arith.constant 0 : i32
      %dma_wait3A_817 = tpu.memref_slice %arg5[%dma_wait3A_810, %add3A_809, %dma_wait3A_816] : memref<2x25x80xi32, #tpu.memory_space<vmem>> -> memref<1x1x80xi32, #tpu.memory_space<vmem>>
      %dma_wait3A_818 = tpu.memref_squeeze %dma_wait3A_817 : memref<1x1x80xi32, #tpu.memory_space<vmem>> -> memref<80xi32, #tpu.memory_space<vmem>>
      %dma_wait3A_819 = arith.constant 0 : i32
      %dma_wait3A_820 = arith.constant 0 : i32
      %dma_wait3A_821 = tpu.memref_slice %arg2[%dma_wait3A_819, %dma_wait3A_820] : memref<10000x128xf32, #tpu.memory_space<hbm>> -> memref<10000x128xf32, #tpu.memory_space<hbm>>
      tpu.wait_indirect_dma semaphore(%arg9 : memref<!tpu.dma_semaphore, #tpu.memory_space<semaphore_mem>>) src(%dma_wait3A_821 : memref<10000x128xf32, #tpu.memory_space<hbm>>) dst(%dma_wait3A_815 : memref<80x128xf32, #tpu.memory_space<vmem>>)
      %add3A_822 = arith.constant 1 : i32
      %add3A_823 = arith.addi %mul3A_774, %add3A_822 : i32
      %run_scoped3A_824 = arith.constant 1 : i32
      "tpu.region"() ({
        %run_scoped3A_874 = tpu.sem_alloc : memref<!tpu.dma_semaphore, #tpu.memory_space<semaphore_mem>>
        %dma_start3A_875 = arith.constant 0 : i32
        %dma_start3A_876 = arith.constant 0 : i32
        %dma_start3A_877 = tpu.memref_slice %arg7[%run_scoped3A_824, %dma_start3A_875, %dma_start3A_876] : memref<3x80x128xf32, #tpu.memory_space<vmem>> -> memref<1x80x128xf32, #tpu.memory_space<vmem>>
        %dma_start3A_878 = tpu.memref_squeeze %dma_start3A_877 : memref<1x80x128xf32, #tpu.memory_space<vmem>> -> memref<80x128xf32, #tpu.memory_space<vmem>>
        %dma_start3A_879 = arith.constant 0 : i32
        %dma_start3A_880 = tpu.memref_slice %arg6[%add3A_823, %dma_start3A_879] : memref<25x80xi32, #tpu.memory_space<vmem>> -> memref<1x80xi32, #tpu.memory_space<vmem>>
        %dma_start3A_881 = tpu.memref_squeeze %dma_start3A_880 : memref<1x80xi32, #tpu.memory_space<vmem>> -> memref<80xi32, #tpu.memory_space<vmem>>
        %dma_start3A_882 = arith.constant 0 : i32
        %dma_start3A_883 = arith.constant 0 : i32
        %dma_start3A_884 = tpu.memref_slice %arg12[%dma_start3A_882, %dma_start3A_883] : memref<10000x128xf32, #tpu.memory_space<vmem_shared>> -> memref<10000x128xf32, #tpu.memory_space<vmem_shared>>
        tpu.enqueue_indirect_dma source(%dma_start3A_878 : memref<80x128xf32, #tpu.memory_space<vmem>>) target(%dma_start3A_884 : memref<10000x128xf32, #tpu.memory_space<vmem_shared>>) offsets(%dma_start3A_881 : memref<80xi32, #tpu.memory_space<vmem>>) semaphore(%run_scoped3A_874 : memref<!tpu.dma_semaphore, #tpu.memory_space<semaphore_mem>>) {add = true}
        %dma_wait3A_885 = arith.constant 0 : i32
        %dma_wait3A_886 = arith.constant 0 : i32
        %dma_wait3A_887 = tpu.memref_slice %arg7[%run_scoped3A_824, %dma_wait3A_885, %dma_wait3A_886] : memref<3x80x128xf32, #tpu.memory_space<vmem>> -> memref<1x80x128xf32, #tpu.memory_space<vmem>>
        %dma_wait3A_888 = tpu.memref_squeeze %dma_wait3A_887 : memref<1x80x128xf32, #tpu.memory_space<vmem>> -> memref<80x128xf32, #tpu.memory_space<vmem>>
        %dma_wait3A_889 = arith.constant 0 : i32
        %dma_wait3A_890 = tpu.memref_slice %arg6[%add3A_823, %dma_wait3A_889] : memref<25x80xi32, #tpu.memory_space<vmem>> -> memref<1x80xi32, #tpu.memory_space<vmem>>
        %dma_wait3A_891 = tpu.memref_squeeze %dma_wait3A_890 : memref<1x80xi32, #tpu.memory_space<vmem>> -> memref<80xi32, #tpu.memory_space<vmem>>
        %dma_wait3A_892 = arith.constant 0 : i32
        %dma_wait3A_893 = arith.constant 0 : i32
        %dma_wait3A_894 = tpu.memref_slice %arg12[%dma_wait3A_892, %dma_wait3A_893] : memref<10000x128xf32, #tpu.memory_space<vmem_shared>> -> memref<10000x128xf32, #tpu.memory_space<vmem_shared>>
        tpu.wait_indirect_dma semaphore(%run_scoped3A_874 : memref<!tpu.dma_semaphore, #tpu.memory_space<semaphore_mem>>) src(%dma_wait3A_888 : memref<80x128xf32, #tpu.memory_space<vmem>>) dst(%dma_wait3A_894 : memref<10000x128xf32, #tpu.memory_space<vmem_shared>>)
        tpu.yield
      }) : () -> ()
      %add3A_825 = arith.constant 3 : i32
      %add3A_826 = arith.addi %mul3A_774, %add3A_825 : i32
      %add3A_827 = arith.constant 1 : i32
      %add3A_828 = arith.addi %add3A_826, %add3A_827 : i32
      %dma_start3A_829 = arith.constant 0 : i32
      %dma_start3A_830 = arith.constant 1 : i32
      %dma_start3A_831 = arith.constant 0 : i32
      %dma_start3A_832 = arith.constant 0 : i32
      %dma_start3A_833 = tpu.memref_slice %arg7[%dma_start3A_830, %dma_start3A_831, %dma_start3A_832] : memref<3x80x128xf32, #tpu.memory_space<vmem>> -> memref<1x80x128xf32, #tpu.memory_space<vmem>>
      %dma_start3A_834 = tpu.memref_squeeze %dma_start3A_833 : memref<1x80x128xf32, #tpu.memory_space<vmem>> -> memref<80x128xf32, #tpu.memory_space<vmem>>
      %dma_start3A_835 = arith.constant 0 : i32
      %dma_start3A_836 = tpu.memref_slice %arg5[%dma_start3A_829, %add3A_828, %dma_start3A_835] : memref<2x25x80xi32, #tpu.memory_space<vmem>> -> memref<1x1x80xi32, #tpu.memory_space<vmem>>
      %dma_start3A_837 = tpu.memref_squeeze %dma_start3A_836 : memref<1x1x80xi32, #tpu.memory_space<vmem>> -> memref<80xi32, #tpu.memory_space<vmem>>
      %dma_start3A_838 = arith.constant 0 : i32
      %dma_start3A_839 = arith.constant 0 : i32
      %dma_start3A_840 = tpu.memref_slice %arg2[%dma_start3A_838, %dma_start3A_839] : memref<10000x128xf32, #tpu.memory_space<hbm>> -> memref<10000x128xf32, #tpu.memory_space<hbm>>
      tpu.enqueue_indirect_dma source(%dma_start3A_840 : memref<10000x128xf32, #tpu.memory_space<hbm>>) target(%dma_start3A_834 : memref<80x128xf32, #tpu.memory_space<vmem>>) offsets(%dma_start3A_837 : memref<80xi32, #tpu.memory_space<vmem>>) semaphore(%arg9 : memref<!tpu.dma_semaphore, #tpu.memory_space<semaphore_mem>>)
      %add3A_841 = arith.constant 2 : i32
      %add3A_842 = arith.addi %mul3A_774, %add3A_841 : i32
      %dma_wait3A_843 = arith.constant 0 : i32
      %dma_wait3A_844 = arith.constant 2 : i32
      %dma_wait3A_845 = arith.constant 0 : i32
      %dma_wait3A_846 = arith.constant 0 : i32
      %dma_wait3A_847 = tpu.memref_slice %arg7[%dma_wait3A_844, %dma_wait3A_845, %dma_wait3A_846] : memref<3x80x128xf32, #tpu.memory_space<vmem>> -> memref<1x80x128xf32, #tpu.memory_space<vmem>>
      %dma_wait3A_848 = tpu.memref_squeeze %dma_wait3A_847 : memref<1x80x128xf32, #tpu.memory_space<vmem>> -> memref<80x128xf32, #tpu.memory_space<vmem>>
      %dma_wait3A_849 = arith.constant 0 : i32
      %dma_wait3A_850 = tpu.memref_slice %arg5[%dma_wait3A_843, %add3A_842, %dma_wait3A_849] : memref<2x25x80xi32, #tpu.memory_space<vmem>> -> memref<1x1x80xi32, #tpu.memory_space<vmem>>
      %dma_wait3A_851 = tpu.memref_squeeze %dma_wait3A_850 : memref<1x1x80xi32, #tpu.memory_space<vmem>> -> memref<80xi32, #tpu.memory_space<vmem>>
      %dma_wait3A_852 = arith.constant 0 : i32
      %dma_wait3A_853 = arith.constant 0 : i32
      %dma_wait3A_854 = tpu.memref_slice %arg2[%dma_wait3A_852, %dma_wait3A_853] : memref<10000x128xf32, #tpu.memory_space<hbm>> -> memref<10000x128xf32, #tpu.memory_space<hbm>>
      tpu.wait_indirect_dma semaphore(%arg10 : memref<!tpu.dma_semaphore, #tpu.memory_space<semaphore_mem>>) src(%dma_wait3A_854 : memref<10000x128xf32, #tpu.memory_space<hbm>>) dst(%dma_wait3A_848 : memref<80x128xf32, #tpu.memory_space<vmem>>)
      %add3A_855 = arith.constant 2 : i32
      %add3A_856 = arith.addi %mul3A_774, %add3A_855 : i32
      %run_scoped3A_857 = arith.constant 2 : i32
      "tpu.region"() ({
        %run_scoped3A_874 = tpu.sem_alloc : memref<!tpu.dma_semaphore, #tpu.memory_space<semaphore_mem>>
        %dma_start3A_875 = arith.constant 0 : i32
        %dma_start3A_876 = arith.constant 0 : i32
        %dma_start3A_877 = tpu.memref_slice %arg7[%run_scoped3A_857, %dma_start3A_875, %dma_start3A_876] : memref<3x80x128xf32, #tpu.memory_space<vmem>> -> memref<1x80x128xf32, #tpu.memory_space<vmem>>
        %dma_start3A_878 = tpu.memref_squeeze %dma_start3A_877 : memref<1x80x128xf32, #tpu.memory_space<vmem>> -> memref<80x128xf32, #tpu.memory_space<vmem>>
        %dma_start3A_879 = arith.constant 0 : i32
        %dma_start3A_880 = tpu.memref_slice %arg6[%add3A_856, %dma_start3A_879] : memref<25x80xi32, #tpu.memory_space<vmem>> -> memref<1x80xi32, #tpu.memory_space<vmem>>
        %dma_start3A_881 = tpu.memref_squeeze %dma_start3A_880 : memref<1x80xi32, #tpu.memory_space<vmem>> -> memref<80xi32, #tpu.memory_space<vmem>>
        %dma_start3A_882 = arith.constant 0 : i32
        %dma_start3A_883 = arith.constant 0 : i32
        %dma_start3A_884 = tpu.memref_slice %arg12[%dma_start3A_882, %dma_start3A_883] : memref<10000x128xf32, #tpu.memory_space<vmem_shared>> -> memref<10000x128xf32, #tpu.memory_space<vmem_shared>>
        tpu.enqueue_indirect_dma source(%dma_start3A_878 : memref<80x128xf32, #tpu.memory_space<vmem>>) target(%dma_start3A_884 : memref<10000x128xf32, #tpu.memory_space<vmem_shared>>) offsets(%dma_start3A_881 : memref<80xi32, #tpu.memory_space<vmem>>) semaphore(%run_scoped3A_874 : memref<!tpu.dma_semaphore, #tpu.memory_space<semaphore_mem>>) {add = true}
        %dma_wait3A_885 = arith.constant 0 : i32
        %dma_wait3A_886 = arith.constant 0 : i32
        %dma_wait3A_887 = tpu.memref_slice %arg7[%run_scoped3A_857, %dma_wait3A_885, %dma_wait3A_886] : memref<3x80x128xf32, #tpu.memory_space<vmem>> -> memref<1x80x128xf32, #tpu.memory_space<vmem>>
        %dma_wait3A_888 = tpu.memref_squeeze %dma_wait3A_887 : memref<1x80x128xf32, #tpu.memory_space<vmem>> -> memref<80x128xf32, #tpu.memory_space<vmem>>
        %dma_wait3A_889 = arith.constant 0 : i32
        %dma_wait3A_890 = tpu.memref_slice %arg6[%add3A_856, %dma_wait3A_889] : memref<25x80xi32, #tpu.memory_space<vmem>> -> memref<1x80xi32, #tpu.memory_space<vmem>>
        %dma_wait3A_891 = tpu.memref_squeeze %dma_wait3A_890 : memref<1x80xi32, #tpu.memory_space<vmem>> -> memref<80xi32, #tpu.memory_space<vmem>>
        %dma_wait3A_892 = arith.constant 0 : i32
        %dma_wait3A_893 = arith.constant 0 : i32
        %dma_wait3A_894 = tpu.memref_slice %arg12[%dma_wait3A_892, %dma_wait3A_893] : memref<10000x128xf32, #tpu.memory_space<vmem_shared>> -> memref<10000x128xf32, #tpu.memory_space<vmem_shared>>
        tpu.wait_indirect_dma semaphore(%run_scoped3A_874 : memref<!tpu.dma_semaphore, #tpu.memory_space<semaphore_mem>>) src(%dma_wait3A_888 : memref<80x128xf32, #tpu.memory_space<vmem>>) dst(%dma_wait3A_894 : memref<10000x128xf32, #tpu.memory_space<vmem_shared>>)
        tpu.yield
      }) : () -> ()
      %add3A_858 = arith.constant 3 : i32
      %add3A_859 = arith.addi %mul3A_774, %add3A_858 : i32
      %add3A_860 = arith.constant 2 : i32
      %add3A_861 = arith.addi %add3A_859, %add3A_860 : i32
      %dma_start3A_862 = arith.constant 0 : i32
      %dma_start3A_863 = arith.constant 2 : i32
      %dma_start3A_864 = arith.constant 0 : i32
      %dma_start3A_865 = arith.constant 0 : i32
      %dma_start3A_866 = tpu.memref_slice %arg7[%dma_start3A_863, %dma_start3A_864, %dma_start3A_865] : memref<3x80x128xf32, #tpu.memory_space<vmem>> -> memref<1x80x128xf32, #tpu.memory_space<vmem>>
      %dma_start3A_867 = tpu.memref_squeeze %dma_start3A_866 : memref<1x80x128xf32, #tpu.memory_space<vmem>> -> memref<80x128xf32, #tpu.memory_space<vmem>>
      %dma_start3A_868 = arith.constant 0 : i32
      %dma_start3A_869 = tpu.memref_slice %arg5[%dma_start3A_862, %add3A_861, %dma_start3A_868] : memref<2x25x80xi32, #tpu.memory_space<vmem>> -> memref<1x1x80xi32, #tpu.memory_space<vmem>>
      %dma_start3A_870 = tpu.memref_squeeze %dma_start3A_869 : memref<1x1x80xi32, #tpu.memory_space<vmem>> -> memref<80xi32, #tpu.memory_space<vmem>>
      %dma_start3A_871 = arith.constant 0 : i32
      %dma_start3A_872 = arith.constant 0 : i32
      %dma_start3A_873 = tpu.memref_slice %arg2[%dma_start3A_871, %dma_start3A_872] : memref<10000x128xf32, #tpu.memory_space<hbm>> -> memref<10000x128xf32, #tpu.memory_space<hbm>>
      tpu.enqueue_indirect_dma source(%dma_start3A_873 : memref<10000x128xf32, #tpu.memory_space<hbm>>) target(%dma_start3A_867 : memref<80x128xf32, #tpu.memory_space<vmem>>) offsets(%dma_start3A_870 : memref<80xi32, #tpu.memory_space<vmem>>) semaphore(%arg10 : memref<!tpu.dma_semaphore, #tpu.memory_space<semaphore_mem>>)
    }
    %scan3A_72 = arith.constant 7 : i32
    %dma_wait3A = arith.constant 0 : i32
    %dma_wait3A_73 = arith.constant 21 : i32
    %dma_wait3A_74 = arith.constant 0 : i32
    %dma_wait3A_75 = arith.constant 0 : i32
    %dma_wait3A_76 = arith.constant 0 : i32
    %dma_wait3A_77 = tpu.memref_slice %arg7[%dma_wait3A_74, %dma_wait3A_75, %dma_wait3A_76] : memref<3x80x128xf32, #tpu.memory_space<vmem>> -> memref<1x80x128xf32, #tpu.memory_space<vmem>>
    %dma_wait3A_78 = tpu.memref_squeeze %dma_wait3A_77 : memref<1x80x128xf32, #tpu.memory_space<vmem>> -> memref<80x128xf32, #tpu.memory_space<vmem>>
    %dma_wait3A_79 = arith.constant 0 : i32
    %dma_wait3A_80 = tpu.memref_slice %arg5[%dma_wait3A, %dma_wait3A_73, %dma_wait3A_79] : memref<2x25x80xi32, #tpu.memory_space<vmem>> -> memref<1x1x80xi32, #tpu.memory_space<vmem>>
    %dma_wait3A_81 = tpu.memref_squeeze %dma_wait3A_80 : memref<1x1x80xi32, #tpu.memory_space<vmem>> -> memref<80xi32, #tpu.memory_space<vmem>>
    %dma_wait3A_82 = arith.constant 0 : i32
    %dma_wait3A_83 = arith.constant 0 : i32
    %dma_wait3A_84 = tpu.memref_slice %arg2[%dma_wait3A_82, %dma_wait3A_83] : memref<10000x128xf32, #tpu.memory_space<hbm>> -> memref<10000x128xf32, #tpu.memory_space<hbm>>
    tpu.wait_indirect_dma semaphore(%arg8 : memref<!tpu.dma_semaphore, #tpu.memory_space<semaphore_mem>>) src(%dma_wait3A_84 : memref<10000x128xf32, #tpu.memory_space<hbm>>) dst(%dma_wait3A_78 : memref<80x128xf32, #tpu.memory_space<vmem>>)
    %run_scoped3A_85 = arith.constant 0 : i32
    %run_scoped3A_86 = arith.constant 21 : i32
    "tpu.region"() ({
      %run_scoped3A_772 = tpu.sem_alloc : memref<!tpu.dma_semaphore, #tpu.memory_space<semaphore_mem>>
      %dma_start3A_773 = arith.constant 0 : i32
      %dma_start3A_774 = arith.constant 0 : i32
      %dma_start3A_775 = tpu.memref_slice %arg7[%run_scoped3A_85, %dma_start3A_773, %dma_start3A_774] : memref<3x80x128xf32, #tpu.memory_space<vmem>> -> memref<1x80x128xf32, #tpu.memory_space<vmem>>
      %dma_start3A_776 = tpu.memref_squeeze %dma_start3A_775 : memref<1x80x128xf32, #tpu.memory_space<vmem>> -> memref<80x128xf32, #tpu.memory_space<vmem>>
      %dma_start3A_777 = arith.constant 0 : i32
      %dma_start3A_778 = tpu.memref_slice %arg6[%run_scoped3A_86, %dma_start3A_777] : memref<25x80xi32, #tpu.memory_space<vmem>> -> memref<1x80xi32, #tpu.memory_space<vmem>>
      %dma_start3A_779 = tpu.memref_squeeze %dma_start3A_778 : memref<1x80xi32, #tpu.memory_space<vmem>> -> memref<80xi32, #tpu.memory_space<vmem>>
      %dma_start3A_780 = arith.constant 0 : i32
      %dma_start3A_781 = arith.constant 0 : i32
      %dma_start3A_782 = tpu.memref_slice %arg12[%dma_start3A_780, %dma_start3A_781] : memref<10000x128xf32, #tpu.memory_space<vmem_shared>> -> memref<10000x128xf32, #tpu.memory_space<vmem_shared>>
      tpu.enqueue_indirect_dma source(%dma_start3A_776 : memref<80x128xf32, #tpu.memory_space<vmem>>) target(%dma_start3A_782 : memref<10000x128xf32, #tpu.memory_space<vmem_shared>>) offsets(%dma_start3A_779 : memref<80xi32, #tpu.memory_space<vmem>>) semaphore(%run_scoped3A_772 : memref<!tpu.dma_semaphore, #tpu.memory_space<semaphore_mem>>) {add = true}
      %dma_wait3A_783 = arith.constant 0 : i32
      %dma_wait3A_784 = arith.constant 0 : i32
      %dma_wait3A_785 = tpu.memref_slice %arg7[%run_scoped3A_85, %dma_wait3A_783, %dma_wait3A_784] : memref<3x80x128xf32, #tpu.memory_space<vmem>> -> memref<1x80x128xf32, #tpu.memory_space<vmem>>
      %dma_wait3A_786 = tpu.memref_squeeze %dma_wait3A_785 : memref<1x80x128xf32, #tpu.memory_space<vmem>> -> memref<80x128xf32, #tpu.memory_space<vmem>>
      %dma_wait3A_787 = arith.constant 0 : i32
      %dma_wait3A_788 = tpu.memref_slice %arg6[%run_scoped3A_86, %dma_wait3A_787] : memref<25x80xi32, #tpu.memory_space<vmem>> -> memref<1x80xi32, #tpu.memory_space<vmem>>
      %dma_wait3A_789 = tpu.memref_squeeze %dma_wait3A_788 : memref<1x80xi32, #tpu.memory_space<vmem>> -> memref<80xi32, #tpu.memory_space<vmem>>
      %dma_wait3A_790 = arith.constant 0 : i32
      %dma_wait3A_791 = arith.constant 0 : i32
      %dma_wait3A_792 = tpu.memref_slice %arg12[%dma_wait3A_790, %dma_wait3A_791] : memref<10000x128xf32, #tpu.memory_space<vmem_shared>> -> memref<10000x128xf32, #tpu.memory_space<vmem_shared>>
      tpu.wait_indirect_dma semaphore(%run_scoped3A_772 : memref<!tpu.dma_semaphore, #tpu.memory_space<semaphore_mem>>) src(%dma_wait3A_786 : memref<80x128xf32, #tpu.memory_space<vmem>>) dst(%dma_wait3A_792 : memref<10000x128xf32, #tpu.memory_space<vmem_shared>>)
      tpu.yield
    }) : () -> ()
    %dma_start3A_87 = arith.constant 0 : i32
    %dma_start3A_88 = arith.constant 24 : i32
    %dma_start3A_89 = arith.constant 0 : i32
    %dma_start3A_90 = arith.constant 0 : i32
    %dma_start3A_91 = arith.constant 0 : i32
    %dma_start3A_92 = tpu.memref_slice %arg7[%dma_start3A_89, %dma_start3A_90, %dma_start3A_91] : memref<3x80x128xf32, #tpu.memory_space<vmem>> -> memref<1x80x128xf32, #tpu.memory_space<vmem>>
    %dma_start3A_93 = tpu.memref_squeeze %dma_start3A_92 : memref<1x80x128xf32, #tpu.memory_space<vmem>> -> memref<80x128xf32, #tpu.memory_space<vmem>>
    %dma_start3A_94 = arith.constant 0 : i32
    %dma_start3A_95 = tpu.memref_slice %arg5[%dma_start3A_87, %dma_start3A_88, %dma_start3A_94] : memref<2x25x80xi32, #tpu.memory_space<vmem>> -> memref<1x1x80xi32, #tpu.memory_space<vmem>>
    %dma_start3A_96 = tpu.memref_squeeze %dma_start3A_95 : memref<1x1x80xi32, #tpu.memory_space<vmem>> -> memref<80xi32, #tpu.memory_space<vmem>>
    %dma_start3A_97 = arith.constant 0 : i32
    %dma_start3A_98 = arith.constant 0 : i32
    %dma_start3A_99 = tpu.memref_slice %arg2[%dma_start3A_97, %dma_start3A_98] : memref<10000x128xf32, #tpu.memory_space<hbm>> -> memref<10000x128xf32, #tpu.memory_space<hbm>>
    tpu.enqueue_indirect_dma source(%dma_start3A_99 : memref<10000x128xf32, #tpu.memory_space<hbm>>) target(%dma_start3A_93 : memref<80x128xf32, #tpu.memory_space<vmem>>) offsets(%dma_start3A_96 : memref<80xi32, #tpu.memory_space<vmem>>) semaphore(%arg8 : memref<!tpu.dma_semaphore, #tpu.memory_space<semaphore_mem>>)
    %dma_wait3A_100 = arith.constant 0 : i32
    %dma_wait3A_101 = arith.constant 1 : i32
    %dma_wait3A_102 = arith.constant 1 : i32
    %dma_wait3A_103 = arith.constant 0 : i32
    %dma_wait3A_104 = arith.constant 0 : i32
    %dma_wait3A_105 = tpu.memref_slice %arg5[%dma_wait3A_102, %dma_wait3A_103, %dma_wait3A_104] : memref<2x25x80xi32, #tpu.memory_space<vmem>> -> memref<1x25x80xi32, #tpu.memory_space<vmem>>
    %dma_wait3A_106 = tpu.memref_squeeze %dma_wait3A_105 : memref<1x25x80xi32, #tpu.memory_space<vmem>> -> memref<25x80xi32, #tpu.memory_space<vmem>>
    %dma_wait3A_107 = arith.constant 0 : i32
    %dma_wait3A_108 = arith.constant 0 : i32
    %dma_wait3A_109 = tpu.memref_slice %arg3[%dma_wait3A_100, %add3A, %dma_wait3A_101, %dma_wait3A_107, %dma_wait3A_108] : memref<2x32x5x25x80xi32, #tpu.memory_space<hbm>> -> memref<1x1x1x25x80xi32, #tpu.memory_space<hbm>>
    %dma_wait3A_110 = tpu.memref_squeeze %dma_wait3A_109 : memref<1x1x1x25x80xi32, #tpu.memory_space<hbm>> -> memref<25x80xi32, #tpu.memory_space<hbm>>
    %dma_wait3A_111 = arith.constant 0 : i32
    %dma_wait3A_112 = arith.constant 0 : i32
    %dma_wait3A_113 = tpu.memref_slice %arg5[%dma_wait3A_102, %dma_wait3A_111, %dma_wait3A_112] : memref<2x25x80xi32, #tpu.memory_space<vmem>> -> memref<1x25x80xi32, #tpu.memory_space<vmem>>
    %dma_wait3A_114 = tpu.memref_squeeze %dma_wait3A_113 : memref<1x25x80xi32, #tpu.memory_space<vmem>> -> memref<25x80xi32, #tpu.memory_space<vmem>>
    %dma_wait3A_115 = arith.constant 0 : i32
    %dma_wait3A_116 = arith.constant 0 : i32
    %dma_wait3A_117 = tpu.memref_slice %arg3[%dma_wait3A_100, %add3A, %dma_wait3A_101, %dma_wait3A_115, %dma_wait3A_116] : memref<2x32x5x25x80xi32, #tpu.memory_space<hbm>> -> memref<1x1x1x25x80xi32, #tpu.memory_space<hbm>>
    %dma_wait3A_118 = tpu.memref_squeeze %dma_wait3A_117 : memref<1x1x1x25x80xi32, #tpu.memory_space<hbm>> -> memref<25x80xi32, #tpu.memory_space<hbm>>
    tpu.wait_dma2 semaphore(%arg11 : memref<!tpu.dma_semaphore, #tpu.memory_space<semaphore_mem>>) src(%dma_wait3A_118 : memref<25x80xi32, #tpu.memory_space<hbm>>) dst(%dma_wait3A_114 : memref<25x80xi32, #tpu.memory_space<vmem>>)
    %dma_wait3A_119 = arith.constant 0 : i32
    %dma_wait3A_120 = arith.constant 22 : i32
    %dma_wait3A_121 = arith.constant 1 : i32
    %dma_wait3A_122 = arith.constant 0 : i32
    %dma_wait3A_123 = arith.constant 0 : i32
    %dma_wait3A_124 = tpu.memref_slice %arg7[%dma_wait3A_121, %dma_wait3A_122, %dma_wait3A_123] : memref<3x80x128xf32, #tpu.memory_space<vmem>> -> memref<1x80x128xf32, #tpu.memory_space<vmem>>
    %dma_wait3A_125 = tpu.memref_squeeze %dma_wait3A_124 : memref<1x80x128xf32, #tpu.memory_space<vmem>> -> memref<80x128xf32, #tpu.memory_space<vmem>>
    %dma_wait3A_126 = arith.constant 0 : i32
    %dma_wait3A_127 = tpu.memref_slice %arg5[%dma_wait3A_119, %dma_wait3A_120, %dma_wait3A_126] : memref<2x25x80xi32, #tpu.memory_space<vmem>> -> memref<1x1x80xi32, #tpu.memory_space<vmem>>
    %dma_wait3A_128 = tpu.memref_squeeze %dma_wait3A_127 : memref<1x1x80xi32, #tpu.memory_space<vmem>> -> memref<80xi32, #tpu.memory_space<vmem>>
    %dma_wait3A_129 = arith.constant 0 : i32
    %dma_wait3A_130 = arith.constant 0 : i32
    %dma_wait3A_131 = tpu.memref_slice %arg2[%dma_wait3A_129, %dma_wait3A_130] : memref<10000x128xf32, #tpu.memory_space<hbm>> -> memref<10000x128xf32, #tpu.memory_space<hbm>>
    tpu.wait_indirect_dma semaphore(%arg9 : memref<!tpu.dma_semaphore, #tpu.memory_space<semaphore_mem>>) src(%dma_wait3A_131 : memref<10000x128xf32, #tpu.memory_space<hbm>>) dst(%dma_wait3A_125 : memref<80x128xf32, #tpu.memory_space<vmem>>)
    %run_scoped3A_132 = arith.constant 1 : i32
    %run_scoped3A_133 = arith.constant 22 : i32
    "tpu.region"() ({
      %run_scoped3A_772 = tpu.sem_alloc : memref<!tpu.dma_semaphore, #tpu.memory_space<semaphore_mem>>
      %dma_start3A_773 = arith.constant 0 : i32
      %dma_start3A_774 = arith.constant 0 : i32
      %dma_start3A_775 = tpu.memref_slice %arg7[%run_scoped3A_132, %dma_start3A_773, %dma_start3A_774] : memref<3x80x128xf32, #tpu.memory_space<vmem>> -> memref<1x80x128xf32, #tpu.memory_space<vmem>>
      %dma_start3A_776 = tpu.memref_squeeze %dma_start3A_775 : memref<1x80x128xf32, #tpu.memory_space<vmem>> -> memref<80x128xf32, #tpu.memory_space<vmem>>
      %dma_start3A_777 = arith.constant 0 : i32
      %dma_start3A_778 = tpu.memref_slice %arg6[%run_scoped3A_133, %dma_start3A_777] : memref<25x80xi32, #tpu.memory_space<vmem>> -> memref<1x80xi32, #tpu.memory_space<vmem>>
      %dma_start3A_779 = tpu.memref_squeeze %dma_start3A_778 : memref<1x80xi32, #tpu.memory_space<vmem>> -> memref<80xi32, #tpu.memory_space<vmem>>
      %dma_start3A_780 = arith.constant 0 : i32
      %dma_start3A_781 = arith.constant 0 : i32
      %dma_start3A_782 = tpu.memref_slice %arg12[%dma_start3A_780, %dma_start3A_781] : memref<10000x128xf32, #tpu.memory_space<vmem_shared>> -> memref<10000x128xf32, #tpu.memory_space<vmem_shared>>
      tpu.enqueue_indirect_dma source(%dma_start3A_776 : memref<80x128xf32, #tpu.memory_space<vmem>>) target(%dma_start3A_782 : memref<10000x128xf32, #tpu.memory_space<vmem_shared>>) offsets(%dma_start3A_779 : memref<80xi32, #tpu.memory_space<vmem>>) semaphore(%run_scoped3A_772 : memref<!tpu.dma_semaphore, #tpu.memory_space<semaphore_mem>>) {add = true}
      %dma_wait3A_783 = arith.constant 0 : i32
      %dma_wait3A_784 = arith.constant 0 : i32
      %dma_wait3A_785 = tpu.memref_slice %arg7[%run_scoped3A_132, %dma_wait3A_783, %dma_wait3A_784] : memref<3x80x128xf32, #tpu.memory_space<vmem>> -> memref<1x80x128xf32, #tpu.memory_space<vmem>>
      %dma_wait3A_786 = tpu.memref_squeeze %dma_wait3A_785 : memref<1x80x128xf32, #tpu.memory_space<vmem>> -> memref<80x128xf32, #tpu.memory_space<vmem>>
      %dma_wait3A_787 = arith.constant 0 : i32
      %dma_wait3A_788 = tpu.memref_slice %arg6[%run_scoped3A_133, %dma_wait3A_787] : memref<25x80xi32, #tpu.memory_space<vmem>> -> memref<1x80xi32, #tpu.memory_space<vmem>>
      %dma_wait3A_789 = tpu.memref_squeeze %dma_wait3A_788 : memref<1x80xi32, #tpu.memory_space<vmem>> -> memref<80xi32, #tpu.memory_space<vmem>>
      %dma_wait3A_790 = arith.constant 0 : i32
      %dma_wait3A_791 = arith.constant 0 : i32
      %dma_wait3A_792 = tpu.memref_slice %arg12[%dma_wait3A_790, %dma_wait3A_791] : memref<10000x128xf32, #tpu.memory_space<vmem_shared>> -> memref<10000x128xf32, #tpu.memory_space<vmem_shared>>
      tpu.wait_indirect_dma semaphore(%run_scoped3A_772 : memref<!tpu.dma_semaphore, #tpu.memory_space<semaphore_mem>>) src(%dma_wait3A_786 : memref<80x128xf32, #tpu.memory_space<vmem>>) dst(%dma_wait3A_792 : memref<10000x128xf32, #tpu.memory_space<vmem_shared>>)
      tpu.yield
    }) : () -> ()
    %dma_start3A_134 = arith.constant 1 : i32
    %dma_start3A_135 = arith.constant 0 : i32
    %dma_start3A_136 = arith.constant 1 : i32
    %dma_start3A_137 = arith.constant 0 : i32
    %dma_start3A_138 = arith.constant 0 : i32
    %dma_start3A_139 = tpu.memref_slice %arg7[%dma_start3A_136, %dma_start3A_137, %dma_start3A_138] : memref<3x80x128xf32, #tpu.memory_space<vmem>> -> memref<1x80x128xf32, #tpu.memory_space<vmem>>
    %dma_start3A_140 = tpu.memref_squeeze %dma_start3A_139 : memref<1x80x128xf32, #tpu.memory_space<vmem>> -> memref<80x128xf32, #tpu.memory_space<vmem>>
    %dma_start3A_141 = arith.constant 0 : i32
    %dma_start3A_142 = tpu.memref_slice %arg5[%dma_start3A_134, %dma_start3A_135, %dma_start3A_141] : memref<2x25x80xi32, #tpu.memory_space<vmem>> -> memref<1x1x80xi32, #tpu.memory_space<vmem>>
    %dma_start3A_143 = tpu.memref_squeeze %dma_start3A_142 : memref<1x1x80xi32, #tpu.memory_space<vmem>> -> memref<80xi32, #tpu.memory_space<vmem>>
    %dma_start3A_144 = arith.constant 0 : i32
    %dma_start3A_145 = arith.constant 0 : i32
    %dma_start3A_146 = tpu.memref_slice %arg2[%dma_start3A_144, %dma_start3A_145] : memref<10000x128xf32, #tpu.memory_space<hbm>> -> memref<10000x128xf32, #tpu.memory_space<hbm>>
    tpu.enqueue_indirect_dma source(%dma_start3A_146 : memref<10000x128xf32, #tpu.memory_space<hbm>>) target(%dma_start3A_140 : memref<80x128xf32, #tpu.memory_space<vmem>>) offsets(%dma_start3A_143 : memref<80xi32, #tpu.memory_space<vmem>>) semaphore(%arg9 : memref<!tpu.dma_semaphore, #tpu.memory_space<semaphore_mem>>)
    %dma_wait3A_147 = arith.constant 0 : i32
    %dma_wait3A_148 = arith.constant 23 : i32
    %dma_wait3A_149 = arith.constant 2 : i32
    %dma_wait3A_150 = arith.constant 0 : i32
    %dma_wait3A_151 = arith.constant 0 : i32
    %dma_wait3A_152 = tpu.memref_slice %arg7[%dma_wait3A_149, %dma_wait3A_150, %dma_wait3A_151] : memref<3x80x128xf32, #tpu.memory_space<vmem>> -> memref<1x80x128xf32, #tpu.memory_space<vmem>>
    %dma_wait3A_153 = tpu.memref_squeeze %dma_wait3A_152 : memref<1x80x128xf32, #tpu.memory_space<vmem>> -> memref<80x128xf32, #tpu.memory_space<vmem>>
    %dma_wait3A_154 = arith.constant 0 : i32
    %dma_wait3A_155 = tpu.memref_slice %arg5[%dma_wait3A_147, %dma_wait3A_148, %dma_wait3A_154] : memref<2x25x80xi32, #tpu.memory_space<vmem>> -> memref<1x1x80xi32, #tpu.memory_space<vmem>>
    %dma_wait3A_156 = tpu.memref_squeeze %dma_wait3A_155 : memref<1x1x80xi32, #tpu.memory_space<vmem>> -> memref<80xi32, #tpu.memory_space<vmem>>
    %dma_wait3A_157 = arith.constant 0 : i32
    %dma_wait3A_158 = arith.constant 0 : i32
    %dma_wait3A_159 = tpu.memref_slice %arg2[%dma_wait3A_157, %dma_wait3A_158] : memref<10000x128xf32, #tpu.memory_space<hbm>> -> memref<10000x128xf32, #tpu.memory_space<hbm>>
    tpu.wait_indirect_dma semaphore(%arg10 : memref<!tpu.dma_semaphore, #tpu.memory_space<semaphore_mem>>) src(%dma_wait3A_159 : memref<10000x128xf32, #tpu.memory_space<hbm>>) dst(%dma_wait3A_153 : memref<80x128xf32, #tpu.memory_space<vmem>>)
    %run_scoped3A_160 = arith.constant 2 : i32
    %run_scoped3A_161 = arith.constant 23 : i32
    "tpu.region"() ({
      %run_scoped3A_772 = tpu.sem_alloc : memref<!tpu.dma_semaphore, #tpu.memory_space<semaphore_mem>>
      %dma_start3A_773 = arith.constant 0 : i32
      %dma_start3A_774 = arith.constant 0 : i32
      %dma_start3A_775 = tpu.memref_slice %arg7[%run_scoped3A_160, %dma_start3A_773, %dma_start3A_774] : memref<3x80x128xf32, #tpu.memory_space<vmem>> -> memref<1x80x128xf32, #tpu.memory_space<vmem>>
      %dma_start3A_776 = tpu.memref_squeeze %dma_start3A_775 : memref<1x80x128xf32, #tpu.memory_space<vmem>> -> memref<80x128xf32, #tpu.memory_space<vmem>>
      %dma_start3A_777 = arith.constant 0 : i32
      %dma_start3A_778 = tpu.memref_slice %arg6[%run_scoped3A_161, %dma_start3A_777] : memref<25x80xi32, #tpu.memory_space<vmem>> -> memref<1x80xi32, #tpu.memory_space<vmem>>
      %dma_start3A_779 = tpu.memref_squeeze %dma_start3A_778 : memref<1x80xi32, #tpu.memory_space<vmem>> -> memref<80xi32, #tpu.memory_space<vmem>>
      %dma_start3A_780 = arith.constant 0 : i32
      %dma_start3A_781 = arith.constant 0 : i32
      %dma_start3A_782 = tpu.memref_slice %arg12[%dma_start3A_780, %dma_start3A_781] : memref<10000x128xf32, #tpu.memory_space<vmem_shared>> -> memref<10000x128xf32, #tpu.memory_space<vmem_shared>>
      tpu.enqueue_indirect_dma source(%dma_start3A_776 : memref<80x128xf32, #tpu.memory_space<vmem>>) target(%dma_start3A_782 : memref<10000x128xf32, #tpu.memory_space<vmem_shared>>) offsets(%dma_start3A_779 : memref<80xi32, #tpu.memory_space<vmem>>) semaphore(%run_scoped3A_772 : memref<!tpu.dma_semaphore, #tpu.memory_space<semaphore_mem>>) {add = true}
      %dma_wait3A_783 = arith.constant 0 : i32
      %dma_wait3A_784 = arith.constant 0 : i32
      %dma_wait3A_785 = tpu.memref_slice %arg7[%run_scoped3A_160, %dma_wait3A_783, %dma_wait3A_784] : memref<3x80x128xf32, #tpu.memory_space<vmem>> -> memref<1x80x128xf32, #tpu.memory_space<vmem>>
      %dma_wait3A_786 = tpu.memref_squeeze %dma_wait3A_785 : memref<1x80x128xf32, #tpu.memory_space<vmem>> -> memref<80x128xf32, #tpu.memory_space<vmem>>
      %dma_wait3A_787 = arith.constant 0 : i32
      %dma_wait3A_788 = tpu.memref_slice %arg6[%run_scoped3A_161, %dma_wait3A_787] : memref<25x80xi32, #tpu.memory_space<vmem>> -> memref<1x80xi32, #tpu.memory_space<vmem>>
      %dma_wait3A_789 = tpu.memref_squeeze %dma_wait3A_788 : memref<1x80xi32, #tpu.memory_space<vmem>> -> memref<80xi32, #tpu.memory_space<vmem>>
      %dma_wait3A_790 = arith.constant 0 : i32
      %dma_wait3A_791 = arith.constant 0 : i32
      %dma_wait3A_792 = tpu.memref_slice %arg12[%dma_wait3A_790, %dma_wait3A_791] : memref<10000x128xf32, #tpu.memory_space<vmem_shared>> -> memref<10000x128xf32, #tpu.memory_space<vmem_shared>>
      tpu.wait_indirect_dma semaphore(%run_scoped3A_772 : memref<!tpu.dma_semaphore, #tpu.memory_space<semaphore_mem>>) src(%dma_wait3A_786 : memref<80x128xf32, #tpu.memory_space<vmem>>) dst(%dma_wait3A_792 : memref<10000x128xf32, #tpu.memory_space<vmem_shared>>)
      tpu.yield
    }) : () -> ()
    %dma_start3A_162 = arith.constant 1 : i32
    %dma_start3A_163 = arith.constant 1 : i32
    %dma_start3A_164 = arith.constant 2 : i32
    %dma_start3A_165 = arith.constant 0 : i32
    %dma_start3A_166 = arith.constant 0 : i32
    %dma_start3A_167 = tpu.memref_slice %arg7[%dma_start3A_164, %dma_start3A_165, %dma_start3A_166] : memref<3x80x128xf32, #tpu.memory_space<vmem>> -> memref<1x80x128xf32, #tpu.memory_space<vmem>>
    %dma_start3A_168 = tpu.memref_squeeze %dma_start3A_167 : memref<1x80x128xf32, #tpu.memory_space<vmem>> -> memref<80x128xf32, #tpu.memory_space<vmem>>
    %dma_start3A_169 = arith.constant 0 : i32
    %dma_start3A_170 = tpu.memref_slice %arg5[%dma_start3A_162, %dma_start3A_163, %dma_start3A_169] : memref<2x25x80xi32, #tpu.memory_space<vmem>> -> memref<1x1x80xi32, #tpu.memory_space<vmem>>
    %dma_start3A_171 = tpu.memref_squeeze %dma_start3A_170 : memref<1x1x80xi32, #tpu.memory_space<vmem>> -> memref<80xi32, #tpu.memory_space<vmem>>
    %dma_start3A_172 = arith.constant 0 : i32
    %dma_start3A_173 = arith.constant 0 : i32
    %dma_start3A_174 = tpu.memref_slice %arg2[%dma_start3A_172, %dma_start3A_173] : memref<10000x128xf32, #tpu.memory_space<hbm>> -> memref<10000x128xf32, #tpu.memory_space<hbm>>
    tpu.enqueue_indirect_dma source(%dma_start3A_174 : memref<10000x128xf32, #tpu.memory_space<hbm>>) target(%dma_start3A_168 : memref<80x128xf32, #tpu.memory_space<vmem>>) offsets(%dma_start3A_171 : memref<80xi32, #tpu.memory_space<vmem>>) semaphore(%arg10 : memref<!tpu.dma_semaphore, #tpu.memory_space<semaphore_mem>>)
    %dma_wait3A_175 = arith.constant 0 : i32
    %dma_wait3A_176 = arith.constant 24 : i32
    %dma_wait3A_177 = arith.constant 0 : i32
    %dma_wait3A_178 = arith.constant 0 : i32
    %dma_wait3A_179 = arith.constant 0 : i32
    %dma_wait3A_180 = tpu.memref_slice %arg7[%dma_wait3A_177, %dma_wait3A_178, %dma_wait3A_179] : memref<3x80x128xf32, #tpu.memory_space<vmem>> -> memref<1x80x128xf32, #tpu.memory_space<vmem>>
    %dma_wait3A_181 = tpu.memref_squeeze %dma_wait3A_180 : memref<1x80x128xf32, #tpu.memory_space<vmem>> -> memref<80x128xf32, #tpu.memory_space<vmem>>
    %dma_wait3A_182 = arith.constant 0 : i32
    %dma_wait3A_183 = tpu.memref_slice %arg5[%dma_wait3A_175, %dma_wait3A_176, %dma_wait3A_182] : memref<2x25x80xi32, #tpu.memory_space<vmem>> -> memref<1x1x80xi32, #tpu.memory_space<vmem>>
    %dma_wait3A_184 = tpu.memref_squeeze %dma_wait3A_183 : memref<1x1x80xi32, #tpu.memory_space<vmem>> -> memref<80xi32, #tpu.memory_space<vmem>>
    %dma_wait3A_185 = arith.constant 0 : i32
    %dma_wait3A_186 = arith.constant 0 : i32
    %dma_wait3A_187 = tpu.memref_slice %arg2[%dma_wait3A_185, %dma_wait3A_186] : memref<10000x128xf32, #tpu.memory_space<hbm>> -> memref<10000x128xf32, #tpu.memory_space<hbm>>
    tpu.wait_indirect_dma semaphore(%arg8 : memref<!tpu.dma_semaphore, #tpu.memory_space<semaphore_mem>>) src(%dma_wait3A_187 : memref<10000x128xf32, #tpu.memory_space<hbm>>) dst(%dma_wait3A_181 : memref<80x128xf32, #tpu.memory_space<vmem>>)
    %run_scoped3A_188 = arith.constant 0 : i32
    %run_scoped3A_189 = arith.constant 24 : i32
    "tpu.region"() ({
      %run_scoped3A_772 = tpu.sem_alloc : memref<!tpu.dma_semaphore, #tpu.memory_space<semaphore_mem>>
      %dma_start3A_773 = arith.constant 0 : i32
      %dma_start3A_774 = arith.constant 0 : i32
      %dma_start3A_775 = tpu.memref_slice %arg7[%run_scoped3A_188, %dma_start3A_773, %dma_start3A_774] : memref<3x80x128xf32, #tpu.memory_space<vmem>> -> memref<1x80x128xf32, #tpu.memory_space<vmem>>
      %dma_start3A_776 = tpu.memref_squeeze %dma_start3A_775 : memref<1x80x128xf32, #tpu.memory_space<vmem>> -> memref<80x128xf32, #tpu.memory_space<vmem>>
      %dma_start3A_777 = arith.constant 0 : i32
      %dma_start3A_778 = tpu.memref_slice %arg6[%run_scoped3A_189, %dma_start3A_777] : memref<25x80xi32, #tpu.memory_space<vmem>> -> memref<1x80xi32, #tpu.memory_space<vmem>>
      %dma_start3A_779 = tpu.memref_squeeze %dma_start3A_778 : memref<1x80xi32, #tpu.memory_space<vmem>> -> memref<80xi32, #tpu.memory_space<vmem>>
      %dma_start3A_780 = arith.constant 0 : i32
      %dma_start3A_781 = arith.constant 0 : i32
      %dma_start3A_782 = tpu.memref_slice %arg12[%dma_start3A_780, %dma_start3A_781] : memref<10000x128xf32, #tpu.memory_space<vmem_shared>> -> memref<10000x128xf32, #tpu.memory_space<vmem_shared>>
      tpu.enqueue_indirect_dma source(%dma_start3A_776 : memref<80x128xf32, #tpu.memory_space<vmem>>) target(%dma_start3A_782 : memref<10000x128xf32, #tpu.memory_space<vmem_shared>>) offsets(%dma_start3A_779 : memref<80xi32, #tpu.memory_space<vmem>>) semaphore(%run_scoped3A_772 : memref<!tpu.dma_semaphore, #tpu.memory_space<semaphore_mem>>) {add = true}
      %dma_wait3A_783 = arith.constant 0 : i32
      %dma_wait3A_784 = arith.constant 0 : i32
      %dma_wait3A_785 = tpu.memref_slice %arg7[%run_scoped3A_188, %dma_wait3A_783, %dma_wait3A_784] : memref<3x80x128xf32, #tpu.memory_space<vmem>> -> memref<1x80x128xf32, #tpu.memory_space<vmem>>
      %dma_wait3A_786 = tpu.memref_squeeze %dma_wait3A_785 : memref<1x80x128xf32, #tpu.memory_space<vmem>> -> memref<80x128xf32, #tpu.memory_space<vmem>>
      %dma_wait3A_787 = arith.constant 0 : i32
      %dma_wait3A_788 = tpu.memref_slice %arg6[%run_scoped3A_189, %dma_wait3A_787] : memref<25x80xi32, #tpu.memory_space<vmem>> -> memref<1x80xi32, #tpu.memory_space<vmem>>
      %dma_wait3A_789 = tpu.memref_squeeze %dma_wait3A_788 : memref<1x80xi32, #tpu.memory_space<vmem>> -> memref<80xi32, #tpu.memory_space<vmem>>
      %dma_wait3A_790 = arith.constant 0 : i32
      %dma_wait3A_791 = arith.constant 0 : i32
      %dma_wait3A_792 = tpu.memref_slice %arg12[%dma_wait3A_790, %dma_wait3A_791] : memref<10000x128xf32, #tpu.memory_space<vmem_shared>> -> memref<10000x128xf32, #tpu.memory_space<vmem_shared>>
      tpu.wait_indirect_dma semaphore(%run_scoped3A_772 : memref<!tpu.dma_semaphore, #tpu.memory_space<semaphore_mem>>) src(%dma_wait3A_786 : memref<80x128xf32, #tpu.memory_space<vmem>>) dst(%dma_wait3A_792 : memref<10000x128xf32, #tpu.memory_space<vmem_shared>>)
      tpu.yield
    }) : () -> ()
    %dma_start3A_190 = arith.constant 1 : i32
    %dma_start3A_191 = arith.constant 2 : i32
    %dma_start3A_192 = arith.constant 0 : i32
    %dma_start3A_193 = arith.constant 0 : i32
    %dma_start3A_194 = arith.constant 0 : i32
    %dma_start3A_195 = tpu.memref_slice %arg7[%dma_start3A_192, %dma_start3A_193, %dma_start3A_194] : memref<3x80x128xf32, #tpu.memory_space<vmem>> -> memref<1x80x128xf32, #tpu.memory_space<vmem>>
    %dma_start3A_196 = tpu.memref_squeeze %dma_start3A_195 : memref<1x80x128xf32, #tpu.memory_space<vmem>> -> memref<80x128xf32, #tpu.memory_space<vmem>>
    %dma_start3A_197 = arith.constant 0 : i32
    %dma_start3A_198 = tpu.memref_slice %arg5[%dma_start3A_190, %dma_start3A_191, %dma_start3A_197] : memref<2x25x80xi32, #tpu.memory_space<vmem>> -> memref<1x1x80xi32, #tpu.memory_space<vmem>>
    %dma_start3A_199 = tpu.memref_squeeze %dma_start3A_198 : memref<1x1x80xi32, #tpu.memory_space<vmem>> -> memref<80xi32, #tpu.memory_space<vmem>>
    %dma_start3A_200 = arith.constant 0 : i32
    %dma_start3A_201 = arith.constant 0 : i32
    %dma_start3A_202 = tpu.memref_slice %arg2[%dma_start3A_200, %dma_start3A_201] : memref<10000x128xf32, #tpu.memory_space<hbm>> -> memref<10000x128xf32, #tpu.memory_space<hbm>>
    tpu.enqueue_indirect_dma source(%dma_start3A_202 : memref<10000x128xf32, #tpu.memory_space<hbm>>) target(%dma_start3A_196 : memref<80x128xf32, #tpu.memory_space<vmem>>) offsets(%dma_start3A_199 : memref<80xi32, #tpu.memory_space<vmem>>) semaphore(%arg8 : memref<!tpu.dma_semaphore, #tpu.memory_space<semaphore_mem>>)
    %run_scoped3A_203 = arith.constant 1 : i32
    %run_scoped3A_204 = arith.constant 1 : i32
    "tpu.region"() ({
      %run_scoped3A_772 = tpu.sem_alloc : memref<!tpu.dma_semaphore, #tpu.memory_space<semaphore_mem>>
      %dma_start3A_773 = arith.constant 0 : i32
      %dma_start3A_774 = arith.constant 0 : i32
      %dma_start3A_775 = tpu.memref_slice %arg3[%run_scoped3A_203, %add3A, %run_scoped3A_204, %dma_start3A_773, %dma_start3A_774] : memref<2x32x5x25x80xi32, #tpu.memory_space<hbm>> -> memref<1x1x1x25x80xi32, #tpu.memory_space<hbm>>
      %dma_start3A_776 = tpu.memref_squeeze %dma_start3A_775 : memref<1x1x1x25x80xi32, #tpu.memory_space<hbm>> -> memref<25x80xi32, #tpu.memory_space<hbm>>
      %dma_start3A_777 = arith.constant 0 : i32
      %dma_start3A_778 = arith.constant 0 : i32
      %dma_start3A_779 = tpu.memref_slice %arg3[%run_scoped3A_203, %add3A, %run_scoped3A_204, %dma_start3A_777, %dma_start3A_778] : memref<2x32x5x25x80xi32, #tpu.memory_space<hbm>> -> memref<1x1x1x25x80xi32, #tpu.memory_space<hbm>>
      %dma_start3A_780 = tpu.memref_squeeze %dma_start3A_779 : memref<1x1x1x25x80xi32, #tpu.memory_space<hbm>> -> memref<25x80xi32, #tpu.memory_space<hbm>>
      tpu.enqueue_dma source(%dma_start3A_780 : memref<25x80xi32, #tpu.memory_space<hbm>>) target(%arg6 : memref<25x80xi32, #tpu.memory_space<vmem>>) target_semaphore(%run_scoped3A_772 : memref<!tpu.dma_semaphore, #tpu.memory_space<semaphore_mem>>)
      %dma_wait3A_781 = arith.constant 0 : i32
      %dma_wait3A_782 = arith.constant 0 : i32
      %dma_wait3A_783 = tpu.memref_slice %arg3[%run_scoped3A_203, %add3A, %run_scoped3A_204, %dma_wait3A_781, %dma_wait3A_782] : memref<2x32x5x25x80xi32, #tpu.memory_space<hbm>> -> memref<1x1x1x25x80xi32, #tpu.memory_space<hbm>>
      %dma_wait3A_784 = tpu.memref_squeeze %dma_wait3A_783 : memref<1x1x1x25x80xi32, #tpu.memory_space<hbm>> -> memref<25x80xi32, #tpu.memory_space<hbm>>
      %dma_wait3A_785 = arith.constant 0 : i32
      %dma_wait3A_786 = arith.constant 0 : i32
      %dma_wait3A_787 = tpu.memref_slice %arg3[%run_scoped3A_203, %add3A, %run_scoped3A_204, %dma_wait3A_785, %dma_wait3A_786] : memref<2x32x5x25x80xi32, #tpu.memory_space<hbm>> -> memref<1x1x1x25x80xi32, #tpu.memory_space<hbm>>
      %dma_wait3A_788 = tpu.memref_squeeze %dma_wait3A_787 : memref<1x1x1x25x80xi32, #tpu.memory_space<hbm>> -> memref<25x80xi32, #tpu.memory_space<hbm>>
      tpu.wait_dma2 semaphore(%run_scoped3A_772 : memref<!tpu.dma_semaphore, #tpu.memory_space<semaphore_mem>>) src(%dma_wait3A_788 : memref<25x80xi32, #tpu.memory_space<hbm>>) dst(%arg6 : memref<25x80xi32, #tpu.memory_space<vmem>>)
      tpu.yield
    }) : () -> ()
    %dma_start3A_205 = arith.constant 0 : i32
    %dma_start3A_206 = arith.constant 2 : i32
    %dma_start3A_207 = arith.constant 0 : i32
    %dma_start3A_208 = arith.constant 0 : i32
    %dma_start3A_209 = arith.constant 0 : i32
    %dma_start3A_210 = tpu.memref_slice %arg5[%dma_start3A_207, %dma_start3A_208, %dma_start3A_209] : memref<2x25x80xi32, #tpu.memory_space<vmem>> -> memref<1x25x80xi32, #tpu.memory_space<vmem>>
    %dma_start3A_211 = tpu.memref_squeeze %dma_start3A_210 : memref<1x25x80xi32, #tpu.memory_space<vmem>> -> memref<25x80xi32, #tpu.memory_space<vmem>>
    %dma_start3A_212 = arith.constant 0 : i32
    %dma_start3A_213 = arith.constant 0 : i32
    %dma_start3A_214 = tpu.memref_slice %arg3[%dma_start3A_205, %add3A, %dma_start3A_206, %dma_start3A_212, %dma_start3A_213] : memref<2x32x5x25x80xi32, #tpu.memory_space<hbm>> -> memref<1x1x1x25x80xi32, #tpu.memory_space<hbm>>
    %dma_start3A_215 = tpu.memref_squeeze %dma_start3A_214 : memref<1x1x1x25x80xi32, #tpu.memory_space<hbm>> -> memref<25x80xi32, #tpu.memory_space<hbm>>
    %dma_start3A_216 = arith.constant 0 : i32
    %dma_start3A_217 = arith.constant 0 : i32
    %dma_start3A_218 = tpu.memref_slice %arg5[%dma_start3A_207, %dma_start3A_216, %dma_start3A_217] : memref<2x25x80xi32, #tpu.memory_space<vmem>> -> memref<1x25x80xi32, #tpu.memory_space<vmem>>
    %dma_start3A_219 = tpu.memref_squeeze %dma_start3A_218 : memref<1x25x80xi32, #tpu.memory_space<vmem>> -> memref<25x80xi32, #tpu.memory_space<vmem>>
    %dma_start3A_220 = arith.constant 0 : i32
    %dma_start3A_221 = arith.constant 0 : i32
    %dma_start3A_222 = tpu.memref_slice %arg3[%dma_start3A_205, %add3A, %dma_start3A_206, %dma_start3A_220, %dma_start3A_221] : memref<2x32x5x25x80xi32, #tpu.memory_space<hbm>> -> memref<1x1x1x25x80xi32, #tpu.memory_space<hbm>>
    %dma_start3A_223 = tpu.memref_squeeze %dma_start3A_222 : memref<1x1x1x25x80xi32, #tpu.memory_space<hbm>> -> memref<25x80xi32, #tpu.memory_space<hbm>>
    tpu.enqueue_dma source(%dma_start3A_223 : memref<25x80xi32, #tpu.memory_space<hbm>>) target(%dma_start3A_219 : memref<25x80xi32, #tpu.memory_space<vmem>>) target_semaphore(%arg11 : memref<!tpu.dma_semaphore, #tpu.memory_space<semaphore_mem>>)
    %scan3A_224 = arith.constant 0 : i32
    %scan3A_225 = arith.constant 0 : i32
    %scan3A_226 = arith.constant 7 : i32
    %scan3A_227 = arith.addi %scan3A_225, %scan3A_226 : i32
    %scan3A_228 = arith.constant 1 : i32
    scf.for %scan3A_772 = %scan3A_225 to %scan3A_227 step %scan3A_228  : i32 {
      %mul3A_773 = arith.constant 3 : i32
      %mul3A_774 = arith.muli %mul3A_773, %scan3A_772 : i32
      %add3A_775 = arith.constant 0 : i32
      %add3A_776 = arith.addi %mul3A_774, %add3A_775 : i32
      %dma_wait3A_777 = arith.constant 1 : i32
      %dma_wait3A_778 = arith.constant 1 : i32
      %dma_wait3A_779 = arith.constant 0 : i32
      %dma_wait3A_780 = arith.constant 0 : i32
      %dma_wait3A_781 = tpu.memref_slice %arg7[%dma_wait3A_778, %dma_wait3A_779, %dma_wait3A_780] : memref<3x80x128xf32, #tpu.memory_space<vmem>> -> memref<1x80x128xf32, #tpu.memory_space<vmem>>
      %dma_wait3A_782 = tpu.memref_squeeze %dma_wait3A_781 : memref<1x80x128xf32, #tpu.memory_space<vmem>> -> memref<80x128xf32, #tpu.memory_space<vmem>>
      %dma_wait3A_783 = arith.constant 0 : i32
      %dma_wait3A_784 = tpu.memref_slice %arg5[%dma_wait3A_777, %add3A_776, %dma_wait3A_783] : memref<2x25x80xi32, #tpu.memory_space<vmem>> -> memref<1x1x80xi32, #tpu.memory_space<vmem>>
      %dma_wait3A_785 = tpu.memref_squeeze %dma_wait3A_784 : memref<1x1x80xi32, #tpu.memory_space<vmem>> -> memref<80xi32, #tpu.memory_space<vmem>>
      %dma_wait3A_786 = arith.constant 0 : i32
      %dma_wait3A_787 = arith.constant 0 : i32
      %dma_wait3A_788 = tpu.memref_slice %arg2[%dma_wait3A_786, %dma_wait3A_787] : memref<10000x128xf32, #tpu.memory_space<hbm>> -> memref<10000x128xf32, #tpu.memory_space<hbm>>
      tpu.wait_indirect_dma semaphore(%arg9 : memref<!tpu.dma_semaphore, #tpu.memory_space<semaphore_mem>>) src(%dma_wait3A_788 : memref<10000x128xf32, #tpu.memory_space<hbm>>) dst(%dma_wait3A_782 : memref<80x128xf32, #tpu.memory_space<vmem>>)
      %add3A_789 = arith.constant 0 : i32
      %add3A_790 = arith.addi %mul3A_774, %add3A_789 : i32
      %run_scoped3A_791 = arith.constant 1 : i32
      "tpu.region"() ({
        %run_scoped3A_874 = tpu.sem_alloc : memref<!tpu.dma_semaphore, #tpu.memory_space<semaphore_mem>>
        %dma_start3A_875 = arith.constant 0 : i32
        %dma_start3A_876 = arith.constant 0 : i32
        %dma_start3A_877 = tpu.memref_slice %arg7[%run_scoped3A_791, %dma_start3A_875, %dma_start3A_876] : memref<3x80x128xf32, #tpu.memory_space<vmem>> -> memref<1x80x128xf32, #tpu.memory_space<vmem>>
        %dma_start3A_878 = tpu.memref_squeeze %dma_start3A_877 : memref<1x80x128xf32, #tpu.memory_space<vmem>> -> memref<80x128xf32, #tpu.memory_space<vmem>>
        %dma_start3A_879 = arith.constant 0 : i32
        %dma_start3A_880 = tpu.memref_slice %arg6[%add3A_790, %dma_start3A_879] : memref<25x80xi32, #tpu.memory_space<vmem>> -> memref<1x80xi32, #tpu.memory_space<vmem>>
        %dma_start3A_881 = tpu.memref_squeeze %dma_start3A_880 : memref<1x80xi32, #tpu.memory_space<vmem>> -> memref<80xi32, #tpu.memory_space<vmem>>
        %dma_start3A_882 = arith.constant 0 : i32
        %dma_start3A_883 = arith.constant 0 : i32
        %dma_start3A_884 = tpu.memref_slice %arg12[%dma_start3A_882, %dma_start3A_883] : memref<10000x128xf32, #tpu.memory_space<vmem_shared>> -> memref<10000x128xf32, #tpu.memory_space<vmem_shared>>
        tpu.enqueue_indirect_dma source(%dma_start3A_878 : memref<80x128xf32, #tpu.memory_space<vmem>>) target(%dma_start3A_884 : memref<10000x128xf32, #tpu.memory_space<vmem_shared>>) offsets(%dma_start3A_881 : memref<80xi32, #tpu.memory_space<vmem>>) semaphore(%run_scoped3A_874 : memref<!tpu.dma_semaphore, #tpu.memory_space<semaphore_mem>>) {add = true}
        %dma_wait3A_885 = arith.constant 0 : i32
        %dma_wait3A_886 = arith.constant 0 : i32
        %dma_wait3A_887 = tpu.memref_slice %arg7[%run_scoped3A_791, %dma_wait3A_885, %dma_wait3A_886] : memref<3x80x128xf32, #tpu.memory_space<vmem>> -> memref<1x80x128xf32, #tpu.memory_space<vmem>>
        %dma_wait3A_888 = tpu.memref_squeeze %dma_wait3A_887 : memref<1x80x128xf32, #tpu.memory_space<vmem>> -> memref<80x128xf32, #tpu.memory_space<vmem>>
        %dma_wait3A_889 = arith.constant 0 : i32
        %dma_wait3A_890 = tpu.memref_slice %arg6[%add3A_790, %dma_wait3A_889] : memref<25x80xi32, #tpu.memory_space<vmem>> -> memref<1x80xi32, #tpu.memory_space<vmem>>
        %dma_wait3A_891 = tpu.memref_squeeze %dma_wait3A_890 : memref<1x80xi32, #tpu.memory_space<vmem>> -> memref<80xi32, #tpu.memory_space<vmem>>
        %dma_wait3A_892 = arith.constant 0 : i32
        %dma_wait3A_893 = arith.constant 0 : i32
        %dma_wait3A_894 = tpu.memref_slice %arg12[%dma_wait3A_892, %dma_wait3A_893] : memref<10000x128xf32, #tpu.memory_space<vmem_shared>> -> memref<10000x128xf32, #tpu.memory_space<vmem_shared>>
        tpu.wait_indirect_dma semaphore(%run_scoped3A_874 : memref<!tpu.dma_semaphore, #tpu.memory_space<semaphore_mem>>) src(%dma_wait3A_888 : memref<80x128xf32, #tpu.memory_space<vmem>>) dst(%dma_wait3A_894 : memref<10000x128xf32, #tpu.memory_space<vmem_shared>>)
        tpu.yield
      }) : () -> ()
      %add3A_792 = arith.constant 3 : i32
      %add3A_793 = arith.addi %mul3A_774, %add3A_792 : i32
      %add3A_794 = arith.constant 0 : i32
      %add3A_795 = arith.addi %add3A_793, %add3A_794 : i32
      %dma_start3A_796 = arith.constant 1 : i32
      %dma_start3A_797 = arith.constant 1 : i32
      %dma_start3A_798 = arith.constant 0 : i32
      %dma_start3A_799 = arith.constant 0 : i32
      %dma_start3A_800 = tpu.memref_slice %arg7[%dma_start3A_797, %dma_start3A_798, %dma_start3A_799] : memref<3x80x128xf32, #tpu.memory_space<vmem>> -> memref<1x80x128xf32, #tpu.memory_space<vmem>>
      %dma_start3A_801 = tpu.memref_squeeze %dma_start3A_800 : memref<1x80x128xf32, #tpu.memory_space<vmem>> -> memref<80x128xf32, #tpu.memory_space<vmem>>
      %dma_start3A_802 = arith.constant 0 : i32
      %dma_start3A_803 = tpu.memref_slice %arg5[%dma_start3A_796, %add3A_795, %dma_start3A_802] : memref<2x25x80xi32, #tpu.memory_space<vmem>> -> memref<1x1x80xi32, #tpu.memory_space<vmem>>
      %dma_start3A_804 = tpu.memref_squeeze %dma_start3A_803 : memref<1x1x80xi32, #tpu.memory_space<vmem>> -> memref<80xi32, #tpu.memory_space<vmem>>
      %dma_start3A_805 = arith.constant 0 : i32
      %dma_start3A_806 = arith.constant 0 : i32
      %dma_start3A_807 = tpu.memref_slice %arg2[%dma_start3A_805, %dma_start3A_806] : memref<10000x128xf32, #tpu.memory_space<hbm>> -> memref<10000x128xf32, #tpu.memory_space<hbm>>
      tpu.enqueue_indirect_dma source(%dma_start3A_807 : memref<10000x128xf32, #tpu.memory_space<hbm>>) target(%dma_start3A_801 : memref<80x128xf32, #tpu.memory_space<vmem>>) offsets(%dma_start3A_804 : memref<80xi32, #tpu.memory_space<vmem>>) semaphore(%arg9 : memref<!tpu.dma_semaphore, #tpu.memory_space<semaphore_mem>>)
      %add3A_808 = arith.constant 1 : i32
      %add3A_809 = arith.addi %mul3A_774, %add3A_808 : i32
      %dma_wait3A_810 = arith.constant 1 : i32
      %dma_wait3A_811 = arith.constant 2 : i32
      %dma_wait3A_812 = arith.constant 0 : i32
      %dma_wait3A_813 = arith.constant 0 : i32
      %dma_wait3A_814 = tpu.memref_slice %arg7[%dma_wait3A_811, %dma_wait3A_812, %dma_wait3A_813] : memref<3x80x128xf32, #tpu.memory_space<vmem>> -> memref<1x80x128xf32, #tpu.memory_space<vmem>>
      %dma_wait3A_815 = tpu.memref_squeeze %dma_wait3A_814 : memref<1x80x128xf32, #tpu.memory_space<vmem>> -> memref<80x128xf32, #tpu.memory_space<vmem>>
      %dma_wait3A_816 = arith.constant 0 : i32
      %dma_wait3A_817 = tpu.memref_slice %arg5[%dma_wait3A_810, %add3A_809, %dma_wait3A_816] : memref<2x25x80xi32, #tpu.memory_space<vmem>> -> memref<1x1x80xi32, #tpu.memory_space<vmem>>
      %dma_wait3A_818 = tpu.memref_squeeze %dma_wait3A_817 : memref<1x1x80xi32, #tpu.memory_space<vmem>> -> memref<80xi32, #tpu.memory_space<vmem>>
      %dma_wait3A_819 = arith.constant 0 : i32
      %dma_wait3A_820 = arith.constant 0 : i32
      %dma_wait3A_821 = tpu.memref_slice %arg2[%dma_wait3A_819, %dma_wait3A_820] : memref<10000x128xf32, #tpu.memory_space<hbm>> -> memref<10000x128xf32, #tpu.memory_space<hbm>>
      tpu.wait_indirect_dma semaphore(%arg10 : memref<!tpu.dma_semaphore, #tpu.memory_space<semaphore_mem>>) src(%dma_wait3A_821 : memref<10000x128xf32, #tpu.memory_space<hbm>>) dst(%dma_wait3A_815 : memref<80x128xf32, #tpu.memory_space<vmem>>)
      %add3A_822 = arith.constant 1 : i32
      %add3A_823 = arith.addi %mul3A_774, %add3A_822 : i32
      %run_scoped3A_824 = arith.constant 2 : i32
      "tpu.region"() ({
        %run_scoped3A_874 = tpu.sem_alloc : memref<!tpu.dma_semaphore, #tpu.memory_space<semaphore_mem>>
        %dma_start3A_875 = arith.constant 0 : i32
        %dma_start3A_876 = arith.constant 0 : i32
        %dma_start3A_877 = tpu.memref_slice %arg7[%run_scoped3A_824, %dma_start3A_875, %dma_start3A_876] : memref<3x80x128xf32, #tpu.memory_space<vmem>> -> memref<1x80x128xf32, #tpu.memory_space<vmem>>
        %dma_start3A_878 = tpu.memref_squeeze %dma_start3A_877 : memref<1x80x128xf32, #tpu.memory_space<vmem>> -> memref<80x128xf32, #tpu.memory_space<vmem>>
        %dma_start3A_879 = arith.constant 0 : i32
        %dma_start3A_880 = tpu.memref_slice %arg6[%add3A_823, %dma_start3A_879] : memref<25x80xi32, #tpu.memory_space<vmem>> -> memref<1x80xi32, #tpu.memory_space<vmem>>
        %dma_start3A_881 = tpu.memref_squeeze %dma_start3A_880 : memref<1x80xi32, #tpu.memory_space<vmem>> -> memref<80xi32, #tpu.memory_space<vmem>>
        %dma_start3A_882 = arith.constant 0 : i32
        %dma_start3A_883 = arith.constant 0 : i32
        %dma_start3A_884 = tpu.memref_slice %arg12[%dma_start3A_882, %dma_start3A_883] : memref<10000x128xf32, #tpu.memory_space<vmem_shared>> -> memref<10000x128xf32, #tpu.memory_space<vmem_shared>>
        tpu.enqueue_indirect_dma source(%dma_start3A_878 : memref<80x128xf32, #tpu.memory_space<vmem>>) target(%dma_start3A_884 : memref<10000x128xf32, #tpu.memory_space<vmem_shared>>) offsets(%dma_start3A_881 : memref<80xi32, #tpu.memory_space<vmem>>) semaphore(%run_scoped3A_874 : memref<!tpu.dma_semaphore, #tpu.memory_space<semaphore_mem>>) {add = true}
        %dma_wait3A_885 = arith.constant 0 : i32
        %dma_wait3A_886 = arith.constant 0 : i32
        %dma_wait3A_887 = tpu.memref_slice %arg7[%run_scoped3A_824, %dma_wait3A_885, %dma_wait3A_886] : memref<3x80x128xf32, #tpu.memory_space<vmem>> -> memref<1x80x128xf32, #tpu.memory_space<vmem>>
        %dma_wait3A_888 = tpu.memref_squeeze %dma_wait3A_887 : memref<1x80x128xf32, #tpu.memory_space<vmem>> -> memref<80x128xf32, #tpu.memory_space<vmem>>
        %dma_wait3A_889 = arith.constant 0 : i32
        %dma_wait3A_890 = tpu.memref_slice %arg6[%add3A_823, %dma_wait3A_889] : memref<25x80xi32, #tpu.memory_space<vmem>> -> memref<1x80xi32, #tpu.memory_space<vmem>>
        %dma_wait3A_891 = tpu.memref_squeeze %dma_wait3A_890 : memref<1x80xi32, #tpu.memory_space<vmem>> -> memref<80xi32, #tpu.memory_space<vmem>>
        %dma_wait3A_892 = arith.constant 0 : i32
        %dma_wait3A_893 = arith.constant 0 : i32
        %dma_wait3A_894 = tpu.memref_slice %arg12[%dma_wait3A_892, %dma_wait3A_893] : memref<10000x128xf32, #tpu.memory_space<vmem_shared>> -> memref<10000x128xf32, #tpu.memory_space<vmem_shared>>
        tpu.wait_indirect_dma semaphore(%run_scoped3A_874 : memref<!tpu.dma_semaphore, #tpu.memory_space<semaphore_mem>>) src(%dma_wait3A_888 : memref<80x128xf32, #tpu.memory_space<vmem>>) dst(%dma_wait3A_894 : memref<10000x128xf32, #tpu.memory_space<vmem_shared>>)
        tpu.yield
      }) : () -> ()
      %add3A_825 = arith.constant 3 : i32
      %add3A_826 = arith.addi %mul3A_774, %add3A_825 : i32
      %add3A_827 = arith.constant 1 : i32
      %add3A_828 = arith.addi %add3A_826, %add3A_827 : i32
      %dma_start3A_829 = arith.constant 1 : i32
      %dma_start3A_830 = arith.constant 2 : i32
      %dma_start3A_831 = arith.constant 0 : i32
      %dma_start3A_832 = arith.constant 0 : i32
      %dma_start3A_833 = tpu.memref_slice %arg7[%dma_start3A_830, %dma_start3A_831, %dma_start3A_832] : memref<3x80x128xf32, #tpu.memory_space<vmem>> -> memref<1x80x128xf32, #tpu.memory_space<vmem>>
      %dma_start3A_834 = tpu.memref_squeeze %dma_start3A_833 : memref<1x80x128xf32, #tpu.memory_space<vmem>> -> memref<80x128xf32, #tpu.memory_space<vmem>>
      %dma_start3A_835 = arith.constant 0 : i32
      %dma_start3A_836 = tpu.memref_slice %arg5[%dma_start3A_829, %add3A_828, %dma_start3A_835] : memref<2x25x80xi32, #tpu.memory_space<vmem>> -> memref<1x1x80xi32, #tpu.memory_space<vmem>>
      %dma_start3A_837 = tpu.memref_squeeze %dma_start3A_836 : memref<1x1x80xi32, #tpu.memory_space<vmem>> -> memref<80xi32, #tpu.memory_space<vmem>>
      %dma_start3A_838 = arith.constant 0 : i32
      %dma_start3A_839 = arith.constant 0 : i32
      %dma_start3A_840 = tpu.memref_slice %arg2[%dma_start3A_838, %dma_start3A_839] : memref<10000x128xf32, #tpu.memory_space<hbm>> -> memref<10000x128xf32, #tpu.memory_space<hbm>>
      tpu.enqueue_indirect_dma source(%dma_start3A_840 : memref<10000x128xf32, #tpu.memory_space<hbm>>) target(%dma_start3A_834 : memref<80x128xf32, #tpu.memory_space<vmem>>) offsets(%dma_start3A_837 : memref<80xi32, #tpu.memory_space<vmem>>) semaphore(%arg10 : memref<!tpu.dma_semaphore, #tpu.memory_space<semaphore_mem>>)
      %add3A_841 = arith.constant 2 : i32
      %add3A_842 = arith.addi %mul3A_774, %add3A_841 : i32
      %dma_wait3A_843 = arith.constant 1 : i32
      %dma_wait3A_844 = arith.constant 0 : i32
      %dma_wait3A_845 = arith.constant 0 : i32
      %dma_wait3A_846 = arith.constant 0 : i32
      %dma_wait3A_847 = tpu.memref_slice %arg7[%dma_wait3A_844, %dma_wait3A_845, %dma_wait3A_846] : memref<3x80x128xf32, #tpu.memory_space<vmem>> -> memref<1x80x128xf32, #tpu.memory_space<vmem>>
      %dma_wait3A_848 = tpu.memref_squeeze %dma_wait3A_847 : memref<1x80x128xf32, #tpu.memory_space<vmem>> -> memref<80x128xf32, #tpu.memory_space<vmem>>
      %dma_wait3A_849 = arith.constant 0 : i32
      %dma_wait3A_850 = tpu.memref_slice %arg5[%dma_wait3A_843, %add3A_842, %dma_wait3A_849] : memref<2x25x80xi32, #tpu.memory_space<vmem>> -> memref<1x1x80xi32, #tpu.memory_space<vmem>>
      %dma_wait3A_851 = tpu.memref_squeeze %dma_wait3A_850 : memref<1x1x80xi32, #tpu.memory_space<vmem>> -> memref<80xi32, #tpu.memory_space<vmem>>
      %dma_wait3A_852 = arith.constant 0 : i32
      %dma_wait3A_853 = arith.constant 0 : i32
      %dma_wait3A_854 = tpu.memref_slice %arg2[%dma_wait3A_852, %dma_wait3A_853] : memref<10000x128xf32, #tpu.memory_space<hbm>> -> memref<10000x128xf32, #tpu.memory_space<hbm>>
      tpu.wait_indirect_dma semaphore(%arg8 : memref<!tpu.dma_semaphore, #tpu.memory_space<semaphore_mem>>) src(%dma_wait3A_854 : memref<10000x128xf32, #tpu.memory_space<hbm>>) dst(%dma_wait3A_848 : memref<80x128xf32, #tpu.memory_space<vmem>>)
      %add3A_855 = arith.constant 2 : i32
      %add3A_856 = arith.addi %mul3A_774, %add3A_855 : i32
      %run_scoped3A_857 = arith.constant 0 : i32
      "tpu.region"() ({
        %run_scoped3A_874 = tpu.sem_alloc : memref<!tpu.dma_semaphore, #tpu.memory_space<semaphore_mem>>
        %dma_start3A_875 = arith.constant 0 : i32
        %dma_start3A_876 = arith.constant 0 : i32
        %dma_start3A_877 = tpu.memref_slice %arg7[%run_scoped3A_857, %dma_start3A_875, %dma_start3A_876] : memref<3x80x128xf32, #tpu.memory_space<vmem>> -> memref<1x80x128xf32, #tpu.memory_space<vmem>>
        %dma_start3A_878 = tpu.memref_squeeze %dma_start3A_877 : memref<1x80x128xf32, #tpu.memory_space<vmem>> -> memref<80x128xf32, #tpu.memory_space<vmem>>
        %dma_start3A_879 = arith.constant 0 : i32
        %dma_start3A_880 = tpu.memref_slice %arg6[%add3A_856, %dma_start3A_879] : memref<25x80xi32, #tpu.memory_space<vmem>> -> memref<1x80xi32, #tpu.memory_space<vmem>>
        %dma_start3A_881 = tpu.memref_squeeze %dma_start3A_880 : memref<1x80xi32, #tpu.memory_space<vmem>> -> memref<80xi32, #tpu.memory_space<vmem>>
        %dma_start3A_882 = arith.constant 0 : i32
        %dma_start3A_883 = arith.constant 0 : i32
        %dma_start3A_884 = tpu.memref_slice %arg12[%dma_start3A_882, %dma_start3A_883] : memref<10000x128xf32, #tpu.memory_space<vmem_shared>> -> memref<10000x128xf32, #tpu.memory_space<vmem_shared>>
        tpu.enqueue_indirect_dma source(%dma_start3A_878 : memref<80x128xf32, #tpu.memory_space<vmem>>) target(%dma_start3A_884 : memref<10000x128xf32, #tpu.memory_space<vmem_shared>>) offsets(%dma_start3A_881 : memref<80xi32, #tpu.memory_space<vmem>>) semaphore(%run_scoped3A_874 : memref<!tpu.dma_semaphore, #tpu.memory_space<semaphore_mem>>) {add = true}
        %dma_wait3A_885 = arith.constant 0 : i32
        %dma_wait3A_886 = arith.constant 0 : i32
        %dma_wait3A_887 = tpu.memref_slice %arg7[%run_scoped3A_857, %dma_wait3A_885, %dma_wait3A_886] : memref<3x80x128xf32, #tpu.memory_space<vmem>> -> memref<1x80x128xf32, #tpu.memory_space<vmem>>
        %dma_wait3A_888 = tpu.memref_squeeze %dma_wait3A_887 : memref<1x80x128xf32, #tpu.memory_space<vmem>> -> memref<80x128xf32, #tpu.memory_space<vmem>>
        %dma_wait3A_889 = arith.constant 0 : i32
        %dma_wait3A_890 = tpu.memref_slice %arg6[%add3A_856, %dma_wait3A_889] : memref<25x80xi32, #tpu.memory_space<vmem>> -> memref<1x80xi32, #tpu.memory_space<vmem>>
        %dma_wait3A_891 = tpu.memref_squeeze %dma_wait3A_890 : memref<1x80xi32, #tpu.memory_space<vmem>> -> memref<80xi32, #tpu.memory_space<vmem>>
        %dma_wait3A_892 = arith.constant 0 : i32
        %dma_wait3A_893 = arith.constant 0 : i32
        %dma_wait3A_894 = tpu.memref_slice %arg12[%dma_wait3A_892, %dma_wait3A_893] : memref<10000x128xf32, #tpu.memory_space<vmem_shared>> -> memref<10000x128xf32, #tpu.memory_space<vmem_shared>>
        tpu.wait_indirect_dma semaphore(%run_scoped3A_874 : memref<!tpu.dma_semaphore, #tpu.memory_space<semaphore_mem>>) src(%dma_wait3A_888 : memref<80x128xf32, #tpu.memory_space<vmem>>) dst(%dma_wait3A_894 : memref<10000x128xf32, #tpu.memory_space<vmem_shared>>)
        tpu.yield
      }) : () -> ()
      %add3A_858 = arith.constant 3 : i32
      %add3A_859 = arith.addi %mul3A_774, %add3A_858 : i32
      %add3A_860 = arith.constant 2 : i32
      %add3A_861 = arith.addi %add3A_859, %add3A_860 : i32
      %dma_start3A_862 = arith.constant 1 : i32
      %dma_start3A_863 = arith.constant 0 : i32
      %dma_start3A_864 = arith.constant 0 : i32
      %dma_start3A_865 = arith.constant 0 : i32
      %dma_start3A_866 = tpu.memref_slice %arg7[%dma_start3A_863, %dma_start3A_864, %dma_start3A_865] : memref<3x80x128xf32, #tpu.memory_space<vmem>> -> memref<1x80x128xf32, #tpu.memory_space<vmem>>
      %dma_start3A_867 = tpu.memref_squeeze %dma_start3A_866 : memref<1x80x128xf32, #tpu.memory_space<vmem>> -> memref<80x128xf32, #tpu.memory_space<vmem>>
      %dma_start3A_868 = arith.constant 0 : i32
      %dma_start3A_869 = tpu.memref_slice %arg5[%dma_start3A_862, %add3A_861, %dma_start3A_868] : memref<2x25x80xi32, #tpu.memory_space<vmem>> -> memref<1x1x80xi32, #tpu.memory_space<vmem>>
      %dma_start3A_870 = tpu.memref_squeeze %dma_start3A_869 : memref<1x1x80xi32, #tpu.memory_space<vmem>> -> memref<80xi32, #tpu.memory_space<vmem>>
      %dma_start3A_871 = arith.constant 0 : i32
      %dma_start3A_872 = arith.constant 0 : i32
      %dma_start3A_873 = tpu.memref_slice %arg2[%dma_start3A_871, %dma_start3A_872] : memref<10000x128xf32, #tpu.memory_space<hbm>> -> memref<10000x128xf32, #tpu.memory_space<hbm>>
      tpu.enqueue_indirect_dma source(%dma_start3A_873 : memref<10000x128xf32, #tpu.memory_space<hbm>>) target(%dma_start3A_867 : memref<80x128xf32, #tpu.memory_space<vmem>>) offsets(%dma_start3A_870 : memref<80xi32, #tpu.memory_space<vmem>>) semaphore(%arg8 : memref<!tpu.dma_semaphore, #tpu.memory_space<semaphore_mem>>)
    }
    %scan3A_229 = arith.constant 7 : i32
    %dma_wait3A_230 = arith.constant 1 : i32
    %dma_wait3A_231 = arith.constant 21 : i32
    %dma_wait3A_232 = arith.constant 1 : i32
    %dma_wait3A_233 = arith.constant 0 : i32
    %dma_wait3A_234 = arith.constant 0 : i32
    %dma_wait3A_235 = tpu.memref_slice %arg7[%dma_wait3A_232, %dma_wait3A_233, %dma_wait3A_234] : memref<3x80x128xf32, #tpu.memory_space<vmem>> -> memref<1x80x128xf32, #tpu.memory_space<vmem>>
    %dma_wait3A_236 = tpu.memref_squeeze %dma_wait3A_235 : memref<1x80x128xf32, #tpu.memory_space<vmem>> -> memref<80x128xf32, #tpu.memory_space<vmem>>
    %dma_wait3A_237 = arith.constant 0 : i32
    %dma_wait3A_238 = tpu.memref_slice %arg5[%dma_wait3A_230, %dma_wait3A_231, %dma_wait3A_237] : memref<2x25x80xi32, #tpu.memory_space<vmem>> -> memref<1x1x80xi32, #tpu.memory_space<vmem>>
    %dma_wait3A_239 = tpu.memref_squeeze %dma_wait3A_238 : memref<1x1x80xi32, #tpu.memory_space<vmem>> -> memref<80xi32, #tpu.memory_space<vmem>>
    %dma_wait3A_240 = arith.constant 0 : i32
    %dma_wait3A_241 = arith.constant 0 : i32
    %dma_wait3A_242 = tpu.memref_slice %arg2[%dma_wait3A_240, %dma_wait3A_241] : memref<10000x128xf32, #tpu.memory_space<hbm>> -> memref<10000x128xf32, #tpu.memory_space<hbm>>
    tpu.wait_indirect_dma semaphore(%arg9 : memref<!tpu.dma_semaphore, #tpu.memory_space<semaphore_mem>>) src(%dma_wait3A_242 : memref<10000x128xf32, #tpu.memory_space<hbm>>) dst(%dma_wait3A_236 : memref<80x128xf32, #tpu.memory_space<vmem>>)
    %run_scoped3A_243 = arith.constant 1 : i32
    %run_scoped3A_244 = arith.constant 21 : i32
    "tpu.region"() ({
      %run_scoped3A_772 = tpu.sem_alloc : memref<!tpu.dma_semaphore, #tpu.memory_space<semaphore_mem>>
      %dma_start3A_773 = arith.constant 0 : i32
      %dma_start3A_774 = arith.constant 0 : i32
      %dma_start3A_775 = tpu.memref_slice %arg7[%run_scoped3A_243, %dma_start3A_773, %dma_start3A_774] : memref<3x80x128xf32, #tpu.memory_space<vmem>> -> memref<1x80x128xf32, #tpu.memory_space<vmem>>
      %dma_start3A_776 = tpu.memref_squeeze %dma_start3A_775 : memref<1x80x128xf32, #tpu.memory_space<vmem>> -> memref<80x128xf32, #tpu.memory_space<vmem>>
      %dma_start3A_777 = arith.constant 0 : i32
      %dma_start3A_778 = tpu.memref_slice %arg6[%run_scoped3A_244, %dma_start3A_777] : memref<25x80xi32, #tpu.memory_space<vmem>> -> memref<1x80xi32, #tpu.memory_space<vmem>>
      %dma_start3A_779 = tpu.memref_squeeze %dma_start3A_778 : memref<1x80xi32, #tpu.memory_space<vmem>> -> memref<80xi32, #tpu.memory_space<vmem>>
      %dma_start3A_780 = arith.constant 0 : i32
      %dma_start3A_781 = arith.constant 0 : i32
      %dma_start3A_782 = tpu.memref_slice %arg12[%dma_start3A_780, %dma_start3A_781] : memref<10000x128xf32, #tpu.memory_space<vmem_shared>> -> memref<10000x128xf32, #tpu.memory_space<vmem_shared>>
      tpu.enqueue_indirect_dma source(%dma_start3A_776 : memref<80x128xf32, #tpu.memory_space<vmem>>) target(%dma_start3A_782 : memref<10000x128xf32, #tpu.memory_space<vmem_shared>>) offsets(%dma_start3A_779 : memref<80xi32, #tpu.memory_space<vmem>>) semaphore(%run_scoped3A_772 : memref<!tpu.dma_semaphore, #tpu.memory_space<semaphore_mem>>) {add = true}
      %dma_wait3A_783 = arith.constant 0 : i32
      %dma_wait3A_784 = arith.constant 0 : i32
      %dma_wait3A_785 = tpu.memref_slice %arg7[%run_scoped3A_243, %dma_wait3A_783, %dma_wait3A_784] : memref<3x80x128xf32, #tpu.memory_space<vmem>> -> memref<1x80x128xf32, #tpu.memory_space<vmem>>
      %dma_wait3A_786 = tpu.memref_squeeze %dma_wait3A_785 : memref<1x80x128xf32, #tpu.memory_space<vmem>> -> memref<80x128xf32, #tpu.memory_space<vmem>>
      %dma_wait3A_787 = arith.constant 0 : i32
      %dma_wait3A_788 = tpu.memref_slice %arg6[%run_scoped3A_244, %dma_wait3A_787] : memref<25x80xi32, #tpu.memory_space<vmem>> -> memref<1x80xi32, #tpu.memory_space<vmem>>
      %dma_wait3A_789 = tpu.memref_squeeze %dma_wait3A_788 : memref<1x80xi32, #tpu.memory_space<vmem>> -> memref<80xi32, #tpu.memory_space<vmem>>
      %dma_wait3A_790 = arith.constant 0 : i32
      %dma_wait3A_791 = arith.constant 0 : i32
      %dma_wait3A_792 = tpu.memref_slice %arg12[%dma_wait3A_790, %dma_wait3A_791] : memref<10000x128xf32, #tpu.memory_space<vmem_shared>> -> memref<10000x128xf32, #tpu.memory_space<vmem_shared>>
      tpu.wait_indirect_dma semaphore(%run_scoped3A_772 : memref<!tpu.dma_semaphore, #tpu.memory_space<semaphore_mem>>) src(%dma_wait3A_786 : memref<80x128xf32, #tpu.memory_space<vmem>>) dst(%dma_wait3A_792 : memref<10000x128xf32, #tpu.memory_space<vmem_shared>>)
      tpu.yield
    }) : () -> ()
    %dma_start3A_245 = arith.constant 1 : i32
    %dma_start3A_246 = arith.constant 24 : i32
    %dma_start3A_247 = arith.constant 1 : i32
    %dma_start3A_248 = arith.constant 0 : i32
    %dma_start3A_249 = arith.constant 0 : i32
    %dma_start3A_250 = tpu.memref_slice %arg7[%dma_start3A_247, %dma_start3A_248, %dma_start3A_249] : memref<3x80x128xf32, #tpu.memory_space<vmem>> -> memref<1x80x128xf32, #tpu.memory_space<vmem>>
    %dma_start3A_251 = tpu.memref_squeeze %dma_start3A_250 : memref<1x80x128xf32, #tpu.memory_space<vmem>> -> memref<80x128xf32, #tpu.memory_space<vmem>>
    %dma_start3A_252 = arith.constant 0 : i32
    %dma_start3A_253 = tpu.memref_slice %arg5[%dma_start3A_245, %dma_start3A_246, %dma_start3A_252] : memref<2x25x80xi32, #tpu.memory_space<vmem>> -> memref<1x1x80xi32, #tpu.memory_space<vmem>>
    %dma_start3A_254 = tpu.memref_squeeze %dma_start3A_253 : memref<1x1x80xi32, #tpu.memory_space<vmem>> -> memref<80xi32, #tpu.memory_space<vmem>>
    %dma_start3A_255 = arith.constant 0 : i32
    %dma_start3A_256 = arith.constant 0 : i32
    %dma_start3A_257 = tpu.memref_slice %arg2[%dma_start3A_255, %dma_start3A_256] : memref<10000x128xf32, #tpu.memory_space<hbm>> -> memref<10000x128xf32, #tpu.memory_space<hbm>>
    tpu.enqueue_indirect_dma source(%dma_start3A_257 : memref<10000x128xf32, #tpu.memory_space<hbm>>) target(%dma_start3A_251 : memref<80x128xf32, #tpu.memory_space<vmem>>) offsets(%dma_start3A_254 : memref<80xi32, #tpu.memory_space<vmem>>) semaphore(%arg9 : memref<!tpu.dma_semaphore, #tpu.memory_space<semaphore_mem>>)
    %dma_wait3A_258 = arith.constant 0 : i32
    %dma_wait3A_259 = arith.constant 2 : i32
    %dma_wait3A_260 = arith.constant 0 : i32
    %dma_wait3A_261 = arith.constant 0 : i32
    %dma_wait3A_262 = arith.constant 0 : i32
    %dma_wait3A_263 = tpu.memref_slice %arg5[%dma_wait3A_260, %dma_wait3A_261, %dma_wait3A_262] : memref<2x25x80xi32, #tpu.memory_space<vmem>> -> memref<1x25x80xi32, #tpu.memory_space<vmem>>
    %dma_wait3A_264 = tpu.memref_squeeze %dma_wait3A_263 : memref<1x25x80xi32, #tpu.memory_space<vmem>> -> memref<25x80xi32, #tpu.memory_space<vmem>>
    %dma_wait3A_265 = arith.constant 0 : i32
    %dma_wait3A_266 = arith.constant 0 : i32
    %dma_wait3A_267 = tpu.memref_slice %arg3[%dma_wait3A_258, %add3A, %dma_wait3A_259, %dma_wait3A_265, %dma_wait3A_266] : memref<2x32x5x25x80xi32, #tpu.memory_space<hbm>> -> memref<1x1x1x25x80xi32, #tpu.memory_space<hbm>>
    %dma_wait3A_268 = tpu.memref_squeeze %dma_wait3A_267 : memref<1x1x1x25x80xi32, #tpu.memory_space<hbm>> -> memref<25x80xi32, #tpu.memory_space<hbm>>
    %dma_wait3A_269 = arith.constant 0 : i32
    %dma_wait3A_270 = arith.constant 0 : i32
    %dma_wait3A_271 = tpu.memref_slice %arg5[%dma_wait3A_260, %dma_wait3A_269, %dma_wait3A_270] : memref<2x25x80xi32, #tpu.memory_space<vmem>> -> memref<1x25x80xi32, #tpu.memory_space<vmem>>
    %dma_wait3A_272 = tpu.memref_squeeze %dma_wait3A_271 : memref<1x25x80xi32, #tpu.memory_space<vmem>> -> memref<25x80xi32, #tpu.memory_space<vmem>>
    %dma_wait3A_273 = arith.constant 0 : i32
    %dma_wait3A_274 = arith.constant 0 : i32
    %dma_wait3A_275 = tpu.memref_slice %arg3[%dma_wait3A_258, %add3A, %dma_wait3A_259, %dma_wait3A_273, %dma_wait3A_274] : memref<2x32x5x25x80xi32, #tpu.memory_space<hbm>> -> memref<1x1x1x25x80xi32, #tpu.memory_space<hbm>>
    %dma_wait3A_276 = tpu.memref_squeeze %dma_wait3A_275 : memref<1x1x1x25x80xi32, #tpu.memory_space<hbm>> -> memref<25x80xi32, #tpu.memory_space<hbm>>
    tpu.wait_dma2 semaphore(%arg11 : memref<!tpu.dma_semaphore, #tpu.memory_space<semaphore_mem>>) src(%dma_wait3A_276 : memref<25x80xi32, #tpu.memory_space<hbm>>) dst(%dma_wait3A_272 : memref<25x80xi32, #tpu.memory_space<vmem>>)
    %dma_wait3A_277 = arith.constant 1 : i32
    %dma_wait3A_278 = arith.constant 22 : i32
    %dma_wait3A_279 = arith.constant 2 : i32
    %dma_wait3A_280 = arith.constant 0 : i32
    %dma_wait3A_281 = arith.constant 0 : i32
    %dma_wait3A_282 = tpu.memref_slice %arg7[%dma_wait3A_279, %dma_wait3A_280, %dma_wait3A_281] : memref<3x80x128xf32, #tpu.memory_space<vmem>> -> memref<1x80x128xf32, #tpu.memory_space<vmem>>
    %dma_wait3A_283 = tpu.memref_squeeze %dma_wait3A_282 : memref<1x80x128xf32, #tpu.memory_space<vmem>> -> memref<80x128xf32, #tpu.memory_space<vmem>>
    %dma_wait3A_284 = arith.constant 0 : i32
    %dma_wait3A_285 = tpu.memref_slice %arg5[%dma_wait3A_277, %dma_wait3A_278, %dma_wait3A_284] : memref<2x25x80xi32, #tpu.memory_space<vmem>> -> memref<1x1x80xi32, #tpu.memory_space<vmem>>
    %dma_wait3A_286 = tpu.memref_squeeze %dma_wait3A_285 : memref<1x1x80xi32, #tpu.memory_space<vmem>> -> memref<80xi32, #tpu.memory_space<vmem>>
    %dma_wait3A_287 = arith.constant 0 : i32
    %dma_wait3A_288 = arith.constant 0 : i32
    %dma_wait3A_289 = tpu.memref_slice %arg2[%dma_wait3A_287, %dma_wait3A_288] : memref<10000x128xf32, #tpu.memory_space<hbm>> -> memref<10000x128xf32, #tpu.memory_space<hbm>>
    tpu.wait_indirect_dma semaphore(%arg10 : memref<!tpu.dma_semaphore, #tpu.memory_space<semaphore_mem>>) src(%dma_wait3A_289 : memref<10000x128xf32, #tpu.memory_space<hbm>>) dst(%dma_wait3A_283 : memref<80x128xf32, #tpu.memory_space<vmem>>)
    %run_scoped3A_290 = arith.constant 2 : i32
    %run_scoped3A_291 = arith.constant 22 : i32
    "tpu.region"() ({
      %run_scoped3A_772 = tpu.sem_alloc : memref<!tpu.dma_semaphore, #tpu.memory_space<semaphore_mem>>
      %dma_start3A_773 = arith.constant 0 : i32
      %dma_start3A_774 = arith.constant 0 : i32
      %dma_start3A_775 = tpu.memref_slice %arg7[%run_scoped3A_290, %dma_start3A_773, %dma_start3A_774] : memref<3x80x128xf32, #tpu.memory_space<vmem>> -> memref<1x80x128xf32, #tpu.memory_space<vmem>>
      %dma_start3A_776 = tpu.memref_squeeze %dma_start3A_775 : memref<1x80x128xf32, #tpu.memory_space<vmem>> -> memref<80x128xf32, #tpu.memory_space<vmem>>
      %dma_start3A_777 = arith.constant 0 : i32
      %dma_start3A_778 = tpu.memref_slice %arg6[%run_scoped3A_291, %dma_start3A_777] : memref<25x80xi32, #tpu.memory_space<vmem>> -> memref<1x80xi32, #tpu.memory_space<vmem>>
      %dma_start3A_779 = tpu.memref_squeeze %dma_start3A_778 : memref<1x80xi32, #tpu.memory_space<vmem>> -> memref<80xi32, #tpu.memory_space<vmem>>
      %dma_start3A_780 = arith.constant 0 : i32
      %dma_start3A_781 = arith.constant 0 : i32
      %dma_start3A_782 = tpu.memref_slice %arg12[%dma_start3A_780, %dma_start3A_781] : memref<10000x128xf32, #tpu.memory_space<vmem_shared>> -> memref<10000x128xf32, #tpu.memory_space<vmem_shared>>
      tpu.enqueue_indirect_dma source(%dma_start3A_776 : memref<80x128xf32, #tpu.memory_space<vmem>>) target(%dma_start3A_782 : memref<10000x128xf32, #tpu.memory_space<vmem_shared>>) offsets(%dma_start3A_779 : memref<80xi32, #tpu.memory_space<vmem>>) semaphore(%run_scoped3A_772 : memref<!tpu.dma_semaphore, #tpu.memory_space<semaphore_mem>>) {add = true}
      %dma_wait3A_783 = arith.constant 0 : i32
      %dma_wait3A_784 = arith.constant 0 : i32
      %dma_wait3A_785 = tpu.memref_slice %arg7[%run_scoped3A_290, %dma_wait3A_783, %dma_wait3A_784] : memref<3x80x128xf32, #tpu.memory_space<vmem>> -> memref<1x80x128xf32, #tpu.memory_space<vmem>>
      %dma_wait3A_786 = tpu.memref_squeeze %dma_wait3A_785 : memref<1x80x128xf32, #tpu.memory_space<vmem>> -> memref<80x128xf32, #tpu.memory_space<vmem>>
      %dma_wait3A_787 = arith.constant 0 : i32
      %dma_wait3A_788 = tpu.memref_slice %arg6[%run_scoped3A_291, %dma_wait3A_787] : memref<25x80xi32, #tpu.memory_space<vmem>> -> memref<1x80xi32, #tpu.memory_space<vmem>>
      %dma_wait3A_789 = tpu.memref_squeeze %dma_wait3A_788 : memref<1x80xi32, #tpu.memory_space<vmem>> -> memref<80xi32, #tpu.memory_space<vmem>>
      %dma_wait3A_790 = arith.constant 0 : i32
      %dma_wait3A_791 = arith.constant 0 : i32
      %dma_wait3A_792 = tpu.memref_slice %arg12[%dma_wait3A_790, %dma_wait3A_791] : memref<10000x128xf32, #tpu.memory_space<vmem_shared>> -> memref<10000x128xf32, #tpu.memory_space<vmem_shared>>
      tpu.wait_indirect_dma semaphore(%run_scoped3A_772 : memref<!tpu.dma_semaphore, #tpu.memory_space<semaphore_mem>>) src(%dma_wait3A_786 : memref<80x128xf32, #tpu.memory_space<vmem>>) dst(%dma_wait3A_792 : memref<10000x128xf32, #tpu.memory_space<vmem_shared>>)
      tpu.yield
    }) : () -> ()
    %dma_start3A_292 = arith.constant 0 : i32
    %dma_start3A_293 = arith.constant 0 : i32
    %dma_start3A_294 = arith.constant 2 : i32
    %dma_start3A_295 = arith.constant 0 : i32
    %dma_start3A_296 = arith.constant 0 : i32
    %dma_start3A_297 = tpu.memref_slice %arg7[%dma_start3A_294, %dma_start3A_295, %dma_start3A_296] : memref<3x80x128xf32, #tpu.memory_space<vmem>> -> memref<1x80x128xf32, #tpu.memory_space<vmem>>
    %dma_start3A_298 = tpu.memref_squeeze %dma_start3A_297 : memref<1x80x128xf32, #tpu.memory_space<vmem>> -> memref<80x128xf32, #tpu.memory_space<vmem>>
    %dma_start3A_299 = arith.constant 0 : i32
    %dma_start3A_300 = tpu.memref_slice %arg5[%dma_start3A_292, %dma_start3A_293, %dma_start3A_299] : memref<2x25x80xi32, #tpu.memory_space<vmem>> -> memref<1x1x80xi32, #tpu.memory_space<vmem>>
    %dma_start3A_301 = tpu.memref_squeeze %dma_start3A_300 : memref<1x1x80xi32, #tpu.memory_space<vmem>> -> memref<80xi32, #tpu.memory_space<vmem>>
    %dma_start3A_302 = arith.constant 0 : i32
    %dma_start3A_303 = arith.constant 0 : i32
    %dma_start3A_304 = tpu.memref_slice %arg2[%dma_start3A_302, %dma_start3A_303] : memref<10000x128xf32, #tpu.memory_space<hbm>> -> memref<10000x128xf32, #tpu.memory_space<hbm>>
    tpu.enqueue_indirect_dma source(%dma_start3A_304 : memref<10000x128xf32, #tpu.memory_space<hbm>>) target(%dma_start3A_298 : memref<80x128xf32, #tpu.memory_space<vmem>>) offsets(%dma_start3A_301 : memref<80xi32, #tpu.memory_space<vmem>>) semaphore(%arg10 : memref<!tpu.dma_semaphore, #tpu.memory_space<semaphore_mem>>)
    %dma_wait3A_305 = arith.constant 1 : i32
    %dma_wait3A_306 = arith.constant 23 : i32
    %dma_wait3A_307 = arith.constant 0 : i32
    %dma_wait3A_308 = arith.constant 0 : i32
    %dma_wait3A_309 = arith.constant 0 : i32
    %dma_wait3A_310 = tpu.memref_slice %arg7[%dma_wait3A_307, %dma_wait3A_308, %dma_wait3A_309] : memref<3x80x128xf32, #tpu.memory_space<vmem>> -> memref<1x80x128xf32, #tpu.memory_space<vmem>>
    %dma_wait3A_311 = tpu.memref_squeeze %dma_wait3A_310 : memref<1x80x128xf32, #tpu.memory_space<vmem>> -> memref<80x128xf32, #tpu.memory_space<vmem>>
    %dma_wait3A_312 = arith.constant 0 : i32
    %dma_wait3A_313 = tpu.memref_slice %arg5[%dma_wait3A_305, %dma_wait3A_306, %dma_wait3A_312] : memref<2x25x80xi32, #tpu.memory_space<vmem>> -> memref<1x1x80xi32, #tpu.memory_space<vmem>>
    %dma_wait3A_314 = tpu.memref_squeeze %dma_wait3A_313 : memref<1x1x80xi32, #tpu.memory_space<vmem>> -> memref<80xi32, #tpu.memory_space<vmem>>
    %dma_wait3A_315 = arith.constant 0 : i32
    %dma_wait3A_316 = arith.constant 0 : i32
    %dma_wait3A_317 = tpu.memref_slice %arg2[%dma_wait3A_315, %dma_wait3A_316] : memref<10000x128xf32, #tpu.memory_space<hbm>> -> memref<10000x128xf32, #tpu.memory_space<hbm>>
    tpu.wait_indirect_dma semaphore(%arg8 : memref<!tpu.dma_semaphore, #tpu.memory_space<semaphore_mem>>) src(%dma_wait3A_317 : memref<10000x128xf32, #tpu.memory_space<hbm>>) dst(%dma_wait3A_311 : memref<80x128xf32, #tpu.memory_space<vmem>>)
    %run_scoped3A_318 = arith.constant 0 : i32
    %run_scoped3A_319 = arith.constant 23 : i32
    "tpu.region"() ({
      %run_scoped3A_772 = tpu.sem_alloc : memref<!tpu.dma_semaphore, #tpu.memory_space<semaphore_mem>>
      %dma_start3A_773 = arith.constant 0 : i32
      %dma_start3A_774 = arith.constant 0 : i32
      %dma_start3A_775 = tpu.memref_slice %arg7[%run_scoped3A_318, %dma_start3A_773, %dma_start3A_774] : memref<3x80x128xf32, #tpu.memory_space<vmem>> -> memref<1x80x128xf32, #tpu.memory_space<vmem>>
      %dma_start3A_776 = tpu.memref_squeeze %dma_start3A_775 : memref<1x80x128xf32, #tpu.memory_space<vmem>> -> memref<80x128xf32, #tpu.memory_space<vmem>>
      %dma_start3A_777 = arith.constant 0 : i32
      %dma_start3A_778 = tpu.memref_slice %arg6[%run_scoped3A_319, %dma_start3A_777] : memref<25x80xi32, #tpu.memory_space<vmem>> -> memref<1x80xi32, #tpu.memory_space<vmem>>
      %dma_start3A_779 = tpu.memref_squeeze %dma_start3A_778 : memref<1x80xi32, #tpu.memory_space<vmem>> -> memref<80xi32, #tpu.memory_space<vmem>>
      %dma_start3A_780 = arith.constant 0 : i32
      %dma_start3A_781 = arith.constant 0 : i32
      %dma_start3A_782 = tpu.memref_slice %arg12[%dma_start3A_780, %dma_start3A_781] : memref<10000x128xf32, #tpu.memory_space<vmem_shared>> -> memref<10000x128xf32, #tpu.memory_space<vmem_shared>>
      tpu.enqueue_indirect_dma source(%dma_start3A_776 : memref<80x128xf32, #tpu.memory_space<vmem>>) target(%dma_start3A_782 : memref<10000x128xf32, #tpu.memory_space<vmem_shared>>) offsets(%dma_start3A_779 : memref<80xi32, #tpu.memory_space<vmem>>) semaphore(%run_scoped3A_772 : memref<!tpu.dma_semaphore, #tpu.memory_space<semaphore_mem>>) {add = true}
      %dma_wait3A_783 = arith.constant 0 : i32
      %dma_wait3A_784 = arith.constant 0 : i32
      %dma_wait3A_785 = tpu.memref_slice %arg7[%run_scoped3A_318, %dma_wait3A_783, %dma_wait3A_784] : memref<3x80x128xf32, #tpu.memory_space<vmem>> -> memref<1x80x128xf32, #tpu.memory_space<vmem>>
      %dma_wait3A_786 = tpu.memref_squeeze %dma_wait3A_785 : memref<1x80x128xf32, #tpu.memory_space<vmem>> -> memref<80x128xf32, #tpu.memory_space<vmem>>
      %dma_wait3A_787 = arith.constant 0 : i32
      %dma_wait3A_788 = tpu.memref_slice %arg6[%run_scoped3A_319, %dma_wait3A_787] : memref<25x80xi32, #tpu.memory_space<vmem>> -> memref<1x80xi32, #tpu.memory_space<vmem>>
      %dma_wait3A_789 = tpu.memref_squeeze %dma_wait3A_788 : memref<1x80xi32, #tpu.memory_space<vmem>> -> memref<80xi32, #tpu.memory_space<vmem>>
      %dma_wait3A_790 = arith.constant 0 : i32
      %dma_wait3A_791 = arith.constant 0 : i32
      %dma_wait3A_792 = tpu.memref_slice %arg12[%dma_wait3A_790, %dma_wait3A_791] : memref<10000x128xf32, #tpu.memory_space<vmem_shared>> -> memref<10000x128xf32, #tpu.memory_space<vmem_shared>>
      tpu.wait_indirect_dma semaphore(%run_scoped3A_772 : memref<!tpu.dma_semaphore, #tpu.memory_space<semaphore_mem>>) src(%dma_wait3A_786 : memref<80x128xf32, #tpu.memory_space<vmem>>) dst(%dma_wait3A_792 : memref<10000x128xf32, #tpu.memory_space<vmem_shared>>)
      tpu.yield
    }) : () -> ()
    %dma_start3A_320 = arith.constant 0 : i32
    %dma_start3A_321 = arith.constant 1 : i32
    %dma_start3A_322 = arith.constant 0 : i32
    %dma_start3A_323 = arith.constant 0 : i32
    %dma_start3A_324 = arith.constant 0 : i32
    %dma_start3A_325 = tpu.memref_slice %arg7[%dma_start3A_322, %dma_start3A_323, %dma_start3A_324] : memref<3x80x128xf32, #tpu.memory_space<vmem>> -> memref<1x80x128xf32, #tpu.memory_space<vmem>>
    %dma_start3A_326 = tpu.memref_squeeze %dma_start3A_325 : memref<1x80x128xf32, #tpu.memory_space<vmem>> -> memref<80x128xf32, #tpu.memory_space<vmem>>
    %dma_start3A_327 = arith.constant 0 : i32
    %dma_start3A_328 = tpu.memref_slice %arg5[%dma_start3A_320, %dma_start3A_321, %dma_start3A_327] : memref<2x25x80xi32, #tpu.memory_space<vmem>> -> memref<1x1x80xi32, #tpu.memory_space<vmem>>
    %dma_start3A_329 = tpu.memref_squeeze %dma_start3A_328 : memref<1x1x80xi32, #tpu.memory_space<vmem>> -> memref<80xi32, #tpu.memory_space<vmem>>
    %dma_start3A_330 = arith.constant 0 : i32
    %dma_start3A_331 = arith.constant 0 : i32
    %dma_start3A_332 = tpu.memref_slice %arg2[%dma_start3A_330, %dma_start3A_331] : memref<10000x128xf32, #tpu.memory_space<hbm>> -> memref<10000x128xf32, #tpu.memory_space<hbm>>
    tpu.enqueue_indirect_dma source(%dma_start3A_332 : memref<10000x128xf32, #tpu.memory_space<hbm>>) target(%dma_start3A_326 : memref<80x128xf32, #tpu.memory_space<vmem>>) offsets(%dma_start3A_329 : memref<80xi32, #tpu.memory_space<vmem>>) semaphore(%arg8 : memref<!tpu.dma_semaphore, #tpu.memory_space<semaphore_mem>>)
    %dma_wait3A_333 = arith.constant 1 : i32
    %dma_wait3A_334 = arith.constant 24 : i32
    %dma_wait3A_335 = arith.constant 1 : i32
    %dma_wait3A_336 = arith.constant 0 : i32
    %dma_wait3A_337 = arith.constant 0 : i32
    %dma_wait3A_338 = tpu.memref_slice %arg7[%dma_wait3A_335, %dma_wait3A_336, %dma_wait3A_337] : memref<3x80x128xf32, #tpu.memory_space<vmem>> -> memref<1x80x128xf32, #tpu.memory_space<vmem>>
    %dma_wait3A_339 = tpu.memref_squeeze %dma_wait3A_338 : memref<1x80x128xf32, #tpu.memory_space<vmem>> -> memref<80x128xf32, #tpu.memory_space<vmem>>
    %dma_wait3A_340 = arith.constant 0 : i32
    %dma_wait3A_341 = tpu.memref_slice %arg5[%dma_wait3A_333, %dma_wait3A_334, %dma_wait3A_340] : memref<2x25x80xi32, #tpu.memory_space<vmem>> -> memref<1x1x80xi32, #tpu.memory_space<vmem>>
    %dma_wait3A_342 = tpu.memref_squeeze %dma_wait3A_341 : memref<1x1x80xi32, #tpu.memory_space<vmem>> -> memref<80xi32, #tpu.memory_space<vmem>>
    %dma_wait3A_343 = arith.constant 0 : i32
    %dma_wait3A_344 = arith.constant 0 : i32
    %dma_wait3A_345 = tpu.memref_slice %arg2[%dma_wait3A_343, %dma_wait3A_344] : memref<10000x128xf32, #tpu.memory_space<hbm>> -> memref<10000x128xf32, #tpu.memory_space<hbm>>
    tpu.wait_indirect_dma semaphore(%arg9 : memref<!tpu.dma_semaphore, #tpu.memory_space<semaphore_mem>>) src(%dma_wait3A_345 : memref<10000x128xf32, #tpu.memory_space<hbm>>) dst(%dma_wait3A_339 : memref<80x128xf32, #tpu.memory_space<vmem>>)
    %run_scoped3A_346 = arith.constant 1 : i32
    %run_scoped3A_347 = arith.constant 24 : i32
    "tpu.region"() ({
      %run_scoped3A_772 = tpu.sem_alloc : memref<!tpu.dma_semaphore, #tpu.memory_space<semaphore_mem>>
      %dma_start3A_773 = arith.constant 0 : i32
      %dma_start3A_774 = arith.constant 0 : i32
      %dma_start3A_775 = tpu.memref_slice %arg7[%run_scoped3A_346, %dma_start3A_773, %dma_start3A_774] : memref<3x80x128xf32, #tpu.memory_space<vmem>> -> memref<1x80x128xf32, #tpu.memory_space<vmem>>
      %dma_start3A_776 = tpu.memref_squeeze %dma_start3A_775 : memref<1x80x128xf32, #tpu.memory_space<vmem>> -> memref<80x128xf32, #tpu.memory_space<vmem>>
      %dma_start3A_777 = arith.constant 0 : i32
      %dma_start3A_778 = tpu.memref_slice %arg6[%run_scoped3A_347, %dma_start3A_777] : memref<25x80xi32, #tpu.memory_space<vmem>> -> memref<1x80xi32, #tpu.memory_space<vmem>>
      %dma_start3A_779 = tpu.memref_squeeze %dma_start3A_778 : memref<1x80xi32, #tpu.memory_space<vmem>> -> memref<80xi32, #tpu.memory_space<vmem>>
      %dma_start3A_780 = arith.constant 0 : i32
      %dma_start3A_781 = arith.constant 0 : i32
      %dma_start3A_782 = tpu.memref_slice %arg12[%dma_start3A_780, %dma_start3A_781] : memref<10000x128xf32, #tpu.memory_space<vmem_shared>> -> memref<10000x128xf32, #tpu.memory_space<vmem_shared>>
      tpu.enqueue_indirect_dma source(%dma_start3A_776 : memref<80x128xf32, #tpu.memory_space<vmem>>) target(%dma_start3A_782 : memref<10000x128xf32, #tpu.memory_space<vmem_shared>>) offsets(%dma_start3A_779 : memref<80xi32, #tpu.memory_space<vmem>>) semaphore(%run_scoped3A_772 : memref<!tpu.dma_semaphore, #tpu.memory_space<semaphore_mem>>) {add = true}
      %dma_wait3A_783 = arith.constant 0 : i32
      %dma_wait3A_784 = arith.constant 0 : i32
      %dma_wait3A_785 = tpu.memref_slice %arg7[%run_scoped3A_346, %dma_wait3A_783, %dma_wait3A_784] : memref<3x80x128xf32, #tpu.memory_space<vmem>> -> memref<1x80x128xf32, #tpu.memory_space<vmem>>
      %dma_wait3A_786 = tpu.memref_squeeze %dma_wait3A_785 : memref<1x80x128xf32, #tpu.memory_space<vmem>> -> memref<80x128xf32, #tpu.memory_space<vmem>>
      %dma_wait3A_787 = arith.constant 0 : i32
      %dma_wait3A_788 = tpu.memref_slice %arg6[%run_scoped3A_347, %dma_wait3A_787] : memref<25x80xi32, #tpu.memory_space<vmem>> -> memref<1x80xi32, #tpu.memory_space<vmem>>
      %dma_wait3A_789 = tpu.memref_squeeze %dma_wait3A_788 : memref<1x80xi32, #tpu.memory_space<vmem>> -> memref<80xi32, #tpu.memory_space<vmem>>
      %dma_wait3A_790 = arith.constant 0 : i32
      %dma_wait3A_791 = arith.constant 0 : i32
      %dma_wait3A_792 = tpu.memref_slice %arg12[%dma_wait3A_790, %dma_wait3A_791] : memref<10000x128xf32, #tpu.memory_space<vmem_shared>> -> memref<10000x128xf32, #tpu.memory_space<vmem_shared>>
      tpu.wait_indirect_dma semaphore(%run_scoped3A_772 : memref<!tpu.dma_semaphore, #tpu.memory_space<semaphore_mem>>) src(%dma_wait3A_786 : memref<80x128xf32, #tpu.memory_space<vmem>>) dst(%dma_wait3A_792 : memref<10000x128xf32, #tpu.memory_space<vmem_shared>>)
      tpu.yield
    }) : () -> ()
    %dma_start3A_348 = arith.constant 0 : i32
    %dma_start3A_349 = arith.constant 2 : i32
    %dma_start3A_350 = arith.constant 1 : i32
    %dma_start3A_351 = arith.constant 0 : i32
    %dma_start3A_352 = arith.constant 0 : i32
    %dma_start3A_353 = tpu.memref_slice %arg7[%dma_start3A_350, %dma_start3A_351, %dma_start3A_352] : memref<3x80x128xf32, #tpu.memory_space<vmem>> -> memref<1x80x128xf32, #tpu.memory_space<vmem>>
    %dma_start3A_354 = tpu.memref_squeeze %dma_start3A_353 : memref<1x80x128xf32, #tpu.memory_space<vmem>> -> memref<80x128xf32, #tpu.memory_space<vmem>>
    %dma_start3A_355 = arith.constant 0 : i32
    %dma_start3A_356 = tpu.memref_slice %arg5[%dma_start3A_348, %dma_start3A_349, %dma_start3A_355] : memref<2x25x80xi32, #tpu.memory_space<vmem>> -> memref<1x1x80xi32, #tpu.memory_space<vmem>>
    %dma_start3A_357 = tpu.memref_squeeze %dma_start3A_356 : memref<1x1x80xi32, #tpu.memory_space<vmem>> -> memref<80xi32, #tpu.memory_space<vmem>>
    %dma_start3A_358 = arith.constant 0 : i32
    %dma_start3A_359 = arith.constant 0 : i32
    %dma_start3A_360 = tpu.memref_slice %arg2[%dma_start3A_358, %dma_start3A_359] : memref<10000x128xf32, #tpu.memory_space<hbm>> -> memref<10000x128xf32, #tpu.memory_space<hbm>>
    tpu.enqueue_indirect_dma source(%dma_start3A_360 : memref<10000x128xf32, #tpu.memory_space<hbm>>) target(%dma_start3A_354 : memref<80x128xf32, #tpu.memory_space<vmem>>) offsets(%dma_start3A_357 : memref<80xi32, #tpu.memory_space<vmem>>) semaphore(%arg9 : memref<!tpu.dma_semaphore, #tpu.memory_space<semaphore_mem>>)
    %run_scoped3A_361 = arith.constant 1 : i32
    %run_scoped3A_362 = arith.constant 2 : i32
    "tpu.region"() ({
      %run_scoped3A_772 = tpu.sem_alloc : memref<!tpu.dma_semaphore, #tpu.memory_space<semaphore_mem>>
      %dma_start3A_773 = arith.constant 0 : i32
      %dma_start3A_774 = arith.constant 0 : i32
      %dma_start3A_775 = tpu.memref_slice %arg3[%run_scoped3A_361, %add3A, %run_scoped3A_362, %dma_start3A_773, %dma_start3A_774] : memref<2x32x5x25x80xi32, #tpu.memory_space<hbm>> -> memref<1x1x1x25x80xi32, #tpu.memory_space<hbm>>
      %dma_start3A_776 = tpu.memref_squeeze %dma_start3A_775 : memref<1x1x1x25x80xi32, #tpu.memory_space<hbm>> -> memref<25x80xi32, #tpu.memory_space<hbm>>
      %dma_start3A_777 = arith.constant 0 : i32
      %dma_start3A_778 = arith.constant 0 : i32
      %dma_start3A_779 = tpu.memref_slice %arg3[%run_scoped3A_361, %add3A, %run_scoped3A_362, %dma_start3A_777, %dma_start3A_778] : memref<2x32x5x25x80xi32, #tpu.memory_space<hbm>> -> memref<1x1x1x25x80xi32, #tpu.memory_space<hbm>>
      %dma_start3A_780 = tpu.memref_squeeze %dma_start3A_779 : memref<1x1x1x25x80xi32, #tpu.memory_space<hbm>> -> memref<25x80xi32, #tpu.memory_space<hbm>>
      tpu.enqueue_dma source(%dma_start3A_780 : memref<25x80xi32, #tpu.memory_space<hbm>>) target(%arg6 : memref<25x80xi32, #tpu.memory_space<vmem>>) target_semaphore(%run_scoped3A_772 : memref<!tpu.dma_semaphore, #tpu.memory_space<semaphore_mem>>)
      %dma_wait3A_781 = arith.constant 0 : i32
      %dma_wait3A_782 = arith.constant 0 : i32
      %dma_wait3A_783 = tpu.memref_slice %arg3[%run_scoped3A_361, %add3A, %run_scoped3A_362, %dma_wait3A_781, %dma_wait3A_782] : memref<2x32x5x25x80xi32, #tpu.memory_space<hbm>> -> memref<1x1x1x25x80xi32, #tpu.memory_space<hbm>>
      %dma_wait3A_784 = tpu.memref_squeeze %dma_wait3A_783 : memref<1x1x1x25x80xi32, #tpu.memory_space<hbm>> -> memref<25x80xi32, #tpu.memory_space<hbm>>
      %dma_wait3A_785 = arith.constant 0 : i32
      %dma_wait3A_786 = arith.constant 0 : i32
      %dma_wait3A_787 = tpu.memref_slice %arg3[%run_scoped3A_361, %add3A, %run_scoped3A_362, %dma_wait3A_785, %dma_wait3A_786] : memref<2x32x5x25x80xi32, #tpu.memory_space<hbm>> -> memref<1x1x1x25x80xi32, #tpu.memory_space<hbm>>
      %dma_wait3A_788 = tpu.memref_squeeze %dma_wait3A_787 : memref<1x1x1x25x80xi32, #tpu.memory_space<hbm>> -> memref<25x80xi32, #tpu.memory_space<hbm>>
      tpu.wait_dma2 semaphore(%run_scoped3A_772 : memref<!tpu.dma_semaphore, #tpu.memory_space<semaphore_mem>>) src(%dma_wait3A_788 : memref<25x80xi32, #tpu.memory_space<hbm>>) dst(%arg6 : memref<25x80xi32, #tpu.memory_space<vmem>>)
      tpu.yield
    }) : () -> ()
    %dma_start3A_363 = arith.constant 0 : i32
    %dma_start3A_364 = arith.constant 3 : i32
    %dma_start3A_365 = arith.constant 1 : i32
    %dma_start3A_366 = arith.constant 0 : i32
    %dma_start3A_367 = arith.constant 0 : i32
    %dma_start3A_368 = tpu.memref_slice %arg5[%dma_start3A_365, %dma_start3A_366, %dma_start3A_367] : memref<2x25x80xi32, #tpu.memory_space<vmem>> -> memref<1x25x80xi32, #tpu.memory_space<vmem>>
    %dma_start3A_369 = tpu.memref_squeeze %dma_start3A_368 : memref<1x25x80xi32, #tpu.memory_space<vmem>> -> memref<25x80xi32, #tpu.memory_space<vmem>>
    %dma_start3A_370 = arith.constant 0 : i32
    %dma_start3A_371 = arith.constant 0 : i32
    %dma_start3A_372 = tpu.memref_slice %arg3[%dma_start3A_363, %add3A, %dma_start3A_364, %dma_start3A_370, %dma_start3A_371] : memref<2x32x5x25x80xi32, #tpu.memory_space<hbm>> -> memref<1x1x1x25x80xi32, #tpu.memory_space<hbm>>
    %dma_start3A_373 = tpu.memref_squeeze %dma_start3A_372 : memref<1x1x1x25x80xi32, #tpu.memory_space<hbm>> -> memref<25x80xi32, #tpu.memory_space<hbm>>
    %dma_start3A_374 = arith.constant 0 : i32
    %dma_start3A_375 = arith.constant 0 : i32
    %dma_start3A_376 = tpu.memref_slice %arg5[%dma_start3A_365, %dma_start3A_374, %dma_start3A_375] : memref<2x25x80xi32, #tpu.memory_space<vmem>> -> memref<1x25x80xi32, #tpu.memory_space<vmem>>
    %dma_start3A_377 = tpu.memref_squeeze %dma_start3A_376 : memref<1x25x80xi32, #tpu.memory_space<vmem>> -> memref<25x80xi32, #tpu.memory_space<vmem>>
    %dma_start3A_378 = arith.constant 0 : i32
    %dma_start3A_379 = arith.constant 0 : i32
    %dma_start3A_380 = tpu.memref_slice %arg3[%dma_start3A_363, %add3A, %dma_start3A_364, %dma_start3A_378, %dma_start3A_379] : memref<2x32x5x25x80xi32, #tpu.memory_space<hbm>> -> memref<1x1x1x25x80xi32, #tpu.memory_space<hbm>>
    %dma_start3A_381 = tpu.memref_squeeze %dma_start3A_380 : memref<1x1x1x25x80xi32, #tpu.memory_space<hbm>> -> memref<25x80xi32, #tpu.memory_space<hbm>>
    tpu.enqueue_dma source(%dma_start3A_381 : memref<25x80xi32, #tpu.memory_space<hbm>>) target(%dma_start3A_377 : memref<25x80xi32, #tpu.memory_space<vmem>>) target_semaphore(%arg11 : memref<!tpu.dma_semaphore, #tpu.memory_space<semaphore_mem>>)
    %scan3A_382 = arith.constant 0 : i32
    %scan3A_383 = arith.constant 0 : i32
    %scan3A_384 = arith.constant 7 : i32
    %scan3A_385 = arith.addi %scan3A_383, %scan3A_384 : i32
    %scan3A_386 = arith.constant 1 : i32
    scf.for %scan3A_772 = %scan3A_383 to %scan3A_385 step %scan3A_386  : i32 {
      %mul3A_773 = arith.constant 3 : i32
      %mul3A_774 = arith.muli %mul3A_773, %scan3A_772 : i32
      %add3A_775 = arith.constant 0 : i32
      %add3A_776 = arith.addi %mul3A_774, %add3A_775 : i32
      %dma_wait3A_777 = arith.constant 0 : i32
      %dma_wait3A_778 = arith.constant 2 : i32
      %dma_wait3A_779 = arith.constant 0 : i32
      %dma_wait3A_780 = arith.constant 0 : i32
      %dma_wait3A_781 = tpu.memref_slice %arg7[%dma_wait3A_778, %dma_wait3A_779, %dma_wait3A_780] : memref<3x80x128xf32, #tpu.memory_space<vmem>> -> memref<1x80x128xf32, #tpu.memory_space<vmem>>
      %dma_wait3A_782 = tpu.memref_squeeze %dma_wait3A_781 : memref<1x80x128xf32, #tpu.memory_space<vmem>> -> memref<80x128xf32, #tpu.memory_space<vmem>>
      %dma_wait3A_783 = arith.constant 0 : i32
      %dma_wait3A_784 = tpu.memref_slice %arg5[%dma_wait3A_777, %add3A_776, %dma_wait3A_783] : memref<2x25x80xi32, #tpu.memory_space<vmem>> -> memref<1x1x80xi32, #tpu.memory_space<vmem>>
      %dma_wait3A_785 = tpu.memref_squeeze %dma_wait3A_784 : memref<1x1x80xi32, #tpu.memory_space<vmem>> -> memref<80xi32, #tpu.memory_space<vmem>>
      %dma_wait3A_786 = arith.constant 0 : i32
      %dma_wait3A_787 = arith.constant 0 : i32
      %dma_wait3A_788 = tpu.memref_slice %arg2[%dma_wait3A_786, %dma_wait3A_787] : memref<10000x128xf32, #tpu.memory_space<hbm>> -> memref<10000x128xf32, #tpu.memory_space<hbm>>
      tpu.wait_indirect_dma semaphore(%arg10 : memref<!tpu.dma_semaphore, #tpu.memory_space<semaphore_mem>>) src(%dma_wait3A_788 : memref<10000x128xf32, #tpu.memory_space<hbm>>) dst(%dma_wait3A_782 : memref<80x128xf32, #tpu.memory_space<vmem>>)
      %add3A_789 = arith.constant 0 : i32
      %add3A_790 = arith.addi %mul3A_774, %add3A_789 : i32
      %run_scoped3A_791 = arith.constant 2 : i32
      "tpu.region"() ({
        %run_scoped3A_874 = tpu.sem_alloc : memref<!tpu.dma_semaphore, #tpu.memory_space<semaphore_mem>>
        %dma_start3A_875 = arith.constant 0 : i32
        %dma_start3A_876 = arith.constant 0 : i32
        %dma_start3A_877 = tpu.memref_slice %arg7[%run_scoped3A_791, %dma_start3A_875, %dma_start3A_876] : memref<3x80x128xf32, #tpu.memory_space<vmem>> -> memref<1x80x128xf32, #tpu.memory_space<vmem>>
        %dma_start3A_878 = tpu.memref_squeeze %dma_start3A_877 : memref<1x80x128xf32, #tpu.memory_space<vmem>> -> memref<80x128xf32, #tpu.memory_space<vmem>>
        %dma_start3A_879 = arith.constant 0 : i32
        %dma_start3A_880 = tpu.memref_slice %arg6[%add3A_790, %dma_start3A_879] : memref<25x80xi32, #tpu.memory_space<vmem>> -> memref<1x80xi32, #tpu.memory_space<vmem>>
        %dma_start3A_881 = tpu.memref_squeeze %dma_start3A_880 : memref<1x80xi32, #tpu.memory_space<vmem>> -> memref<80xi32, #tpu.memory_space<vmem>>
        %dma_start3A_882 = arith.constant 0 : i32
        %dma_start3A_883 = arith.constant 0 : i32
        %dma_start3A_884 = tpu.memref_slice %arg12[%dma_start3A_882, %dma_start3A_883] : memref<10000x128xf32, #tpu.memory_space<vmem_shared>> -> memref<10000x128xf32, #tpu.memory_space<vmem_shared>>
        tpu.enqueue_indirect_dma source(%dma_start3A_878 : memref<80x128xf32, #tpu.memory_space<vmem>>) target(%dma_start3A_884 : memref<10000x128xf32, #tpu.memory_space<vmem_shared>>) offsets(%dma_start3A_881 : memref<80xi32, #tpu.memory_space<vmem>>) semaphore(%run_scoped3A_874 : memref<!tpu.dma_semaphore, #tpu.memory_space<semaphore_mem>>) {add = true}
        %dma_wait3A_885 = arith.constant 0 : i32
        %dma_wait3A_886 = arith.constant 0 : i32
        %dma_wait3A_887 = tpu.memref_slice %arg7[%run_scoped3A_791, %dma_wait3A_885, %dma_wait3A_886] : memref<3x80x128xf32, #tpu.memory_space<vmem>> -> memref<1x80x128xf32, #tpu.memory_space<vmem>>
        %dma_wait3A_888 = tpu.memref_squeeze %dma_wait3A_887 : memref<1x80x128xf32, #tpu.memory_space<vmem>> -> memref<80x128xf32, #tpu.memory_space<vmem>>
        %dma_wait3A_889 = arith.constant 0 : i32
        %dma_wait3A_890 = tpu.memref_slice %arg6[%add3A_790, %dma_wait3A_889] : memref<25x80xi32, #tpu.memory_space<vmem>> -> memref<1x80xi32, #tpu.memory_space<vmem>>
        %dma_wait3A_891 = tpu.memref_squeeze %dma_wait3A_890 : memref<1x80xi32, #tpu.memory_space<vmem>> -> memref<80xi32, #tpu.memory_space<vmem>>
        %dma_wait3A_892 = arith.constant 0 : i32
        %dma_wait3A_893 = arith.constant 0 : i32
        %dma_wait3A_894 = tpu.memref_slice %arg12[%dma_wait3A_892, %dma_wait3A_893] : memref<10000x128xf32, #tpu.memory_space<vmem_shared>> -> memref<10000x128xf32, #tpu.memory_space<vmem_shared>>
        tpu.wait_indirect_dma semaphore(%run_scoped3A_874 : memref<!tpu.dma_semaphore, #tpu.memory_space<semaphore_mem>>) src(%dma_wait3A_888 : memref<80x128xf32, #tpu.memory_space<vmem>>) dst(%dma_wait3A_894 : memref<10000x128xf32, #tpu.memory_space<vmem_shared>>)
        tpu.yield
      }) : () -> ()
      %add3A_792 = arith.constant 3 : i32
      %add3A_793 = arith.addi %mul3A_774, %add3A_792 : i32
      %add3A_794 = arith.constant 0 : i32
      %add3A_795 = arith.addi %add3A_793, %add3A_794 : i32
      %dma_start3A_796 = arith.constant 0 : i32
      %dma_start3A_797 = arith.constant 2 : i32
      %dma_start3A_798 = arith.constant 0 : i32
      %dma_start3A_799 = arith.constant 0 : i32
      %dma_start3A_800 = tpu.memref_slice %arg7[%dma_start3A_797, %dma_start3A_798, %dma_start3A_799] : memref<3x80x128xf32, #tpu.memory_space<vmem>> -> memref<1x80x128xf32, #tpu.memory_space<vmem>>
      %dma_start3A_801 = tpu.memref_squeeze %dma_start3A_800 : memref<1x80x128xf32, #tpu.memory_space<vmem>> -> memref<80x128xf32, #tpu.memory_space<vmem>>
      %dma_start3A_802 = arith.constant 0 : i32
      %dma_start3A_803 = tpu.memref_slice %arg5[%dma_start3A_796, %add3A_795, %dma_start3A_802] : memref<2x25x80xi32, #tpu.memory_space<vmem>> -> memref<1x1x80xi32, #tpu.memory_space<vmem>>
      %dma_start3A_804 = tpu.memref_squeeze %dma_start3A_803 : memref<1x1x80xi32, #tpu.memory_space<vmem>> -> memref<80xi32, #tpu.memory_space<vmem>>
      %dma_start3A_805 = arith.constant 0 : i32
      %dma_start3A_806 = arith.constant 0 : i32
      %dma_start3A_807 = tpu.memref_slice %arg2[%dma_start3A_805, %dma_start3A_806] : memref<10000x128xf32, #tpu.memory_space<hbm>> -> memref<10000x128xf32, #tpu.memory_space<hbm>>
      tpu.enqueue_indirect_dma source(%dma_start3A_807 : memref<10000x128xf32, #tpu.memory_space<hbm>>) target(%dma_start3A_801 : memref<80x128xf32, #tpu.memory_space<vmem>>) offsets(%dma_start3A_804 : memref<80xi32, #tpu.memory_space<vmem>>) semaphore(%arg10 : memref<!tpu.dma_semaphore, #tpu.memory_space<semaphore_mem>>)
      %add3A_808 = arith.constant 1 : i32
      %add3A_809 = arith.addi %mul3A_774, %add3A_808 : i32
      %dma_wait3A_810 = arith.constant 0 : i32
      %dma_wait3A_811 = arith.constant 0 : i32
      %dma_wait3A_812 = arith.constant 0 : i32
      %dma_wait3A_813 = arith.constant 0 : i32
      %dma_wait3A_814 = tpu.memref_slice %arg7[%dma_wait3A_811, %dma_wait3A_812, %dma_wait3A_813] : memref<3x80x128xf32, #tpu.memory_space<vmem>> -> memref<1x80x128xf32, #tpu.memory_space<vmem>>
      %dma_wait3A_815 = tpu.memref_squeeze %dma_wait3A_814 : memref<1x80x128xf32, #tpu.memory_space<vmem>> -> memref<80x128xf32, #tpu.memory_space<vmem>>
      %dma_wait3A_816 = arith.constant 0 : i32
      %dma_wait3A_817 = tpu.memref_slice %arg5[%dma_wait3A_810, %add3A_809, %dma_wait3A_816] : memref<2x25x80xi32, #tpu.memory_space<vmem>> -> memref<1x1x80xi32, #tpu.memory_space<vmem>>
      %dma_wait3A_818 = tpu.memref_squeeze %dma_wait3A_817 : memref<1x1x80xi32, #tpu.memory_space<vmem>> -> memref<80xi32, #tpu.memory_space<vmem>>
      %dma_wait3A_819 = arith.constant 0 : i32
      %dma_wait3A_820 = arith.constant 0 : i32
      %dma_wait3A_821 = tpu.memref_slice %arg2[%dma_wait3A_819, %dma_wait3A_820] : memref<10000x128xf32, #tpu.memory_space<hbm>> -> memref<10000x128xf32, #tpu.memory_space<hbm>>
      tpu.wait_indirect_dma semaphore(%arg8 : memref<!tpu.dma_semaphore, #tpu.memory_space<semaphore_mem>>) src(%dma_wait3A_821 : memref<10000x128xf32, #tpu.memory_space<hbm>>) dst(%dma_wait3A_815 : memref<80x128xf32, #tpu.memory_space<vmem>>)
      %add3A_822 = arith.constant 1 : i32
      %add3A_823 = arith.addi %mul3A_774, %add3A_822 : i32
      %run_scoped3A_824 = arith.constant 0 : i32
      "tpu.region"() ({
        %run_scoped3A_874 = tpu.sem_alloc : memref<!tpu.dma_semaphore, #tpu.memory_space<semaphore_mem>>
        %dma_start3A_875 = arith.constant 0 : i32
        %dma_start3A_876 = arith.constant 0 : i32
        %dma_start3A_877 = tpu.memref_slice %arg7[%run_scoped3A_824, %dma_start3A_875, %dma_start3A_876] : memref<3x80x128xf32, #tpu.memory_space<vmem>> -> memref<1x80x128xf32, #tpu.memory_space<vmem>>
        %dma_start3A_878 = tpu.memref_squeeze %dma_start3A_877 : memref<1x80x128xf32, #tpu.memory_space<vmem>> -> memref<80x128xf32, #tpu.memory_space<vmem>>
        %dma_start3A_879 = arith.constant 0 : i32
        %dma_start3A_880 = tpu.memref_slice %arg6[%add3A_823, %dma_start3A_879] : memref<25x80xi32, #tpu.memory_space<vmem>> -> memref<1x80xi32, #tpu.memory_space<vmem>>
        %dma_start3A_881 = tpu.memref_squeeze %dma_start3A_880 : memref<1x80xi32, #tpu.memory_space<vmem>> -> memref<80xi32, #tpu.memory_space<vmem>>
        %dma_start3A_882 = arith.constant 0 : i32
        %dma_start3A_883 = arith.constant 0 : i32
        %dma_start3A_884 = tpu.memref_slice %arg12[%dma_start3A_882, %dma_start3A_883] : memref<10000x128xf32, #tpu.memory_space<vmem_shared>> -> memref<10000x128xf32, #tpu.memory_space<vmem_shared>>
        tpu.enqueue_indirect_dma source(%dma_start3A_878 : memref<80x128xf32, #tpu.memory_space<vmem>>) target(%dma_start3A_884 : memref<10000x128xf32, #tpu.memory_space<vmem_shared>>) offsets(%dma_start3A_881 : memref<80xi32, #tpu.memory_space<vmem>>) semaphore(%run_scoped3A_874 : memref<!tpu.dma_semaphore, #tpu.memory_space<semaphore_mem>>) {add = true}
        %dma_wait3A_885 = arith.constant 0 : i32
        %dma_wait3A_886 = arith.constant 0 : i32
        %dma_wait3A_887 = tpu.memref_slice %arg7[%run_scoped3A_824, %dma_wait3A_885, %dma_wait3A_886] : memref<3x80x128xf32, #tpu.memory_space<vmem>> -> memref<1x80x128xf32, #tpu.memory_space<vmem>>
        %dma_wait3A_888 = tpu.memref_squeeze %dma_wait3A_887 : memref<1x80x128xf32, #tpu.memory_space<vmem>> -> memref<80x128xf32, #tpu.memory_space<vmem>>
        %dma_wait3A_889 = arith.constant 0 : i32
        %dma_wait3A_890 = tpu.memref_slice %arg6[%add3A_823, %dma_wait3A_889] : memref<25x80xi32, #tpu.memory_space<vmem>> -> memref<1x80xi32, #tpu.memory_space<vmem>>
        %dma_wait3A_891 = tpu.memref_squeeze %dma_wait3A_890 : memref<1x80xi32, #tpu.memory_space<vmem>> -> memref<80xi32, #tpu.memory_space<vmem>>
        %dma_wait3A_892 = arith.constant 0 : i32
        %dma_wait3A_893 = arith.constant 0 : i32
        %dma_wait3A_894 = tpu.memref_slice %arg12[%dma_wait3A_892, %dma_wait3A_893] : memref<10000x128xf32, #tpu.memory_space<vmem_shared>> -> memref<10000x128xf32, #tpu.memory_space<vmem_shared>>
        tpu.wait_indirect_dma semaphore(%run_scoped3A_874 : memref<!tpu.dma_semaphore, #tpu.memory_space<semaphore_mem>>) src(%dma_wait3A_888 : memref<80x128xf32, #tpu.memory_space<vmem>>) dst(%dma_wait3A_894 : memref<10000x128xf32, #tpu.memory_space<vmem_shared>>)
        tpu.yield
      }) : () -> ()
      %add3A_825 = arith.constant 3 : i32
      %add3A_826 = arith.addi %mul3A_774, %add3A_825 : i32
      %add3A_827 = arith.constant 1 : i32
      %add3A_828 = arith.addi %add3A_826, %add3A_827 : i32
      %dma_start3A_829 = arith.constant 0 : i32
      %dma_start3A_830 = arith.constant 0 : i32
      %dma_start3A_831 = arith.constant 0 : i32
      %dma_start3A_832 = arith.constant 0 : i32
      %dma_start3A_833 = tpu.memref_slice %arg7[%dma_start3A_830, %dma_start3A_831, %dma_start3A_832] : memref<3x80x128xf32, #tpu.memory_space<vmem>> -> memref<1x80x128xf32, #tpu.memory_space<vmem>>
      %dma_start3A_834 = tpu.memref_squeeze %dma_start3A_833 : memref<1x80x128xf32, #tpu.memory_space<vmem>> -> memref<80x128xf32, #tpu.memory_space<vmem>>
      %dma_start3A_835 = arith.constant 0 : i32
      %dma_start3A_836 = tpu.memref_slice %arg5[%dma_start3A_829, %add3A_828, %dma_start3A_835] : memref<2x25x80xi32, #tpu.memory_space<vmem>> -> memref<1x1x80xi32, #tpu.memory_space<vmem>>
      %dma_start3A_837 = tpu.memref_squeeze %dma_start3A_836 : memref<1x1x80xi32, #tpu.memory_space<vmem>> -> memref<80xi32, #tpu.memory_space<vmem>>
      %dma_start3A_838 = arith.constant 0 : i32
      %dma_start3A_839 = arith.constant 0 : i32
      %dma_start3A_840 = tpu.memref_slice %arg2[%dma_start3A_838, %dma_start3A_839] : memref<10000x128xf32, #tpu.memory_space<hbm>> -> memref<10000x128xf32, #tpu.memory_space<hbm>>
      tpu.enqueue_indirect_dma source(%dma_start3A_840 : memref<10000x128xf32, #tpu.memory_space<hbm>>) target(%dma_start3A_834 : memref<80x128xf32, #tpu.memory_space<vmem>>) offsets(%dma_start3A_837 : memref<80xi32, #tpu.memory_space<vmem>>) semaphore(%arg8 : memref<!tpu.dma_semaphore, #tpu.memory_space<semaphore_mem>>)
      %add3A_841 = arith.constant 2 : i32
      %add3A_842 = arith.addi %mul3A_774, %add3A_841 : i32
      %dma_wait3A_843 = arith.constant 0 : i32
      %dma_wait3A_844 = arith.constant 1 : i32
      %dma_wait3A_845 = arith.constant 0 : i32
      %dma_wait3A_846 = arith.constant 0 : i32
      %dma_wait3A_847 = tpu.memref_slice %arg7[%dma_wait3A_844, %dma_wait3A_845, %dma_wait3A_846] : memref<3x80x128xf32, #tpu.memory_space<vmem>> -> memref<1x80x128xf32, #tpu.memory_space<vmem>>
      %dma_wait3A_848 = tpu.memref_squeeze %dma_wait3A_847 : memref<1x80x128xf32, #tpu.memory_space<vmem>> -> memref<80x128xf32, #tpu.memory_space<vmem>>
      %dma_wait3A_849 = arith.constant 0 : i32
      %dma_wait3A_850 = tpu.memref_slice %arg5[%dma_wait3A_843, %add3A_842, %dma_wait3A_849] : memref<2x25x80xi32, #tpu.memory_space<vmem>> -> memref<1x1x80xi32, #tpu.memory_space<vmem>>
      %dma_wait3A_851 = tpu.memref_squeeze %dma_wait3A_850 : memref<1x1x80xi32, #tpu.memory_space<vmem>> -> memref<80xi32, #tpu.memory_space<vmem>>
      %dma_wait3A_852 = arith.constant 0 : i32
      %dma_wait3A_853 = arith.constant 0 : i32
      %dma_wait3A_854 = tpu.memref_slice %arg2[%dma_wait3A_852, %dma_wait3A_853] : memref<10000x128xf32, #tpu.memory_space<hbm>> -> memref<10000x128xf32, #tpu.memory_space<hbm>>
      tpu.wait_indirect_dma semaphore(%arg9 : memref<!tpu.dma_semaphore, #tpu.memory_space<semaphore_mem>>) src(%dma_wait3A_854 : memref<10000x128xf32, #tpu.memory_space<hbm>>) dst(%dma_wait3A_848 : memref<80x128xf32, #tpu.memory_space<vmem>>)
      %add3A_855 = arith.constant 2 : i32
      %add3A_856 = arith.addi %mul3A_774, %add3A_855 : i32
      %run_scoped3A_857 = arith.constant 1 : i32
      "tpu.region"() ({
        %run_scoped3A_874 = tpu.sem_alloc : memref<!tpu.dma_semaphore, #tpu.memory_space<semaphore_mem>>
        %dma_start3A_875 = arith.constant 0 : i32
        %dma_start3A_876 = arith.constant 0 : i32
        %dma_start3A_877 = tpu.memref_slice %arg7[%run_scoped3A_857, %dma_start3A_875, %dma_start3A_876] : memref<3x80x128xf32, #tpu.memory_space<vmem>> -> memref<1x80x128xf32, #tpu.memory_space<vmem>>
        %dma_start3A_878 = tpu.memref_squeeze %dma_start3A_877 : memref<1x80x128xf32, #tpu.memory_space<vmem>> -> memref<80x128xf32, #tpu.memory_space<vmem>>
        %dma_start3A_879 = arith.constant 0 : i32
        %dma_start3A_880 = tpu.memref_slice %arg6[%add3A_856, %dma_start3A_879] : memref<25x80xi32, #tpu.memory_space<vmem>> -> memref<1x80xi32, #tpu.memory_space<vmem>>
        %dma_start3A_881 = tpu.memref_squeeze %dma_start3A_880 : memref<1x80xi32, #tpu.memory_space<vmem>> -> memref<80xi32, #tpu.memory_space<vmem>>
        %dma_start3A_882 = arith.constant 0 : i32
        %dma_start3A_883 = arith.constant 0 : i32
        %dma_start3A_884 = tpu.memref_slice %arg12[%dma_start3A_882, %dma_start3A_883] : memref<10000x128xf32, #tpu.memory_space<vmem_shared>> -> memref<10000x128xf32, #tpu.memory_space<vmem_shared>>
        tpu.enqueue_indirect_dma source(%dma_start3A_878 : memref<80x128xf32, #tpu.memory_space<vmem>>) target(%dma_start3A_884 : memref<10000x128xf32, #tpu.memory_space<vmem_shared>>) offsets(%dma_start3A_881 : memref<80xi32, #tpu.memory_space<vmem>>) semaphore(%run_scoped3A_874 : memref<!tpu.dma_semaphore, #tpu.memory_space<semaphore_mem>>) {add = true}
        %dma_wait3A_885 = arith.constant 0 : i32
        %dma_wait3A_886 = arith.constant 0 : i32
        %dma_wait3A_887 = tpu.memref_slice %arg7[%run_scoped3A_857, %dma_wait3A_885, %dma_wait3A_886] : memref<3x80x128xf32, #tpu.memory_space<vmem>> -> memref<1x80x128xf32, #tpu.memory_space<vmem>>
        %dma_wait3A_888 = tpu.memref_squeeze %dma_wait3A_887 : memref<1x80x128xf32, #tpu.memory_space<vmem>> -> memref<80x128xf32, #tpu.memory_space<vmem>>
        %dma_wait3A_889 = arith.constant 0 : i32
        %dma_wait3A_890 = tpu.memref_slice %arg6[%add3A_856, %dma_wait3A_889] : memref<25x80xi32, #tpu.memory_space<vmem>> -> memref<1x80xi32, #tpu.memory_space<vmem>>
        %dma_wait3A_891 = tpu.memref_squeeze %dma_wait3A_890 : memref<1x80xi32, #tpu.memory_space<vmem>> -> memref<80xi32, #tpu.memory_space<vmem>>
        %dma_wait3A_892 = arith.constant 0 : i32
        %dma_wait3A_893 = arith.constant 0 : i32
        %dma_wait3A_894 = tpu.memref_slice %arg12[%dma_wait3A_892, %dma_wait3A_893] : memref<10000x128xf32, #tpu.memory_space<vmem_shared>> -> memref<10000x128xf32, #tpu.memory_space<vmem_shared>>
        tpu.wait_indirect_dma semaphore(%run_scoped3A_874 : memref<!tpu.dma_semaphore, #tpu.memory_space<semaphore_mem>>) src(%dma_wait3A_888 : memref<80x128xf32, #tpu.memory_space<vmem>>) dst(%dma_wait3A_894 : memref<10000x128xf32, #tpu.memory_space<vmem_shared>>)
        tpu.yield
      }) : () -> ()
      %add3A_858 = arith.constant 3 : i32
      %add3A_859 = arith.addi %mul3A_774, %add3A_858 : i32
      %add3A_860 = arith.constant 2 : i32
      %add3A_861 = arith.addi %add3A_859, %add3A_860 : i32
      %dma_start3A_862 = arith.constant 0 : i32
      %dma_start3A_863 = arith.constant 1 : i32
      %dma_start3A_864 = arith.constant 0 : i32
      %dma_start3A_865 = arith.constant 0 : i32
      %dma_start3A_866 = tpu.memref_slice %arg7[%dma_start3A_863, %dma_start3A_864, %dma_start3A_865] : memref<3x80x128xf32, #tpu.memory_space<vmem>> -> memref<1x80x128xf32, #tpu.memory_space<vmem>>
      %dma_start3A_867 = tpu.memref_squeeze %dma_start3A_866 : memref<1x80x128xf32, #tpu.memory_space<vmem>> -> memref<80x128xf32, #tpu.memory_space<vmem>>
      %dma_start3A_868 = arith.constant 0 : i32
      %dma_start3A_869 = tpu.memref_slice %arg5[%dma_start3A_862, %add3A_861, %dma_start3A_868] : memref<2x25x80xi32, #tpu.memory_space<vmem>> -> memref<1x1x80xi32, #tpu.memory_space<vmem>>
      %dma_start3A_870 = tpu.memref_squeeze %dma_start3A_869 : memref<1x1x80xi32, #tpu.memory_space<vmem>> -> memref<80xi32, #tpu.memory_space<vmem>>
      %dma_start3A_871 = arith.constant 0 : i32
      %dma_start3A_872 = arith.constant 0 : i32
      %dma_start3A_873 = tpu.memref_slice %arg2[%dma_start3A_871, %dma_start3A_872] : memref<10000x128xf32, #tpu.memory_space<hbm>> -> memref<10000x128xf32, #tpu.memory_space<hbm>>
      tpu.enqueue_indirect_dma source(%dma_start3A_873 : memref<10000x128xf32, #tpu.memory_space<hbm>>) target(%dma_start3A_867 : memref<80x128xf32, #tpu.memory_space<vmem>>) offsets(%dma_start3A_870 : memref<80xi32, #tpu.memory_space<vmem>>) semaphore(%arg9 : memref<!tpu.dma_semaphore, #tpu.memory_space<semaphore_mem>>)
    }
    %scan3A_387 = arith.constant 7 : i32
    %dma_wait3A_388 = arith.constant 0 : i32
    %dma_wait3A_389 = arith.constant 21 : i32
    %dma_wait3A_390 = arith.constant 2 : i32
    %dma_wait3A_391 = arith.constant 0 : i32
    %dma_wait3A_392 = arith.constant 0 : i32
    %dma_wait3A_393 = tpu.memref_slice %arg7[%dma_wait3A_390, %dma_wait3A_391, %dma_wait3A_392] : memref<3x80x128xf32, #tpu.memory_space<vmem>> -> memref<1x80x128xf32, #tpu.memory_space<vmem>>
    %dma_wait3A_394 = tpu.memref_squeeze %dma_wait3A_393 : memref<1x80x128xf32, #tpu.memory_space<vmem>> -> memref<80x128xf32, #tpu.memory_space<vmem>>
    %dma_wait3A_395 = arith.constant 0 : i32
    %dma_wait3A_396 = tpu.memref_slice %arg5[%dma_wait3A_388, %dma_wait3A_389, %dma_wait3A_395] : memref<2x25x80xi32, #tpu.memory_space<vmem>> -> memref<1x1x80xi32, #tpu.memory_space<vmem>>
    %dma_wait3A_397 = tpu.memref_squeeze %dma_wait3A_396 : memref<1x1x80xi32, #tpu.memory_space<vmem>> -> memref<80xi32, #tpu.memory_space<vmem>>
    %dma_wait3A_398 = arith.constant 0 : i32
    %dma_wait3A_399 = arith.constant 0 : i32
    %dma_wait3A_400 = tpu.memref_slice %arg2[%dma_wait3A_398, %dma_wait3A_399] : memref<10000x128xf32, #tpu.memory_space<hbm>> -> memref<10000x128xf32, #tpu.memory_space<hbm>>
    tpu.wait_indirect_dma semaphore(%arg10 : memref<!tpu.dma_semaphore, #tpu.memory_space<semaphore_mem>>) src(%dma_wait3A_400 : memref<10000x128xf32, #tpu.memory_space<hbm>>) dst(%dma_wait3A_394 : memref<80x128xf32, #tpu.memory_space<vmem>>)
    %run_scoped3A_401 = arith.constant 2 : i32
    %run_scoped3A_402 = arith.constant 21 : i32
    "tpu.region"() ({
      %run_scoped3A_772 = tpu.sem_alloc : memref<!tpu.dma_semaphore, #tpu.memory_space<semaphore_mem>>
      %dma_start3A_773 = arith.constant 0 : i32
      %dma_start3A_774 = arith.constant 0 : i32
      %dma_start3A_775 = tpu.memref_slice %arg7[%run_scoped3A_401, %dma_start3A_773, %dma_start3A_774] : memref<3x80x128xf32, #tpu.memory_space<vmem>> -> memref<1x80x128xf32, #tpu.memory_space<vmem>>
      %dma_start3A_776 = tpu.memref_squeeze %dma_start3A_775 : memref<1x80x128xf32, #tpu.memory_space<vmem>> -> memref<80x128xf32, #tpu.memory_space<vmem>>
      %dma_start3A_777 = arith.constant 0 : i32
      %dma_start3A_778 = tpu.memref_slice %arg6[%run_scoped3A_402, %dma_start3A_777] : memref<25x80xi32, #tpu.memory_space<vmem>> -> memref<1x80xi32, #tpu.memory_space<vmem>>
      %dma_start3A_779 = tpu.memref_squeeze %dma_start3A_778 : memref<1x80xi32, #tpu.memory_space<vmem>> -> memref<80xi32, #tpu.memory_space<vmem>>
      %dma_start3A_780 = arith.constant 0 : i32
      %dma_start3A_781 = arith.constant 0 : i32
      %dma_start3A_782 = tpu.memref_slice %arg12[%dma_start3A_780, %dma_start3A_781] : memref<10000x128xf32, #tpu.memory_space<vmem_shared>> -> memref<10000x128xf32, #tpu.memory_space<vmem_shared>>
      tpu.enqueue_indirect_dma source(%dma_start3A_776 : memref<80x128xf32, #tpu.memory_space<vmem>>) target(%dma_start3A_782 : memref<10000x128xf32, #tpu.memory_space<vmem_shared>>) offsets(%dma_start3A_779 : memref<80xi32, #tpu.memory_space<vmem>>) semaphore(%run_scoped3A_772 : memref<!tpu.dma_semaphore, #tpu.memory_space<semaphore_mem>>) {add = true}
      %dma_wait3A_783 = arith.constant 0 : i32
      %dma_wait3A_784 = arith.constant 0 : i32
      %dma_wait3A_785 = tpu.memref_slice %arg7[%run_scoped3A_401, %dma_wait3A_783, %dma_wait3A_784] : memref<3x80x128xf32, #tpu.memory_space<vmem>> -> memref<1x80x128xf32, #tpu.memory_space<vmem>>
      %dma_wait3A_786 = tpu.memref_squeeze %dma_wait3A_785 : memref<1x80x128xf32, #tpu.memory_space<vmem>> -> memref<80x128xf32, #tpu.memory_space<vmem>>
      %dma_wait3A_787 = arith.constant 0 : i32
      %dma_wait3A_788 = tpu.memref_slice %arg6[%run_scoped3A_402, %dma_wait3A_787] : memref<25x80xi32, #tpu.memory_space<vmem>> -> memref<1x80xi32, #tpu.memory_space<vmem>>
      %dma_wait3A_789 = tpu.memref_squeeze %dma_wait3A_788 : memref<1x80xi32, #tpu.memory_space<vmem>> -> memref<80xi32, #tpu.memory_space<vmem>>
      %dma_wait3A_790 = arith.constant 0 : i32
      %dma_wait3A_791 = arith.constant 0 : i32
      %dma_wait3A_792 = tpu.memref_slice %arg12[%dma_wait3A_790, %dma_wait3A_791] : memref<10000x128xf32, #tpu.memory_space<vmem_shared>> -> memref<10000x128xf32, #tpu.memory_space<vmem_shared>>
      tpu.wait_indirect_dma semaphore(%run_scoped3A_772 : memref<!tpu.dma_semaphore, #tpu.memory_space<semaphore_mem>>) src(%dma_wait3A_786 : memref<80x128xf32, #tpu.memory_space<vmem>>) dst(%dma_wait3A_792 : memref<10000x128xf32, #tpu.memory_space<vmem_shared>>)
      tpu.yield
    }) : () -> ()
    %dma_start3A_403 = arith.constant 0 : i32
    %dma_start3A_404 = arith.constant 24 : i32
    %dma_start3A_405 = arith.constant 2 : i32
    %dma_start3A_406 = arith.constant 0 : i32
    %dma_start3A_407 = arith.constant 0 : i32
    %dma_start3A_408 = tpu.memref_slice %arg7[%dma_start3A_405, %dma_start3A_406, %dma_start3A_407] : memref<3x80x128xf32, #tpu.memory_space<vmem>> -> memref<1x80x128xf32, #tpu.memory_space<vmem>>
    %dma_start3A_409 = tpu.memref_squeeze %dma_start3A_408 : memref<1x80x128xf32, #tpu.memory_space<vmem>> -> memref<80x128xf32, #tpu.memory_space<vmem>>
    %dma_start3A_410 = arith.constant 0 : i32
    %dma_start3A_411 = tpu.memref_slice %arg5[%dma_start3A_403, %dma_start3A_404, %dma_start3A_410] : memref<2x25x80xi32, #tpu.memory_space<vmem>> -> memref<1x1x80xi32, #tpu.memory_space<vmem>>
    %dma_start3A_412 = tpu.memref_squeeze %dma_start3A_411 : memref<1x1x80xi32, #tpu.memory_space<vmem>> -> memref<80xi32, #tpu.memory_space<vmem>>
    %dma_start3A_413 = arith.constant 0 : i32
    %dma_start3A_414 = arith.constant 0 : i32
    %dma_start3A_415 = tpu.memref_slice %arg2[%dma_start3A_413, %dma_start3A_414] : memref<10000x128xf32, #tpu.memory_space<hbm>> -> memref<10000x128xf32, #tpu.memory_space<hbm>>
    tpu.enqueue_indirect_dma source(%dma_start3A_415 : memref<10000x128xf32, #tpu.memory_space<hbm>>) target(%dma_start3A_409 : memref<80x128xf32, #tpu.memory_space<vmem>>) offsets(%dma_start3A_412 : memref<80xi32, #tpu.memory_space<vmem>>) semaphore(%arg10 : memref<!tpu.dma_semaphore, #tpu.memory_space<semaphore_mem>>)
    %dma_wait3A_416 = arith.constant 0 : i32
    %dma_wait3A_417 = arith.constant 3 : i32
    %dma_wait3A_418 = arith.constant 1 : i32
    %dma_wait3A_419 = arith.constant 0 : i32
    %dma_wait3A_420 = arith.constant 0 : i32
    %dma_wait3A_421 = tpu.memref_slice %arg5[%dma_wait3A_418, %dma_wait3A_419, %dma_wait3A_420] : memref<2x25x80xi32, #tpu.memory_space<vmem>> -> memref<1x25x80xi32, #tpu.memory_space<vmem>>
    %dma_wait3A_422 = tpu.memref_squeeze %dma_wait3A_421 : memref<1x25x80xi32, #tpu.memory_space<vmem>> -> memref<25x80xi32, #tpu.memory_space<vmem>>
    %dma_wait3A_423 = arith.constant 0 : i32
    %dma_wait3A_424 = arith.constant 0 : i32
    %dma_wait3A_425 = tpu.memref_slice %arg3[%dma_wait3A_416, %add3A, %dma_wait3A_417, %dma_wait3A_423, %dma_wait3A_424] : memref<2x32x5x25x80xi32, #tpu.memory_space<hbm>> -> memref<1x1x1x25x80xi32, #tpu.memory_space<hbm>>
    %dma_wait3A_426 = tpu.memref_squeeze %dma_wait3A_425 : memref<1x1x1x25x80xi32, #tpu.memory_space<hbm>> -> memref<25x80xi32, #tpu.memory_space<hbm>>
    %dma_wait3A_427 = arith.constant 0 : i32
    %dma_wait3A_428 = arith.constant 0 : i32
    %dma_wait3A_429 = tpu.memref_slice %arg5[%dma_wait3A_418, %dma_wait3A_427, %dma_wait3A_428] : memref<2x25x80xi32, #tpu.memory_space<vmem>> -> memref<1x25x80xi32, #tpu.memory_space<vmem>>
    %dma_wait3A_430 = tpu.memref_squeeze %dma_wait3A_429 : memref<1x25x80xi32, #tpu.memory_space<vmem>> -> memref<25x80xi32, #tpu.memory_space<vmem>>
    %dma_wait3A_431 = arith.constant 0 : i32
    %dma_wait3A_432 = arith.constant 0 : i32
    %dma_wait3A_433 = tpu.memref_slice %arg3[%dma_wait3A_416, %add3A, %dma_wait3A_417, %dma_wait3A_431, %dma_wait3A_432] : memref<2x32x5x25x80xi32, #tpu.memory_space<hbm>> -> memref<1x1x1x25x80xi32, #tpu.memory_space<hbm>>
    %dma_wait3A_434 = tpu.memref_squeeze %dma_wait3A_433 : memref<1x1x1x25x80xi32, #tpu.memory_space<hbm>> -> memref<25x80xi32, #tpu.memory_space<hbm>>
    tpu.wait_dma2 semaphore(%arg11 : memref<!tpu.dma_semaphore, #tpu.memory_space<semaphore_mem>>) src(%dma_wait3A_434 : memref<25x80xi32, #tpu.memory_space<hbm>>) dst(%dma_wait3A_430 : memref<25x80xi32, #tpu.memory_space<vmem>>)
    %dma_wait3A_435 = arith.constant 0 : i32
    %dma_wait3A_436 = arith.constant 22 : i32
    %dma_wait3A_437 = arith.constant 0 : i32
    %dma_wait3A_438 = arith.constant 0 : i32
    %dma_wait3A_439 = arith.constant 0 : i32
    %dma_wait3A_440 = tpu.memref_slice %arg7[%dma_wait3A_437, %dma_wait3A_438, %dma_wait3A_439] : memref<3x80x128xf32, #tpu.memory_space<vmem>> -> memref<1x80x128xf32, #tpu.memory_space<vmem>>
    %dma_wait3A_441 = tpu.memref_squeeze %dma_wait3A_440 : memref<1x80x128xf32, #tpu.memory_space<vmem>> -> memref<80x128xf32, #tpu.memory_space<vmem>>
    %dma_wait3A_442 = arith.constant 0 : i32
    %dma_wait3A_443 = tpu.memref_slice %arg5[%dma_wait3A_435, %dma_wait3A_436, %dma_wait3A_442] : memref<2x25x80xi32, #tpu.memory_space<vmem>> -> memref<1x1x80xi32, #tpu.memory_space<vmem>>
    %dma_wait3A_444 = tpu.memref_squeeze %dma_wait3A_443 : memref<1x1x80xi32, #tpu.memory_space<vmem>> -> memref<80xi32, #tpu.memory_space<vmem>>
    %dma_wait3A_445 = arith.constant 0 : i32
    %dma_wait3A_446 = arith.constant 0 : i32
    %dma_wait3A_447 = tpu.memref_slice %arg2[%dma_wait3A_445, %dma_wait3A_446] : memref<10000x128xf32, #tpu.memory_space<hbm>> -> memref<10000x128xf32, #tpu.memory_space<hbm>>
    tpu.wait_indirect_dma semaphore(%arg8 : memref<!tpu.dma_semaphore, #tpu.memory_space<semaphore_mem>>) src(%dma_wait3A_447 : memref<10000x128xf32, #tpu.memory_space<hbm>>) dst(%dma_wait3A_441 : memref<80x128xf32, #tpu.memory_space<vmem>>)
    %run_scoped3A_448 = arith.constant 0 : i32
    %run_scoped3A_449 = arith.constant 22 : i32
    "tpu.region"() ({
      %run_scoped3A_772 = tpu.sem_alloc : memref<!tpu.dma_semaphore, #tpu.memory_space<semaphore_mem>>
      %dma_start3A_773 = arith.constant 0 : i32
      %dma_start3A_774 = arith.constant 0 : i32
      %dma_start3A_775 = tpu.memref_slice %arg7[%run_scoped3A_448, %dma_start3A_773, %dma_start3A_774] : memref<3x80x128xf32, #tpu.memory_space<vmem>> -> memref<1x80x128xf32, #tpu.memory_space<vmem>>
      %dma_start3A_776 = tpu.memref_squeeze %dma_start3A_775 : memref<1x80x128xf32, #tpu.memory_space<vmem>> -> memref<80x128xf32, #tpu.memory_space<vmem>>
      %dma_start3A_777 = arith.constant 0 : i32
      %dma_start3A_778 = tpu.memref_slice %arg6[%run_scoped3A_449, %dma_start3A_777] : memref<25x80xi32, #tpu.memory_space<vmem>> -> memref<1x80xi32, #tpu.memory_space<vmem>>
      %dma_start3A_779 = tpu.memref_squeeze %dma_start3A_778 : memref<1x80xi32, #tpu.memory_space<vmem>> -> memref<80xi32, #tpu.memory_space<vmem>>
      %dma_start3A_780 = arith.constant 0 : i32
      %dma_start3A_781 = arith.constant 0 : i32
      %dma_start3A_782 = tpu.memref_slice %arg12[%dma_start3A_780, %dma_start3A_781] : memref<10000x128xf32, #tpu.memory_space<vmem_shared>> -> memref<10000x128xf32, #tpu.memory_space<vmem_shared>>
      tpu.enqueue_indirect_dma source(%dma_start3A_776 : memref<80x128xf32, #tpu.memory_space<vmem>>) target(%dma_start3A_782 : memref<10000x128xf32, #tpu.memory_space<vmem_shared>>) offsets(%dma_start3A_779 : memref<80xi32, #tpu.memory_space<vmem>>) semaphore(%run_scoped3A_772 : memref<!tpu.dma_semaphore, #tpu.memory_space<semaphore_mem>>) {add = true}
      %dma_wait3A_783 = arith.constant 0 : i32
      %dma_wait3A_784 = arith.constant 0 : i32
      %dma_wait3A_785 = tpu.memref_slice %arg7[%run_scoped3A_448, %dma_wait3A_783, %dma_wait3A_784] : memref<3x80x128xf32, #tpu.memory_space<vmem>> -> memref<1x80x128xf32, #tpu.memory_space<vmem>>
      %dma_wait3A_786 = tpu.memref_squeeze %dma_wait3A_785 : memref<1x80x128xf32, #tpu.memory_space<vmem>> -> memref<80x128xf32, #tpu.memory_space<vmem>>
      %dma_wait3A_787 = arith.constant 0 : i32
      %dma_wait3A_788 = tpu.memref_slice %arg6[%run_scoped3A_449, %dma_wait3A_787] : memref<25x80xi32, #tpu.memory_space<vmem>> -> memref<1x80xi32, #tpu.memory_space<vmem>>
      %dma_wait3A_789 = tpu.memref_squeeze %dma_wait3A_788 : memref<1x80xi32, #tpu.memory_space<vmem>> -> memref<80xi32, #tpu.memory_space<vmem>>
      %dma_wait3A_790 = arith.constant 0 : i32
      %dma_wait3A_791 = arith.constant 0 : i32
      %dma_wait3A_792 = tpu.memref_slice %arg12[%dma_wait3A_790, %dma_wait3A_791] : memref<10000x128xf32, #tpu.memory_space<vmem_shared>> -> memref<10000x128xf32, #tpu.memory_space<vmem_shared>>
      tpu.wait_indirect_dma semaphore(%run_scoped3A_772 : memref<!tpu.dma_semaphore, #tpu.memory_space<semaphore_mem>>) src(%dma_wait3A_786 : memref<80x128xf32, #tpu.memory_space<vmem>>) dst(%dma_wait3A_792 : memref<10000x128xf32, #tpu.memory_space<vmem_shared>>)
      tpu.yield
    }) : () -> ()
    %dma_start3A_450 = arith.constant 1 : i32
    %dma_start3A_451 = arith.constant 0 : i32
    %dma_start3A_452 = arith.constant 0 : i32
    %dma_start3A_453 = arith.constant 0 : i32
    %dma_start3A_454 = arith.constant 0 : i32
    %dma_start3A_455 = tpu.memref_slice %arg7[%dma_start3A_452, %dma_start3A_453, %dma_start3A_454] : memref<3x80x128xf32, #tpu.memory_space<vmem>> -> memref<1x80x128xf32, #tpu.memory_space<vmem>>
    %dma_start3A_456 = tpu.memref_squeeze %dma_start3A_455 : memref<1x80x128xf32, #tpu.memory_space<vmem>> -> memref<80x128xf32, #tpu.memory_space<vmem>>
    %dma_start3A_457 = arith.constant 0 : i32
    %dma_start3A_458 = tpu.memref_slice %arg5[%dma_start3A_450, %dma_start3A_451, %dma_start3A_457] : memref<2x25x80xi32, #tpu.memory_space<vmem>> -> memref<1x1x80xi32, #tpu.memory_space<vmem>>
    %dma_start3A_459 = tpu.memref_squeeze %dma_start3A_458 : memref<1x1x80xi32, #tpu.memory_space<vmem>> -> memref<80xi32, #tpu.memory_space<vmem>>
    %dma_start3A_460 = arith.constant 0 : i32
    %dma_start3A_461 = arith.constant 0 : i32
    %dma_start3A_462 = tpu.memref_slice %arg2[%dma_start3A_460, %dma_start3A_461] : memref<10000x128xf32, #tpu.memory_space<hbm>> -> memref<10000x128xf32, #tpu.memory_space<hbm>>
    tpu.enqueue_indirect_dma source(%dma_start3A_462 : memref<10000x128xf32, #tpu.memory_space<hbm>>) target(%dma_start3A_456 : memref<80x128xf32, #tpu.memory_space<vmem>>) offsets(%dma_start3A_459 : memref<80xi32, #tpu.memory_space<vmem>>) semaphore(%arg8 : memref<!tpu.dma_semaphore, #tpu.memory_space<semaphore_mem>>)
    %dma_wait3A_463 = arith.constant 0 : i32
    %dma_wait3A_464 = arith.constant 23 : i32
    %dma_wait3A_465 = arith.constant 1 : i32
    %dma_wait3A_466 = arith.constant 0 : i32
    %dma_wait3A_467 = arith.constant 0 : i32
    %dma_wait3A_468 = tpu.memref_slice %arg7[%dma_wait3A_465, %dma_wait3A_466, %dma_wait3A_467] : memref<3x80x128xf32, #tpu.memory_space<vmem>> -> memref<1x80x128xf32, #tpu.memory_space<vmem>>
    %dma_wait3A_469 = tpu.memref_squeeze %dma_wait3A_468 : memref<1x80x128xf32, #tpu.memory_space<vmem>> -> memref<80x128xf32, #tpu.memory_space<vmem>>
    %dma_wait3A_470 = arith.constant 0 : i32
    %dma_wait3A_471 = tpu.memref_slice %arg5[%dma_wait3A_463, %dma_wait3A_464, %dma_wait3A_470] : memref<2x25x80xi32, #tpu.memory_space<vmem>> -> memref<1x1x80xi32, #tpu.memory_space<vmem>>
    %dma_wait3A_472 = tpu.memref_squeeze %dma_wait3A_471 : memref<1x1x80xi32, #tpu.memory_space<vmem>> -> memref<80xi32, #tpu.memory_space<vmem>>
    %dma_wait3A_473 = arith.constant 0 : i32
    %dma_wait3A_474 = arith.constant 0 : i32
    %dma_wait3A_475 = tpu.memref_slice %arg2[%dma_wait3A_473, %dma_wait3A_474] : memref<10000x128xf32, #tpu.memory_space<hbm>> -> memref<10000x128xf32, #tpu.memory_space<hbm>>
    tpu.wait_indirect_dma semaphore(%arg9 : memref<!tpu.dma_semaphore, #tpu.memory_space<semaphore_mem>>) src(%dma_wait3A_475 : memref<10000x128xf32, #tpu.memory_space<hbm>>) dst(%dma_wait3A_469 : memref<80x128xf32, #tpu.memory_space<vmem>>)
    %run_scoped3A_476 = arith.constant 1 : i32
    %run_scoped3A_477 = arith.constant 23 : i32
    "tpu.region"() ({
      %run_scoped3A_772 = tpu.sem_alloc : memref<!tpu.dma_semaphore, #tpu.memory_space<semaphore_mem>>
      %dma_start3A_773 = arith.constant 0 : i32
      %dma_start3A_774 = arith.constant 0 : i32
      %dma_start3A_775 = tpu.memref_slice %arg7[%run_scoped3A_476, %dma_start3A_773, %dma_start3A_774] : memref<3x80x128xf32, #tpu.memory_space<vmem>> -> memref<1x80x128xf32, #tpu.memory_space<vmem>>
      %dma_start3A_776 = tpu.memref_squeeze %dma_start3A_775 : memref<1x80x128xf32, #tpu.memory_space<vmem>> -> memref<80x128xf32, #tpu.memory_space<vmem>>
      %dma_start3A_777 = arith.constant 0 : i32
      %dma_start3A_778 = tpu.memref_slice %arg6[%run_scoped3A_477, %dma_start3A_777] : memref<25x80xi32, #tpu.memory_space<vmem>> -> memref<1x80xi32, #tpu.memory_space<vmem>>
      %dma_start3A_779 = tpu.memref_squeeze %dma_start3A_778 : memref<1x80xi32, #tpu.memory_space<vmem>> -> memref<80xi32, #tpu.memory_space<vmem>>
      %dma_start3A_780 = arith.constant 0 : i32
      %dma_start3A_781 = arith.constant 0 : i32
      %dma_start3A_782 = tpu.memref_slice %arg12[%dma_start3A_780, %dma_start3A_781] : memref<10000x128xf32, #tpu.memory_space<vmem_shared>> -> memref<10000x128xf32, #tpu.memory_space<vmem_shared>>
      tpu.enqueue_indirect_dma source(%dma_start3A_776 : memref<80x128xf32, #tpu.memory_space<vmem>>) target(%dma_start3A_782 : memref<10000x128xf32, #tpu.memory_space<vmem_shared>>) offsets(%dma_start3A_779 : memref<80xi32, #tpu.memory_space<vmem>>) semaphore(%run_scoped3A_772 : memref<!tpu.dma_semaphore, #tpu.memory_space<semaphore_mem>>) {add = true}
      %dma_wait3A_783 = arith.constant 0 : i32
      %dma_wait3A_784 = arith.constant 0 : i32
      %dma_wait3A_785 = tpu.memref_slice %arg7[%run_scoped3A_476, %dma_wait3A_783, %dma_wait3A_784] : memref<3x80x128xf32, #tpu.memory_space<vmem>> -> memref<1x80x128xf32, #tpu.memory_space<vmem>>
      %dma_wait3A_786 = tpu.memref_squeeze %dma_wait3A_785 : memref<1x80x128xf32, #tpu.memory_space<vmem>> -> memref<80x128xf32, #tpu.memory_space<vmem>>
      %dma_wait3A_787 = arith.constant 0 : i32
      %dma_wait3A_788 = tpu.memref_slice %arg6[%run_scoped3A_477, %dma_wait3A_787] : memref<25x80xi32, #tpu.memory_space<vmem>> -> memref<1x80xi32, #tpu.memory_space<vmem>>
      %dma_wait3A_789 = tpu.memref_squeeze %dma_wait3A_788 : memref<1x80xi32, #tpu.memory_space<vmem>> -> memref<80xi32, #tpu.memory_space<vmem>>
      %dma_wait3A_790 = arith.constant 0 : i32
      %dma_wait3A_791 = arith.constant 0 : i32
      %dma_wait3A_792 = tpu.memref_slice %arg12[%dma_wait3A_790, %dma_wait3A_791] : memref<10000x128xf32, #tpu.memory_space<vmem_shared>> -> memref<10000x128xf32, #tpu.memory_space<vmem_shared>>
      tpu.wait_indirect_dma semaphore(%run_scoped3A_772 : memref<!tpu.dma_semaphore, #tpu.memory_space<semaphore_mem>>) src(%dma_wait3A_786 : memref<80x128xf32, #tpu.memory_space<vmem>>) dst(%dma_wait3A_792 : memref<10000x128xf32, #tpu.memory_space<vmem_shared>>)
      tpu.yield
    }) : () -> ()
    %dma_start3A_478 = arith.constant 1 : i32
    %dma_start3A_479 = arith.constant 1 : i32
    %dma_start3A_480 = arith.constant 1 : i32
    %dma_start3A_481 = arith.constant 0 : i32
    %dma_start3A_482 = arith.constant 0 : i32
    %dma_start3A_483 = tpu.memref_slice %arg7[%dma_start3A_480, %dma_start3A_481, %dma_start3A_482] : memref<3x80x128xf32, #tpu.memory_space<vmem>> -> memref<1x80x128xf32, #tpu.memory_space<vmem>>
    %dma_start3A_484 = tpu.memref_squeeze %dma_start3A_483 : memref<1x80x128xf32, #tpu.memory_space<vmem>> -> memref<80x128xf32, #tpu.memory_space<vmem>>
    %dma_start3A_485 = arith.constant 0 : i32
    %dma_start3A_486 = tpu.memref_slice %arg5[%dma_start3A_478, %dma_start3A_479, %dma_start3A_485] : memref<2x25x80xi32, #tpu.memory_space<vmem>> -> memref<1x1x80xi32, #tpu.memory_space<vmem>>
    %dma_start3A_487 = tpu.memref_squeeze %dma_start3A_486 : memref<1x1x80xi32, #tpu.memory_space<vmem>> -> memref<80xi32, #tpu.memory_space<vmem>>
    %dma_start3A_488 = arith.constant 0 : i32
    %dma_start3A_489 = arith.constant 0 : i32
    %dma_start3A_490 = tpu.memref_slice %arg2[%dma_start3A_488, %dma_start3A_489] : memref<10000x128xf32, #tpu.memory_space<hbm>> -> memref<10000x128xf32, #tpu.memory_space<hbm>>
    tpu.enqueue_indirect_dma source(%dma_start3A_490 : memref<10000x128xf32, #tpu.memory_space<hbm>>) target(%dma_start3A_484 : memref<80x128xf32, #tpu.memory_space<vmem>>) offsets(%dma_start3A_487 : memref<80xi32, #tpu.memory_space<vmem>>) semaphore(%arg9 : memref<!tpu.dma_semaphore, #tpu.memory_space<semaphore_mem>>)
    %dma_wait3A_491 = arith.constant 0 : i32
    %dma_wait3A_492 = arith.constant 24 : i32
    %dma_wait3A_493 = arith.constant 2 : i32
    %dma_wait3A_494 = arith.constant 0 : i32
    %dma_wait3A_495 = arith.constant 0 : i32
    %dma_wait3A_496 = tpu.memref_slice %arg7[%dma_wait3A_493, %dma_wait3A_494, %dma_wait3A_495] : memref<3x80x128xf32, #tpu.memory_space<vmem>> -> memref<1x80x128xf32, #tpu.memory_space<vmem>>
    %dma_wait3A_497 = tpu.memref_squeeze %dma_wait3A_496 : memref<1x80x128xf32, #tpu.memory_space<vmem>> -> memref<80x128xf32, #tpu.memory_space<vmem>>
    %dma_wait3A_498 = arith.constant 0 : i32
    %dma_wait3A_499 = tpu.memref_slice %arg5[%dma_wait3A_491, %dma_wait3A_492, %dma_wait3A_498] : memref<2x25x80xi32, #tpu.memory_space<vmem>> -> memref<1x1x80xi32, #tpu.memory_space<vmem>>
    %dma_wait3A_500 = tpu.memref_squeeze %dma_wait3A_499 : memref<1x1x80xi32, #tpu.memory_space<vmem>> -> memref<80xi32, #tpu.memory_space<vmem>>
    %dma_wait3A_501 = arith.constant 0 : i32
    %dma_wait3A_502 = arith.constant 0 : i32
    %dma_wait3A_503 = tpu.memref_slice %arg2[%dma_wait3A_501, %dma_wait3A_502] : memref<10000x128xf32, #tpu.memory_space<hbm>> -> memref<10000x128xf32, #tpu.memory_space<hbm>>
    tpu.wait_indirect_dma semaphore(%arg10 : memref<!tpu.dma_semaphore, #tpu.memory_space<semaphore_mem>>) src(%dma_wait3A_503 : memref<10000x128xf32, #tpu.memory_space<hbm>>) dst(%dma_wait3A_497 : memref<80x128xf32, #tpu.memory_space<vmem>>)
    %run_scoped3A_504 = arith.constant 2 : i32
    %run_scoped3A_505 = arith.constant 24 : i32
    "tpu.region"() ({
      %run_scoped3A_772 = tpu.sem_alloc : memref<!tpu.dma_semaphore, #tpu.memory_space<semaphore_mem>>
      %dma_start3A_773 = arith.constant 0 : i32
      %dma_start3A_774 = arith.constant 0 : i32
      %dma_start3A_775 = tpu.memref_slice %arg7[%run_scoped3A_504, %dma_start3A_773, %dma_start3A_774] : memref<3x80x128xf32, #tpu.memory_space<vmem>> -> memref<1x80x128xf32, #tpu.memory_space<vmem>>
      %dma_start3A_776 = tpu.memref_squeeze %dma_start3A_775 : memref<1x80x128xf32, #tpu.memory_space<vmem>> -> memref<80x128xf32, #tpu.memory_space<vmem>>
      %dma_start3A_777 = arith.constant 0 : i32
      %dma_start3A_778 = tpu.memref_slice %arg6[%run_scoped3A_505, %dma_start3A_777] : memref<25x80xi32, #tpu.memory_space<vmem>> -> memref<1x80xi32, #tpu.memory_space<vmem>>
      %dma_start3A_779 = tpu.memref_squeeze %dma_start3A_778 : memref<1x80xi32, #tpu.memory_space<vmem>> -> memref<80xi32, #tpu.memory_space<vmem>>
      %dma_start3A_780 = arith.constant 0 : i32
      %dma_start3A_781 = arith.constant 0 : i32
      %dma_start3A_782 = tpu.memref_slice %arg12[%dma_start3A_780, %dma_start3A_781] : memref<10000x128xf32, #tpu.memory_space<vmem_shared>> -> memref<10000x128xf32, #tpu.memory_space<vmem_shared>>
      tpu.enqueue_indirect_dma source(%dma_start3A_776 : memref<80x128xf32, #tpu.memory_space<vmem>>) target(%dma_start3A_782 : memref<10000x128xf32, #tpu.memory_space<vmem_shared>>) offsets(%dma_start3A_779 : memref<80xi32, #tpu.memory_space<vmem>>) semaphore(%run_scoped3A_772 : memref<!tpu.dma_semaphore, #tpu.memory_space<semaphore_mem>>) {add = true}
      %dma_wait3A_783 = arith.constant 0 : i32
      %dma_wait3A_784 = arith.constant 0 : i32
      %dma_wait3A_785 = tpu.memref_slice %arg7[%run_scoped3A_504, %dma_wait3A_783, %dma_wait3A_784] : memref<3x80x128xf32, #tpu.memory_space<vmem>> -> memref<1x80x128xf32, #tpu.memory_space<vmem>>
      %dma_wait3A_786 = tpu.memref_squeeze %dma_wait3A_785 : memref<1x80x128xf32, #tpu.memory_space<vmem>> -> memref<80x128xf32, #tpu.memory_space<vmem>>
      %dma_wait3A_787 = arith.constant 0 : i32
      %dma_wait3A_788 = tpu.memref_slice %arg6[%run_scoped3A_505, %dma_wait3A_787] : memref<25x80xi32, #tpu.memory_space<vmem>> -> memref<1x80xi32, #tpu.memory_space<vmem>>
      %dma_wait3A_789 = tpu.memref_squeeze %dma_wait3A_788 : memref<1x80xi32, #tpu.memory_space<vmem>> -> memref<80xi32, #tpu.memory_space<vmem>>
      %dma_wait3A_790 = arith.constant 0 : i32
      %dma_wait3A_791 = arith.constant 0 : i32
      %dma_wait3A_792 = tpu.memref_slice %arg12[%dma_wait3A_790, %dma_wait3A_791] : memref<10000x128xf32, #tpu.memory_space<vmem_shared>> -> memref<10000x128xf32, #tpu.memory_space<vmem_shared>>
      tpu.wait_indirect_dma semaphore(%run_scoped3A_772 : memref<!tpu.dma_semaphore, #tpu.memory_space<semaphore_mem>>) src(%dma_wait3A_786 : memref<80x128xf32, #tpu.memory_space<vmem>>) dst(%dma_wait3A_792 : memref<10000x128xf32, #tpu.memory_space<vmem_shared>>)
      tpu.yield
    }) : () -> ()
    %dma_start3A_506 = arith.constant 1 : i32
    %dma_start3A_507 = arith.constant 2 : i32
    %dma_start3A_508 = arith.constant 2 : i32
    %dma_start3A_509 = arith.constant 0 : i32
    %dma_start3A_510 = arith.constant 0 : i32
    %dma_start3A_511 = tpu.memref_slice %arg7[%dma_start3A_508, %dma_start3A_509, %dma_start3A_510] : memref<3x80x128xf32, #tpu.memory_space<vmem>> -> memref<1x80x128xf32, #tpu.memory_space<vmem>>
    %dma_start3A_512 = tpu.memref_squeeze %dma_start3A_511 : memref<1x80x128xf32, #tpu.memory_space<vmem>> -> memref<80x128xf32, #tpu.memory_space<vmem>>
    %dma_start3A_513 = arith.constant 0 : i32
    %dma_start3A_514 = tpu.memref_slice %arg5[%dma_start3A_506, %dma_start3A_507, %dma_start3A_513] : memref<2x25x80xi32, #tpu.memory_space<vmem>> -> memref<1x1x80xi32, #tpu.memory_space<vmem>>
    %dma_start3A_515 = tpu.memref_squeeze %dma_start3A_514 : memref<1x1x80xi32, #tpu.memory_space<vmem>> -> memref<80xi32, #tpu.memory_space<vmem>>
    %dma_start3A_516 = arith.constant 0 : i32
    %dma_start3A_517 = arith.constant 0 : i32
    %dma_start3A_518 = tpu.memref_slice %arg2[%dma_start3A_516, %dma_start3A_517] : memref<10000x128xf32, #tpu.memory_space<hbm>> -> memref<10000x128xf32, #tpu.memory_space<hbm>>
    tpu.enqueue_indirect_dma source(%dma_start3A_518 : memref<10000x128xf32, #tpu.memory_space<hbm>>) target(%dma_start3A_512 : memref<80x128xf32, #tpu.memory_space<vmem>>) offsets(%dma_start3A_515 : memref<80xi32, #tpu.memory_space<vmem>>) semaphore(%arg10 : memref<!tpu.dma_semaphore, #tpu.memory_space<semaphore_mem>>)
    %run_scoped3A_519 = arith.constant 1 : i32
    %run_scoped3A_520 = arith.constant 3 : i32
    "tpu.region"() ({
      %run_scoped3A_772 = tpu.sem_alloc : memref<!tpu.dma_semaphore, #tpu.memory_space<semaphore_mem>>
      %dma_start3A_773 = arith.constant 0 : i32
      %dma_start3A_774 = arith.constant 0 : i32
      %dma_start3A_775 = tpu.memref_slice %arg3[%run_scoped3A_519, %add3A, %run_scoped3A_520, %dma_start3A_773, %dma_start3A_774] : memref<2x32x5x25x80xi32, #tpu.memory_space<hbm>> -> memref<1x1x1x25x80xi32, #tpu.memory_space<hbm>>
      %dma_start3A_776 = tpu.memref_squeeze %dma_start3A_775 : memref<1x1x1x25x80xi32, #tpu.memory_space<hbm>> -> memref<25x80xi32, #tpu.memory_space<hbm>>
      %dma_start3A_777 = arith.constant 0 : i32
      %dma_start3A_778 = arith.constant 0 : i32
      %dma_start3A_779 = tpu.memref_slice %arg3[%run_scoped3A_519, %add3A, %run_scoped3A_520, %dma_start3A_777, %dma_start3A_778] : memref<2x32x5x25x80xi32, #tpu.memory_space<hbm>> -> memref<1x1x1x25x80xi32, #tpu.memory_space<hbm>>
      %dma_start3A_780 = tpu.memref_squeeze %dma_start3A_779 : memref<1x1x1x25x80xi32, #tpu.memory_space<hbm>> -> memref<25x80xi32, #tpu.memory_space<hbm>>
      tpu.enqueue_dma source(%dma_start3A_780 : memref<25x80xi32, #tpu.memory_space<hbm>>) target(%arg6 : memref<25x80xi32, #tpu.memory_space<vmem>>) target_semaphore(%run_scoped3A_772 : memref<!tpu.dma_semaphore, #tpu.memory_space<semaphore_mem>>)
      %dma_wait3A_781 = arith.constant 0 : i32
      %dma_wait3A_782 = arith.constant 0 : i32
      %dma_wait3A_783 = tpu.memref_slice %arg3[%run_scoped3A_519, %add3A, %run_scoped3A_520, %dma_wait3A_781, %dma_wait3A_782] : memref<2x32x5x25x80xi32, #tpu.memory_space<hbm>> -> memref<1x1x1x25x80xi32, #tpu.memory_space<hbm>>
      %dma_wait3A_784 = tpu.memref_squeeze %dma_wait3A_783 : memref<1x1x1x25x80xi32, #tpu.memory_space<hbm>> -> memref<25x80xi32, #tpu.memory_space<hbm>>
      %dma_wait3A_785 = arith.constant 0 : i32
      %dma_wait3A_786 = arith.constant 0 : i32
      %dma_wait3A_787 = tpu.memref_slice %arg3[%run_scoped3A_519, %add3A, %run_scoped3A_520, %dma_wait3A_785, %dma_wait3A_786] : memref<2x32x5x25x80xi32, #tpu.memory_space<hbm>> -> memref<1x1x1x25x80xi32, #tpu.memory_space<hbm>>
      %dma_wait3A_788 = tpu.memref_squeeze %dma_wait3A_787 : memref<1x1x1x25x80xi32, #tpu.memory_space<hbm>> -> memref<25x80xi32, #tpu.memory_space<hbm>>
      tpu.wait_dma2 semaphore(%run_scoped3A_772 : memref<!tpu.dma_semaphore, #tpu.memory_space<semaphore_mem>>) src(%dma_wait3A_788 : memref<25x80xi32, #tpu.memory_space<hbm>>) dst(%arg6 : memref<25x80xi32, #tpu.memory_space<vmem>>)
      tpu.yield
    }) : () -> ()
    %dma_start3A_521 = arith.constant 0 : i32
    %dma_start3A_522 = arith.constant 4 : i32
    %dma_start3A_523 = arith.constant 0 : i32
    %dma_start3A_524 = arith.constant 0 : i32
    %dma_start3A_525 = arith.constant 0 : i32
    %dma_start3A_526 = tpu.memref_slice %arg5[%dma_start3A_523, %dma_start3A_524, %dma_start3A_525] : memref<2x25x80xi32, #tpu.memory_space<vmem>> -> memref<1x25x80xi32, #tpu.memory_space<vmem>>
    %dma_start3A_527 = tpu.memref_squeeze %dma_start3A_526 : memref<1x25x80xi32, #tpu.memory_space<vmem>> -> memref<25x80xi32, #tpu.memory_space<vmem>>
    %dma_start3A_528 = arith.constant 0 : i32
    %dma_start3A_529 = arith.constant 0 : i32
    %dma_start3A_530 = tpu.memref_slice %arg3[%dma_start3A_521, %add3A, %dma_start3A_522, %dma_start3A_528, %dma_start3A_529] : memref<2x32x5x25x80xi32, #tpu.memory_space<hbm>> -> memref<1x1x1x25x80xi32, #tpu.memory_space<hbm>>
    %dma_start3A_531 = tpu.memref_squeeze %dma_start3A_530 : memref<1x1x1x25x80xi32, #tpu.memory_space<hbm>> -> memref<25x80xi32, #tpu.memory_space<hbm>>
    %dma_start3A_532 = arith.constant 0 : i32
    %dma_start3A_533 = arith.constant 0 : i32
    %dma_start3A_534 = tpu.memref_slice %arg5[%dma_start3A_523, %dma_start3A_532, %dma_start3A_533] : memref<2x25x80xi32, #tpu.memory_space<vmem>> -> memref<1x25x80xi32, #tpu.memory_space<vmem>>
    %dma_start3A_535 = tpu.memref_squeeze %dma_start3A_534 : memref<1x25x80xi32, #tpu.memory_space<vmem>> -> memref<25x80xi32, #tpu.memory_space<vmem>>
    %dma_start3A_536 = arith.constant 0 : i32
    %dma_start3A_537 = arith.constant 0 : i32
    %dma_start3A_538 = tpu.memref_slice %arg3[%dma_start3A_521, %add3A, %dma_start3A_522, %dma_start3A_536, %dma_start3A_537] : memref<2x32x5x25x80xi32, #tpu.memory_space<hbm>> -> memref<1x1x1x25x80xi32, #tpu.memory_space<hbm>>
    %dma_start3A_539 = tpu.memref_squeeze %dma_start3A_538 : memref<1x1x1x25x80xi32, #tpu.memory_space<hbm>> -> memref<25x80xi32, #tpu.memory_space<hbm>>
    tpu.enqueue_dma source(%dma_start3A_539 : memref<25x80xi32, #tpu.memory_space<hbm>>) target(%dma_start3A_535 : memref<25x80xi32, #tpu.memory_space<vmem>>) target_semaphore(%arg11 : memref<!tpu.dma_semaphore, #tpu.memory_space<semaphore_mem>>)
    %scan3A_540 = arith.constant 0 : i32
    %scan3A_541 = arith.constant 0 : i32
    %scan3A_542 = arith.constant 7 : i32
    %scan3A_543 = arith.addi %scan3A_541, %scan3A_542 : i32
    %scan3A_544 = arith.constant 1 : i32
    scf.for %scan3A_772 = %scan3A_541 to %scan3A_543 step %scan3A_544  : i32 {
      %mul3A_773 = arith.constant 3 : i32
      %mul3A_774 = arith.muli %mul3A_773, %scan3A_772 : i32
      %add3A_775 = arith.constant 0 : i32
      %add3A_776 = arith.addi %mul3A_774, %add3A_775 : i32
      %dma_wait3A_777 = arith.constant 1 : i32
      %dma_wait3A_778 = arith.constant 0 : i32
      %dma_wait3A_779 = arith.constant 0 : i32
      %dma_wait3A_780 = arith.constant 0 : i32
      %dma_wait3A_781 = tpu.memref_slice %arg7[%dma_wait3A_778, %dma_wait3A_779, %dma_wait3A_780] : memref<3x80x128xf32, #tpu.memory_space<vmem>> -> memref<1x80x128xf32, #tpu.memory_space<vmem>>
      %dma_wait3A_782 = tpu.memref_squeeze %dma_wait3A_781 : memref<1x80x128xf32, #tpu.memory_space<vmem>> -> memref<80x128xf32, #tpu.memory_space<vmem>>
      %dma_wait3A_783 = arith.constant 0 : i32
      %dma_wait3A_784 = tpu.memref_slice %arg5[%dma_wait3A_777, %add3A_776, %dma_wait3A_783] : memref<2x25x80xi32, #tpu.memory_space<vmem>> -> memref<1x1x80xi32, #tpu.memory_space<vmem>>
      %dma_wait3A_785 = tpu.memref_squeeze %dma_wait3A_784 : memref<1x1x80xi32, #tpu.memory_space<vmem>> -> memref<80xi32, #tpu.memory_space<vmem>>
      %dma_wait3A_786 = arith.constant 0 : i32
      %dma_wait3A_787 = arith.constant 0 : i32
      %dma_wait3A_788 = tpu.memref_slice %arg2[%dma_wait3A_786, %dma_wait3A_787] : memref<10000x128xf32, #tpu.memory_space<hbm>> -> memref<10000x128xf32, #tpu.memory_space<hbm>>
      tpu.wait_indirect_dma semaphore(%arg8 : memref<!tpu.dma_semaphore, #tpu.memory_space<semaphore_mem>>) src(%dma_wait3A_788 : memref<10000x128xf32, #tpu.memory_space<hbm>>) dst(%dma_wait3A_782 : memref<80x128xf32, #tpu.memory_space<vmem>>)
      %add3A_789 = arith.constant 0 : i32
      %add3A_790 = arith.addi %mul3A_774, %add3A_789 : i32
      %run_scoped3A_791 = arith.constant 0 : i32
      "tpu.region"() ({
        %run_scoped3A_874 = tpu.sem_alloc : memref<!tpu.dma_semaphore, #tpu.memory_space<semaphore_mem>>
        %dma_start3A_875 = arith.constant 0 : i32
        %dma_start3A_876 = arith.constant 0 : i32
        %dma_start3A_877 = tpu.memref_slice %arg7[%run_scoped3A_791, %dma_start3A_875, %dma_start3A_876] : memref<3x80x128xf32, #tpu.memory_space<vmem>> -> memref<1x80x128xf32, #tpu.memory_space<vmem>>
        %dma_start3A_878 = tpu.memref_squeeze %dma_start3A_877 : memref<1x80x128xf32, #tpu.memory_space<vmem>> -> memref<80x128xf32, #tpu.memory_space<vmem>>
        %dma_start3A_879 = arith.constant 0 : i32
        %dma_start3A_880 = tpu.memref_slice %arg6[%add3A_790, %dma_start3A_879] : memref<25x80xi32, #tpu.memory_space<vmem>> -> memref<1x80xi32, #tpu.memory_space<vmem>>
        %dma_start3A_881 = tpu.memref_squeeze %dma_start3A_880 : memref<1x80xi32, #tpu.memory_space<vmem>> -> memref<80xi32, #tpu.memory_space<vmem>>
        %dma_start3A_882 = arith.constant 0 : i32
        %dma_start3A_883 = arith.constant 0 : i32
        %dma_start3A_884 = tpu.memref_slice %arg12[%dma_start3A_882, %dma_start3A_883] : memref<10000x128xf32, #tpu.memory_space<vmem_shared>> -> memref<10000x128xf32, #tpu.memory_space<vmem_shared>>
        tpu.enqueue_indirect_dma source(%dma_start3A_878 : memref<80x128xf32, #tpu.memory_space<vmem>>) target(%dma_start3A_884 : memref<10000x128xf32, #tpu.memory_space<vmem_shared>>) offsets(%dma_start3A_881 : memref<80xi32, #tpu.memory_space<vmem>>) semaphore(%run_scoped3A_874 : memref<!tpu.dma_semaphore, #tpu.memory_space<semaphore_mem>>) {add = true}
        %dma_wait3A_885 = arith.constant 0 : i32
        %dma_wait3A_886 = arith.constant 0 : i32
        %dma_wait3A_887 = tpu.memref_slice %arg7[%run_scoped3A_791, %dma_wait3A_885, %dma_wait3A_886] : memref<3x80x128xf32, #tpu.memory_space<vmem>> -> memref<1x80x128xf32, #tpu.memory_space<vmem>>
        %dma_wait3A_888 = tpu.memref_squeeze %dma_wait3A_887 : memref<1x80x128xf32, #tpu.memory_space<vmem>> -> memref<80x128xf32, #tpu.memory_space<vmem>>
        %dma_wait3A_889 = arith.constant 0 : i32
        %dma_wait3A_890 = tpu.memref_slice %arg6[%add3A_790, %dma_wait3A_889] : memref<25x80xi32, #tpu.memory_space<vmem>> -> memref<1x80xi32, #tpu.memory_space<vmem>>
        %dma_wait3A_891 = tpu.memref_squeeze %dma_wait3A_890 : memref<1x80xi32, #tpu.memory_space<vmem>> -> memref<80xi32, #tpu.memory_space<vmem>>
        %dma_wait3A_892 = arith.constant 0 : i32
        %dma_wait3A_893 = arith.constant 0 : i32
        %dma_wait3A_894 = tpu.memref_slice %arg12[%dma_wait3A_892, %dma_wait3A_893] : memref<10000x128xf32, #tpu.memory_space<vmem_shared>> -> memref<10000x128xf32, #tpu.memory_space<vmem_shared>>
        tpu.wait_indirect_dma semaphore(%run_scoped3A_874 : memref<!tpu.dma_semaphore, #tpu.memory_space<semaphore_mem>>) src(%dma_wait3A_888 : memref<80x128xf32, #tpu.memory_space<vmem>>) dst(%dma_wait3A_894 : memref<10000x128xf32, #tpu.memory_space<vmem_shared>>)
        tpu.yield
      }) : () -> ()
      %add3A_792 = arith.constant 3 : i32
      %add3A_793 = arith.addi %mul3A_774, %add3A_792 : i32
      %add3A_794 = arith.constant 0 : i32
      %add3A_795 = arith.addi %add3A_793, %add3A_794 : i32
      %dma_start3A_796 = arith.constant 1 : i32
      %dma_start3A_797 = arith.constant 0 : i32
      %dma_start3A_798 = arith.constant 0 : i32
      %dma_start3A_799 = arith.constant 0 : i32
      %dma_start3A_800 = tpu.memref_slice %arg7[%dma_start3A_797, %dma_start3A_798, %dma_start3A_799] : memref<3x80x128xf32, #tpu.memory_space<vmem>> -> memref<1x80x128xf32, #tpu.memory_space<vmem>>
      %dma_start3A_801 = tpu.memref_squeeze %dma_start3A_800 : memref<1x80x128xf32, #tpu.memory_space<vmem>> -> memref<80x128xf32, #tpu.memory_space<vmem>>
      %dma_start3A_802 = arith.constant 0 : i32
      %dma_start3A_803 = tpu.memref_slice %arg5[%dma_start3A_796, %add3A_795, %dma_start3A_802] : memref<2x25x80xi32, #tpu.memory_space<vmem>> -> memref<1x1x80xi32, #tpu.memory_space<vmem>>
      %dma_start3A_804 = tpu.memref_squeeze %dma_start3A_803 : memref<1x1x80xi32, #tpu.memory_space<vmem>> -> memref<80xi32, #tpu.memory_space<vmem>>
      %dma_start3A_805 = arith.constant 0 : i32
      %dma_start3A_806 = arith.constant 0 : i32
      %dma_start3A_807 = tpu.memref_slice %arg2[%dma_start3A_805, %dma_start3A_806] : memref<10000x128xf32, #tpu.memory_space<hbm>> -> memref<10000x128xf32, #tpu.memory_space<hbm>>
      tpu.enqueue_indirect_dma source(%dma_start3A_807 : memref<10000x128xf32, #tpu.memory_space<hbm>>) target(%dma_start3A_801 : memref<80x128xf32, #tpu.memory_space<vmem>>) offsets(%dma_start3A_804 : memref<80xi32, #tpu.memory_space<vmem>>) semaphore(%arg8 : memref<!tpu.dma_semaphore, #tpu.memory_space<semaphore_mem>>)
      %add3A_808 = arith.constant 1 : i32
      %add3A_809 = arith.addi %mul3A_774, %add3A_808 : i32
      %dma_wait3A_810 = arith.constant 1 : i32
      %dma_wait3A_811 = arith.constant 1 : i32
      %dma_wait3A_812 = arith.constant 0 : i32
      %dma_wait3A_813 = arith.constant 0 : i32
      %dma_wait3A_814 = tpu.memref_slice %arg7[%dma_wait3A_811, %dma_wait3A_812, %dma_wait3A_813] : memref<3x80x128xf32, #tpu.memory_space<vmem>> -> memref<1x80x128xf32, #tpu.memory_space<vmem>>
      %dma_wait3A_815 = tpu.memref_squeeze %dma_wait3A_814 : memref<1x80x128xf32, #tpu.memory_space<vmem>> -> memref<80x128xf32, #tpu.memory_space<vmem>>
      %dma_wait3A_816 = arith.constant 0 : i32
      %dma_wait3A_817 = tpu.memref_slice %arg5[%dma_wait3A_810, %add3A_809, %dma_wait3A_816] : memref<2x25x80xi32, #tpu.memory_space<vmem>> -> memref<1x1x80xi32, #tpu.memory_space<vmem>>
      %dma_wait3A_818 = tpu.memref_squeeze %dma_wait3A_817 : memref<1x1x80xi32, #tpu.memory_space<vmem>> -> memref<80xi32, #tpu.memory_space<vmem>>
      %dma_wait3A_819 = arith.constant 0 : i32
      %dma_wait3A_820 = arith.constant 0 : i32
      %dma_wait3A_821 = tpu.memref_slice %arg2[%dma_wait3A_819, %dma_wait3A_820] : memref<10000x128xf32, #tpu.memory_space<hbm>> -> memref<10000x128xf32, #tpu.memory_space<hbm>>
      tpu.wait_indirect_dma semaphore(%arg9 : memref<!tpu.dma_semaphore, #tpu.memory_space<semaphore_mem>>) src(%dma_wait3A_821 : memref<10000x128xf32, #tpu.memory_space<hbm>>) dst(%dma_wait3A_815 : memref<80x128xf32, #tpu.memory_space<vmem>>)
      %add3A_822 = arith.constant 1 : i32
      %add3A_823 = arith.addi %mul3A_774, %add3A_822 : i32
      %run_scoped3A_824 = arith.constant 1 : i32
      "tpu.region"() ({
        %run_scoped3A_874 = tpu.sem_alloc : memref<!tpu.dma_semaphore, #tpu.memory_space<semaphore_mem>>
        %dma_start3A_875 = arith.constant 0 : i32
        %dma_start3A_876 = arith.constant 0 : i32
        %dma_start3A_877 = tpu.memref_slice %arg7[%run_scoped3A_824, %dma_start3A_875, %dma_start3A_876] : memref<3x80x128xf32, #tpu.memory_space<vmem>> -> memref<1x80x128xf32, #tpu.memory_space<vmem>>
        %dma_start3A_878 = tpu.memref_squeeze %dma_start3A_877 : memref<1x80x128xf32, #tpu.memory_space<vmem>> -> memref<80x128xf32, #tpu.memory_space<vmem>>
        %dma_start3A_879 = arith.constant 0 : i32
        %dma_start3A_880 = tpu.memref_slice %arg6[%add3A_823, %dma_start3A_879] : memref<25x80xi32, #tpu.memory_space<vmem>> -> memref<1x80xi32, #tpu.memory_space<vmem>>
        %dma_start3A_881 = tpu.memref_squeeze %dma_start3A_880 : memref<1x80xi32, #tpu.memory_space<vmem>> -> memref<80xi32, #tpu.memory_space<vmem>>
        %dma_start3A_882 = arith.constant 0 : i32
        %dma_start3A_883 = arith.constant 0 : i32
        %dma_start3A_884 = tpu.memref_slice %arg12[%dma_start3A_882, %dma_start3A_883] : memref<10000x128xf32, #tpu.memory_space<vmem_shared>> -> memref<10000x128xf32, #tpu.memory_space<vmem_shared>>
        tpu.enqueue_indirect_dma source(%dma_start3A_878 : memref<80x128xf32, #tpu.memory_space<vmem>>) target(%dma_start3A_884 : memref<10000x128xf32, #tpu.memory_space<vmem_shared>>) offsets(%dma_start3A_881 : memref<80xi32, #tpu.memory_space<vmem>>) semaphore(%run_scoped3A_874 : memref<!tpu.dma_semaphore, #tpu.memory_space<semaphore_mem>>) {add = true}
        %dma_wait3A_885 = arith.constant 0 : i32
        %dma_wait3A_886 = arith.constant 0 : i32
        %dma_wait3A_887 = tpu.memref_slice %arg7[%run_scoped3A_824, %dma_wait3A_885, %dma_wait3A_886] : memref<3x80x128xf32, #tpu.memory_space<vmem>> -> memref<1x80x128xf32, #tpu.memory_space<vmem>>
        %dma_wait3A_888 = tpu.memref_squeeze %dma_wait3A_887 : memref<1x80x128xf32, #tpu.memory_space<vmem>> -> memref<80x128xf32, #tpu.memory_space<vmem>>
        %dma_wait3A_889 = arith.constant 0 : i32
        %dma_wait3A_890 = tpu.memref_slice %arg6[%add3A_823, %dma_wait3A_889] : memref<25x80xi32, #tpu.memory_space<vmem>> -> memref<1x80xi32, #tpu.memory_space<vmem>>
        %dma_wait3A_891 = tpu.memref_squeeze %dma_wait3A_890 : memref<1x80xi32, #tpu.memory_space<vmem>> -> memref<80xi32, #tpu.memory_space<vmem>>
        %dma_wait3A_892 = arith.constant 0 : i32
        %dma_wait3A_893 = arith.constant 0 : i32
        %dma_wait3A_894 = tpu.memref_slice %arg12[%dma_wait3A_892, %dma_wait3A_893] : memref<10000x128xf32, #tpu.memory_space<vmem_shared>> -> memref<10000x128xf32, #tpu.memory_space<vmem_shared>>
        tpu.wait_indirect_dma semaphore(%run_scoped3A_874 : memref<!tpu.dma_semaphore, #tpu.memory_space<semaphore_mem>>) src(%dma_wait3A_888 : memref<80x128xf32, #tpu.memory_space<vmem>>) dst(%dma_wait3A_894 : memref<10000x128xf32, #tpu.memory_space<vmem_shared>>)
        tpu.yield
      }) : () -> ()
      %add3A_825 = arith.constant 3 : i32
      %add3A_826 = arith.addi %mul3A_774, %add3A_825 : i32
      %add3A_827 = arith.constant 1 : i32
      %add3A_828 = arith.addi %add3A_826, %add3A_827 : i32
      %dma_start3A_829 = arith.constant 1 : i32
      %dma_start3A_830 = arith.constant 1 : i32
      %dma_start3A_831 = arith.constant 0 : i32
      %dma_start3A_832 = arith.constant 0 : i32
      %dma_start3A_833 = tpu.memref_slice %arg7[%dma_start3A_830, %dma_start3A_831, %dma_start3A_832] : memref<3x80x128xf32, #tpu.memory_space<vmem>> -> memref<1x80x128xf32, #tpu.memory_space<vmem>>
      %dma_start3A_834 = tpu.memref_squeeze %dma_start3A_833 : memref<1x80x128xf32, #tpu.memory_space<vmem>> -> memref<80x128xf32, #tpu.memory_space<vmem>>
      %dma_start3A_835 = arith.constant 0 : i32
      %dma_start3A_836 = tpu.memref_slice %arg5[%dma_start3A_829, %add3A_828, %dma_start3A_835] : memref<2x25x80xi32, #tpu.memory_space<vmem>> -> memref<1x1x80xi32, #tpu.memory_space<vmem>>
      %dma_start3A_837 = tpu.memref_squeeze %dma_start3A_836 : memref<1x1x80xi32, #tpu.memory_space<vmem>> -> memref<80xi32, #tpu.memory_space<vmem>>
      %dma_start3A_838 = arith.constant 0 : i32
      %dma_start3A_839 = arith.constant 0 : i32
      %dma_start3A_840 = tpu.memref_slice %arg2[%dma_start3A_838, %dma_start3A_839] : memref<10000x128xf32, #tpu.memory_space<hbm>> -> memref<10000x128xf32, #tpu.memory_space<hbm>>
      tpu.enqueue_indirect_dma source(%dma_start3A_840 : memref<10000x128xf32, #tpu.memory_space<hbm>>) target(%dma_start3A_834 : memref<80x128xf32, #tpu.memory_space<vmem>>) offsets(%dma_start3A_837 : memref<80xi32, #tpu.memory_space<vmem>>) semaphore(%arg9 : memref<!tpu.dma_semaphore, #tpu.memory_space<semaphore_mem>>)
      %add3A_841 = arith.constant 2 : i32
      %add3A_842 = arith.addi %mul3A_774, %add3A_841 : i32
      %dma_wait3A_843 = arith.constant 1 : i32
      %dma_wait3A_844 = arith.constant 2 : i32
      %dma_wait3A_845 = arith.constant 0 : i32
      %dma_wait3A_846 = arith.constant 0 : i32
      %dma_wait3A_847 = tpu.memref_slice %arg7[%dma_wait3A_844, %dma_wait3A_845, %dma_wait3A_846] : memref<3x80x128xf32, #tpu.memory_space<vmem>> -> memref<1x80x128xf32, #tpu.memory_space<vmem>>
      %dma_wait3A_848 = tpu.memref_squeeze %dma_wait3A_847 : memref<1x80x128xf32, #tpu.memory_space<vmem>> -> memref<80x128xf32, #tpu.memory_space<vmem>>
      %dma_wait3A_849 = arith.constant 0 : i32
      %dma_wait3A_850 = tpu.memref_slice %arg5[%dma_wait3A_843, %add3A_842, %dma_wait3A_849] : memref<2x25x80xi32, #tpu.memory_space<vmem>> -> memref<1x1x80xi32, #tpu.memory_space<vmem>>
      %dma_wait3A_851 = tpu.memref_squeeze %dma_wait3A_850 : memref<1x1x80xi32, #tpu.memory_space<vmem>> -> memref<80xi32, #tpu.memory_space<vmem>>
      %dma_wait3A_852 = arith.constant 0 : i32
      %dma_wait3A_853 = arith.constant 0 : i32
      %dma_wait3A_854 = tpu.memref_slice %arg2[%dma_wait3A_852, %dma_wait3A_853] : memref<10000x128xf32, #tpu.memory_space<hbm>> -> memref<10000x128xf32, #tpu.memory_space<hbm>>
      tpu.wait_indirect_dma semaphore(%arg10 : memref<!tpu.dma_semaphore, #tpu.memory_space<semaphore_mem>>) src(%dma_wait3A_854 : memref<10000x128xf32, #tpu.memory_space<hbm>>) dst(%dma_wait3A_848 : memref<80x128xf32, #tpu.memory_space<vmem>>)
      %add3A_855 = arith.constant 2 : i32
      %add3A_856 = arith.addi %mul3A_774, %add3A_855 : i32
      %run_scoped3A_857 = arith.constant 2 : i32
      "tpu.region"() ({
        %run_scoped3A_874 = tpu.sem_alloc : memref<!tpu.dma_semaphore, #tpu.memory_space<semaphore_mem>>
        %dma_start3A_875 = arith.constant 0 : i32
        %dma_start3A_876 = arith.constant 0 : i32
        %dma_start3A_877 = tpu.memref_slice %arg7[%run_scoped3A_857, %dma_start3A_875, %dma_start3A_876] : memref<3x80x128xf32, #tpu.memory_space<vmem>> -> memref<1x80x128xf32, #tpu.memory_space<vmem>>
        %dma_start3A_878 = tpu.memref_squeeze %dma_start3A_877 : memref<1x80x128xf32, #tpu.memory_space<vmem>> -> memref<80x128xf32, #tpu.memory_space<vmem>>
        %dma_start3A_879 = arith.constant 0 : i32
        %dma_start3A_880 = tpu.memref_slice %arg6[%add3A_856, %dma_start3A_879] : memref<25x80xi32, #tpu.memory_space<vmem>> -> memref<1x80xi32, #tpu.memory_space<vmem>>
        %dma_start3A_881 = tpu.memref_squeeze %dma_start3A_880 : memref<1x80xi32, #tpu.memory_space<vmem>> -> memref<80xi32, #tpu.memory_space<vmem>>
        %dma_start3A_882 = arith.constant 0 : i32
        %dma_start3A_883 = arith.constant 0 : i32
        %dma_start3A_884 = tpu.memref_slice %arg12[%dma_start3A_882, %dma_start3A_883] : memref<10000x128xf32, #tpu.memory_space<vmem_shared>> -> memref<10000x128xf32, #tpu.memory_space<vmem_shared>>
        tpu.enqueue_indirect_dma source(%dma_start3A_878 : memref<80x128xf32, #tpu.memory_space<vmem>>) target(%dma_start3A_884 : memref<10000x128xf32, #tpu.memory_space<vmem_shared>>) offsets(%dma_start3A_881 : memref<80xi32, #tpu.memory_space<vmem>>) semaphore(%run_scoped3A_874 : memref<!tpu.dma_semaphore, #tpu.memory_space<semaphore_mem>>) {add = true}
        %dma_wait3A_885 = arith.constant 0 : i32
        %dma_wait3A_886 = arith.constant 0 : i32
        %dma_wait3A_887 = tpu.memref_slice %arg7[%run_scoped3A_857, %dma_wait3A_885, %dma_wait3A_886] : memref<3x80x128xf32, #tpu.memory_space<vmem>> -> memref<1x80x128xf32, #tpu.memory_space<vmem>>
        %dma_wait3A_888 = tpu.memref_squeeze %dma_wait3A_887 : memref<1x80x128xf32, #tpu.memory_space<vmem>> -> memref<80x128xf32, #tpu.memory_space<vmem>>
        %dma_wait3A_889 = arith.constant 0 : i32
        %dma_wait3A_890 = tpu.memref_slice %arg6[%add3A_856, %dma_wait3A_889] : memref<25x80xi32, #tpu.memory_space<vmem>> -> memref<1x80xi32, #tpu.memory_space<vmem>>
        %dma_wait3A_891 = tpu.memref_squeeze %dma_wait3A_890 : memref<1x80xi32, #tpu.memory_space<vmem>> -> memref<80xi32, #tpu.memory_space<vmem>>
        %dma_wait3A_892 = arith.constant 0 : i32
        %dma_wait3A_893 = arith.constant 0 : i32
        %dma_wait3A_894 = tpu.memref_slice %arg12[%dma_wait3A_892, %dma_wait3A_893] : memref<10000x128xf32, #tpu.memory_space<vmem_shared>> -> memref<10000x128xf32, #tpu.memory_space<vmem_shared>>
        tpu.wait_indirect_dma semaphore(%run_scoped3A_874 : memref<!tpu.dma_semaphore, #tpu.memory_space<semaphore_mem>>) src(%dma_wait3A_888 : memref<80x128xf32, #tpu.memory_space<vmem>>) dst(%dma_wait3A_894 : memref<10000x128xf32, #tpu.memory_space<vmem_shared>>)
        tpu.yield
      }) : () -> ()
      %add3A_858 = arith.constant 3 : i32
      %add3A_859 = arith.addi %mul3A_774, %add3A_858 : i32
      %add3A_860 = arith.constant 2 : i32
      %add3A_861 = arith.addi %add3A_859, %add3A_860 : i32
      %dma_start3A_862 = arith.constant 1 : i32
      %dma_start3A_863 = arith.constant 2 : i32
      %dma_start3A_864 = arith.constant 0 : i32
      %dma_start3A_865 = arith.constant 0 : i32
      %dma_start3A_866 = tpu.memref_slice %arg7[%dma_start3A_863, %dma_start3A_864, %dma_start3A_865] : memref<3x80x128xf32, #tpu.memory_space<vmem>> -> memref<1x80x128xf32, #tpu.memory_space<vmem>>
      %dma_start3A_867 = tpu.memref_squeeze %dma_start3A_866 : memref<1x80x128xf32, #tpu.memory_space<vmem>> -> memref<80x128xf32, #tpu.memory_space<vmem>>
      %dma_start3A_868 = arith.constant 0 : i32
      %dma_start3A_869 = tpu.memref_slice %arg5[%dma_start3A_862, %add3A_861, %dma_start3A_868] : memref<2x25x80xi32, #tpu.memory_space<vmem>> -> memref<1x1x80xi32, #tpu.memory_space<vmem>>
      %dma_start3A_870 = tpu.memref_squeeze %dma_start3A_869 : memref<1x1x80xi32, #tpu.memory_space<vmem>> -> memref<80xi32, #tpu.memory_space<vmem>>
      %dma_start3A_871 = arith.constant 0 : i32
      %dma_start3A_872 = arith.constant 0 : i32
      %dma_start3A_873 = tpu.memref_slice %arg2[%dma_start3A_871, %dma_start3A_872] : memref<10000x128xf32, #tpu.memory_space<hbm>> -> memref<10000x128xf32, #tpu.memory_space<hbm>>
      tpu.enqueue_indirect_dma source(%dma_start3A_873 : memref<10000x128xf32, #tpu.memory_space<hbm>>) target(%dma_start3A_867 : memref<80x128xf32, #tpu.memory_space<vmem>>) offsets(%dma_start3A_870 : memref<80xi32, #tpu.memory_space<vmem>>) semaphore(%arg10 : memref<!tpu.dma_semaphore, #tpu.memory_space<semaphore_mem>>)
    }
    %scan3A_545 = arith.constant 7 : i32
    %dma_wait3A_546 = arith.constant 1 : i32
    %dma_wait3A_547 = arith.constant 21 : i32
    %dma_wait3A_548 = arith.constant 0 : i32
    %dma_wait3A_549 = arith.constant 0 : i32
    %dma_wait3A_550 = arith.constant 0 : i32
    %dma_wait3A_551 = tpu.memref_slice %arg7[%dma_wait3A_548, %dma_wait3A_549, %dma_wait3A_550] : memref<3x80x128xf32, #tpu.memory_space<vmem>> -> memref<1x80x128xf32, #tpu.memory_space<vmem>>
    %dma_wait3A_552 = tpu.memref_squeeze %dma_wait3A_551 : memref<1x80x128xf32, #tpu.memory_space<vmem>> -> memref<80x128xf32, #tpu.memory_space<vmem>>
    %dma_wait3A_553 = arith.constant 0 : i32
    %dma_wait3A_554 = tpu.memref_slice %arg5[%dma_wait3A_546, %dma_wait3A_547, %dma_wait3A_553] : memref<2x25x80xi32, #tpu.memory_space<vmem>> -> memref<1x1x80xi32, #tpu.memory_space<vmem>>
    %dma_wait3A_555 = tpu.memref_squeeze %dma_wait3A_554 : memref<1x1x80xi32, #tpu.memory_space<vmem>> -> memref<80xi32, #tpu.memory_space<vmem>>
    %dma_wait3A_556 = arith.constant 0 : i32
    %dma_wait3A_557 = arith.constant 0 : i32
    %dma_wait3A_558 = tpu.memref_slice %arg2[%dma_wait3A_556, %dma_wait3A_557] : memref<10000x128xf32, #tpu.memory_space<hbm>> -> memref<10000x128xf32, #tpu.memory_space<hbm>>
    tpu.wait_indirect_dma semaphore(%arg8 : memref<!tpu.dma_semaphore, #tpu.memory_space<semaphore_mem>>) src(%dma_wait3A_558 : memref<10000x128xf32, #tpu.memory_space<hbm>>) dst(%dma_wait3A_552 : memref<80x128xf32, #tpu.memory_space<vmem>>)
    %run_scoped3A_559 = arith.constant 0 : i32
    %run_scoped3A_560 = arith.constant 21 : i32
    "tpu.region"() ({
      %run_scoped3A_772 = tpu.sem_alloc : memref<!tpu.dma_semaphore, #tpu.memory_space<semaphore_mem>>
      %dma_start3A_773 = arith.constant 0 : i32
      %dma_start3A_774 = arith.constant 0 : i32
      %dma_start3A_775 = tpu.memref_slice %arg7[%run_scoped3A_559, %dma_start3A_773, %dma_start3A_774] : memref<3x80x128xf32, #tpu.memory_space<vmem>> -> memref<1x80x128xf32, #tpu.memory_space<vmem>>
      %dma_start3A_776 = tpu.memref_squeeze %dma_start3A_775 : memref<1x80x128xf32, #tpu.memory_space<vmem>> -> memref<80x128xf32, #tpu.memory_space<vmem>>
      %dma_start3A_777 = arith.constant 0 : i32
      %dma_start3A_778 = tpu.memref_slice %arg6[%run_scoped3A_560, %dma_start3A_777] : memref<25x80xi32, #tpu.memory_space<vmem>> -> memref<1x80xi32, #tpu.memory_space<vmem>>
      %dma_start3A_779 = tpu.memref_squeeze %dma_start3A_778 : memref<1x80xi32, #tpu.memory_space<vmem>> -> memref<80xi32, #tpu.memory_space<vmem>>
      %dma_start3A_780 = arith.constant 0 : i32
      %dma_start3A_781 = arith.constant 0 : i32
      %dma_start3A_782 = tpu.memref_slice %arg12[%dma_start3A_780, %dma_start3A_781] : memref<10000x128xf32, #tpu.memory_space<vmem_shared>> -> memref<10000x128xf32, #tpu.memory_space<vmem_shared>>
      tpu.enqueue_indirect_dma source(%dma_start3A_776 : memref<80x128xf32, #tpu.memory_space<vmem>>) target(%dma_start3A_782 : memref<10000x128xf32, #tpu.memory_space<vmem_shared>>) offsets(%dma_start3A_779 : memref<80xi32, #tpu.memory_space<vmem>>) semaphore(%run_scoped3A_772 : memref<!tpu.dma_semaphore, #tpu.memory_space<semaphore_mem>>) {add = true}
      %dma_wait3A_783 = arith.constant 0 : i32
      %dma_wait3A_784 = arith.constant 0 : i32
      %dma_wait3A_785 = tpu.memref_slice %arg7[%run_scoped3A_559, %dma_wait3A_783, %dma_wait3A_784] : memref<3x80x128xf32, #tpu.memory_space<vmem>> -> memref<1x80x128xf32, #tpu.memory_space<vmem>>
      %dma_wait3A_786 = tpu.memref_squeeze %dma_wait3A_785 : memref<1x80x128xf32, #tpu.memory_space<vmem>> -> memref<80x128xf32, #tpu.memory_space<vmem>>
      %dma_wait3A_787 = arith.constant 0 : i32
      %dma_wait3A_788 = tpu.memref_slice %arg6[%run_scoped3A_560, %dma_wait3A_787] : memref<25x80xi32, #tpu.memory_space<vmem>> -> memref<1x80xi32, #tpu.memory_space<vmem>>
      %dma_wait3A_789 = tpu.memref_squeeze %dma_wait3A_788 : memref<1x80xi32, #tpu.memory_space<vmem>> -> memref<80xi32, #tpu.memory_space<vmem>>
      %dma_wait3A_790 = arith.constant 0 : i32
      %dma_wait3A_791 = arith.constant 0 : i32
      %dma_wait3A_792 = tpu.memref_slice %arg12[%dma_wait3A_790, %dma_wait3A_791] : memref<10000x128xf32, #tpu.memory_space<vmem_shared>> -> memref<10000x128xf32, #tpu.memory_space<vmem_shared>>
      tpu.wait_indirect_dma semaphore(%run_scoped3A_772 : memref<!tpu.dma_semaphore, #tpu.memory_space<semaphore_mem>>) src(%dma_wait3A_786 : memref<80x128xf32, #tpu.memory_space<vmem>>) dst(%dma_wait3A_792 : memref<10000x128xf32, #tpu.memory_space<vmem_shared>>)
      tpu.yield
    }) : () -> ()
    %dma_start3A_561 = arith.constant 1 : i32
    %dma_start3A_562 = arith.constant 24 : i32
    %dma_start3A_563 = arith.constant 0 : i32
    %dma_start3A_564 = arith.constant 0 : i32
    %dma_start3A_565 = arith.constant 0 : i32
    %dma_start3A_566 = tpu.memref_slice %arg7[%dma_start3A_563, %dma_start3A_564, %dma_start3A_565] : memref<3x80x128xf32, #tpu.memory_space<vmem>> -> memref<1x80x128xf32, #tpu.memory_space<vmem>>
    %dma_start3A_567 = tpu.memref_squeeze %dma_start3A_566 : memref<1x80x128xf32, #tpu.memory_space<vmem>> -> memref<80x128xf32, #tpu.memory_space<vmem>>
    %dma_start3A_568 = arith.constant 0 : i32
    %dma_start3A_569 = tpu.memref_slice %arg5[%dma_start3A_561, %dma_start3A_562, %dma_start3A_568] : memref<2x25x80xi32, #tpu.memory_space<vmem>> -> memref<1x1x80xi32, #tpu.memory_space<vmem>>
    %dma_start3A_570 = tpu.memref_squeeze %dma_start3A_569 : memref<1x1x80xi32, #tpu.memory_space<vmem>> -> memref<80xi32, #tpu.memory_space<vmem>>
    %dma_start3A_571 = arith.constant 0 : i32
    %dma_start3A_572 = arith.constant 0 : i32
    %dma_start3A_573 = tpu.memref_slice %arg2[%dma_start3A_571, %dma_start3A_572] : memref<10000x128xf32, #tpu.memory_space<hbm>> -> memref<10000x128xf32, #tpu.memory_space<hbm>>
    tpu.enqueue_indirect_dma source(%dma_start3A_573 : memref<10000x128xf32, #tpu.memory_space<hbm>>) target(%dma_start3A_567 : memref<80x128xf32, #tpu.memory_space<vmem>>) offsets(%dma_start3A_570 : memref<80xi32, #tpu.memory_space<vmem>>) semaphore(%arg8 : memref<!tpu.dma_semaphore, #tpu.memory_space<semaphore_mem>>)
    %dma_wait3A_574 = arith.constant 0 : i32
    %dma_wait3A_575 = arith.constant 4 : i32
    %dma_wait3A_576 = arith.constant 0 : i32
    %dma_wait3A_577 = arith.constant 0 : i32
    %dma_wait3A_578 = arith.constant 0 : i32
    %dma_wait3A_579 = tpu.memref_slice %arg5[%dma_wait3A_576, %dma_wait3A_577, %dma_wait3A_578] : memref<2x25x80xi32, #tpu.memory_space<vmem>> -> memref<1x25x80xi32, #tpu.memory_space<vmem>>
    %dma_wait3A_580 = tpu.memref_squeeze %dma_wait3A_579 : memref<1x25x80xi32, #tpu.memory_space<vmem>> -> memref<25x80xi32, #tpu.memory_space<vmem>>
    %dma_wait3A_581 = arith.constant 0 : i32
    %dma_wait3A_582 = arith.constant 0 : i32
    %dma_wait3A_583 = tpu.memref_slice %arg3[%dma_wait3A_574, %add3A, %dma_wait3A_575, %dma_wait3A_581, %dma_wait3A_582] : memref<2x32x5x25x80xi32, #tpu.memory_space<hbm>> -> memref<1x1x1x25x80xi32, #tpu.memory_space<hbm>>
    %dma_wait3A_584 = tpu.memref_squeeze %dma_wait3A_583 : memref<1x1x1x25x80xi32, #tpu.memory_space<hbm>> -> memref<25x80xi32, #tpu.memory_space<hbm>>
    %dma_wait3A_585 = arith.constant 0 : i32
    %dma_wait3A_586 = arith.constant 0 : i32
    %dma_wait3A_587 = tpu.memref_slice %arg5[%dma_wait3A_576, %dma_wait3A_585, %dma_wait3A_586] : memref<2x25x80xi32, #tpu.memory_space<vmem>> -> memref<1x25x80xi32, #tpu.memory_space<vmem>>
    %dma_wait3A_588 = tpu.memref_squeeze %dma_wait3A_587 : memref<1x25x80xi32, #tpu.memory_space<vmem>> -> memref<25x80xi32, #tpu.memory_space<vmem>>
    %dma_wait3A_589 = arith.constant 0 : i32
    %dma_wait3A_590 = arith.constant 0 : i32
    %dma_wait3A_591 = tpu.memref_slice %arg3[%dma_wait3A_574, %add3A, %dma_wait3A_575, %dma_wait3A_589, %dma_wait3A_590] : memref<2x32x5x25x80xi32, #tpu.memory_space<hbm>> -> memref<1x1x1x25x80xi32, #tpu.memory_space<hbm>>
    %dma_wait3A_592 = tpu.memref_squeeze %dma_wait3A_591 : memref<1x1x1x25x80xi32, #tpu.memory_space<hbm>> -> memref<25x80xi32, #tpu.memory_space<hbm>>
    tpu.wait_dma2 semaphore(%arg11 : memref<!tpu.dma_semaphore, #tpu.memory_space<semaphore_mem>>) src(%dma_wait3A_592 : memref<25x80xi32, #tpu.memory_space<hbm>>) dst(%dma_wait3A_588 : memref<25x80xi32, #tpu.memory_space<vmem>>)
    %dma_wait3A_593 = arith.constant 1 : i32
    %dma_wait3A_594 = arith.constant 22 : i32
    %dma_wait3A_595 = arith.constant 1 : i32
    %dma_wait3A_596 = arith.constant 0 : i32
    %dma_wait3A_597 = arith.constant 0 : i32
    %dma_wait3A_598 = tpu.memref_slice %arg7[%dma_wait3A_595, %dma_wait3A_596, %dma_wait3A_597] : memref<3x80x128xf32, #tpu.memory_space<vmem>> -> memref<1x80x128xf32, #tpu.memory_space<vmem>>
    %dma_wait3A_599 = tpu.memref_squeeze %dma_wait3A_598 : memref<1x80x128xf32, #tpu.memory_space<vmem>> -> memref<80x128xf32, #tpu.memory_space<vmem>>
    %dma_wait3A_600 = arith.constant 0 : i32
    %dma_wait3A_601 = tpu.memref_slice %arg5[%dma_wait3A_593, %dma_wait3A_594, %dma_wait3A_600] : memref<2x25x80xi32, #tpu.memory_space<vmem>> -> memref<1x1x80xi32, #tpu.memory_space<vmem>>
    %dma_wait3A_602 = tpu.memref_squeeze %dma_wait3A_601 : memref<1x1x80xi32, #tpu.memory_space<vmem>> -> memref<80xi32, #tpu.memory_space<vmem>>
    %dma_wait3A_603 = arith.constant 0 : i32
    %dma_wait3A_604 = arith.constant 0 : i32
    %dma_wait3A_605 = tpu.memref_slice %arg2[%dma_wait3A_603, %dma_wait3A_604] : memref<10000x128xf32, #tpu.memory_space<hbm>> -> memref<10000x128xf32, #tpu.memory_space<hbm>>
    tpu.wait_indirect_dma semaphore(%arg9 : memref<!tpu.dma_semaphore, #tpu.memory_space<semaphore_mem>>) src(%dma_wait3A_605 : memref<10000x128xf32, #tpu.memory_space<hbm>>) dst(%dma_wait3A_599 : memref<80x128xf32, #tpu.memory_space<vmem>>)
    %run_scoped3A_606 = arith.constant 1 : i32
    %run_scoped3A_607 = arith.constant 22 : i32
    "tpu.region"() ({
      %run_scoped3A_772 = tpu.sem_alloc : memref<!tpu.dma_semaphore, #tpu.memory_space<semaphore_mem>>
      %dma_start3A_773 = arith.constant 0 : i32
      %dma_start3A_774 = arith.constant 0 : i32
      %dma_start3A_775 = tpu.memref_slice %arg7[%run_scoped3A_606, %dma_start3A_773, %dma_start3A_774] : memref<3x80x128xf32, #tpu.memory_space<vmem>> -> memref<1x80x128xf32, #tpu.memory_space<vmem>>
      %dma_start3A_776 = tpu.memref_squeeze %dma_start3A_775 : memref<1x80x128xf32, #tpu.memory_space<vmem>> -> memref<80x128xf32, #tpu.memory_space<vmem>>
      %dma_start3A_777 = arith.constant 0 : i32
      %dma_start3A_778 = tpu.memref_slice %arg6[%run_scoped3A_607, %dma_start3A_777] : memref<25x80xi32, #tpu.memory_space<vmem>> -> memref<1x80xi32, #tpu.memory_space<vmem>>
      %dma_start3A_779 = tpu.memref_squeeze %dma_start3A_778 : memref<1x80xi32, #tpu.memory_space<vmem>> -> memref<80xi32, #tpu.memory_space<vmem>>
      %dma_start3A_780 = arith.constant 0 : i32
      %dma_start3A_781 = arith.constant 0 : i32
      %dma_start3A_782 = tpu.memref_slice %arg12[%dma_start3A_780, %dma_start3A_781] : memref<10000x128xf32, #tpu.memory_space<vmem_shared>> -> memref<10000x128xf32, #tpu.memory_space<vmem_shared>>
      tpu.enqueue_indirect_dma source(%dma_start3A_776 : memref<80x128xf32, #tpu.memory_space<vmem>>) target(%dma_start3A_782 : memref<10000x128xf32, #tpu.memory_space<vmem_shared>>) offsets(%dma_start3A_779 : memref<80xi32, #tpu.memory_space<vmem>>) semaphore(%run_scoped3A_772 : memref<!tpu.dma_semaphore, #tpu.memory_space<semaphore_mem>>) {add = true}
      %dma_wait3A_783 = arith.constant 0 : i32
      %dma_wait3A_784 = arith.constant 0 : i32
      %dma_wait3A_785 = tpu.memref_slice %arg7[%run_scoped3A_606, %dma_wait3A_783, %dma_wait3A_784] : memref<3x80x128xf32, #tpu.memory_space<vmem>> -> memref<1x80x128xf32, #tpu.memory_space<vmem>>
      %dma_wait3A_786 = tpu.memref_squeeze %dma_wait3A_785 : memref<1x80x128xf32, #tpu.memory_space<vmem>> -> memref<80x128xf32, #tpu.memory_space<vmem>>
      %dma_wait3A_787 = arith.constant 0 : i32
      %dma_wait3A_788 = tpu.memref_slice %arg6[%run_scoped3A_607, %dma_wait3A_787] : memref<25x80xi32, #tpu.memory_space<vmem>> -> memref<1x80xi32, #tpu.memory_space<vmem>>
      %dma_wait3A_789 = tpu.memref_squeeze %dma_wait3A_788 : memref<1x80xi32, #tpu.memory_space<vmem>> -> memref<80xi32, #tpu.memory_space<vmem>>
      %dma_wait3A_790 = arith.constant 0 : i32
      %dma_wait3A_791 = arith.constant 0 : i32
      %dma_wait3A_792 = tpu.memref_slice %arg12[%dma_wait3A_790, %dma_wait3A_791] : memref<10000x128xf32, #tpu.memory_space<vmem_shared>> -> memref<10000x128xf32, #tpu.memory_space<vmem_shared>>
      tpu.wait_indirect_dma semaphore(%run_scoped3A_772 : memref<!tpu.dma_semaphore, #tpu.memory_space<semaphore_mem>>) src(%dma_wait3A_786 : memref<80x128xf32, #tpu.memory_space<vmem>>) dst(%dma_wait3A_792 : memref<10000x128xf32, #tpu.memory_space<vmem_shared>>)
      tpu.yield
    }) : () -> ()
    %dma_start3A_608 = arith.constant 0 : i32
    %dma_start3A_609 = arith.constant 0 : i32
    %dma_start3A_610 = arith.constant 1 : i32
    %dma_start3A_611 = arith.constant 0 : i32
    %dma_start3A_612 = arith.constant 0 : i32
    %dma_start3A_613 = tpu.memref_slice %arg7[%dma_start3A_610, %dma_start3A_611, %dma_start3A_612] : memref<3x80x128xf32, #tpu.memory_space<vmem>> -> memref<1x80x128xf32, #tpu.memory_space<vmem>>
    %dma_start3A_614 = tpu.memref_squeeze %dma_start3A_613 : memref<1x80x128xf32, #tpu.memory_space<vmem>> -> memref<80x128xf32, #tpu.memory_space<vmem>>
    %dma_start3A_615 = arith.constant 0 : i32
    %dma_start3A_616 = tpu.memref_slice %arg5[%dma_start3A_608, %dma_start3A_609, %dma_start3A_615] : memref<2x25x80xi32, #tpu.memory_space<vmem>> -> memref<1x1x80xi32, #tpu.memory_space<vmem>>
    %dma_start3A_617 = tpu.memref_squeeze %dma_start3A_616 : memref<1x1x80xi32, #tpu.memory_space<vmem>> -> memref<80xi32, #tpu.memory_space<vmem>>
    %dma_start3A_618 = arith.constant 0 : i32
    %dma_start3A_619 = arith.constant 0 : i32
    %dma_start3A_620 = tpu.memref_slice %arg2[%dma_start3A_618, %dma_start3A_619] : memref<10000x128xf32, #tpu.memory_space<hbm>> -> memref<10000x128xf32, #tpu.memory_space<hbm>>
    tpu.enqueue_indirect_dma source(%dma_start3A_620 : memref<10000x128xf32, #tpu.memory_space<hbm>>) target(%dma_start3A_614 : memref<80x128xf32, #tpu.memory_space<vmem>>) offsets(%dma_start3A_617 : memref<80xi32, #tpu.memory_space<vmem>>) semaphore(%arg9 : memref<!tpu.dma_semaphore, #tpu.memory_space<semaphore_mem>>)
    %dma_wait3A_621 = arith.constant 1 : i32
    %dma_wait3A_622 = arith.constant 23 : i32
    %dma_wait3A_623 = arith.constant 2 : i32
    %dma_wait3A_624 = arith.constant 0 : i32
    %dma_wait3A_625 = arith.constant 0 : i32
    %dma_wait3A_626 = tpu.memref_slice %arg7[%dma_wait3A_623, %dma_wait3A_624, %dma_wait3A_625] : memref<3x80x128xf32, #tpu.memory_space<vmem>> -> memref<1x80x128xf32, #tpu.memory_space<vmem>>
    %dma_wait3A_627 = tpu.memref_squeeze %dma_wait3A_626 : memref<1x80x128xf32, #tpu.memory_space<vmem>> -> memref<80x128xf32, #tpu.memory_space<vmem>>
    %dma_wait3A_628 = arith.constant 0 : i32
    %dma_wait3A_629 = tpu.memref_slice %arg5[%dma_wait3A_621, %dma_wait3A_622, %dma_wait3A_628] : memref<2x25x80xi32, #tpu.memory_space<vmem>> -> memref<1x1x80xi32, #tpu.memory_space<vmem>>
    %dma_wait3A_630 = tpu.memref_squeeze %dma_wait3A_629 : memref<1x1x80xi32, #tpu.memory_space<vmem>> -> memref<80xi32, #tpu.memory_space<vmem>>
    %dma_wait3A_631 = arith.constant 0 : i32
    %dma_wait3A_632 = arith.constant 0 : i32
    %dma_wait3A_633 = tpu.memref_slice %arg2[%dma_wait3A_631, %dma_wait3A_632] : memref<10000x128xf32, #tpu.memory_space<hbm>> -> memref<10000x128xf32, #tpu.memory_space<hbm>>
    tpu.wait_indirect_dma semaphore(%arg10 : memref<!tpu.dma_semaphore, #tpu.memory_space<semaphore_mem>>) src(%dma_wait3A_633 : memref<10000x128xf32, #tpu.memory_space<hbm>>) dst(%dma_wait3A_627 : memref<80x128xf32, #tpu.memory_space<vmem>>)
    %run_scoped3A_634 = arith.constant 2 : i32
    %run_scoped3A_635 = arith.constant 23 : i32
    "tpu.region"() ({
      %run_scoped3A_772 = tpu.sem_alloc : memref<!tpu.dma_semaphore, #tpu.memory_space<semaphore_mem>>
      %dma_start3A_773 = arith.constant 0 : i32
      %dma_start3A_774 = arith.constant 0 : i32
      %dma_start3A_775 = tpu.memref_slice %arg7[%run_scoped3A_634, %dma_start3A_773, %dma_start3A_774] : memref<3x80x128xf32, #tpu.memory_space<vmem>> -> memref<1x80x128xf32, #tpu.memory_space<vmem>>
      %dma_start3A_776 = tpu.memref_squeeze %dma_start3A_775 : memref<1x80x128xf32, #tpu.memory_space<vmem>> -> memref<80x128xf32, #tpu.memory_space<vmem>>
      %dma_start3A_777 = arith.constant 0 : i32
      %dma_start3A_778 = tpu.memref_slice %arg6[%run_scoped3A_635, %dma_start3A_777] : memref<25x80xi32, #tpu.memory_space<vmem>> -> memref<1x80xi32, #tpu.memory_space<vmem>>
      %dma_start3A_779 = tpu.memref_squeeze %dma_start3A_778 : memref<1x80xi32, #tpu.memory_space<vmem>> -> memref<80xi32, #tpu.memory_space<vmem>>
      %dma_start3A_780 = arith.constant 0 : i32
      %dma_start3A_781 = arith.constant 0 : i32
      %dma_start3A_782 = tpu.memref_slice %arg12[%dma_start3A_780, %dma_start3A_781] : memref<10000x128xf32, #tpu.memory_space<vmem_shared>> -> memref<10000x128xf32, #tpu.memory_space<vmem_shared>>
      tpu.enqueue_indirect_dma source(%dma_start3A_776 : memref<80x128xf32, #tpu.memory_space<vmem>>) target(%dma_start3A_782 : memref<10000x128xf32, #tpu.memory_space<vmem_shared>>) offsets(%dma_start3A_779 : memref<80xi32, #tpu.memory_space<vmem>>) semaphore(%run_scoped3A_772 : memref<!tpu.dma_semaphore, #tpu.memory_space<semaphore_mem>>) {add = true}
      %dma_wait3A_783 = arith.constant 0 : i32
      %dma_wait3A_784 = arith.constant 0 : i32
      %dma_wait3A_785 = tpu.memref_slice %arg7[%run_scoped3A_634, %dma_wait3A_783, %dma_wait3A_784] : memref<3x80x128xf32, #tpu.memory_space<vmem>> -> memref<1x80x128xf32, #tpu.memory_space<vmem>>
      %dma_wait3A_786 = tpu.memref_squeeze %dma_wait3A_785 : memref<1x80x128xf32, #tpu.memory_space<vmem>> -> memref<80x128xf32, #tpu.memory_space<vmem>>
      %dma_wait3A_787 = arith.constant 0 : i32
      %dma_wait3A_788 = tpu.memref_slice %arg6[%run_scoped3A_635, %dma_wait3A_787] : memref<25x80xi32, #tpu.memory_space<vmem>> -> memref<1x80xi32, #tpu.memory_space<vmem>>
      %dma_wait3A_789 = tpu.memref_squeeze %dma_wait3A_788 : memref<1x80xi32, #tpu.memory_space<vmem>> -> memref<80xi32, #tpu.memory_space<vmem>>
      %dma_wait3A_790 = arith.constant 0 : i32
      %dma_wait3A_791 = arith.constant 0 : i32
      %dma_wait3A_792 = tpu.memref_slice %arg12[%dma_wait3A_790, %dma_wait3A_791] : memref<10000x128xf32, #tpu.memory_space<vmem_shared>> -> memref<10000x128xf32, #tpu.memory_space<vmem_shared>>
      tpu.wait_indirect_dma semaphore(%run_scoped3A_772 : memref<!tpu.dma_semaphore, #tpu.memory_space<semaphore_mem>>) src(%dma_wait3A_786 : memref<80x128xf32, #tpu.memory_space<vmem>>) dst(%dma_wait3A_792 : memref<10000x128xf32, #tpu.memory_space<vmem_shared>>)
      tpu.yield
    }) : () -> ()
    %dma_start3A_636 = arith.constant 0 : i32
    %dma_start3A_637 = arith.constant 1 : i32
    %dma_start3A_638 = arith.constant 2 : i32
    %dma_start3A_639 = arith.constant 0 : i32
    %dma_start3A_640 = arith.constant 0 : i32
    %dma_start3A_641 = tpu.memref_slice %arg7[%dma_start3A_638, %dma_start3A_639, %dma_start3A_640] : memref<3x80x128xf32, #tpu.memory_space<vmem>> -> memref<1x80x128xf32, #tpu.memory_space<vmem>>
    %dma_start3A_642 = tpu.memref_squeeze %dma_start3A_641 : memref<1x80x128xf32, #tpu.memory_space<vmem>> -> memref<80x128xf32, #tpu.memory_space<vmem>>
    %dma_start3A_643 = arith.constant 0 : i32
    %dma_start3A_644 = tpu.memref_slice %arg5[%dma_start3A_636, %dma_start3A_637, %dma_start3A_643] : memref<2x25x80xi32, #tpu.memory_space<vmem>> -> memref<1x1x80xi32, #tpu.memory_space<vmem>>
    %dma_start3A_645 = tpu.memref_squeeze %dma_start3A_644 : memref<1x1x80xi32, #tpu.memory_space<vmem>> -> memref<80xi32, #tpu.memory_space<vmem>>
    %dma_start3A_646 = arith.constant 0 : i32
    %dma_start3A_647 = arith.constant 0 : i32
    %dma_start3A_648 = tpu.memref_slice %arg2[%dma_start3A_646, %dma_start3A_647] : memref<10000x128xf32, #tpu.memory_space<hbm>> -> memref<10000x128xf32, #tpu.memory_space<hbm>>
    tpu.enqueue_indirect_dma source(%dma_start3A_648 : memref<10000x128xf32, #tpu.memory_space<hbm>>) target(%dma_start3A_642 : memref<80x128xf32, #tpu.memory_space<vmem>>) offsets(%dma_start3A_645 : memref<80xi32, #tpu.memory_space<vmem>>) semaphore(%arg10 : memref<!tpu.dma_semaphore, #tpu.memory_space<semaphore_mem>>)
    %dma_wait3A_649 = arith.constant 1 : i32
    %dma_wait3A_650 = arith.constant 24 : i32
    %dma_wait3A_651 = arith.constant 0 : i32
    %dma_wait3A_652 = arith.constant 0 : i32
    %dma_wait3A_653 = arith.constant 0 : i32
    %dma_wait3A_654 = tpu.memref_slice %arg7[%dma_wait3A_651, %dma_wait3A_652, %dma_wait3A_653] : memref<3x80x128xf32, #tpu.memory_space<vmem>> -> memref<1x80x128xf32, #tpu.memory_space<vmem>>
    %dma_wait3A_655 = tpu.memref_squeeze %dma_wait3A_654 : memref<1x80x128xf32, #tpu.memory_space<vmem>> -> memref<80x128xf32, #tpu.memory_space<vmem>>
    %dma_wait3A_656 = arith.constant 0 : i32
    %dma_wait3A_657 = tpu.memref_slice %arg5[%dma_wait3A_649, %dma_wait3A_650, %dma_wait3A_656] : memref<2x25x80xi32, #tpu.memory_space<vmem>> -> memref<1x1x80xi32, #tpu.memory_space<vmem>>
    %dma_wait3A_658 = tpu.memref_squeeze %dma_wait3A_657 : memref<1x1x80xi32, #tpu.memory_space<vmem>> -> memref<80xi32, #tpu.memory_space<vmem>>
    %dma_wait3A_659 = arith.constant 0 : i32
    %dma_wait3A_660 = arith.constant 0 : i32
    %dma_wait3A_661 = tpu.memref_slice %arg2[%dma_wait3A_659, %dma_wait3A_660] : memref<10000x128xf32, #tpu.memory_space<hbm>> -> memref<10000x128xf32, #tpu.memory_space<hbm>>
    tpu.wait_indirect_dma semaphore(%arg8 : memref<!tpu.dma_semaphore, #tpu.memory_space<semaphore_mem>>) src(%dma_wait3A_661 : memref<10000x128xf32, #tpu.memory_space<hbm>>) dst(%dma_wait3A_655 : memref<80x128xf32, #tpu.memory_space<vmem>>)
    %run_scoped3A_662 = arith.constant 0 : i32
    %run_scoped3A_663 = arith.constant 24 : i32
    "tpu.region"() ({
      %run_scoped3A_772 = tpu.sem_alloc : memref<!tpu.dma_semaphore, #tpu.memory_space<semaphore_mem>>
      %dma_start3A_773 = arith.constant 0 : i32
      %dma_start3A_774 = arith.constant 0 : i32
      %dma_start3A_775 = tpu.memref_slice %arg7[%run_scoped3A_662, %dma_start3A_773, %dma_start3A_774] : memref<3x80x128xf32, #tpu.memory_space<vmem>> -> memref<1x80x128xf32, #tpu.memory_space<vmem>>
      %dma_start3A_776 = tpu.memref_squeeze %dma_start3A_775 : memref<1x80x128xf32, #tpu.memory_space<vmem>> -> memref<80x128xf32, #tpu.memory_space<vmem>>
      %dma_start3A_777 = arith.constant 0 : i32
      %dma_start3A_778 = tpu.memref_slice %arg6[%run_scoped3A_663, %dma_start3A_777] : memref<25x80xi32, #tpu.memory_space<vmem>> -> memref<1x80xi32, #tpu.memory_space<vmem>>
      %dma_start3A_779 = tpu.memref_squeeze %dma_start3A_778 : memref<1x80xi32, #tpu.memory_space<vmem>> -> memref<80xi32, #tpu.memory_space<vmem>>
      %dma_start3A_780 = arith.constant 0 : i32
      %dma_start3A_781 = arith.constant 0 : i32
      %dma_start3A_782 = tpu.memref_slice %arg12[%dma_start3A_780, %dma_start3A_781] : memref<10000x128xf32, #tpu.memory_space<vmem_shared>> -> memref<10000x128xf32, #tpu.memory_space<vmem_shared>>
      tpu.enqueue_indirect_dma source(%dma_start3A_776 : memref<80x128xf32, #tpu.memory_space<vmem>>) target(%dma_start3A_782 : memref<10000x128xf32, #tpu.memory_space<vmem_shared>>) offsets(%dma_start3A_779 : memref<80xi32, #tpu.memory_space<vmem>>) semaphore(%run_scoped3A_772 : memref<!tpu.dma_semaphore, #tpu.memory_space<semaphore_mem>>) {add = true}
      %dma_wait3A_783 = arith.constant 0 : i32
      %dma_wait3A_784 = arith.constant 0 : i32
      %dma_wait3A_785 = tpu.memref_slice %arg7[%run_scoped3A_662, %dma_wait3A_783, %dma_wait3A_784] : memref<3x80x128xf32, #tpu.memory_space<vmem>> -> memref<1x80x128xf32, #tpu.memory_space<vmem>>
      %dma_wait3A_786 = tpu.memref_squeeze %dma_wait3A_785 : memref<1x80x128xf32, #tpu.memory_space<vmem>> -> memref<80x128xf32, #tpu.memory_space<vmem>>
      %dma_wait3A_787 = arith.constant 0 : i32
      %dma_wait3A_788 = tpu.memref_slice %arg6[%run_scoped3A_663, %dma_wait3A_787] : memref<25x80xi32, #tpu.memory_space<vmem>> -> memref<1x80xi32, #tpu.memory_space<vmem>>
      %dma_wait3A_789 = tpu.memref_squeeze %dma_wait3A_788 : memref<1x80xi32, #tpu.memory_space<vmem>> -> memref<80xi32, #tpu.memory_space<vmem>>
      %dma_wait3A_790 = arith.constant 0 : i32
      %dma_wait3A_791 = arith.constant 0 : i32
      %dma_wait3A_792 = tpu.memref_slice %arg12[%dma_wait3A_790, %dma_wait3A_791] : memref<10000x128xf32, #tpu.memory_space<vmem_shared>> -> memref<10000x128xf32, #tpu.memory_space<vmem_shared>>
      tpu.wait_indirect_dma semaphore(%run_scoped3A_772 : memref<!tpu.dma_semaphore, #tpu.memory_space<semaphore_mem>>) src(%dma_wait3A_786 : memref<80x128xf32, #tpu.memory_space<vmem>>) dst(%dma_wait3A_792 : memref<10000x128xf32, #tpu.memory_space<vmem_shared>>)
      tpu.yield
    }) : () -> ()
    %dma_start3A_664 = arith.constant 0 : i32
    %dma_start3A_665 = arith.constant 2 : i32
    %dma_start3A_666 = arith.constant 0 : i32
    %dma_start3A_667 = arith.constant 0 : i32
    %dma_start3A_668 = arith.constant 0 : i32
    %dma_start3A_669 = tpu.memref_slice %arg7[%dma_start3A_666, %dma_start3A_667, %dma_start3A_668] : memref<3x80x128xf32, #tpu.memory_space<vmem>> -> memref<1x80x128xf32, #tpu.memory_space<vmem>>
    %dma_start3A_670 = tpu.memref_squeeze %dma_start3A_669 : memref<1x80x128xf32, #tpu.memory_space<vmem>> -> memref<80x128xf32, #tpu.memory_space<vmem>>
    %dma_start3A_671 = arith.constant 0 : i32
    %dma_start3A_672 = tpu.memref_slice %arg5[%dma_start3A_664, %dma_start3A_665, %dma_start3A_671] : memref<2x25x80xi32, #tpu.memory_space<vmem>> -> memref<1x1x80xi32, #tpu.memory_space<vmem>>
    %dma_start3A_673 = tpu.memref_squeeze %dma_start3A_672 : memref<1x1x80xi32, #tpu.memory_space<vmem>> -> memref<80xi32, #tpu.memory_space<vmem>>
    %dma_start3A_674 = arith.constant 0 : i32
    %dma_start3A_675 = arith.constant 0 : i32
    %dma_start3A_676 = tpu.memref_slice %arg2[%dma_start3A_674, %dma_start3A_675] : memref<10000x128xf32, #tpu.memory_space<hbm>> -> memref<10000x128xf32, #tpu.memory_space<hbm>>
    tpu.enqueue_indirect_dma source(%dma_start3A_676 : memref<10000x128xf32, #tpu.memory_space<hbm>>) target(%dma_start3A_670 : memref<80x128xf32, #tpu.memory_space<vmem>>) offsets(%dma_start3A_673 : memref<80xi32, #tpu.memory_space<vmem>>) semaphore(%arg8 : memref<!tpu.dma_semaphore, #tpu.memory_space<semaphore_mem>>)
    %run_scoped3A_677 = arith.constant 1 : i32
    %run_scoped3A_678 = arith.constant 4 : i32
    "tpu.region"() ({
      %run_scoped3A_772 = tpu.sem_alloc : memref<!tpu.dma_semaphore, #tpu.memory_space<semaphore_mem>>
      %dma_start3A_773 = arith.constant 0 : i32
      %dma_start3A_774 = arith.constant 0 : i32
      %dma_start3A_775 = tpu.memref_slice %arg3[%run_scoped3A_677, %add3A, %run_scoped3A_678, %dma_start3A_773, %dma_start3A_774] : memref<2x32x5x25x80xi32, #tpu.memory_space<hbm>> -> memref<1x1x1x25x80xi32, #tpu.memory_space<hbm>>
      %dma_start3A_776 = tpu.memref_squeeze %dma_start3A_775 : memref<1x1x1x25x80xi32, #tpu.memory_space<hbm>> -> memref<25x80xi32, #tpu.memory_space<hbm>>
      %dma_start3A_777 = arith.constant 0 : i32
      %dma_start3A_778 = arith.constant 0 : i32
      %dma_start3A_779 = tpu.memref_slice %arg3[%run_scoped3A_677, %add3A, %run_scoped3A_678, %dma_start3A_777, %dma_start3A_778] : memref<2x32x5x25x80xi32, #tpu.memory_space<hbm>> -> memref<1x1x1x25x80xi32, #tpu.memory_space<hbm>>
      %dma_start3A_780 = tpu.memref_squeeze %dma_start3A_779 : memref<1x1x1x25x80xi32, #tpu.memory_space<hbm>> -> memref<25x80xi32, #tpu.memory_space<hbm>>
      tpu.enqueue_dma source(%dma_start3A_780 : memref<25x80xi32, #tpu.memory_space<hbm>>) target(%arg6 : memref<25x80xi32, #tpu.memory_space<vmem>>) target_semaphore(%run_scoped3A_772 : memref<!tpu.dma_semaphore, #tpu.memory_space<semaphore_mem>>)
      %dma_wait3A_781 = arith.constant 0 : i32
      %dma_wait3A_782 = arith.constant 0 : i32
      %dma_wait3A_783 = tpu.memref_slice %arg3[%run_scoped3A_677, %add3A, %run_scoped3A_678, %dma_wait3A_781, %dma_wait3A_782] : memref<2x32x5x25x80xi32, #tpu.memory_space<hbm>> -> memref<1x1x1x25x80xi32, #tpu.memory_space<hbm>>
      %dma_wait3A_784 = tpu.memref_squeeze %dma_wait3A_783 : memref<1x1x1x25x80xi32, #tpu.memory_space<hbm>> -> memref<25x80xi32, #tpu.memory_space<hbm>>
      %dma_wait3A_785 = arith.constant 0 : i32
      %dma_wait3A_786 = arith.constant 0 : i32
      %dma_wait3A_787 = tpu.memref_slice %arg3[%run_scoped3A_677, %add3A, %run_scoped3A_678, %dma_wait3A_785, %dma_wait3A_786] : memref<2x32x5x25x80xi32, #tpu.memory_space<hbm>> -> memref<1x1x1x25x80xi32, #tpu.memory_space<hbm>>
      %dma_wait3A_788 = tpu.memref_squeeze %dma_wait3A_787 : memref<1x1x1x25x80xi32, #tpu.memory_space<hbm>> -> memref<25x80xi32, #tpu.memory_space<hbm>>
      tpu.wait_dma2 semaphore(%run_scoped3A_772 : memref<!tpu.dma_semaphore, #tpu.memory_space<semaphore_mem>>) src(%dma_wait3A_788 : memref<25x80xi32, #tpu.memory_space<hbm>>) dst(%arg6 : memref<25x80xi32, #tpu.memory_space<vmem>>)
      tpu.yield
    }) : () -> ()
    %scan3A_679 = arith.constant 0 : i32
    %scan3A_680 = arith.constant 0 : i32
    %scan3A_681 = arith.constant 7 : i32
    %scan3A_682 = arith.addi %scan3A_680, %scan3A_681 : i32
    %scan3A_683 = arith.constant 1 : i32
    scf.for %scan3A_772 = %scan3A_680 to %scan3A_682 step %scan3A_683  : i32 {
      %mul3A_773 = arith.constant 3 : i32
      %mul3A_774 = arith.muli %mul3A_773, %scan3A_772 : i32
      %add3A_775 = arith.constant 0 : i32
      %add3A_776 = arith.addi %mul3A_774, %add3A_775 : i32
      %dma_wait3A_777 = arith.constant 0 : i32
      %dma_wait3A_778 = arith.constant 1 : i32
      %dma_wait3A_779 = arith.constant 0 : i32
      %dma_wait3A_780 = arith.constant 0 : i32
      %dma_wait3A_781 = tpu.memref_slice %arg7[%dma_wait3A_778, %dma_wait3A_779, %dma_wait3A_780] : memref<3x80x128xf32, #tpu.memory_space<vmem>> -> memref<1x80x128xf32, #tpu.memory_space<vmem>>
      %dma_wait3A_782 = tpu.memref_squeeze %dma_wait3A_781 : memref<1x80x128xf32, #tpu.memory_space<vmem>> -> memref<80x128xf32, #tpu.memory_space<vmem>>
      %dma_wait3A_783 = arith.constant 0 : i32
      %dma_wait3A_784 = tpu.memref_slice %arg5[%dma_wait3A_777, %add3A_776, %dma_wait3A_783] : memref<2x25x80xi32, #tpu.memory_space<vmem>> -> memref<1x1x80xi32, #tpu.memory_space<vmem>>
      %dma_wait3A_785 = tpu.memref_squeeze %dma_wait3A_784 : memref<1x1x80xi32, #tpu.memory_space<vmem>> -> memref<80xi32, #tpu.memory_space<vmem>>
      %dma_wait3A_786 = arith.constant 0 : i32
      %dma_wait3A_787 = arith.constant 0 : i32
      %dma_wait3A_788 = tpu.memref_slice %arg2[%dma_wait3A_786, %dma_wait3A_787] : memref<10000x128xf32, #tpu.memory_space<hbm>> -> memref<10000x128xf32, #tpu.memory_space<hbm>>
      tpu.wait_indirect_dma semaphore(%arg9 : memref<!tpu.dma_semaphore, #tpu.memory_space<semaphore_mem>>) src(%dma_wait3A_788 : memref<10000x128xf32, #tpu.memory_space<hbm>>) dst(%dma_wait3A_782 : memref<80x128xf32, #tpu.memory_space<vmem>>)
      %add3A_789 = arith.constant 0 : i32
      %add3A_790 = arith.addi %mul3A_774, %add3A_789 : i32
      %run_scoped3A_791 = arith.constant 1 : i32
      "tpu.region"() ({
        %run_scoped3A_874 = tpu.sem_alloc : memref<!tpu.dma_semaphore, #tpu.memory_space<semaphore_mem>>
        %dma_start3A_875 = arith.constant 0 : i32
        %dma_start3A_876 = arith.constant 0 : i32
        %dma_start3A_877 = tpu.memref_slice %arg7[%run_scoped3A_791, %dma_start3A_875, %dma_start3A_876] : memref<3x80x128xf32, #tpu.memory_space<vmem>> -> memref<1x80x128xf32, #tpu.memory_space<vmem>>
        %dma_start3A_878 = tpu.memref_squeeze %dma_start3A_877 : memref<1x80x128xf32, #tpu.memory_space<vmem>> -> memref<80x128xf32, #tpu.memory_space<vmem>>
        %dma_start3A_879 = arith.constant 0 : i32
        %dma_start3A_880 = tpu.memref_slice %arg6[%add3A_790, %dma_start3A_879] : memref<25x80xi32, #tpu.memory_space<vmem>> -> memref<1x80xi32, #tpu.memory_space<vmem>>
        %dma_start3A_881 = tpu.memref_squeeze %dma_start3A_880 : memref<1x80xi32, #tpu.memory_space<vmem>> -> memref<80xi32, #tpu.memory_space<vmem>>
        %dma_start3A_882 = arith.constant 0 : i32
        %dma_start3A_883 = arith.constant 0 : i32
        %dma_start3A_884 = tpu.memref_slice %arg12[%dma_start3A_882, %dma_start3A_883] : memref<10000x128xf32, #tpu.memory_space<vmem_shared>> -> memref<10000x128xf32, #tpu.memory_space<vmem_shared>>
        tpu.enqueue_indirect_dma source(%dma_start3A_878 : memref<80x128xf32, #tpu.memory_space<vmem>>) target(%dma_start3A_884 : memref<10000x128xf32, #tpu.memory_space<vmem_shared>>) offsets(%dma_start3A_881 : memref<80xi32, #tpu.memory_space<vmem>>) semaphore(%run_scoped3A_874 : memref<!tpu.dma_semaphore, #tpu.memory_space<semaphore_mem>>) {add = true}
        %dma_wait3A_885 = arith.constant 0 : i32
        %dma_wait3A_886 = arith.constant 0 : i32
        %dma_wait3A_887 = tpu.memref_slice %arg7[%run_scoped3A_791, %dma_wait3A_885, %dma_wait3A_886] : memref<3x80x128xf32, #tpu.memory_space<vmem>> -> memref<1x80x128xf32, #tpu.memory_space<vmem>>
        %dma_wait3A_888 = tpu.memref_squeeze %dma_wait3A_887 : memref<1x80x128xf32, #tpu.memory_space<vmem>> -> memref<80x128xf32, #tpu.memory_space<vmem>>
        %dma_wait3A_889 = arith.constant 0 : i32
        %dma_wait3A_890 = tpu.memref_slice %arg6[%add3A_790, %dma_wait3A_889] : memref<25x80xi32, #tpu.memory_space<vmem>> -> memref<1x80xi32, #tpu.memory_space<vmem>>
        %dma_wait3A_891 = tpu.memref_squeeze %dma_wait3A_890 : memref<1x80xi32, #tpu.memory_space<vmem>> -> memref<80xi32, #tpu.memory_space<vmem>>
        %dma_wait3A_892 = arith.constant 0 : i32
        %dma_wait3A_893 = arith.constant 0 : i32
        %dma_wait3A_894 = tpu.memref_slice %arg12[%dma_wait3A_892, %dma_wait3A_893] : memref<10000x128xf32, #tpu.memory_space<vmem_shared>> -> memref<10000x128xf32, #tpu.memory_space<vmem_shared>>
        tpu.wait_indirect_dma semaphore(%run_scoped3A_874 : memref<!tpu.dma_semaphore, #tpu.memory_space<semaphore_mem>>) src(%dma_wait3A_888 : memref<80x128xf32, #tpu.memory_space<vmem>>) dst(%dma_wait3A_894 : memref<10000x128xf32, #tpu.memory_space<vmem_shared>>)
        tpu.yield
      }) : () -> ()
      %add3A_792 = arith.constant 3 : i32
      %add3A_793 = arith.addi %mul3A_774, %add3A_792 : i32
      %add3A_794 = arith.constant 0 : i32
      %add3A_795 = arith.addi %add3A_793, %add3A_794 : i32
      %dma_start3A_796 = arith.constant 0 : i32
      %dma_start3A_797 = arith.constant 1 : i32
      %dma_start3A_798 = arith.constant 0 : i32
      %dma_start3A_799 = arith.constant 0 : i32
      %dma_start3A_800 = tpu.memref_slice %arg7[%dma_start3A_797, %dma_start3A_798, %dma_start3A_799] : memref<3x80x128xf32, #tpu.memory_space<vmem>> -> memref<1x80x128xf32, #tpu.memory_space<vmem>>
      %dma_start3A_801 = tpu.memref_squeeze %dma_start3A_800 : memref<1x80x128xf32, #tpu.memory_space<vmem>> -> memref<80x128xf32, #tpu.memory_space<vmem>>
      %dma_start3A_802 = arith.constant 0 : i32
      %dma_start3A_803 = tpu.memref_slice %arg5[%dma_start3A_796, %add3A_795, %dma_start3A_802] : memref<2x25x80xi32, #tpu.memory_space<vmem>> -> memref<1x1x80xi32, #tpu.memory_space<vmem>>
      %dma_start3A_804 = tpu.memref_squeeze %dma_start3A_803 : memref<1x1x80xi32, #tpu.memory_space<vmem>> -> memref<80xi32, #tpu.memory_space<vmem>>
      %dma_start3A_805 = arith.constant 0 : i32
      %dma_start3A_806 = arith.constant 0 : i32
      %dma_start3A_807 = tpu.memref_slice %arg2[%dma_start3A_805, %dma_start3A_806] : memref<10000x128xf32, #tpu.memory_space<hbm>> -> memref<10000x128xf32, #tpu.memory_space<hbm>>
      tpu.enqueue_indirect_dma source(%dma_start3A_807 : memref<10000x128xf32, #tpu.memory_space<hbm>>) target(%dma_start3A_801 : memref<80x128xf32, #tpu.memory_space<vmem>>) offsets(%dma_start3A_804 : memref<80xi32, #tpu.memory_space<vmem>>) semaphore(%arg9 : memref<!tpu.dma_semaphore, #tpu.memory_space<semaphore_mem>>)
      %add3A_808 = arith.constant 1 : i32
      %add3A_809 = arith.addi %mul3A_774, %add3A_808 : i32
      %dma_wait3A_810 = arith.constant 0 : i32
      %dma_wait3A_811 = arith.constant 2 : i32
      %dma_wait3A_812 = arith.constant 0 : i32
      %dma_wait3A_813 = arith.constant 0 : i32
      %dma_wait3A_814 = tpu.memref_slice %arg7[%dma_wait3A_811, %dma_wait3A_812, %dma_wait3A_813] : memref<3x80x128xf32, #tpu.memory_space<vmem>> -> memref<1x80x128xf32, #tpu.memory_space<vmem>>
      %dma_wait3A_815 = tpu.memref_squeeze %dma_wait3A_814 : memref<1x80x128xf32, #tpu.memory_space<vmem>> -> memref<80x128xf32, #tpu.memory_space<vmem>>
      %dma_wait3A_816 = arith.constant 0 : i32
      %dma_wait3A_817 = tpu.memref_slice %arg5[%dma_wait3A_810, %add3A_809, %dma_wait3A_816] : memref<2x25x80xi32, #tpu.memory_space<vmem>> -> memref<1x1x80xi32, #tpu.memory_space<vmem>>
      %dma_wait3A_818 = tpu.memref_squeeze %dma_wait3A_817 : memref<1x1x80xi32, #tpu.memory_space<vmem>> -> memref<80xi32, #tpu.memory_space<vmem>>
      %dma_wait3A_819 = arith.constant 0 : i32
      %dma_wait3A_820 = arith.constant 0 : i32
      %dma_wait3A_821 = tpu.memref_slice %arg2[%dma_wait3A_819, %dma_wait3A_820] : memref<10000x128xf32, #tpu.memory_space<hbm>> -> memref<10000x128xf32, #tpu.memory_space<hbm>>
      tpu.wait_indirect_dma semaphore(%arg10 : memref<!tpu.dma_semaphore, #tpu.memory_space<semaphore_mem>>) src(%dma_wait3A_821 : memref<10000x128xf32, #tpu.memory_space<hbm>>) dst(%dma_wait3A_815 : memref<80x128xf32, #tpu.memory_space<vmem>>)
      %add3A_822 = arith.constant 1 : i32
      %add3A_823 = arith.addi %mul3A_774, %add3A_822 : i32
      %run_scoped3A_824 = arith.constant 2 : i32
      "tpu.region"() ({
        %run_scoped3A_874 = tpu.sem_alloc : memref<!tpu.dma_semaphore, #tpu.memory_space<semaphore_mem>>
        %dma_start3A_875 = arith.constant 0 : i32
        %dma_start3A_876 = arith.constant 0 : i32
        %dma_start3A_877 = tpu.memref_slice %arg7[%run_scoped3A_824, %dma_start3A_875, %dma_start3A_876] : memref<3x80x128xf32, #tpu.memory_space<vmem>> -> memref<1x80x128xf32, #tpu.memory_space<vmem>>
        %dma_start3A_878 = tpu.memref_squeeze %dma_start3A_877 : memref<1x80x128xf32, #tpu.memory_space<vmem>> -> memref<80x128xf32, #tpu.memory_space<vmem>>
        %dma_start3A_879 = arith.constant 0 : i32
        %dma_start3A_880 = tpu.memref_slice %arg6[%add3A_823, %dma_start3A_879] : memref<25x80xi32, #tpu.memory_space<vmem>> -> memref<1x80xi32, #tpu.memory_space<vmem>>
        %dma_start3A_881 = tpu.memref_squeeze %dma_start3A_880 : memref<1x80xi32, #tpu.memory_space<vmem>> -> memref<80xi32, #tpu.memory_space<vmem>>
        %dma_start3A_882 = arith.constant 0 : i32
        %dma_start3A_883 = arith.constant 0 : i32
        %dma_start3A_884 = tpu.memref_slice %arg12[%dma_start3A_882, %dma_start3A_883] : memref<10000x128xf32, #tpu.memory_space<vmem_shared>> -> memref<10000x128xf32, #tpu.memory_space<vmem_shared>>
        tpu.enqueue_indirect_dma source(%dma_start3A_878 : memref<80x128xf32, #tpu.memory_space<vmem>>) target(%dma_start3A_884 : memref<10000x128xf32, #tpu.memory_space<vmem_shared>>) offsets(%dma_start3A_881 : memref<80xi32, #tpu.memory_space<vmem>>) semaphore(%run_scoped3A_874 : memref<!tpu.dma_semaphore, #tpu.memory_space<semaphore_mem>>) {add = true}
        %dma_wait3A_885 = arith.constant 0 : i32
        %dma_wait3A_886 = arith.constant 0 : i32
        %dma_wait3A_887 = tpu.memref_slice %arg7[%run_scoped3A_824, %dma_wait3A_885, %dma_wait3A_886] : memref<3x80x128xf32, #tpu.memory_space<vmem>> -> memref<1x80x128xf32, #tpu.memory_space<vmem>>
        %dma_wait3A_888 = tpu.memref_squeeze %dma_wait3A_887 : memref<1x80x128xf32, #tpu.memory_space<vmem>> -> memref<80x128xf32, #tpu.memory_space<vmem>>
        %dma_wait3A_889 = arith.constant 0 : i32
        %dma_wait3A_890 = tpu.memref_slice %arg6[%add3A_823, %dma_wait3A_889] : memref<25x80xi32, #tpu.memory_space<vmem>> -> memref<1x80xi32, #tpu.memory_space<vmem>>
        %dma_wait3A_891 = tpu.memref_squeeze %dma_wait3A_890 : memref<1x80xi32, #tpu.memory_space<vmem>> -> memref<80xi32, #tpu.memory_space<vmem>>
        %dma_wait3A_892 = arith.constant 0 : i32
        %dma_wait3A_893 = arith.constant 0 : i32
        %dma_wait3A_894 = tpu.memref_slice %arg12[%dma_wait3A_892, %dma_wait3A_893] : memref<10000x128xf32, #tpu.memory_space<vmem_shared>> -> memref<10000x128xf32, #tpu.memory_space<vmem_shared>>
        tpu.wait_indirect_dma semaphore(%run_scoped3A_874 : memref<!tpu.dma_semaphore, #tpu.memory_space<semaphore_mem>>) src(%dma_wait3A_888 : memref<80x128xf32, #tpu.memory_space<vmem>>) dst(%dma_wait3A_894 : memref<10000x128xf32, #tpu.memory_space<vmem_shared>>)
        tpu.yield
      }) : () -> ()
      %add3A_825 = arith.constant 3 : i32
      %add3A_826 = arith.addi %mul3A_774, %add3A_825 : i32
      %add3A_827 = arith.constant 1 : i32
      %add3A_828 = arith.addi %add3A_826, %add3A_827 : i32
      %dma_start3A_829 = arith.constant 0 : i32
      %dma_start3A_830 = arith.constant 2 : i32
      %dma_start3A_831 = arith.constant 0 : i32
      %dma_start3A_832 = arith.constant 0 : i32
      %dma_start3A_833 = tpu.memref_slice %arg7[%dma_start3A_830, %dma_start3A_831, %dma_start3A_832] : memref<3x80x128xf32, #tpu.memory_space<vmem>> -> memref<1x80x128xf32, #tpu.memory_space<vmem>>
      %dma_start3A_834 = tpu.memref_squeeze %dma_start3A_833 : memref<1x80x128xf32, #tpu.memory_space<vmem>> -> memref<80x128xf32, #tpu.memory_space<vmem>>
      %dma_start3A_835 = arith.constant 0 : i32
      %dma_start3A_836 = tpu.memref_slice %arg5[%dma_start3A_829, %add3A_828, %dma_start3A_835] : memref<2x25x80xi32, #tpu.memory_space<vmem>> -> memref<1x1x80xi32, #tpu.memory_space<vmem>>
      %dma_start3A_837 = tpu.memref_squeeze %dma_start3A_836 : memref<1x1x80xi32, #tpu.memory_space<vmem>> -> memref<80xi32, #tpu.memory_space<vmem>>
      %dma_start3A_838 = arith.constant 0 : i32
      %dma_start3A_839 = arith.constant 0 : i32
      %dma_start3A_840 = tpu.memref_slice %arg2[%dma_start3A_838, %dma_start3A_839] : memref<10000x128xf32, #tpu.memory_space<hbm>> -> memref<10000x128xf32, #tpu.memory_space<hbm>>
      tpu.enqueue_indirect_dma source(%dma_start3A_840 : memref<10000x128xf32, #tpu.memory_space<hbm>>) target(%dma_start3A_834 : memref<80x128xf32, #tpu.memory_space<vmem>>) offsets(%dma_start3A_837 : memref<80xi32, #tpu.memory_space<vmem>>) semaphore(%arg10 : memref<!tpu.dma_semaphore, #tpu.memory_space<semaphore_mem>>)
      %add3A_841 = arith.constant 2 : i32
      %add3A_842 = arith.addi %mul3A_774, %add3A_841 : i32
      %dma_wait3A_843 = arith.constant 0 : i32
      %dma_wait3A_844 = arith.constant 0 : i32
      %dma_wait3A_845 = arith.constant 0 : i32
      %dma_wait3A_846 = arith.constant 0 : i32
      %dma_wait3A_847 = tpu.memref_slice %arg7[%dma_wait3A_844, %dma_wait3A_845, %dma_wait3A_846] : memref<3x80x128xf32, #tpu.memory_space<vmem>> -> memref<1x80x128xf32, #tpu.memory_space<vmem>>
      %dma_wait3A_848 = tpu.memref_squeeze %dma_wait3A_847 : memref<1x80x128xf32, #tpu.memory_space<vmem>> -> memref<80x128xf32, #tpu.memory_space<vmem>>
      %dma_wait3A_849 = arith.constant 0 : i32
      %dma_wait3A_850 = tpu.memref_slice %arg5[%dma_wait3A_843, %add3A_842, %dma_wait3A_849] : memref<2x25x80xi32, #tpu.memory_space<vmem>> -> memref<1x1x80xi32, #tpu.memory_space<vmem>>
      %dma_wait3A_851 = tpu.memref_squeeze %dma_wait3A_850 : memref<1x1x80xi32, #tpu.memory_space<vmem>> -> memref<80xi32, #tpu.memory_space<vmem>>
      %dma_wait3A_852 = arith.constant 0 : i32
      %dma_wait3A_853 = arith.constant 0 : i32
      %dma_wait3A_854 = tpu.memref_slice %arg2[%dma_wait3A_852, %dma_wait3A_853] : memref<10000x128xf32, #tpu.memory_space<hbm>> -> memref<10000x128xf32, #tpu.memory_space<hbm>>
      tpu.wait_indirect_dma semaphore(%arg8 : memref<!tpu.dma_semaphore, #tpu.memory_space<semaphore_mem>>) src(%dma_wait3A_854 : memref<10000x128xf32, #tpu.memory_space<hbm>>) dst(%dma_wait3A_848 : memref<80x128xf32, #tpu.memory_space<vmem>>)
      %add3A_855 = arith.constant 2 : i32
      %add3A_856 = arith.addi %mul3A_774, %add3A_855 : i32
      %run_scoped3A_857 = arith.constant 0 : i32
      "tpu.region"() ({
        %run_scoped3A_874 = tpu.sem_alloc : memref<!tpu.dma_semaphore, #tpu.memory_space<semaphore_mem>>
        %dma_start3A_875 = arith.constant 0 : i32
        %dma_start3A_876 = arith.constant 0 : i32
        %dma_start3A_877 = tpu.memref_slice %arg7[%run_scoped3A_857, %dma_start3A_875, %dma_start3A_876] : memref<3x80x128xf32, #tpu.memory_space<vmem>> -> memref<1x80x128xf32, #tpu.memory_space<vmem>>
        %dma_start3A_878 = tpu.memref_squeeze %dma_start3A_877 : memref<1x80x128xf32, #tpu.memory_space<vmem>> -> memref<80x128xf32, #tpu.memory_space<vmem>>
        %dma_start3A_879 = arith.constant 0 : i32
        %dma_start3A_880 = tpu.memref_slice %arg6[%add3A_856, %dma_start3A_879] : memref<25x80xi32, #tpu.memory_space<vmem>> -> memref<1x80xi32, #tpu.memory_space<vmem>>
        %dma_start3A_881 = tpu.memref_squeeze %dma_start3A_880 : memref<1x80xi32, #tpu.memory_space<vmem>> -> memref<80xi32, #tpu.memory_space<vmem>>
        %dma_start3A_882 = arith.constant 0 : i32
        %dma_start3A_883 = arith.constant 0 : i32
        %dma_start3A_884 = tpu.memref_slice %arg12[%dma_start3A_882, %dma_start3A_883] : memref<10000x128xf32, #tpu.memory_space<vmem_shared>> -> memref<10000x128xf32, #tpu.memory_space<vmem_shared>>
        tpu.enqueue_indirect_dma source(%dma_start3A_878 : memref<80x128xf32, #tpu.memory_space<vmem>>) target(%dma_start3A_884 : memref<10000x128xf32, #tpu.memory_space<vmem_shared>>) offsets(%dma_start3A_881 : memref<80xi32, #tpu.memory_space<vmem>>) semaphore(%run_scoped3A_874 : memref<!tpu.dma_semaphore, #tpu.memory_space<semaphore_mem>>) {add = true}
        %dma_wait3A_885 = arith.constant 0 : i32
        %dma_wait3A_886 = arith.constant 0 : i32
        %dma_wait3A_887 = tpu.memref_slice %arg7[%run_scoped3A_857, %dma_wait3A_885, %dma_wait3A_886] : memref<3x80x128xf32, #tpu.memory_space<vmem>> -> memref<1x80x128xf32, #tpu.memory_space<vmem>>
        %dma_wait3A_888 = tpu.memref_squeeze %dma_wait3A_887 : memref<1x80x128xf32, #tpu.memory_space<vmem>> -> memref<80x128xf32, #tpu.memory_space<vmem>>
        %dma_wait3A_889 = arith.constant 0 : i32
        %dma_wait3A_890 = tpu.memref_slice %arg6[%add3A_856, %dma_wait3A_889] : memref<25x80xi32, #tpu.memory_space<vmem>> -> memref<1x80xi32, #tpu.memory_space<vmem>>
        %dma_wait3A_891 = tpu.memref_squeeze %dma_wait3A_890 : memref<1x80xi32, #tpu.memory_space<vmem>> -> memref<80xi32, #tpu.memory_space<vmem>>
        %dma_wait3A_892 = arith.constant 0 : i32
        %dma_wait3A_893 = arith.constant 0 : i32
        %dma_wait3A_894 = tpu.memref_slice %arg12[%dma_wait3A_892, %dma_wait3A_893] : memref<10000x128xf32, #tpu.memory_space<vmem_shared>> -> memref<10000x128xf32, #tpu.memory_space<vmem_shared>>
        tpu.wait_indirect_dma semaphore(%run_scoped3A_874 : memref<!tpu.dma_semaphore, #tpu.memory_space<semaphore_mem>>) src(%dma_wait3A_888 : memref<80x128xf32, #tpu.memory_space<vmem>>) dst(%dma_wait3A_894 : memref<10000x128xf32, #tpu.memory_space<vmem_shared>>)
        tpu.yield
      }) : () -> ()
      %add3A_858 = arith.constant 3 : i32
      %add3A_859 = arith.addi %mul3A_774, %add3A_858 : i32
      %add3A_860 = arith.constant 2 : i32
      %add3A_861 = arith.addi %add3A_859, %add3A_860 : i32
      %dma_start3A_862 = arith.constant 0 : i32
      %dma_start3A_863 = arith.constant 0 : i32
      %dma_start3A_864 = arith.constant 0 : i32
      %dma_start3A_865 = arith.constant 0 : i32
      %dma_start3A_866 = tpu.memref_slice %arg7[%dma_start3A_863, %dma_start3A_864, %dma_start3A_865] : memref<3x80x128xf32, #tpu.memory_space<vmem>> -> memref<1x80x128xf32, #tpu.memory_space<vmem>>
      %dma_start3A_867 = tpu.memref_squeeze %dma_start3A_866 : memref<1x80x128xf32, #tpu.memory_space<vmem>> -> memref<80x128xf32, #tpu.memory_space<vmem>>
      %dma_start3A_868 = arith.constant 0 : i32
      %dma_start3A_869 = tpu.memref_slice %arg5[%dma_start3A_862, %add3A_861, %dma_start3A_868] : memref<2x25x80xi32, #tpu.memory_space<vmem>> -> memref<1x1x80xi32, #tpu.memory_space<vmem>>
      %dma_start3A_870 = tpu.memref_squeeze %dma_start3A_869 : memref<1x1x80xi32, #tpu.memory_space<vmem>> -> memref<80xi32, #tpu.memory_space<vmem>>
      %dma_start3A_871 = arith.constant 0 : i32
      %dma_start3A_872 = arith.constant 0 : i32
      %dma_start3A_873 = tpu.memref_slice %arg2[%dma_start3A_871, %dma_start3A_872] : memref<10000x128xf32, #tpu.memory_space<hbm>> -> memref<10000x128xf32, #tpu.memory_space<hbm>>
      tpu.enqueue_indirect_dma source(%dma_start3A_873 : memref<10000x128xf32, #tpu.memory_space<hbm>>) target(%dma_start3A_867 : memref<80x128xf32, #tpu.memory_space<vmem>>) offsets(%dma_start3A_870 : memref<80xi32, #tpu.memory_space<vmem>>) semaphore(%arg8 : memref<!tpu.dma_semaphore, #tpu.memory_space<semaphore_mem>>)
    }
    %scan3A_684 = arith.constant 7 : i32
    %dma_wait3A_685 = arith.constant 0 : i32
    %dma_wait3A_686 = arith.constant 21 : i32
    %dma_wait3A_687 = arith.constant 1 : i32
    %dma_wait3A_688 = arith.constant 0 : i32
    %dma_wait3A_689 = arith.constant 0 : i32
    %dma_wait3A_690 = tpu.memref_slice %arg7[%dma_wait3A_687, %dma_wait3A_688, %dma_wait3A_689] : memref<3x80x128xf32, #tpu.memory_space<vmem>> -> memref<1x80x128xf32, #tpu.memory_space<vmem>>
    %dma_wait3A_691 = tpu.memref_squeeze %dma_wait3A_690 : memref<1x80x128xf32, #tpu.memory_space<vmem>> -> memref<80x128xf32, #tpu.memory_space<vmem>>
    %dma_wait3A_692 = arith.constant 0 : i32
    %dma_wait3A_693 = tpu.memref_slice %arg5[%dma_wait3A_685, %dma_wait3A_686, %dma_wait3A_692] : memref<2x25x80xi32, #tpu.memory_space<vmem>> -> memref<1x1x80xi32, #tpu.memory_space<vmem>>
    %dma_wait3A_694 = tpu.memref_squeeze %dma_wait3A_693 : memref<1x1x80xi32, #tpu.memory_space<vmem>> -> memref<80xi32, #tpu.memory_space<vmem>>
    %dma_wait3A_695 = arith.constant 0 : i32
    %dma_wait3A_696 = arith.constant 0 : i32
    %dma_wait3A_697 = tpu.memref_slice %arg2[%dma_wait3A_695, %dma_wait3A_696] : memref<10000x128xf32, #tpu.memory_space<hbm>> -> memref<10000x128xf32, #tpu.memory_space<hbm>>
    tpu.wait_indirect_dma semaphore(%arg9 : memref<!tpu.dma_semaphore, #tpu.memory_space<semaphore_mem>>) src(%dma_wait3A_697 : memref<10000x128xf32, #tpu.memory_space<hbm>>) dst(%dma_wait3A_691 : memref<80x128xf32, #tpu.memory_space<vmem>>)
    %run_scoped3A_698 = arith.constant 1 : i32
    %run_scoped3A_699 = arith.constant 21 : i32
    "tpu.region"() ({
      %run_scoped3A_772 = tpu.sem_alloc : memref<!tpu.dma_semaphore, #tpu.memory_space<semaphore_mem>>
      %dma_start3A_773 = arith.constant 0 : i32
      %dma_start3A_774 = arith.constant 0 : i32
      %dma_start3A_775 = tpu.memref_slice %arg7[%run_scoped3A_698, %dma_start3A_773, %dma_start3A_774] : memref<3x80x128xf32, #tpu.memory_space<vmem>> -> memref<1x80x128xf32, #tpu.memory_space<vmem>>
      %dma_start3A_776 = tpu.memref_squeeze %dma_start3A_775 : memref<1x80x128xf32, #tpu.memory_space<vmem>> -> memref<80x128xf32, #tpu.memory_space<vmem>>
      %dma_start3A_777 = arith.constant 0 : i32
      %dma_start3A_778 = tpu.memref_slice %arg6[%run_scoped3A_699, %dma_start3A_777] : memref<25x80xi32, #tpu.memory_space<vmem>> -> memref<1x80xi32, #tpu.memory_space<vmem>>
      %dma_start3A_779 = tpu.memref_squeeze %dma_start3A_778 : memref<1x80xi32, #tpu.memory_space<vmem>> -> memref<80xi32, #tpu.memory_space<vmem>>
      %dma_start3A_780 = arith.constant 0 : i32
      %dma_start3A_781 = arith.constant 0 : i32
      %dma_start3A_782 = tpu.memref_slice %arg12[%dma_start3A_780, %dma_start3A_781] : memref<10000x128xf32, #tpu.memory_space<vmem_shared>> -> memref<10000x128xf32, #tpu.memory_space<vmem_shared>>
      tpu.enqueue_indirect_dma source(%dma_start3A_776 : memref<80x128xf32, #tpu.memory_space<vmem>>) target(%dma_start3A_782 : memref<10000x128xf32, #tpu.memory_space<vmem_shared>>) offsets(%dma_start3A_779 : memref<80xi32, #tpu.memory_space<vmem>>) semaphore(%run_scoped3A_772 : memref<!tpu.dma_semaphore, #tpu.memory_space<semaphore_mem>>) {add = true}
      %dma_wait3A_783 = arith.constant 0 : i32
      %dma_wait3A_784 = arith.constant 0 : i32
      %dma_wait3A_785 = tpu.memref_slice %arg7[%run_scoped3A_698, %dma_wait3A_783, %dma_wait3A_784] : memref<3x80x128xf32, #tpu.memory_space<vmem>> -> memref<1x80x128xf32, #tpu.memory_space<vmem>>
      %dma_wait3A_786 = tpu.memref_squeeze %dma_wait3A_785 : memref<1x80x128xf32, #tpu.memory_space<vmem>> -> memref<80x128xf32, #tpu.memory_space<vmem>>
      %dma_wait3A_787 = arith.constant 0 : i32
      %dma_wait3A_788 = tpu.memref_slice %arg6[%run_scoped3A_699, %dma_wait3A_787] : memref<25x80xi32, #tpu.memory_space<vmem>> -> memref<1x80xi32, #tpu.memory_space<vmem>>
      %dma_wait3A_789 = tpu.memref_squeeze %dma_wait3A_788 : memref<1x80xi32, #tpu.memory_space<vmem>> -> memref<80xi32, #tpu.memory_space<vmem>>
      %dma_wait3A_790 = arith.constant 0 : i32
      %dma_wait3A_791 = arith.constant 0 : i32
      %dma_wait3A_792 = tpu.memref_slice %arg12[%dma_wait3A_790, %dma_wait3A_791] : memref<10000x128xf32, #tpu.memory_space<vmem_shared>> -> memref<10000x128xf32, #tpu.memory_space<vmem_shared>>
      tpu.wait_indirect_dma semaphore(%run_scoped3A_772 : memref<!tpu.dma_semaphore, #tpu.memory_space<semaphore_mem>>) src(%dma_wait3A_786 : memref<80x128xf32, #tpu.memory_space<vmem>>) dst(%dma_wait3A_792 : memref<10000x128xf32, #tpu.memory_space<vmem_shared>>)
      tpu.yield
    }) : () -> ()
    %dma_start3A_700 = arith.constant 0 : i32
    %dma_start3A_701 = arith.constant 24 : i32
    %dma_start3A_702 = arith.constant 1 : i32
    %dma_start3A_703 = arith.constant 0 : i32
    %dma_start3A_704 = arith.constant 0 : i32
    %dma_start3A_705 = tpu.memref_slice %arg7[%dma_start3A_702, %dma_start3A_703, %dma_start3A_704] : memref<3x80x128xf32, #tpu.memory_space<vmem>> -> memref<1x80x128xf32, #tpu.memory_space<vmem>>
    %dma_start3A_706 = tpu.memref_squeeze %dma_start3A_705 : memref<1x80x128xf32, #tpu.memory_space<vmem>> -> memref<80x128xf32, #tpu.memory_space<vmem>>
    %dma_start3A_707 = arith.constant 0 : i32
    %dma_start3A_708 = tpu.memref_slice %arg5[%dma_start3A_700, %dma_start3A_701, %dma_start3A_707] : memref<2x25x80xi32, #tpu.memory_space<vmem>> -> memref<1x1x80xi32, #tpu.memory_space<vmem>>
    %dma_start3A_709 = tpu.memref_squeeze %dma_start3A_708 : memref<1x1x80xi32, #tpu.memory_space<vmem>> -> memref<80xi32, #tpu.memory_space<vmem>>
    %dma_start3A_710 = arith.constant 0 : i32
    %dma_start3A_711 = arith.constant 0 : i32
    %dma_start3A_712 = tpu.memref_slice %arg2[%dma_start3A_710, %dma_start3A_711] : memref<10000x128xf32, #tpu.memory_space<hbm>> -> memref<10000x128xf32, #tpu.memory_space<hbm>>
    tpu.enqueue_indirect_dma source(%dma_start3A_712 : memref<10000x128xf32, #tpu.memory_space<hbm>>) target(%dma_start3A_706 : memref<80x128xf32, #tpu.memory_space<vmem>>) offsets(%dma_start3A_709 : memref<80xi32, #tpu.memory_space<vmem>>) semaphore(%arg9 : memref<!tpu.dma_semaphore, #tpu.memory_space<semaphore_mem>>)
    %dma_wait3A_713 = arith.constant 0 : i32
    %dma_wait3A_714 = arith.constant 22 : i32
    %dma_wait3A_715 = arith.constant 2 : i32
    %dma_wait3A_716 = arith.constant 0 : i32
    %dma_wait3A_717 = arith.constant 0 : i32
    %dma_wait3A_718 = tpu.memref_slice %arg7[%dma_wait3A_715, %dma_wait3A_716, %dma_wait3A_717] : memref<3x80x128xf32, #tpu.memory_space<vmem>> -> memref<1x80x128xf32, #tpu.memory_space<vmem>>
    %dma_wait3A_719 = tpu.memref_squeeze %dma_wait3A_718 : memref<1x80x128xf32, #tpu.memory_space<vmem>> -> memref<80x128xf32, #tpu.memory_space<vmem>>
    %dma_wait3A_720 = arith.constant 0 : i32
    %dma_wait3A_721 = tpu.memref_slice %arg5[%dma_wait3A_713, %dma_wait3A_714, %dma_wait3A_720] : memref<2x25x80xi32, #tpu.memory_space<vmem>> -> memref<1x1x80xi32, #tpu.memory_space<vmem>>
    %dma_wait3A_722 = tpu.memref_squeeze %dma_wait3A_721 : memref<1x1x80xi32, #tpu.memory_space<vmem>> -> memref<80xi32, #tpu.memory_space<vmem>>
    %dma_wait3A_723 = arith.constant 0 : i32
    %dma_wait3A_724 = arith.constant 0 : i32
    %dma_wait3A_725 = tpu.memref_slice %arg2[%dma_wait3A_723, %dma_wait3A_724] : memref<10000x128xf32, #tpu.memory_space<hbm>> -> memref<10000x128xf32, #tpu.memory_space<hbm>>
    tpu.wait_indirect_dma semaphore(%arg10 : memref<!tpu.dma_semaphore, #tpu.memory_space<semaphore_mem>>) src(%dma_wait3A_725 : memref<10000x128xf32, #tpu.memory_space<hbm>>) dst(%dma_wait3A_719 : memref<80x128xf32, #tpu.memory_space<vmem>>)
    %run_scoped3A_726 = arith.constant 2 : i32
    %run_scoped3A_727 = arith.constant 22 : i32
    "tpu.region"() ({
      %run_scoped3A_772 = tpu.sem_alloc : memref<!tpu.dma_semaphore, #tpu.memory_space<semaphore_mem>>
      %dma_start3A_773 = arith.constant 0 : i32
      %dma_start3A_774 = arith.constant 0 : i32
      %dma_start3A_775 = tpu.memref_slice %arg7[%run_scoped3A_726, %dma_start3A_773, %dma_start3A_774] : memref<3x80x128xf32, #tpu.memory_space<vmem>> -> memref<1x80x128xf32, #tpu.memory_space<vmem>>
      %dma_start3A_776 = tpu.memref_squeeze %dma_start3A_775 : memref<1x80x128xf32, #tpu.memory_space<vmem>> -> memref<80x128xf32, #tpu.memory_space<vmem>>
      %dma_start3A_777 = arith.constant 0 : i32
      %dma_start3A_778 = tpu.memref_slice %arg6[%run_scoped3A_727, %dma_start3A_777] : memref<25x80xi32, #tpu.memory_space<vmem>> -> memref<1x80xi32, #tpu.memory_space<vmem>>
      %dma_start3A_779 = tpu.memref_squeeze %dma_start3A_778 : memref<1x80xi32, #tpu.memory_space<vmem>> -> memref<80xi32, #tpu.memory_space<vmem>>
      %dma_start3A_780 = arith.constant 0 : i32
      %dma_start3A_781 = arith.constant 0 : i32
      %dma_start3A_782 = tpu.memref_slice %arg12[%dma_start3A_780, %dma_start3A_781] : memref<10000x128xf32, #tpu.memory_space<vmem_shared>> -> memref<10000x128xf32, #tpu.memory_space<vmem_shared>>
      tpu.enqueue_indirect_dma source(%dma_start3A_776 : memref<80x128xf32, #tpu.memory_space<vmem>>) target(%dma_start3A_782 : memref<10000x128xf32, #tpu.memory_space<vmem_shared>>) offsets(%dma_start3A_779 : memref<80xi32, #tpu.memory_space<vmem>>) semaphore(%run_scoped3A_772 : memref<!tpu.dma_semaphore, #tpu.memory_space<semaphore_mem>>) {add = true}
      %dma_wait3A_783 = arith.constant 0 : i32
      %dma_wait3A_784 = arith.constant 0 : i32
      %dma_wait3A_785 = tpu.memref_slice %arg7[%run_scoped3A_726, %dma_wait3A_783, %dma_wait3A_784] : memref<3x80x128xf32, #tpu.memory_space<vmem>> -> memref<1x80x128xf32, #tpu.memory_space<vmem>>
      %dma_wait3A_786 = tpu.memref_squeeze %dma_wait3A_785 : memref<1x80x128xf32, #tpu.memory_space<vmem>> -> memref<80x128xf32, #tpu.memory_space<vmem>>
      %dma_wait3A_787 = arith.constant 0 : i32
      %dma_wait3A_788 = tpu.memref_slice %arg6[%run_scoped3A_727, %dma_wait3A_787] : memref<25x80xi32, #tpu.memory_space<vmem>> -> memref<1x80xi32, #tpu.memory_space<vmem>>
      %dma_wait3A_789 = tpu.memref_squeeze %dma_wait3A_788 : memref<1x80xi32, #tpu.memory_space<vmem>> -> memref<80xi32, #tpu.memory_space<vmem>>
      %dma_wait3A_790 = arith.constant 0 : i32
      %dma_wait3A_791 = arith.constant 0 : i32
      %dma_wait3A_792 = tpu.memref_slice %arg12[%dma_wait3A_790, %dma_wait3A_791] : memref<10000x128xf32, #tpu.memory_space<vmem_shared>> -> memref<10000x128xf32, #tpu.memory_space<vmem_shared>>
      tpu.wait_indirect_dma semaphore(%run_scoped3A_772 : memref<!tpu.dma_semaphore, #tpu.memory_space<semaphore_mem>>) src(%dma_wait3A_786 : memref<80x128xf32, #tpu.memory_space<vmem>>) dst(%dma_wait3A_792 : memref<10000x128xf32, #tpu.memory_space<vmem_shared>>)
      tpu.yield
    }) : () -> ()
    %dma_wait3A_728 = arith.constant 0 : i32
    %dma_wait3A_729 = arith.constant 23 : i32
    %dma_wait3A_730 = arith.constant 0 : i32
    %dma_wait3A_731 = arith.constant 0 : i32
    %dma_wait3A_732 = arith.constant 0 : i32
    %dma_wait3A_733 = tpu.memref_slice %arg7[%dma_wait3A_730, %dma_wait3A_731, %dma_wait3A_732] : memref<3x80x128xf32, #tpu.memory_space<vmem>> -> memref<1x80x128xf32, #tpu.memory_space<vmem>>
    %dma_wait3A_734 = tpu.memref_squeeze %dma_wait3A_733 : memref<1x80x128xf32, #tpu.memory_space<vmem>> -> memref<80x128xf32, #tpu.memory_space<vmem>>
    %dma_wait3A_735 = arith.constant 0 : i32
    %dma_wait3A_736 = tpu.memref_slice %arg5[%dma_wait3A_728, %dma_wait3A_729, %dma_wait3A_735] : memref<2x25x80xi32, #tpu.memory_space<vmem>> -> memref<1x1x80xi32, #tpu.memory_space<vmem>>
    %dma_wait3A_737 = tpu.memref_squeeze %dma_wait3A_736 : memref<1x1x80xi32, #tpu.memory_space<vmem>> -> memref<80xi32, #tpu.memory_space<vmem>>
    %dma_wait3A_738 = arith.constant 0 : i32
    %dma_wait3A_739 = arith.constant 0 : i32
    %dma_wait3A_740 = tpu.memref_slice %arg2[%dma_wait3A_738, %dma_wait3A_739] : memref<10000x128xf32, #tpu.memory_space<hbm>> -> memref<10000x128xf32, #tpu.memory_space<hbm>>
    tpu.wait_indirect_dma semaphore(%arg8 : memref<!tpu.dma_semaphore, #tpu.memory_space<semaphore_mem>>) src(%dma_wait3A_740 : memref<10000x128xf32, #tpu.memory_space<hbm>>) dst(%dma_wait3A_734 : memref<80x128xf32, #tpu.memory_space<vmem>>)
    %run_scoped3A_741 = arith.constant 0 : i32
    %run_scoped3A_742 = arith.constant 23 : i32
    "tpu.region"() ({
      %run_scoped3A_772 = tpu.sem_alloc : memref<!tpu.dma_semaphore, #tpu.memory_space<semaphore_mem>>
      %dma_start3A_773 = arith.constant 0 : i32
      %dma_start3A_774 = arith.constant 0 : i32
      %dma_start3A_775 = tpu.memref_slice %arg7[%run_scoped3A_741, %dma_start3A_773, %dma_start3A_774] : memref<3x80x128xf32, #tpu.memory_space<vmem>> -> memref<1x80x128xf32, #tpu.memory_space<vmem>>
      %dma_start3A_776 = tpu.memref_squeeze %dma_start3A_775 : memref<1x80x128xf32, #tpu.memory_space<vmem>> -> memref<80x128xf32, #tpu.memory_space<vmem>>
      %dma_start3A_777 = arith.constant 0 : i32
      %dma_start3A_778 = tpu.memref_slice %arg6[%run_scoped3A_742, %dma_start3A_777] : memref<25x80xi32, #tpu.memory_space<vmem>> -> memref<1x80xi32, #tpu.memory_space<vmem>>
      %dma_start3A_779 = tpu.memref_squeeze %dma_start3A_778 : memref<1x80xi32, #tpu.memory_space<vmem>> -> memref<80xi32, #tpu.memory_space<vmem>>
      %dma_start3A_780 = arith.constant 0 : i32
      %dma_start3A_781 = arith.constant 0 : i32
      %dma_start3A_782 = tpu.memref_slice %arg12[%dma_start3A_780, %dma_start3A_781] : memref<10000x128xf32, #tpu.memory_space<vmem_shared>> -> memref<10000x128xf32, #tpu.memory_space<vmem_shared>>
      tpu.enqueue_indirect_dma source(%dma_start3A_776 : memref<80x128xf32, #tpu.memory_space<vmem>>) target(%dma_start3A_782 : memref<10000x128xf32, #tpu.memory_space<vmem_shared>>) offsets(%dma_start3A_779 : memref<80xi32, #tpu.memory_space<vmem>>) semaphore(%run_scoped3A_772 : memref<!tpu.dma_semaphore, #tpu.memory_space<semaphore_mem>>) {add = true}
      %dma_wait3A_783 = arith.constant 0 : i32
      %dma_wait3A_784 = arith.constant 0 : i32
      %dma_wait3A_785 = tpu.memref_slice %arg7[%run_scoped3A_741, %dma_wait3A_783, %dma_wait3A_784] : memref<3x80x128xf32, #tpu.memory_space<vmem>> -> memref<1x80x128xf32, #tpu.memory_space<vmem>>
      %dma_wait3A_786 = tpu.memref_squeeze %dma_wait3A_785 : memref<1x80x128xf32, #tpu.memory_space<vmem>> -> memref<80x128xf32, #tpu.memory_space<vmem>>
      %dma_wait3A_787 = arith.constant 0 : i32
      %dma_wait3A_788 = tpu.memref_slice %arg6[%run_scoped3A_742, %dma_wait3A_787] : memref<25x80xi32, #tpu.memory_space<vmem>> -> memref<1x80xi32, #tpu.memory_space<vmem>>
      %dma_wait3A_789 = tpu.memref_squeeze %dma_wait3A_788 : memref<1x80xi32, #tpu.memory_space<vmem>> -> memref<80xi32, #tpu.memory_space<vmem>>
      %dma_wait3A_790 = arith.constant 0 : i32
      %dma_wait3A_791 = arith.constant 0 : i32
      %dma_wait3A_792 = tpu.memref_slice %arg12[%dma_wait3A_790, %dma_wait3A_791] : memref<10000x128xf32, #tpu.memory_space<vmem_shared>> -> memref<10000x128xf32, #tpu.memory_space<vmem_shared>>
      tpu.wait_indirect_dma semaphore(%run_scoped3A_772 : memref<!tpu.dma_semaphore, #tpu.memory_space<semaphore_mem>>) src(%dma_wait3A_786 : memref<80x128xf32, #tpu.memory_space<vmem>>) dst(%dma_wait3A_792 : memref<10000x128xf32, #tpu.memory_space<vmem_shared>>)
      tpu.yield
    }) : () -> ()
    %dma_wait3A_743 = arith.constant 0 : i32
    %dma_wait3A_744 = arith.constant 24 : i32
    %dma_wait3A_745 = arith.constant 1 : i32
    %dma_wait3A_746 = arith.constant 0 : i32
    %dma_wait3A_747 = arith.constant 0 : i32
    %dma_wait3A_748 = tpu.memref_slice %arg7[%dma_wait3A_745, %dma_wait3A_746, %dma_wait3A_747] : memref<3x80x128xf32, #tpu.memory_space<vmem>> -> memref<1x80x128xf32, #tpu.memory_space<vmem>>
    %dma_wait3A_749 = tpu.memref_squeeze %dma_wait3A_748 : memref<1x80x128xf32, #tpu.memory_space<vmem>> -> memref<80x128xf32, #tpu.memory_space<vmem>>
    %dma_wait3A_750 = arith.constant 0 : i32
    %dma_wait3A_751 = tpu.memref_slice %arg5[%dma_wait3A_743, %dma_wait3A_744, %dma_wait3A_750] : memref<2x25x80xi32, #tpu.memory_space<vmem>> -> memref<1x1x80xi32, #tpu.memory_space<vmem>>
    %dma_wait3A_752 = tpu.memref_squeeze %dma_wait3A_751 : memref<1x1x80xi32, #tpu.memory_space<vmem>> -> memref<80xi32, #tpu.memory_space<vmem>>
    %dma_wait3A_753 = arith.constant 0 : i32
    %dma_wait3A_754 = arith.constant 0 : i32
    %dma_wait3A_755 = tpu.memref_slice %arg2[%dma_wait3A_753, %dma_wait3A_754] : memref<10000x128xf32, #tpu.memory_space<hbm>> -> memref<10000x128xf32, #tpu.memory_space<hbm>>
    tpu.wait_indirect_dma semaphore(%arg9 : memref<!tpu.dma_semaphore, #tpu.memory_space<semaphore_mem>>) src(%dma_wait3A_755 : memref<10000x128xf32, #tpu.memory_space<hbm>>) dst(%dma_wait3A_749 : memref<80x128xf32, #tpu.memory_space<vmem>>)
    %run_scoped3A_756 = arith.constant 1 : i32
    %run_scoped3A_757 = arith.constant 24 : i32
    "tpu.region"() ({
      %run_scoped3A_772 = tpu.sem_alloc : memref<!tpu.dma_semaphore, #tpu.memory_space<semaphore_mem>>
      %dma_start3A_773 = arith.constant 0 : i32
      %dma_start3A_774 = arith.constant 0 : i32
      %dma_start3A_775 = tpu.memref_slice %arg7[%run_scoped3A_756, %dma_start3A_773, %dma_start3A_774] : memref<3x80x128xf32, #tpu.memory_space<vmem>> -> memref<1x80x128xf32, #tpu.memory_space<vmem>>
      %dma_start3A_776 = tpu.memref_squeeze %dma_start3A_775 : memref<1x80x128xf32, #tpu.memory_space<vmem>> -> memref<80x128xf32, #tpu.memory_space<vmem>>
      %dma_start3A_777 = arith.constant 0 : i32
      %dma_start3A_778 = tpu.memref_slice %arg6[%run_scoped3A_757, %dma_start3A_777] : memref<25x80xi32, #tpu.memory_space<vmem>> -> memref<1x80xi32, #tpu.memory_space<vmem>>
      %dma_start3A_779 = tpu.memref_squeeze %dma_start3A_778 : memref<1x80xi32, #tpu.memory_space<vmem>> -> memref<80xi32, #tpu.memory_space<vmem>>
      %dma_start3A_780 = arith.constant 0 : i32
      %dma_start3A_781 = arith.constant 0 : i32
      %dma_start3A_782 = tpu.memref_slice %arg12[%dma_start3A_780, %dma_start3A_781] : memref<10000x128xf32, #tpu.memory_space<vmem_shared>> -> memref<10000x128xf32, #tpu.memory_space<vmem_shared>>
      tpu.enqueue_indirect_dma source(%dma_start3A_776 : memref<80x128xf32, #tpu.memory_space<vmem>>) target(%dma_start3A_782 : memref<10000x128xf32, #tpu.memory_space<vmem_shared>>) offsets(%dma_start3A_779 : memref<80xi32, #tpu.memory_space<vmem>>) semaphore(%run_scoped3A_772 : memref<!tpu.dma_semaphore, #tpu.memory_space<semaphore_mem>>) {add = true}
      %dma_wait3A_783 = arith.constant 0 : i32
      %dma_wait3A_784 = arith.constant 0 : i32
      %dma_wait3A_785 = tpu.memref_slice %arg7[%run_scoped3A_756, %dma_wait3A_783, %dma_wait3A_784] : memref<3x80x128xf32, #tpu.memory_space<vmem>> -> memref<1x80x128xf32, #tpu.memory_space<vmem>>
      %dma_wait3A_786 = tpu.memref_squeeze %dma_wait3A_785 : memref<1x80x128xf32, #tpu.memory_space<vmem>> -> memref<80x128xf32, #tpu.memory_space<vmem>>
      %dma_wait3A_787 = arith.constant 0 : i32
      %dma_wait3A_788 = tpu.memref_slice %arg6[%run_scoped3A_757, %dma_wait3A_787] : memref<25x80xi32, #tpu.memory_space<vmem>> -> memref<1x80xi32, #tpu.memory_space<vmem>>
      %dma_wait3A_789 = tpu.memref_squeeze %dma_wait3A_788 : memref<1x80xi32, #tpu.memory_space<vmem>> -> memref<80xi32, #tpu.memory_space<vmem>>
      %dma_wait3A_790 = arith.constant 0 : i32
      %dma_wait3A_791 = arith.constant 0 : i32
      %dma_wait3A_792 = tpu.memref_slice %arg12[%dma_wait3A_790, %dma_wait3A_791] : memref<10000x128xf32, #tpu.memory_space<vmem_shared>> -> memref<10000x128xf32, #tpu.memory_space<vmem_shared>>
      tpu.wait_indirect_dma semaphore(%run_scoped3A_772 : memref<!tpu.dma_semaphore, #tpu.memory_space<semaphore_mem>>) src(%dma_wait3A_786 : memref<80x128xf32, #tpu.memory_space<vmem>>) dst(%dma_wait3A_792 : memref<10000x128xf32, #tpu.memory_space<vmem_shared>>)
      tpu.yield
    }) : () -> ()
    %barrier3A_758 = arith.constant 0 : index
    tpu.barrier barrier_id(%barrier3A_758)
    %run_scoped3A_759 = arith.constant 0 : i32
    %run_scoped3A_760 = arith.constant 0 : i32
    %run_scoped3A_761 = arith.constant 0 : i32
    "tpu.region"() ({
      %run_scoped3A_772 = tpu.sem_alloc : memref<!tpu.dma_semaphore, #tpu.memory_space<semaphore_mem>>
      %dma_start3A_773 = arith.constant 0 : i32
      %dma_start3A_774 = arith.constant 0 : i32
      %dma_start3A_775 = tpu.memref_slice %arg5[%run_scoped3A_761, %dma_start3A_773, %dma_start3A_774] : memref<2x25x80xi32, #tpu.memory_space<vmem>> -> memref<1x25x80xi32, #tpu.memory_space<vmem>>
      %dma_start3A_776 = tpu.memref_squeeze %dma_start3A_775 : memref<1x25x80xi32, #tpu.memory_space<vmem>> -> memref<25x80xi32, #tpu.memory_space<vmem>>
      %dma_start3A_777 = arith.constant 0 : i32
      %dma_start3A_778 = arith.constant 0 : i32
      %dma_start3A_779 = tpu.memref_slice %arg3[%run_scoped3A_759, %add3A, %run_scoped3A_760, %dma_start3A_777, %dma_start3A_778] : memref<2x32x5x25x80xi32, #tpu.memory_space<hbm>> -> memref<1x1x1x25x80xi32, #tpu.memory_space<hbm>>
      %dma_start3A_780 = tpu.memref_squeeze %dma_start3A_779 : memref<1x1x1x25x80xi32, #tpu.memory_space<hbm>> -> memref<25x80xi32, #tpu.memory_space<hbm>>
      %dma_start3A_781 = arith.constant 0 : i32
      %dma_start3A_782 = arith.constant 0 : i32
      %dma_start3A_783 = tpu.memref_slice %arg5[%run_scoped3A_761, %dma_start3A_781, %dma_start3A_782] : memref<2x25x80xi32, #tpu.memory_space<vmem>> -> memref<1x25x80xi32, #tpu.memory_space<vmem>>
      %dma_start3A_784 = tpu.memref_squeeze %dma_start3A_783 : memref<1x25x80xi32, #tpu.memory_space<vmem>> -> memref<25x80xi32, #tpu.memory_space<vmem>>
      %dma_start3A_785 = arith.constant 0 : i32
      %dma_start3A_786 = arith.constant 0 : i32
      %dma_start3A_787 = tpu.memref_slice %arg3[%run_scoped3A_759, %add3A, %run_scoped3A_760, %dma_start3A_785, %dma_start3A_786] : memref<2x32x5x25x80xi32, #tpu.memory_space<hbm>> -> memref<1x1x1x25x80xi32, #tpu.memory_space<hbm>>
      %dma_start3A_788 = tpu.memref_squeeze %dma_start3A_787 : memref<1x1x1x25x80xi32, #tpu.memory_space<hbm>> -> memref<25x80xi32, #tpu.memory_space<hbm>>
      tpu.enqueue_dma source(%dma_start3A_788 : memref<25x80xi32, #tpu.memory_space<hbm>>) target(%dma_start3A_784 : memref<25x80xi32, #tpu.memory_space<vmem>>) target_semaphore(%run_scoped3A_772 : memref<!tpu.dma_semaphore, #tpu.memory_space<semaphore_mem>>)
      %dma_wait3A_789 = arith.constant 0 : i32
      %dma_wait3A_790 = arith.constant 0 : i32
      %dma_wait3A_791 = tpu.memref_slice %arg5[%run_scoped3A_761, %dma_wait3A_789, %dma_wait3A_790] : memref<2x25x80xi32, #tpu.memory_space<vmem>> -> memref<1x25x80xi32, #tpu.memory_space<vmem>>
      %dma_wait3A_792 = tpu.memref_squeeze %dma_wait3A_791 : memref<1x25x80xi32, #tpu.memory_space<vmem>> -> memref<25x80xi32, #tpu.memory_space<vmem>>
      %dma_wait3A_793 = arith.constant 0 : i32
      %dma_wait3A_794 = arith.constant 0 : i32
      %dma_wait3A_795 = tpu.memref_slice %arg3[%run_scoped3A_759, %add3A, %run_scoped3A_760, %dma_wait3A_793, %dma_wait3A_794] : memref<2x32x5x25x80xi32, #tpu.memory_space<hbm>> -> memref<1x1x1x25x80xi32, #tpu.memory_space<hbm>>
      %dma_wait3A_796 = tpu.memref_squeeze %dma_wait3A_795 : memref<1x1x1x25x80xi32, #tpu.memory_space<hbm>> -> memref<25x80xi32, #tpu.memory_space<hbm>>
      %dma_wait3A_797 = arith.constant 0 : i32
      %dma_wait3A_798 = arith.constant 0 : i32
      %dma_wait3A_799 = tpu.memref_slice %arg5[%run_scoped3A_761, %dma_wait3A_797, %dma_wait3A_798] : memref<2x25x80xi32, #tpu.memory_space<vmem>> -> memref<1x25x80xi32, #tpu.memory_space<vmem>>
      %dma_wait3A_800 = tpu.memref_squeeze %dma_wait3A_799 : memref<1x25x80xi32, #tpu.memory_space<vmem>> -> memref<25x80xi32, #tpu.memory_space<vmem>>
      %dma_wait3A_801 = arith.constant 0 : i32
      %dma_wait3A_802 = arith.constant 0 : i32
      %dma_wait3A_803 = tpu.memref_slice %arg3[%run_scoped3A_759, %add3A, %run_scoped3A_760, %dma_wait3A_801, %dma_wait3A_802] : memref<2x32x5x25x80xi32, #tpu.memory_space<hbm>> -> memref<1x1x1x25x80xi32, #tpu.memory_space<hbm>>
      %dma_wait3A_804 = tpu.memref_squeeze %dma_wait3A_803 : memref<1x1x1x25x80xi32, #tpu.memory_space<hbm>> -> memref<25x80xi32, #tpu.memory_space<hbm>>
      tpu.wait_dma2 semaphore(%run_scoped3A_772 : memref<!tpu.dma_semaphore, #tpu.memory_space<semaphore_mem>>) src(%dma_wait3A_804 : memref<25x80xi32, #tpu.memory_space<hbm>>) dst(%dma_wait3A_800 : memref<25x80xi32, #tpu.memory_space<vmem>>)
      tpu.yield
    }) : () -> ()
    %barrier3A_762 = arith.constant 0 : index
    tpu.barrier barrier_id(%barrier3A_762)
    %mul3A_763 = arith.constant 624 : i32
    %mul3A_764 = arith.muli %arg1, %mul3A_763 : i32
    %mul3A_765 = arith.constant 624 : i32
    %mul3A_766 = arith.muli %arg1, %mul3A_765 : i32
    "tpu.region"() ({
      %run_scoped3A_772 = tpu.sem_alloc : memref<!tpu.dma_semaphore, #tpu.memory_space<semaphore_mem>>
      %dma_start3A_773 = arith.constant 0 : i32
      %dma_start3A_774 = tpu.memref_slice %arg4[%arg0, %mul3A_766, %dma_start3A_773] : memref<2x10000x128xf32, #tpu.memory_space<hbm>> -> memref<1x624x128xf32, #tpu.memory_space<hbm>>
      %dma_start3A_775 = tpu.memref_squeeze %dma_start3A_774 : memref<1x624x128xf32, #tpu.memory_space<hbm>> -> memref<624x128xf32, #tpu.memory_space<hbm>>
      %dma_start3A_776 = arith.constant 0 : i32
      %dma_start3A_777 = tpu.memref_slice %arg12[%mul3A_764, %dma_start3A_776] : memref<10000x128xf32, #tpu.memory_space<vmem_shared>> -> memref<624x128xf32, #tpu.memory_space<vmem_shared>>
      tpu.enqueue_dma source(%dma_start3A_777 : memref<624x128xf32, #tpu.memory_space<vmem_shared>>) target(%dma_start3A_775 : memref<624x128xf32, #tpu.memory_space<hbm>>) target_semaphore(%run_scoped3A_772 : memref<!tpu.dma_semaphore, #tpu.memory_space<semaphore_mem>>)
      %dma_wait3A_778 = arith.constant 0 : i32
      %dma_wait3A_779 = tpu.memref_slice %arg4[%arg0, %mul3A_766, %dma_wait3A_778] : memref<2x10000x128xf32, #tpu.memory_space<hbm>> -> memref<1x624x128xf32, #tpu.memory_space<hbm>>
      %dma_wait3A_780 = tpu.memref_squeeze %dma_wait3A_779 : memref<1x624x128xf32, #tpu.memory_space<hbm>> -> memref<624x128xf32, #tpu.memory_space<hbm>>
      %dma_wait3A_781 = arith.constant 0 : i32
      %dma_wait3A_782 = tpu.memref_slice %arg12[%mul3A_764, %dma_wait3A_781] : memref<10000x128xf32, #tpu.memory_space<vmem_shared>> -> memref<624x128xf32, #tpu.memory_space<vmem_shared>>
      tpu.wait_dma2 semaphore(%run_scoped3A_772 : memref<!tpu.dma_semaphore, #tpu.memory_space<semaphore_mem>>) src(%dma_wait3A_782 : memref<624x128xf32, #tpu.memory_space<vmem_shared>>) dst(%dma_wait3A_780 : memref<624x128xf32, #tpu.memory_space<hbm>>)
      tpu.yield
    }) : () -> ()
    %eq3A_767 = arith.constant 0 : i32
    %eq3A_768 = arith.cmpi eq, %arg1, %eq3A_767 : i32
    %convert_element_type3A_769 = arith.extui %eq3A_768 : i1 to i32
    %cond3A_770 = arith.constant 0 : i32
    %cond3A_771 = arith.cmpi ne, %convert_element_type3A_769, %cond3A_770 : i32
    scf.if %cond3A_771 {
      "tpu.region"() ({
        %run_scoped3A_772 = tpu.sem_alloc : memref<!tpu.dma_semaphore, #tpu.memory_space<semaphore_mem>>
        %dma_start3A_773 = arith.constant 9984 : i32
        %dma_start3A_774 = arith.constant 0 : i32
        %dma_start3A_775 = tpu.memref_slice %arg4[%arg0, %dma_start3A_773, %dma_start3A_774] : memref<2x10000x128xf32, #tpu.memory_space<hbm>> -> memref<1x16x128xf32, #tpu.memory_space<hbm>>
        %dma_start3A_776 = tpu.memref_squeeze %dma_start3A_775 : memref<1x16x128xf32, #tpu.memory_space<hbm>> -> memref<16x128xf32, #tpu.memory_space<hbm>>
        %dma_start3A_777 = arith.constant 9984 : i32
        %dma_start3A_778 = arith.constant 0 : i32
        %dma_start3A_779 = tpu.memref_slice %arg12[%dma_start3A_777, %dma_start3A_778] : memref<10000x128xf32, #tpu.memory_space<vmem_shared>> -> memref<16x128xf32, #tpu.memory_space<vmem_shared>>
        tpu.enqueue_dma source(%dma_start3A_779 : memref<16x128xf32, #tpu.memory_space<vmem_shared>>) target(%dma_start3A_776 : memref<16x128xf32, #tpu.memory_space<hbm>>) target_semaphore(%run_scoped3A_772 : memref<!tpu.dma_semaphore, #tpu.memory_space<semaphore_mem>>)
        %dma_wait3A_780 = arith.constant 9984 : i32
        %dma_wait3A_781 = arith.constant 0 : i32
        %dma_wait3A_782 = tpu.memref_slice %arg4[%arg0, %dma_wait3A_780, %dma_wait3A_781] : memref<2x10000x128xf32, #tpu.memory_space<hbm>> -> memref<1x16x128xf32, #tpu.memory_space<hbm>>
        %dma_wait3A_783 = tpu.memref_squeeze %dma_wait3A_782 : memref<1x16x128xf32, #tpu.memory_space<hbm>> -> memref<16x128xf32, #tpu.memory_space<hbm>>
        %dma_wait3A_784 = arith.constant 9984 : i32
        %dma_wait3A_785 = arith.constant 0 : i32
        %dma_wait3A_786 = tpu.memref_slice %arg12[%dma_wait3A_784, %dma_wait3A_785] : memref<10000x128xf32, #tpu.memory_space<vmem_shared>> -> memref<16x128xf32, #tpu.memory_space<vmem_shared>>
        tpu.wait_dma2 semaphore(%run_scoped3A_772 : memref<!tpu.dma_semaphore, #tpu.memory_space<semaphore_mem>>) src(%dma_wait3A_786 : memref<16x128xf32, #tpu.memory_space<vmem_shared>>) dst(%dma_wait3A_783 : memref<16x128xf32, #tpu.memory_space<hbm>>)
        tpu.yield
      }) : () -> ()
    } else {
    }
    return
  }
}

module attributes {stable_mosaic.version = 14 : i64} {
  func.func @_mlp_body(%arg0: i32, %arg1: memref<1x1xf32, #tpu.memory_space<smem>>, %arg2: memref<2000x128xf32, #tpu.memory_space<vmem>>, %arg3: memref<2x2000x128xf32, #tpu.memory_space<vmem>>, %arg4: memref<128x256xf32, #tpu.memory_space<vmem>>, %arg5: memref<1x256xf32, #tpu.memory_space<vmem>>, %arg6: memref<256x128xf32, #tpu.memory_space<vmem>>, %arg7: memref<1x128xf32, #tpu.memory_space<vmem>>, %arg8: memref<2000x128xf32, #tpu.memory_space<vmem>>) attributes {dimension_semantics = [#tpu.dimension_semantics<arbitrary>], iteration_bounds = array<i64: 5>, scalar_prefetch = 0 : i64, scratch_operands = 0 : i64, tpu.core_type = #tpu.core_type<tc>, window_params = [{transform_indices = @transform_0, window_bounds = array<i64: 1, 1>}, {transform_indices = @transform_1, window_bounds = array<i64: 2000, 128>}, {transform_indices = @transform_2, window_bounds = array<i64: 2, 2000, 128>}, {pipeline_mode = #tpu.pipeline_mode<synchronous>, transform_indices = @transform_3, window_bounds = array<i64: 128, 256>}, {pipeline_mode = #tpu.pipeline_mode<synchronous>, transform_indices = @transform_4, window_bounds = array<i64: 1, 256>}, {pipeline_mode = #tpu.pipeline_mode<synchronous>, transform_indices = @transform_5, window_bounds = array<i64: 256, 128>}, {pipeline_mode = #tpu.pipeline_mode<synchronous>, transform_indices = @transform_6, window_bounds = array<i64: 1, 128>}, {transform_indices = @transform_7, window_bounds = array<i64: 2000, 128>}]} {
    %get3A = arith.constant 0 : index
    %get3A_0 = arith.constant 0 : index
    %get3A_1 = vector.load %arg2[%get3A, %get3A_0] : memref<2000x128xf32, #tpu.memory_space<vmem>>, vector<2000x128xf32>
    %get3A_2 = arith.constant 0 : index
    %get3A_3 = arith.constant 0 : index
    %get3A_4 = memref.load %arg1[%get3A_2, %get3A_3] : memref<1x1xf32, #tpu.memory_space<smem>>
    %sub3A = arith.constant 1.000000e+00 : f32
    %sub3A_5 = arith.subf %get3A_4, %sub3A : f32
    %mul3A = vector.broadcast %sub3A_5 : f32 to vector<2000x128xf32>
    %mul3A_6 = arith.mulf %get3A_1, %mul3A : vector<2000x128xf32>
    %get3A_7 = arith.constant 0 : index
    %get3A_8 = arith.constant 0 : index
    %get3A_9 = arith.constant 0 : index
    %get3A_10 = vector.load %arg3[%get3A_7, %get3A_8, %get3A_9] : memref<2x2000x128xf32, #tpu.memory_space<vmem>>, vector<1x2000x128xf32>
    %get3A_11 = vector.shape_cast %get3A_10 : vector<1x2000x128xf32> to vector<2000x128xf32>
    %add3A = arith.addf %mul3A_6, %get3A_11 : vector<2000x128xf32>
    %get3A_12 = arith.constant 1 : index
    %get3A_13 = arith.constant 0 : index
    %get3A_14 = arith.constant 0 : index
    %get3A_15 = vector.load %arg3[%get3A_12, %get3A_13, %get3A_14] : memref<2x2000x128xf32, #tpu.memory_space<vmem>>, vector<1x2000x128xf32>
    %get3A_16 = vector.shape_cast %get3A_15 : vector<1x2000x128xf32> to vector<2000x128xf32>
    %add3A_17 = arith.addf %add3A, %get3A_16 : vector<2000x128xf32>
    %get3A_18 = arith.constant 0 : index
    %get3A_19 = arith.constant 0 : index
    %get3A_20 = vector.load %arg4[%get3A_18, %get3A_19] : memref<128x256xf32, #tpu.memory_space<vmem>>, vector<128x256xf32>
    %dot_general3A = arith.constant dense<0.000000e+00> : vector<2000x256xf32>
    %dot_general3A_21 = tpu.matmul %add3A_17, %get3A_20, %dot_general3A {dimension_numbers = #tpu.dot_dimension_numbers<[1], [0], [0], [1], [0, 0, 1, 1], [], []>, transpose_lhs_hint = false} : vector<2000x128xf32>, vector<128x256xf32>, vector<2000x256xf32> -> vector<2000x256xf32>
    %get3A_22 = arith.constant 0 : index
    %get3A_23 = arith.constant 0 : index
    %get3A_24 = vector.load %arg5[%get3A_22, %get3A_23] : memref<1x256xf32, #tpu.memory_space<vmem>>, vector<1x256xf32>
    %add3A_25 = vector.broadcast %get3A_24 : vector<1x256xf32> to vector<2000x256xf32>
    %add3A_26 = arith.addf %dot_general3A_21, %add3A_25 : vector<2000x256xf32>
    %max3A = arith.constant 0.000000e+00 : f32
    %max3A_27 = vector.broadcast %max3A : f32 to vector<2000x256xf32>
    %max3A_28 = arith.maximumf %add3A_26, %max3A_27 : vector<2000x256xf32>
    %get3A_29 = arith.constant 0 : index
    %get3A_30 = arith.constant 0 : index
    %get3A_31 = vector.load %arg6[%get3A_29, %get3A_30] : memref<256x128xf32, #tpu.memory_space<vmem>>, vector<256x128xf32>
    %dot_general3A_32 = arith.constant dense<0.000000e+00> : vector<2000x128xf32>
    %dot_general3A_33 = tpu.matmul %max3A_28, %get3A_31, %dot_general3A_32 {dimension_numbers = #tpu.dot_dimension_numbers<[1], [0], [0], [1], [0, 0, 1, 1], [], []>, transpose_lhs_hint = false} : vector<2000x256xf32>, vector<256x128xf32>, vector<2000x128xf32> -> vector<2000x128xf32>
    %get3A_34 = arith.constant 0 : index
    %get3A_35 = arith.constant 0 : index
    %get3A_36 = vector.load %arg7[%get3A_34, %get3A_35] : memref<1x128xf32, #tpu.memory_space<vmem>>, vector<1x128xf32>
    %add3A_37 = vector.broadcast %get3A_36 : vector<1x128xf32> to vector<2000x128xf32>
    %add3A_38 = arith.addf %dot_general3A_33, %add3A_37 : vector<2000x128xf32>
    %swap3A = arith.constant 0 : index
    %swap3A_39 = arith.constant 0 : index
    %swap3A_40 = vector.load %arg8[%swap3A, %swap3A_39] : memref<2000x128xf32, #tpu.memory_space<vmem>>, vector<2000x128xf32>
    tpu.vector_store %arg8[%swap3A, %swap3A_39], %add3A_38 {strides = array<i32>} : memref<2000x128xf32, #tpu.memory_space<vmem>>, vector<2000x128xf32>,
    return
  }
  func.func @transform_0(%arg0: i32) -> (i32, i32) {
    %c0_i32 = arith.constant 0 : i32
    %c0_i32_0 = arith.constant 0 : i32
    %c0_i32_1 = arith.constant 0 : i32
    return %c0_i32, %c0_i32_0 : i32, i32
  }
  func.func @transform_1(%arg0: i32) -> (i32, i32) {
    %c0_i32 = arith.constant 0 : i32
    %c0_i32_0 = arith.constant 0 : i32
    return %arg0, %c0_i32 : i32, i32
  }
  func.func @transform_2(%arg0: i32) -> (i32, i32, i32) {
    %c0_i32 = arith.constant 0 : i32
    %c0_i32_0 = arith.constant 0 : i32
    %c0_i32_1 = arith.constant 0 : i32
    return %c0_i32, %arg0, %c0_i32_0 : i32, i32, i32
  }
  func.func @transform_3(%arg0: i32) -> (i32, i32) {
    %c0_i32 = arith.constant 0 : i32
    %c0_i32_0 = arith.constant 0 : i32
    %c0_i32_1 = arith.constant 0 : i32
    return %c0_i32, %c0_i32_0 : i32, i32
  }
  func.func @transform_4(%arg0: i32) -> (i32, i32) {
    %c0_i32 = arith.constant 0 : i32
    %c0_i32_0 = arith.constant 0 : i32
    %c0_i32_1 = arith.constant 0 : i32
    return %c0_i32, %c0_i32_0 : i32, i32
  }
  func.func @transform_5(%arg0: i32) -> (i32, i32) {
    %c0_i32 = arith.constant 0 : i32
    %c0_i32_0 = arith.constant 0 : i32
    %c0_i32_1 = arith.constant 0 : i32
    return %c0_i32, %c0_i32_0 : i32, i32
  }
  func.func @transform_6(%arg0: i32) -> (i32, i32) {
    %c0_i32 = arith.constant 0 : i32
    %c0_i32_0 = arith.constant 0 : i32
    %c0_i32_1 = arith.constant 0 : i32
    return %c0_i32, %c0_i32_0 : i32, i32
  }
  func.func @transform_7(%arg0: i32) -> (i32, i32) {
    %c0_i32 = arith.constant 0 : i32
    %c0_i32_0 = arith.constant 0 : i32
    return %arg0, %c0_i32 : i32, i32
  }
}

</mosaic_0001>

<sc_bundles>
// kernel: kernel.4.cloned.1.call-start
scs
__scs_entry_jumppad:
0x0: {  	(pc) =	sbr.rel $0x88, $3  }
0x1: {  	(tag) =	ssettag $0x0;
	lr =	simm.s32 $0x1  }
0x2: {  	[smem:$0x3F9A] =	sst lr;
	_ =	strace $0xD0000000  }
0x3: {  	_ = 	snop  }
0x4: {  	_ = 	snop  }
0x5: {  	_ = 	snop  }
0x6: {  	_ = 	snop  }
0x7: {  	_ = 	snop  }
__scs_overlays_trampoline_lowered:
0x8: {  	[smem:$0x3FA9] =	sst s0  }
0x9: {  	[smem:$0x3FAA] =	sst s1  }
0xa: {  	[smem:$0x3FAB] =	sst s2  }
0xb: {  	[smem:$0x3FAC] =	sst s3  }
0xc: {  	[smem:$0x3FAD] =	sst s4  }
0xd: {  	[smem:$0x3FAE] =	sst s5  }
0xe: {  	[smem:$0x3FAF] =	sst s6  }
0xf: {  	[smem:$0x3FB0] =	sst s7  }
0x10: {  	[smem:$0x3FB1] =	sst s8  }
0x11: {  	[smem:$0x3FB2] =	sst s9;
	s0 =	simm.s32 @!p0 $0x0  }
0x12: {  	s1 =	sld [smem:$0x3F98];
	s0 =	simm.s32 @p0 $0x1  }
0x13: {  	[smem:$0x3FB3] =	sst s0;
	s0 =	simm.s32 @!p1 $0x0  }
0x14: {  	s2 =	sld [smem:$0x3F97];
	s0 =	simm.s32 @p1 $0x1  }
0x15: {  	[smem:$0x3FB4] =	sst s0;
	s0 =	simm.s32 @!p2 $0x0  }
0x16: {  	s3 =	sld [smem:$0x3FDB];
	s0 =	simm.s32 @p2 $0x1  }
0x17: {  	s4 =	simm.s32 $0x1BF5;
	[smem:$0x3FB6] =	sst s0  }
0x18: {  	s0 =	sld [smem:$0x3F99];
	_ =	swait.ge [sflag:s4], $0x0  }
0x19: {  	s7 =	sld [smem:$0x3F9A]  }
0x1a: {  	s8 =	sadd.s32 $0xFFFFE003, lr  }
0x1b: {  	s9 =	sadd.s32 $0xFFFFFEF7, lr;
	s5 =	simm.s32 $0xFFFFFFFF;
	p2 =	slt.u32 s8, $0xFFFFF086  }
0x1c: {  	p1 =	slt.u32 s9, $0xF7A;
	s5 =	simm.s32 @!p2 $0x0  }
0x1d: {  	s5 =	simm.s32 @p1 $0x1;
	p0 =	seq.s32 s7, s2  }
0x1e: {  	s7 =	smul.u32 @!p0 $0xF7A, s2;
	p2 =	seq.s32 @!p0 s5, $0x0  }
0x1f: {  	s9 =	smul.u32 $0xF7A, s1;
	s8 =	simm.s32 @!p0 $0x1BF5;
	p2 =	por !p2, p0  }
0x20: {  	[sflag:s8] =	ssyncset.s32 @!p0 $0xFFFFF086;
	s6 =	sadd.s32 @!p0 s3, s7;
	s7 =	simm.s32 @!p0 $0x108  }
0x21: {  	s3 =	sadd.s32 s3, s9;
	s6 =	sadd.s32 @!p0 $0x88, s6;
	s7 =	simm.s32 @p2 $0x1082  }
0x22: {  	[simem:s7], [sflag:s8] =	dma.local @!p0 [hbm:s6], $0xF7A  }
0x23: {  	s9 =	sor.u32 $0xD0000000, s2;
	s6 =	simm.s32 $0x108;
	_ =	swait.ge @!p0 [sflag:s8], $0x0  }
0x24: {  	s3 =	sadd.s32 $0x88, s3;
	s6 =	simm.s32 @!p1 $0x1082;
	[sflag:s4] =	ssyncset.s32 $0xFFFFF086  }
0x25: {  	[simem:s6], [sflag:s4] =	dma.local [hbm:s3], $0xF7A  }
0x26: {  	[smem:$0x3F9A] =	sst s1;
	(tag) =	ssettag s2;
	_ =	strace s9  }
0x27: {  	s1 =	sld [smem:$0x3FAA]  }
0x28: {  	s2 =	sld [smem:$0x3FAB]  }
0x29: {  	s4 =	sld [smem:$0x3FAD]  }
0x2a: {  	p0 =	seq.s32 s5, $0x0;
	s5 =	sld [smem:$0x3FAE]  }
0x2b: {  	s6 =	sld [smem:$0x3FAF]  }
0x2c: {  	s7 =	sld [smem:$0x3FB0]  }
0x2d: {  	s3 =	simm.s32 $0x108;
	s8 =	sld [smem:$0x3FB1]  }
0x2e: {  	s3 =	simm.s32 @!p0 $0x1082;
	s9 =	sld [smem:$0x3FB2]  }
0x2f: {  	lr =	sadd.s32 s0, s3;
	s0 =	sld [smem:$0x3FA9]  }
0x30: {  	s3 =	sld [smem:$0x3FAC]  }
0x31: {  	[smem:$0x3FB5] =	sst s10  }
0x32: {  	s10 =	sld [smem:$0x3FB3];
	_ =	sdelay $0x3  }
0x33: {  	p0 =	seq.s32 s10, $0x1;
	s10 =	sld [smem:$0x3FB5];
	_ =	sdelay $0x3  }
0x34: {  	[smem:$0x3FB5] =	sst s10  }
0x35: {  	s10 =	sld [smem:$0x3FB4];
	_ =	sdelay $0x3  }
0x36: {  	p1 =	seq.s32 s10, $0x1;
	s10 =	sld [smem:$0x3FB5];
	_ =	sdelay $0x3  }
0x37: {  	[smem:$0x3FB5] =	sst s10  }
0x38: {  	s10 =	sld [smem:$0x3FB6]  }
0x39: {  	_ = 	snop;
	(pc) =	sbr.ind lr, $3  }
0x3a: {  	_ = 	snop  }
0x3b: {  	_ = 	snop  }
0x3c: {  	p2 =	seq.s32 s10, $0x1;
	s10 =	sld [smem:$0x3FB5]  }
0x3d: {  	_ =	shalt  }
0x3e: {  	_ =	shalt  }
0x3f: {  	_ =	shalt  }
0x40: {  	_ =	shalt  }
0x41: {  	_ =	shalt  }
0x42: {  	_ =	shalt  }
0x43: {  	_ =	shalt  }
0x44: {  	_ =	shalt  }
0x45: {  	_ =	shalt  }
0x46: {  	_ =	shalt  }
0x47: {  	_ =	shalt  }
0x48: {  	_ =	shalt  }
0x49: {  	_ =	shalt  }
0x4a: {  	_ =	shalt  }
0x4b: {  	_ =	shalt  }
0x4c: {  	_ =	shalt  }
0x4d: {  	_ =	shalt  }
0x4e: {  	_ =	shalt  }
0x4f: {  	_ =	shalt  }
0x50: {  	_ =	shalt  }
0x51: {  	_ =	shalt  }
0x52: {  	_ =	shalt  }
0x53: {  	_ =	shalt  }
0x54: {  	_ =	shalt  }
0x55: {  	_ =	shalt  }
0x56: {  	_ =	shalt  }
0x57: {  	_ =	shalt  }
0x58: {  	_ =	shalt  }
0x59: {  	_ =	shalt  }
0x5a: {  	_ =	shalt  }
0x5b: {  	_ =	shalt  }
0x5c: {  	_ =	shalt  }
0x5d: {  	_ =	shalt  }
0x5e: {  	_ =	shalt  }
0x5f: {  	_ =	shalt  }
0x60: {  	_ =	shalt  }
0x61: {  	_ =	shalt  }
0x62: {  	_ =	shalt  }
0x63: {  	_ =	shalt  }
0x64: {  	_ =	shalt  }
0x65: {  	_ =	shalt  }
0x66: {  	_ =	shalt  }
0x67: {  	_ =	shalt  }
0x68: {  	_ =	shalt  }
0x69: {  	_ =	shalt  }
0x6a: {  	_ =	shalt  }
0x6b: {  	_ =	shalt  }
0x6c: {  	_ =	shalt  }
0x6d: {  	_ =	shalt  }
0x6e: {  	_ =	shalt  }
0x6f: {  	_ =	shalt  }
0x70: {  	_ =	shalt  }
0x71: {  	_ =	shalt  }
0x72: {  	_ =	shalt  }
0x73: {  	_ =	shalt  }
0x74: {  	_ =	shalt  }
0x75: {  	_ =	shalt  }
0x76: {  	_ =	shalt  }
0x77: {  	_ =	shalt  }
0x78: {  	_ =	shalt  }
0x79: {  	_ =	shalt  }
0x7a: {  	_ =	shalt  }
0x7b: {  	_ =	shalt  }
0x7c: {  	_ =	shalt  }
0x7d: {  	_ =	shalt  }
0x7e: {  	_ =	shalt  }
0x7f: {  	_ =	shalt  }
0x80: {  	_ =	shalt  }
0x81: {  	_ =	shalt  }
0x82: {  	_ =	shalt  }
0x83: {  	_ =	shalt  }
0x84: {  	_ =	shalt  }
0x85: {  	_ =	shalt  }
0x86: {  	_ =	shalt  }
0x87: {  	_ =	shalt  }
.Lfunc_end0:
.L_simem_size_0:
called_computation_lowered:
.L_overlay_start_0:
0x88: {  	s2 =	sld [smem:$0x3FD9]  }
0x89: {  	s3 =	sld [smem:$0x3FFE];
	_ =	sdelay $0x1  }
0x8a: {  	s1 =	srdreg.scid  }
0x8b: {  	s0 =	sand.u32 $0x1, s1  }
0x8c: {  	s17 =	sshll.u32 s0, $0xA;
	s2 =	sadd.s32 s3, s2  }
0x8d: {  	s2 =	sadd.s32 s2, s17  }
0x8e: {  	[smem:$0x3FC1] =	sst s2  }
0x8f: {  	_ = 	snop  }
0x90: {  	s2 =	sld [smem:$0x3FC9];
	(tm) =	ssettm $0x1  }
0x91: {  	s18 =	sld [smem:$0x3FFB];
	_ =	sdelay $0x3  }
0x92: {  	_ =	strace s18  }
0x93: {  	s3 =	sld [smem:$0x3FFC];
	_ =	sdelay $0x3  }
0x94: {  	_ =	strace s3  }
0x95: {  	s3 =	sld [smem:$0x3FFD];
	_ =	sdelay $0x3  }
0x96: {  	_ =	strace s3  }
0x97: {  	_ =	strace $0x8FFFFFFF  }
0x98: {  	s19 =	sld [smem:$0x3FDB];
	_ =	sdelay $0x1  }
0x99: {  	s4 =	simm.s32 $_scs_section_size  }
0x9a: {  	s5 =	simm.s32 $_size__tile_overlayer_lowered;
	s6 =	simm.s32 $_tile_overlayer_lowered  }
0x9b: {  	s22 =	simm.s32 $0x1BFF;
	s21 =	sshll.u32 s6, $0x1;
	s3 =	sadd.s32 s4, s19  }
0x9c: {  	s7 =	simm.s32 $0x0;
	s20 =	sshll.u32 s5, $0x1;
	s5 =	sadd.s32 s21, s3  }
0x9d: {  	[timem:s7], [sflag:s22] =	dma.local [hbm:s5], s20  }
0x9e: {  	_ =	swait.ge [sflag:s22], s20  }
0x9f: {  	s4 =	ssub.s32 $0x0, s20;
	[sflag:s22] =	ssyncset.done $0x0  }
0xa0: {  	[sflag:s22] =	ssyncadd.s32 s4;
	_ =	sdelay $0x1  }
0xa1: {  	s23 =	simm.s32 $0x1B8B  }
0xa2: {  	_ =	swait.ge [sflag:s23], $0x1  }
0xa3: {  	[sflag:s23] =	ssyncset.done $0x0  }
0xa4: {  	s25 =	simm.s32 $0x1B8E;
	s24 =	sld [smem:$0x3FFE];
	[sflag:s23] =	ssyncadd.s32 $0xFFFFFFFF  }
0xa5: {  	s26 =	simm.s32 $execute0_lowered;
	[smem:$0x3FD2] =	sst s25  }
0xa6: {  	s5 =	sshll.u32 s26, $0x1;
	_ =	strace $0x80000046;
	[dreg:$0x1] =	wrdreg $0xFFFFFFFF  }
0xa7: {  	s28 =	simm.s32 $_size_execute0_lowered;
	s3 =	sadd.s32 s3, s5;
	[dreg:$0x0] =	wrdreg $0x0  }
0xa8: {  	s5 =	sshll.u32 s28, $0x1;
	[dreg:$0x2] =	wrdreg s3  }
0xa9: {  	[dreg:$0x3] =	wrdreg s5  }
0xaa: {  	[dreg:$0x4] =	wrdreg $0xC0  }
0xab: {  	_ =	task [dreg:s7], $0x5FFFF  }
0xac: {  	[dreg:$0x1] =	wrdreg $0xFFFFFFFF  }
0xad: {  	[dreg:$0x0] =	wrdreg $0x60  }
0xae: {  	[dreg:$0x2] =	wrdreg s2  }
0xaf: {  	[dreg:$0x3] =	wrdreg s24  }
0xb0: {  	[dreg:$0x4] =	wrdreg $0xA8000  }
0xb1: {  	[dreg:$0x5] =	wrdreg $0x9  }
0xb2: {  	_ =	task.clear_ibuf [dreg:s7], $0x6FFFF;
	_ =	strace $0x90000046  }
0xb3: {  	s29 =	simm.s32 $0x9;
	_ =	strace $0x80000048  }
0xb4: {  	_ =	swait.ge [sflag:s29], $0x1  }
0xb5: {  	[sflag:s29] =	ssyncadd.s32 $0xFFFFFFFF  }
0xb6: {  	_ =	strace $0x90000048  }
0xb7: {  	_ =	sfence  }
0xb8: {  	s30 =	sld [smem:$0x0];
	_ =	sdelay $0x2  }
0xb9: {  	s31 =	sshll.u32 s1, $0xD;
	s1 =	sshrl.u32 s1, $0x2  }
0xba: {  	s3 =	sand.u32 $0x4000, s31;
	s1 =	sadd.s32 s1, s30  }
0xbb: {  	s0 =	sor.u32 s3, s0;
	s1 =	sshll.u32 s1, $0x11  }
0xbc: {  	s0 =	sor.u32 s1, s0  }
0xbd: {  	s0 =	sadd.s32 $0x8F2B, s0  }
0xbe: {  	[sflag:s0] =	ssyncadd.remote.s32 $0x1  }
0xbf: {  	_ =	sfence.sel $0xFFFF  }
0xc0: {  	[dreg:$0x0] =	wrdreg $0xFFFFFFFF;
	(pc) =	sbr.abs _section_cstart, $3  }
0xc1: {  	[dreg:$0x1] =	wrdreg $0xFFFFFFFF  }
0xc2: {  	_ =	task.clear_ibuf [dreg:s7], $0x2FFFF;
	_ =	strace $0x9FFFFFFF  }
0xc3: {  	(tm) =	ssettm $0x7FFFFFFF  }
tec
execute0_lowered:
.L_overlay_start_1:
0x0: {  	(tag) =	ssettag $0x1  }
0x1: {  	s0 =	rddreg [dreg:$0x0]  }
0x2: {  	s1 =	srdreg.scid;
	s4 =	rddreg [dreg:$0x1]  }
0x3: {  	s5 =	stileid.u32;
	s2 =	rddreg [dreg:$0x2];
	s14 =	simm.s32 $0x0  }
0x4: {  	s1 =	sand.u32 $0x1, s1;
	s13 =	smul.u32 $0x13800, s5;
	[smem:$0x7FF] =	sst s14  }
0x5: {  	s15 =	sadd.s32 $0x138000, s2;
	s9 =	sadd.s32 $0x29600, s4;
	s16 =	sadd.s32 $0x27000, s0  }
0x6: {  	s11 =	smul.u32 $0x4E000, s5;
	s26 =	sshll.u32 s5, $0x6;
	s3 =	sshll.u32 s1, $0x4  }
0x7: {  	_ =	strace $0x80000047;
	[dreg:$0x5] =	wrdreg s15;
	s17 =	ssub.s32 $0x2, s1  }
0x8: {  	[dreg:$0x6] =	wrdreg s16;
	s1 =	smul.u32 $0x138800, s1;
	s28 =	sor.u32 $0x1C05, s26  }
0x9: {  	s6 =	sor.u32 s5, s3;
	s8 =	sshrl.u32 s13, $0x3;
	s10 =	sshrl.u32 s17, $0x1  }
0xa: {  	s22 =	sshrl.u32 s11, $0x2;
	[dreg:$0x14] =	wrdreg s28;
	s6 =	smul.u32 $0x5000, s6  }
0xb: {  	s8 =	sadd.s32 s0, s8;
	s29 =	sadd.s32 s13, s1;
	s1 =	sshrl.u32 s1, $0x3  }
0xc: {  	[dreg:$0x4] =	wrdreg s8;
	s8 =	ssub.s32 s17, s10;
	s1 =	sadd.s32 s9, s1  }
0xd: {  	s10 =	sadd.s32 s22, s2;
	s6 =	sshrl.u32 s6, $0x3;
	s1 =	sadd.s32 $0x27000, s1  }
0xe: {  	s31 =	sshrl.u32 s10, $0x3;
	s6 =	sadd.s32 s6, s4;
	[dreg:$0x11] =	wrdreg s1  }
0xf: {  	[dreg:$0x13] =	wrdreg s31;
	s18 =	sadd.s32 $0x15600, s6  }
0x10: {  	p0 =	sne.s32 s5, $0x0;
	s19 =	sadd.s32 $0x1800, s6;
	[dreg:$0x7] =	wrdreg s18  }
0x11: {  	s15 =	simm.s32 $0x8000;
	s20 =	sadd.s32 $0x15800, s6;
	[dreg:$0x8] =	wrdreg s19  }
0x12: {  	s11 =	simm.s32 $0x3000;
	s21 =	sadd.s32 $0x1A00, s6;
	[dreg:$0x9] =	wrdreg s20  }
0x13: {  	s13 =	simm.s32 $0x5800;
	s23 =	sadd.s32 $0x15A00, s6;
	[dreg:$0xa] =	wrdreg s21  }
0x14: {  	s17 =	simm.s32 $0x1;
	s24 =	sadd.s32 $0x1C00, s6;
	[dreg:$0xb] =	wrdreg s23  }
0x15: {  	s22 =	simm.s32 $0x3;
	s25 =	sadd.s32 $0x15C00, s6;
	[dreg:$0xc] =	wrdreg s24  }
0x16: {  	s3 =	smax.u32 s8, $0x1;
	s12 =	sadd.s32 $0x1E00, s6;
	[dreg:$0xd] =	wrdreg s25  }
0x17: {  	s8 =	simm.s32 $0x5;
	s30 =	sadd.s32 $0x15E00, s6;
	[dreg:$0xe] =	wrdreg s12  }
0x18: {  	s4 =	sshrl.u32 s29, $0x3;
	s6 =	sadd.s32 $0x1600, s6;
	[dreg:$0xf] =	wrdreg s30  }
0x19: {  	s10 =	simm.s32 $0x50;
	s4 =	sadd.s32 s9, s4;
	[dreg:$0x12] =	wrdreg s6  }
0x1a: {  	[dreg:$0x10] =	wrdreg s4;
	s19 =	simm.s32 $0x2;
	s6 =	simm.s32 $0x0  }
.LBB2_1:
0x1b: {  	[dreg:$0x16] =	wrdreg s3  }
0x1c: {  	s26 =	rddreg [dreg:$0x4]  }
0x1d: {  	s4 =	rddreg [dreg:$0x13]  }
0x1e: {  	s1 =	rddreg [dreg:$0x14]  }
0x1f: {  	[spmem:s4], [sflag:s1] =	dma.local [hbm:s26], $0x2700  }
0x20: {  	_ =	swait.ge [sflag:s8], $0x2700  }
0x21: {  	s26 =	rddreg [dreg:$0x5]  }
0x22: {  	s18 =	rddreg [dreg:$0x6];
	[sflag:s8] =	ssyncset.done $0x0;
	s4 =	sshrl.u32 @!p0 s26, $0x3  }
0x23: {  	[sflag:s8] =	ssyncadd.s32 $0xFFFFD900;
	[dreg:$0x15] =	wrdreg s4  }
0x24: {  	[spmem:s4], [sflag:s1] =	dma.local @!p0 [hbm:s18], $0x100  }
0x25: {  	s4 =	simm.s32 @!p0 $0x5  }
0x26: {  	_ =	swait.ge @!p0 [sflag:s4], $0x100  }
0x27: {  	[sflag:s4] =	ssyncset.done @!p0 $0x0  }
0x28: {  	[sflag:s4] =	ssyncadd.s32 @!p0 $0xFFFFFF00  }
0x29: {  	[bflag:$0x0] =	sbarrier.arrive $0xFFFF  }
0x2a: {  	s29 =	rddreg [dreg:$0x12]  }
0x2b: {  	[tilespmem:s6], [sflag:$0x5] =	stream.linear.gather [hbm4b:s29+s6], $0xC80, $0x38;
	[tilespmem:$0x1E080] =	vst v63  }
0x2c: {  	_ =	swait.ge [sflag:s8], $0xC80  }
0x2d: {  	[sflag:s8] =	ssyncset.done $0x0  }
0x2e: {  	s31 =	simm.s32 $0x2000;
	s30 =	rddreg [dreg:$0x7];
	[sflag:s8] =	ssyncadd.s32 $0xFFFFF380  }
0x2f: {  	[tilespmem:s31], [sflag:$0x5] =	stream.linear.gather [hbm4b:s30+s6], $0xC80, $0x38;
	[tilespmem:$0x1E080] =	vst v63  }
0x30: {  	_ =	swait.ge [sflag:s8], $0xC80  }
0x31: {  	[sflag:s8] =	ssyncset.done $0x0  }
0x32: {  	[sflag:s8] =	ssyncadd.s32 $0xFFFFF380  }
0x33: {  	[tilespmem:s11], [sflag:$0x1] =	stream.indirect.gather [hbm4b:s0+s10], $0x80, s6, s10, $0xb8;
	[tilespmem:$0x1E080] =	vst v63  }
0x34: {  	s3 =	simm.s32 $0x80  }
0x35: {  	[tilespmem:s13], [sflag:$0x2] =	stream.indirect.gather [hbm4b:s0+s10], $0x80, s3, s10, $0xb8;
	[tilespmem:$0x1E080] =	vst v63  }
0x36: {  	s7 =	simm.s32 $0x100  }
0x37: {  	[tilespmem:s15], [sflag:$0x3] =	stream.indirect.gather [hbm4b:s0+s10], $0x80, s7, s10, $0xb8;
	[tilespmem:$0x1E080] =	vst v63  }
0x38: {  	s9 =	simm.s32 $0x1000;
	s4 =	rddreg [dreg:$0x8]  }
0x39: {  	[tilespmem:s9], [sflag:$0x4] =	stream.linear.gather [hbm4b:s4+s6], $0xC80, $0x38;
	[tilespmem:$0x1E080] =	vst v63  }
0x3a: {  	_ =	swait.ge [sflag:s17], $0x2800  }
0x3b: {  	[sflag:s17] =	ssyncset.done $0x0  }
0x3c: {  	s5 =	simm.s32 $0x2000;
	[sflag:s17] =	ssyncadd.s32 $0xFFFFD800  }
0x3d: {  	[spmem:s2] =	stream.indirect.scatter.add.f32 [tilespmem:s11], [sflag:$0x5], $0x80, s5, s10, $0xb8;
	[tilespmem:$0x1E080] =	vst v63  }
0x3e: {  	_ =	swait.ge [sflag:s8], $0x2800  }
0x3f: {  	[sflag:s8] =	ssyncset.done $0x0  }
0x40: {  	s12 =	simm.s32 $0x180;
	[sflag:s8] =	ssyncadd.s32 $0xFFFFD800  }
0x41: {  	[tilespmem:s11], [sflag:$0x1] =	stream.indirect.gather [hbm4b:s0+s10], $0x80, s12, s10, $0xb8;
	[tilespmem:$0x1E080] =	vst v63  }
0x42: {  	_ =	swait.ge [sflag:s19], $0x2800  }
0x43: {  	[sflag:s19] =	ssyncset.done $0x0  }
0x44: {  	s14 =	simm.s32 $0x2080;
	[sflag:s19] =	ssyncadd.s32 $0xFFFFD800  }
0x45: {  	[spmem:s2] =	stream.indirect.scatter.add.f32 [tilespmem:s13], [sflag:$0x5], $0x80, s14, s10, $0xb8;
	[tilespmem:$0x1E080] =	vst v63  }
0x46: {  	_ =	swait.ge [sflag:s8], $0x2800  }
0x47: {  	[sflag:s8] =	ssyncset.done $0x0  }
0x48: {  	s16 =	simm.s32 $0x200;
	[sflag:s8] =	ssyncadd.s32 $0xFFFFD800  }
0x49: {  	[tilespmem:s13], [sflag:$0x2] =	stream.indirect.gather [hbm4b:s0+s10], $0x80, s16, s10, $0xb8;
	[tilespmem:$0x1E080] =	vst v63  }
0x4a: {  	_ =	swait.ge [sflag:s22], $0x2800  }
0x4b: {  	[sflag:s22] =	ssyncset.done $0x0  }
0x4c: {  	s18 =	simm.s32 $0x2100;
	[sflag:s22] =	ssyncadd.s32 $0xFFFFD800  }
0x4d: {  	[spmem:s2] =	stream.indirect.scatter.add.f32 [tilespmem:s15], [sflag:$0x5], $0x80, s18, s10, $0xb8;
	[tilespmem:$0x1E080] =	vst v63  }
0x4e: {  	_ =	swait.ge [sflag:s8], $0x2800  }
0x4f: {  	[sflag:s8] =	ssyncset.done $0x0  }
0x50: {  	s20 =	simm.s32 $0x280;
	[sflag:s8] =	ssyncadd.s32 $0xFFFFD800  }
0x51: {  	[tilespmem:s15], [sflag:$0x3] =	stream.indirect.gather [hbm4b:s0+s10], $0x80, s20, s10, $0xb8;
	[tilespmem:$0x1E080] =	vst v63  }
0x52: {  	_ =	swait.ge [sflag:s17], $0x2800  }
0x53: {  	[sflag:s17] =	ssyncset.done $0x0  }
0x54: {  	s21 =	simm.s32 $0x2180;
	[sflag:s17] =	ssyncadd.s32 $0xFFFFD800  }
0x55: {  	[spmem:s2] =	stream.indirect.scatter.add.f32 [tilespmem:s11], [sflag:$0x5], $0x80, s21, s10, $0xb8;
	[tilespmem:$0x1E080] =	vst v63  }
0x56: {  	_ =	swait.ge [sflag:s8], $0x2800  }
0x57: {  	[sflag:s8] =	ssyncset.done $0x0  }
0x58: {  	s23 =	simm.s32 $0x300;
	[sflag:s8] =	ssyncadd.s32 $0xFFFFD800  }
0x59: {  	[tilespmem:s11], [sflag:$0x1] =	stream.indirect.gather [hbm4b:s0+s10], $0x80, s23, s10, $0xb8;
	[tilespmem:$0x1E080] =	vst v63  }
0x5a: {  	_ =	swait.ge [sflag:s19], $0x2800  }
0x5b: {  	[sflag:s19] =	ssyncset.done $0x0  }
0x5c: {  	s24 =	simm.s32 $0x2200;
	[sflag:s19] =	ssyncadd.s32 $0xFFFFD800  }
0x5d: {  	[spmem:s2] =	stream.indirect.scatter.add.f32 [tilespmem:s13], [sflag:$0x5], $0x80, s24, s10, $0xb8;
	[tilespmem:$0x1E080] =	vst v63  }
0x5e: {  	_ =	swait.ge [sflag:s8], $0x2800  }
0x5f: {  	[sflag:s8] =	ssyncset.done $0x0  }
0x60: {  	s25 =	simm.s32 $0x380;
	[sflag:s8] =	ssyncadd.s32 $0xFFFFD800  }
0x61: {  	[tilespmem:s13], [sflag:$0x2] =	stream.indirect.gather [hbm4b:s0+s10], $0x80, s25, s10, $0xb8;
	[tilespmem:$0x1E080] =	vst v63  }
0x62: {  	_ =	swait.ge [sflag:s22], $0x2800  }
0x63: {  	[sflag:s22] =	ssyncset.done $0x0  }
0x64: {  	s26 =	simm.s32 $0x2280;
	[sflag:s22] =	ssyncadd.s32 $0xFFFFD800  }
0x65: {  	[spmem:s2] =	stream.indirect.scatter.add.f32 [tilespmem:s15], [sflag:$0x5], $0x80, s26, s10, $0xb8;
	[tilespmem:$0x1E080] =	vst v63  }
0x66: {  	_ =	swait.ge [sflag:s8], $0x2800  }
0x67: {  	[sflag:s8] =	ssyncset.done $0x0  }
0x68: {  	s28 =	simm.s32 $0x400;
	[sflag:s8] =	ssyncadd.s32 $0xFFFFD800  }
0x69: {  	[tilespmem:s15], [sflag:$0x3] =	stream.indirect.gather [hbm4b:s0+s10], $0x80, s28, s10, $0xb8;
	[tilespmem:$0x1E080] =	vst v63  }
0x6a: {  	_ =	swait.ge [sflag:s17], $0x2800  }
0x6b: {  	[sflag:s17] =	ssyncset.done $0x0  }
0x6c: {  	s29 =	simm.s32 $0x2300;
	[sflag:s17] =	ssyncadd.s32 $0xFFFFD800  }
0x6d: {  	[spmem:s2] =	stream.indirect.scatter.add.f32 [tilespmem:s11], [sflag:$0x5], $0x80, s29, s10, $0xb8;
	[tilespmem:$0x1E080] =	vst v63  }
0x6e: {  	_ =	swait.ge [sflag:s8], $0x2800  }
0x6f: {  	[sflag:s8] =	ssyncset.done $0x0  }
0x70: {  	s30 =	simm.s32 $0x480;
	[sflag:s8] =	ssyncadd.s32 $0xFFFFD800  }
0x71: {  	[tilespmem:s11], [sflag:$0x1] =	stream.indirect.gather [hbm4b:s0+s10], $0x80, s30, s10, $0xb8;
	[tilespmem:$0x1E080] =	vst v63  }
0x72: {  	_ =	swait.ge [sflag:s19], $0x2800  }
0x73: {  	[sflag:s19] =	ssyncset.done $0x0  }
0x74: {  	s31 =	simm.s32 $0x2380;
	[sflag:s19] =	ssyncadd.s32 $0xFFFFD800  }
0x75: {  	[spmem:s2] =	stream.indirect.scatter.add.f32 [tilespmem:s13], [sflag:$0x5], $0x80, s31, s10, $0xb8;
	[tilespmem:$0x1E080] =	vst v63  }
0x76: {  	_ =	swait.ge [sflag:s8], $0x2800  }
0x77: {  	[sflag:s8] =	ssyncset.done $0x0  }
0x78: {  	s1 =	simm.s32 $0x500;
	[sflag:s8] =	ssyncadd.s32 $0xFFFFD800  }
0x79: {  	[tilespmem:s13], [sflag:$0x2] =	stream.indirect.gather [hbm4b:s0+s10], $0x80, s1, s10, $0xb8;
	[tilespmem:$0x1E080] =	vst v63  }
0x7a: {  	_ =	swait.ge [sflag:s22], $0x2800  }
0x7b: {  	[sflag:s22] =	ssyncset.done $0x0  }
0x7c: {  	s3 =	simm.s32 $0x2400;
	[sflag:s22] =	ssyncadd.s32 $0xFFFFD800  }
0x7d: {  	[spmem:s2] =	stream.indirect.scatter.add.f32 [tilespmem:s15], [sflag:$0x5], $0x80, s3, s10, $0xb8;
	[tilespmem:$0x1E080] =	vst v63  }
0x7e: {  	_ =	swait.ge [sflag:s8], $0x2800  }
0x7f: {  	[sflag:s8] =	ssyncset.done $0x0  }
0x80: {  	s7 =	simm.s32 $0x580;
	[sflag:s8] =	ssyncadd.s32 $0xFFFFD800  }
0x81: {  	[tilespmem:s15], [sflag:$0x3] =	stream.indirect.gather [hbm4b:s0+s10], $0x80, s7, s10, $0xb8;
	[tilespmem:$0x1E080] =	vst v63  }
0x82: {  	_ =	swait.ge [sflag:s17], $0x2800  }
0x83: {  	[sflag:s17] =	ssyncset.done $0x0  }
0x84: {  	s16 =	simm.s32 $0x2480;
	[sflag:s17] =	ssyncadd.s32 $0xFFFFD800  }
0x85: {  	[spmem:s2] =	stream.indirect.scatter.add.f32 [tilespmem:s11], [sflag:$0x5], $0x80, s16, s10, $0xb8;
	[tilespmem:$0x1E080] =	vst v63  }
0x86: {  	_ =	swait.ge [sflag:s8], $0x2800  }
0x87: {  	[sflag:s8] =	ssyncset.done $0x0  }
0x88: {  	s18 =	simm.s32 $0x600;
	[sflag:s8] =	ssyncadd.s32 $0xFFFFD800  }
0x89: {  	[tilespmem:s11], [sflag:$0x1] =	stream.indirect.gather [hbm4b:s0+s10], $0x80, s18, s10, $0xb8;
	[tilespmem:$0x1E080] =	vst v63  }
0x8a: {  	_ =	swait.ge [sflag:s19], $0x2800  }
0x8b: {  	[sflag:s19] =	ssyncset.done $0x0  }
0x8c: {  	s23 =	simm.s32 $0x2500;
	[sflag:s19] =	ssyncadd.s32 $0xFFFFD800  }
0x8d: {  	[spmem:s2] =	stream.indirect.scatter.add.f32 [tilespmem:s13], [sflag:$0x5], $0x80, s23, s10, $0xb8;
	[tilespmem:$0x1E080] =	vst v63  }
0x8e: {  	_ =	swait.ge [sflag:s8], $0x2800  }
0x8f: {  	[sflag:s8] =	ssyncset.done $0x0  }
0x90: {  	s24 =	simm.s32 $0x680;
	[sflag:s8] =	ssyncadd.s32 $0xFFFFD800  }
0x91: {  	[tilespmem:s13], [sflag:$0x2] =	stream.indirect.gather [hbm4b:s0+s10], $0x80, s24, s10, $0xb8;
	[tilespmem:$0x1E080] =	vst v63  }
0x92: {  	_ =	swait.ge [sflag:s22], $0x2800  }
0x93: {  	[sflag:s22] =	ssyncset.done $0x0  }
0x94: {  	s25 =	simm.s32 $0x2580;
	[sflag:s22] =	ssyncadd.s32 $0xFFFFD800  }
0x95: {  	[spmem:s2] =	stream.indirect.scatter.add.f32 [tilespmem:s15], [sflag:$0x5], $0x80, s25, s10, $0xb8;
	[tilespmem:$0x1E080] =	vst v63  }
0x96: {  	_ =	swait.ge [sflag:s8], $0x2800  }
0x97: {  	[sflag:s8] =	ssyncset.done $0x0  }
0x98: {  	s26 =	simm.s32 $0x700;
	[sflag:s8] =	ssyncadd.s32 $0xFFFFD800  }
0x99: {  	[tilespmem:s15], [sflag:$0x3] =	stream.indirect.gather [hbm4b:s0+s10], $0x80, s26, s10, $0xb8;
	[tilespmem:$0x1E080] =	vst v63  }
0x9a: {  	_ =	swait.ge [sflag:s17], $0x2800  }
0x9b: {  	[sflag:s17] =	ssyncset.done $0x0  }
0x9c: {  	s28 =	simm.s32 $0x2600;
	[sflag:s17] =	ssyncadd.s32 $0xFFFFD800  }
0x9d: {  	[spmem:s2] =	stream.indirect.scatter.add.f32 [tilespmem:s11], [sflag:$0x5], $0x80, s28, s10, $0xb8;
	[tilespmem:$0x1E080] =	vst v63  }
0x9e: {  	_ =	swait.ge [sflag:s8], $0x2800  }
0x9f: {  	[sflag:s8] =	ssyncset.done $0x0  }
0xa0: {  	s29 =	simm.s32 $0x780;
	[sflag:s8] =	ssyncadd.s32 $0xFFFFD800  }
0xa1: {  	[tilespmem:s11], [sflag:$0x1] =	stream.indirect.gather [hbm4b:s0+s10], $0x80, s29, s10, $0xb8;
	[tilespmem:$0x1E080] =	vst v63  }
0xa2: {  	_ =	swait.ge [sflag:s19], $0x2800  }
0xa3: {  	[sflag:s19] =	ssyncset.done $0x0  }
0xa4: {  	s1 =	simm.s32 $0x2680;
	[sflag:s19] =	ssyncadd.s32 $0xFFFFD800  }
0xa5: {  	[spmem:s2] =	stream.indirect.scatter.add.f32 [tilespmem:s13], [sflag:$0x5], $0x80, s1, s10, $0xb8;
	[tilespmem:$0x1E080] =	vst v63  }
0xa6: {  	_ =	swait.ge [sflag:s8], $0x2800  }
0xa7: {  	[sflag:s8] =	ssyncset.done $0x0  }
0xa8: {  	s3 =	simm.s32 $0x800;
	[sflag:s8] =	ssyncadd.s32 $0xFFFFD800  }
0xa9: {  	[tilespmem:s13], [sflag:$0x2] =	stream.indirect.gather [hbm4b:s0+s10], $0x80, s3, s10, $0xb8;
	[tilespmem:$0x1E080] =	vst v63  }
0xaa: {  	_ =	swait.ge [sflag:s22], $0x2800  }
0xab: {  	[sflag:s22] =	ssyncset.done $0x0  }
0xac: {  	s18 =	simm.s32 $0x2700;
	[sflag:s22] =	ssyncadd.s32 $0xFFFFD800  }
0xad: {  	[spmem:s2] =	stream.indirect.scatter.add.f32 [tilespmem:s15], [sflag:$0x5], $0x80, s18, s10, $0xb8;
	[tilespmem:$0x1E080] =	vst v63  }
0xae: {  	_ =	swait.ge [sflag:s8], $0x2800  }
0xaf: {  	[sflag:s8] =	ssyncset.done $0x0  }
0xb0: {  	s23 =	simm.s32 $0x880;
	[sflag:s8] =	ssyncadd.s32 $0xFFFFD800  }
0xb1: {  	[tilespmem:s15], [sflag:$0x3] =	stream.indirect.gather [hbm4b:s0+s10], $0x80, s23, s10, $0xb8;
	[tilespmem:$0x1E080] =	vst v63  }
0xb2: {  	_ =	swait.ge [sflag:s17], $0x2800  }
0xb3: {  	[sflag:s17] =	ssyncset.done $0x0  }
0xb4: {  	s24 =	simm.s32 $0x2780;
	[sflag:s17] =	ssyncadd.s32 $0xFFFFD800  }
0xb5: {  	[spmem:s2] =	stream.indirect.scatter.add.f32 [tilespmem:s11], [sflag:$0x5], $0x80, s24, s10, $0xb8;
	[tilespmem:$0x1E080] =	vst v63  }
0xb6: {  	_ =	swait.ge [sflag:s8], $0x2800  }
0xb7: {  	[sflag:s8] =	ssyncset.done $0x0  }
0xb8: {  	s25 =	simm.s32 $0x900;
	[sflag:s8] =	ssyncadd.s32 $0xFFFFD800  }
0xb9: {  	[tilespmem:s11], [sflag:$0x1] =	stream.indirect.gather [hbm4b:s0+s10], $0x80, s25, s10, $0xb8;
	[tilespmem:$0x1E080] =	vst v63  }
0xba: {  	_ =	swait.ge [sflag:s19], $0x2800  }
0xbb: {  	[sflag:s19] =	ssyncset.done $0x0  }
0xbc: {  	s26 =	simm.s32 $0x2800;
	[sflag:s19] =	ssyncadd.s32 $0xFFFFD800  }
0xbd: {  	[spmem:s2] =	stream.indirect.scatter.add.f32 [tilespmem:s13], [sflag:$0x5], $0x80, s26, s10, $0xb8;
	[tilespmem:$0x1E080] =	vst v63  }
0xbe: {  	_ =	swait.ge [sflag:s8], $0x2800  }
0xbf: {  	[sflag:s8] =	ssyncset.done $0x0  }
0xc0: {  	s28 =	simm.s32 $0x980;
	[sflag:s8] =	ssyncadd.s32 $0xFFFFD800  }
0xc1: {  	[tilespmem:s13], [sflag:$0x2] =	stream.indirect.gather [hbm4b:s0+s10], $0x80, s28, s10, $0xb8;
	[tilespmem:$0x1E080] =	vst v63  }
0xc2: {  	_ =	swait.ge [sflag:s22], $0x2800  }
0xc3: {  	[sflag:s22] =	ssyncset.done $0x0  }
0xc4: {  	s29 =	simm.s32 $0x2880;
	[sflag:s22] =	ssyncadd.s32 $0xFFFFD800  }
0xc5: {  	[spmem:s2] =	stream.indirect.scatter.add.f32 [tilespmem:s15], [sflag:$0x5], $0x80, s29, s10, $0xb8;
	[tilespmem:$0x1E080] =	vst v63  }
0xc6: {  	_ =	swait.ge [sflag:s8], $0x2800  }
0xc7: {  	[sflag:s8] =	ssyncset.done $0x0  }
0xc8: {  	s1 =	simm.s32 $0xA00;
	[sflag:s8] =	ssyncadd.s32 $0xFFFFD800  }
0xc9: {  	[tilespmem:s15], [sflag:$0x3] =	stream.indirect.gather [hbm4b:s0+s10], $0x80, s1, s10, $0xb8;
	[tilespmem:$0x1E080] =	vst v63  }
0xca: {  	_ =	swait.ge [sflag:s17], $0x2800  }
0xcb: {  	[sflag:s17] =	ssyncset.done $0x0  }
0xcc: {  	s3 =	simm.s32 $0x2900;
	[sflag:s17] =	ssyncadd.s32 $0xFFFFD800  }
0xcd: {  	[spmem:s2] =	stream.indirect.scatter.add.f32 [tilespmem:s11], [sflag:$0x5], $0x80, s3, s10, $0xb8;
	[tilespmem:$0x1E080] =	vst v63  }
0xce: {  	_ =	swait.ge [sflag:s8], $0x2800  }
0xcf: {  	[sflag:s8] =	ssyncset.done $0x0  }
0xd0: {  	s18 =	simm.s32 $0xA80;
	[sflag:s8] =	ssyncadd.s32 $0xFFFFD800  }
0xd1: {  	[tilespmem:s11], [sflag:$0x1] =	stream.indirect.gather [hbm4b:s0+s10], $0x80, s18, s10, $0xb8;
	[tilespmem:$0x1E080] =	vst v63  }
0xd2: {  	_ =	swait.ge [sflag:s19], $0x2800  }
0xd3: {  	[sflag:s19] =	ssyncset.done $0x0  }
0xd4: {  	s25 =	simm.s32 $0x2980;
	[sflag:s19] =	ssyncadd.s32 $0xFFFFD800  }
0xd5: {  	[spmem:s2] =	stream.indirect.scatter.add.f32 [tilespmem:s13], [sflag:$0x5], $0x80, s25, s10, $0xb8;
	[tilespmem:$0x1E080] =	vst v63  }
0xd6: {  	_ =	swait.ge [sflag:s8], $0x2800  }
0xd7: {  	[sflag:s8] =	ssyncset.done $0x0  }
0xd8: {  	s26 =	simm.s32 $0xB00;
	[sflag:s8] =	ssyncadd.s32 $0xFFFFD800  }
0xd9: {  	[tilespmem:s13], [sflag:$0x2] =	stream.indirect.gather [hbm4b:s0+s10], $0x80, s26, s10, $0xb8;
	[tilespmem:$0x1E080] =	vst v63  }
0xda: {  	_ =	swait.ge [sflag:s22], $0x2800  }
0xdb: {  	[sflag:s22] =	ssyncset.done $0x0  }
0xdc: {  	s28 =	simm.s32 $0x2A00;
	[sflag:s22] =	ssyncadd.s32 $0xFFFFD800  }
0xdd: {  	[spmem:s2] =	stream.indirect.scatter.add.f32 [tilespmem:s15], [sflag:$0x5], $0x80, s28, s10, $0xb8;
	[tilespmem:$0x1E080] =	vst v63  }
0xde: {  	_ =	swait.ge [sflag:s8], $0x2800  }
0xdf: {  	[sflag:s8] =	ssyncset.done $0x0  }
0xe0: {  	s29 =	simm.s32 $0xB80;
	[sflag:s8] =	ssyncadd.s32 $0xFFFFD800  }
0xe1: {  	[tilespmem:s15], [sflag:$0x3] =	stream.indirect.gather [hbm4b:s0+s10], $0x80, s29, s10, $0xb8;
	[tilespmem:$0x1E080] =	vst v63  }
0xe2: {  	_ =	swait.ge [sflag:s17], $0x2800  }
0xe3: {  	[sflag:s17] =	ssyncset.done $0x0  }
0xe4: {  	s1 =	simm.s32 $0x2A80;
	[sflag:s17] =	ssyncadd.s32 $0xFFFFD800  }
0xe5: {  	[spmem:s2] =	stream.indirect.scatter.add.f32 [tilespmem:s11], [sflag:$0x5], $0x80, s1, s10, $0xb8;
	[tilespmem:$0x1E080] =	vst v63  }
0xe6: {  	_ =	swait.ge [sflag:s8], $0x2800  }
0xe7: {  	[sflag:s8] =	ssyncset.done $0x0  }
0xe8: {  	s3 =	simm.s32 $0xC00;
	[sflag:s8] =	ssyncadd.s32 $0xFFFFD800  }
0xe9: {  	[tilespmem:s11], [sflag:$0x1] =	stream.indirect.gather [hbm4b:s0+s10], $0x80, s3, s10, $0xb8;
	[tilespmem:$0x1E080] =	vst v63  }
0xea: {  	s3 =	simm.s32 $0x4  }
0xeb: {  	_ =	swait.ge [sflag:s3], $0xC80  }
0xec: {  	[sflag:s3] =	ssyncset.done $0x0  }
0xed: {  	[sflag:s3] =	ssyncadd.s32 $0xFFFFF380  }
0xee: {  	_ =	swait.ge [sflag:s19], $0x2800  }
0xef: {  	[sflag:s19] =	ssyncset.done $0x0  }
0xf0: {  	s4 =	simm.s32 $0x2B00;
	[sflag:s19] =	ssyncadd.s32 $0xFFFFD800  }
0xf1: {  	[spmem:s2] =	stream.indirect.scatter.add.f32 [tilespmem:s13], [sflag:$0x5], $0x80, s4, s10, $0xb8;
	[tilespmem:$0x1E080] =	vst v63  }
0xf2: {  	_ =	swait.ge [sflag:s8], $0x2800  }
0xf3: {  	[sflag:s8] =	ssyncset.done $0x0  }
0xf4: {  	s9 =	simm.s32 $0x1000;
	[sflag:s8] =	ssyncadd.s32 $0xFFFFD800  }
0xf5: {  	[tilespmem:s13], [sflag:$0x2] =	stream.indirect.gather [hbm4b:s0+s10], $0x80, s9, s10, $0xb8;
	[tilespmem:$0x1E080] =	vst v63  }
0xf6: {  	_ =	swait.ge [sflag:s22], $0x2800  }
0xf7: {  	[sflag:s22] =	ssyncset.done $0x0  }
0xf8: {  	s9 =	simm.s32 $0x2B80;
	[sflag:s22] =	ssyncadd.s32 $0xFFFFD800  }
0xf9: {  	[spmem:s2] =	stream.indirect.scatter.add.f32 [tilespmem:s15], [sflag:$0x5], $0x80, s9, s10, $0xb8;
	[tilespmem:$0x1E080] =	vst v63  }
0xfa: {  	_ =	swait.ge [sflag:s8], $0x2800  }
0xfb: {  	[sflag:s8] =	ssyncset.done $0x0  }
0xfc: {  	s18 =	simm.s32 $0x1080;
	[sflag:s8] =	ssyncadd.s32 $0xFFFFD800  }
0xfd: {  	[tilespmem:s15], [sflag:$0x3] =	stream.indirect.gather [hbm4b:s0+s10], $0x80, s18, s10, $0xb8;
	[tilespmem:$0x1E080] =	vst v63  }
0xfe: {  	_ =	swait.ge [sflag:s17], $0x2800  }
0xff: {  	[sflag:s17] =	ssyncset.done $0x0  }
0x100: {  	s4 =	simm.s32 $0x2C00;
	[sflag:s17] =	ssyncadd.s32 $0xFFFFD800  }
0x101: {  	[spmem:s2] =	stream.indirect.scatter.add.f32 [tilespmem:s11], [sflag:$0x5], $0x80, s4, s10, $0xb8;
	[tilespmem:$0x1E080] =	vst v63  }
0x102: {  	_ =	swait.ge [sflag:s8], $0x2800  }
0x103: {  	[sflag:s8] =	ssyncset.done $0x0  }
0x104: {  	s4 =	simm.s32 $0x1100;
	[sflag:s8] =	ssyncadd.s32 $0xFFFFD800  }
0x105: {  	[tilespmem:s11], [sflag:$0x1] =	stream.indirect.gather [hbm4b:s0+s10], $0x80, s4, s10, $0xb8;
	[tilespmem:$0x1E080] =	vst v63  }
0x106: {  	s9 =	rddreg [dreg:$0x9]  }
0x107: {  	[tilespmem:s5], [sflag:$0x5] =	stream.linear.gather [hbm4b:s9+s6], $0xC80, $0x38;
	[tilespmem:$0x1E080] =	vst v63  }
0x108: {  	_ =	swait.ge [sflag:s8], $0xC80  }
0x109: {  	[sflag:s8] =	ssyncset.done $0x0  }
0x10a: {  	s9 =	rddreg [dreg:$0xa];
	[sflag:s8] =	ssyncadd.s32 $0xFFFFF380  }
0x10b: {  	[tilespmem:s6], [sflag:$0x4] =	stream.linear.gather [hbm4b:s9+s6], $0xC80, $0x38;
	[tilespmem:$0x1E080] =	vst v63  }
0x10c: {  	_ =	swait.ge [sflag:s19], $0x2800  }
0x10d: {  	[sflag:s19] =	ssyncset.done $0x0  }
0x10e: {  	[sflag:s19] =	ssyncadd.s32 $0xFFFFD800  }
0x10f: {  	[spmem:s2] =	stream.indirect.scatter.add.f32 [tilespmem:s13], [sflag:$0x5], $0x80, s5, s10, $0xb8;
	[tilespmem:$0x1E080] =	vst v63  }
0x110: {  	_ =	swait.ge [sflag:s8], $0x2800  }
0x111: {  	[sflag:s8] =	ssyncset.done $0x0  }
0x112: {  	s18 =	simm.s32 $0x1180;
	[sflag:s8] =	ssyncadd.s32 $0xFFFFD800  }
0x113: {  	[tilespmem:s13], [sflag:$0x2] =	stream.indirect.gather [hbm4b:s0+s10], $0x80, s18, s10, $0xb8;
	[tilespmem:$0x1E080] =	vst v63  }
0x114: {  	_ =	swait.ge [sflag:s22], $0x2800  }
0x115: {  	[sflag:s22] =	ssyncset.done $0x0  }
0x116: {  	s5 =	simm.s32 $0x2080;
	[sflag:s22] =	ssyncadd.s32 $0xFFFFD800  }
0x117: {  	[spmem:s2] =	stream.indirect.scatter.add.f32 [tilespmem:s15], [sflag:$0x5], $0x80, s5, s10, $0xb8;
	[tilespmem:$0x1E080] =	vst v63  }
0x118: {  	_ =	swait.ge [sflag:s8], $0x2800  }
0x119: {  	[sflag:s8] =	ssyncset.done $0x0  }
0x11a: {  	s4 =	simm.s32 $0x1200;
	[sflag:s8] =	ssyncadd.s32 $0xFFFFD800  }
0x11b: {  	[tilespmem:s15], [sflag:$0x3] =	stream.indirect.gather [hbm4b:s0+s10], $0x80, s4, s10, $0xb8;
	[tilespmem:$0x1E080] =	vst v63  }
0x11c: {  	_ =	swait.ge [sflag:s17], $0x2800  }
0x11d: {  	[sflag:s17] =	ssyncset.done $0x0  }
0x11e: {  	s1 =	simm.s32 $0x2100;
	[sflag:s17] =	ssyncadd.s32 $0xFFFFD800  }
0x11f: {  	[spmem:s2] =	stream.indirect.scatter.add.f32 [tilespmem:s11], [sflag:$0x5], $0x80, s1, s10, $0xb8;
	[tilespmem:$0x1E080] =	vst v63  }
0x120: {  	_ =	swait.ge [sflag:s8], $0x2800  }
0x121: {  	[sflag:s8] =	ssyncset.done $0x0  }
0x122: {  	s9 =	simm.s32 $0x1280;
	[sflag:s8] =	ssyncadd.s32 $0xFFFFD800  }
0x123: {  	[tilespmem:s11], [sflag:$0x1] =	stream.indirect.gather [hbm4b:s0+s10], $0x80, s9, s10, $0xb8;
	[tilespmem:$0x1E080] =	vst v63  }
0x124: {  	_ =	swait.ge [sflag:s19], $0x2800  }
0x125: {  	[sflag:s19] =	ssyncset.done $0x0  }
0x126: {  	s9 =	simm.s32 $0x2180;
	[sflag:s19] =	ssyncadd.s32 $0xFFFFD800  }
0x127: {  	[spmem:s2] =	stream.indirect.scatter.add.f32 [tilespmem:s13], [sflag:$0x5], $0x80, s9, s10, $0xb8;
	[tilespmem:$0x1E080] =	vst v63  }
0x128: {  	_ =	swait.ge [sflag:s8], $0x2800  }
0x129: {  	[sflag:s8] =	ssyncset.done $0x0  }
0x12a: {  	s18 =	simm.s32 $0x1300;
	[sflag:s8] =	ssyncadd.s32 $0xFFFFD800  }
0x12b: {  	[tilespmem:s13], [sflag:$0x2] =	stream.indirect.gather [hbm4b:s0+s10], $0x80, s18, s10, $0xb8;
	[tilespmem:$0x1E080] =	vst v63  }
0x12c: {  	_ =	swait.ge [sflag:s22], $0x2800  }
0x12d: {  	[sflag:s22] =	ssyncset.done $0x0  }
0x12e: {  	s21 =	simm.s32 $0x2200;
	[sflag:s22] =	ssyncadd.s32 $0xFFFFD800  }
0x12f: {  	[spmem:s2] =	stream.indirect.scatter.add.f32 [tilespmem:s15], [sflag:$0x5], $0x80, s21, s10, $0xb8;
	[tilespmem:$0x1E080] =	vst v63  }
0x130: {  	_ =	swait.ge [sflag:s8], $0x2800  }
0x131: {  	[sflag:s8] =	ssyncset.done $0x0  }
0x132: {  	s21 =	simm.s32 $0x1380;
	[sflag:s8] =	ssyncadd.s32 $0xFFFFD800  }
0x133: {  	[tilespmem:s15], [sflag:$0x3] =	stream.indirect.gather [hbm4b:s0+s10], $0x80, s21, s10, $0xb8;
	[tilespmem:$0x1E080] =	vst v63  }
0x134: {  	_ =	swait.ge [sflag:s17], $0x2800  }
0x135: {  	[sflag:s17] =	ssyncset.done $0x0  }
0x136: {  	s12 =	simm.s32 $0x2280;
	[sflag:s17] =	ssyncadd.s32 $0xFFFFD800  }
0x137: {  	[spmem:s2] =	stream.indirect.scatter.add.f32 [tilespmem:s11], [sflag:$0x5], $0x80, s12, s10, $0xb8;
	[tilespmem:$0x1E080] =	vst v63  }
0x138: {  	_ =	swait.ge [sflag:s8], $0x2800  }
0x139: {  	[sflag:s8] =	ssyncset.done $0x0  }
0x13a: {  	s12 =	simm.s32 $0x1400;
	[sflag:s8] =	ssyncadd.s32 $0xFFFFD800  }
0x13b: {  	[tilespmem:s11], [sflag:$0x1] =	stream.indirect.gather [hbm4b:s0+s10], $0x80, s12, s10, $0xb8;
	[tilespmem:$0x1E080] =	vst v63  }
0x13c: {  	_ =	swait.ge [sflag:s19], $0x2800  }
0x13d: {  	[sflag:s19] =	ssyncset.done $0x0  }
0x13e: {  	s14 =	simm.s32 $0x2300;
	[sflag:s19] =	ssyncadd.s32 $0xFFFFD800  }
0x13f: {  	[spmem:s2] =	stream.indirect.scatter.add.f32 [tilespmem:s13], [sflag:$0x5], $0x80, s14, s10, $0xb8;
	[tilespmem:$0x1E080] =	vst v63  }
0x140: {  	_ =	swait.ge [sflag:s8], $0x2800  }
0x141: {  	[sflag:s8] =	ssyncset.done $0x0  }
0x142: {  	s18 =	simm.s32 $0x1480;
	[sflag:s8] =	ssyncadd.s32 $0xFFFFD800  }
0x143: {  	[tilespmem:s13], [sflag:$0x2] =	stream.indirect.gather [hbm4b:s0+s10], $0x80, s18, s10, $0xb8;
	[tilespmem:$0x1E080] =	vst v63  }
0x144: {  	_ =	swait.ge [sflag:s22], $0x2800  }
0x145: {  	[sflag:s22] =	ssyncset.done $0x0  }
0x146: {  	s20 =	simm.s32 $0x2380;
	[sflag:s22] =	ssyncadd.s32 $0xFFFFD800  }
0x147: {  	[spmem:s2] =	stream.indirect.scatter.add.f32 [tilespmem:s15], [sflag:$0x5], $0x80, s20, s10, $0xb8;
	[tilespmem:$0x1E080] =	vst v63  }
0x148: {  	_ =	swait.ge [sflag:s8], $0x2800  }
0x149: {  	[sflag:s8] =	ssyncset.done $0x0  }
0x14a: {  	s21 =	simm.s32 $0x1500;
	[sflag:s8] =	ssyncadd.s32 $0xFFFFD800  }
0x14b: {  	[tilespmem:s15], [sflag:$0x3] =	stream.indirect.gather [hbm4b:s0+s10], $0x80, s21, s10, $0xb8;
	[tilespmem:$0x1E080] =	vst v63  }
0x14c: {  	_ =	swait.ge [sflag:s17], $0x2800  }
0x14d: {  	[sflag:s17] =	ssyncset.done $0x0  }
0x14e: {  	s31 =	simm.s32 $0x2400;
	[sflag:s17] =	ssyncadd.s32 $0xFFFFD800  }
0x14f: {  	[spmem:s2] =	stream.indirect.scatter.add.f32 [tilespmem:s11], [sflag:$0x5], $0x80, s31, s10, $0xb8;
	[tilespmem:$0x1E080] =	vst v63  }
0x150: {  	_ =	swait.ge [sflag:s8], $0x2800  }
0x151: {  	[sflag:s8] =	ssyncset.done $0x0  }
0x152: {  	s12 =	simm.s32 $0x1580;
	[sflag:s8] =	ssyncadd.s32 $0xFFFFD800  }
0x153: {  	[tilespmem:s11], [sflag:$0x1] =	stream.indirect.gather [hbm4b:s0+s10], $0x80, s12, s10, $0xb8;
	[tilespmem:$0x1E080] =	vst v63  }
0x154: {  	_ =	swait.ge [sflag:s19], $0x2800  }
0x155: {  	[sflag:s19] =	ssyncset.done $0x0  }
0x156: {  	s7 =	simm.s32 $0x2480;
	[sflag:s19] =	ssyncadd.s32 $0xFFFFD800  }
0x157: {  	[spmem:s2] =	stream.indirect.scatter.add.f32 [tilespmem:s13], [sflag:$0x5], $0x80, s7, s10, $0xb8;
	[tilespmem:$0x1E080] =	vst v63  }
0x158: {  	_ =	swait.ge [sflag:s8], $0x2800  }
0x159: {  	[sflag:s8] =	ssyncset.done $0x0  }
0x15a: {  	s14 =	simm.s32 $0x1600;
	[sflag:s8] =	ssyncadd.s32 $0xFFFFD800  }
0x15b: {  	[tilespmem:s13], [sflag:$0x2] =	stream.indirect.gather [hbm4b:s0+s10], $0x80, s14, s10, $0xb8;
	[tilespmem:$0x1E080] =	vst v63  }
0x15c: {  	_ =	swait.ge [sflag:s22], $0x2800  }
0x15d: {  	[sflag:s22] =	ssyncset.done $0x0  }
0x15e: {  	s30 =	simm.s32 $0x2500;
	[sflag:s22] =	ssyncadd.s32 $0xFFFFD800  }
0x15f: {  	[spmem:s2] =	stream.indirect.scatter.add.f32 [tilespmem:s15], [sflag:$0x5], $0x80, s30, s10, $0xb8;
	[tilespmem:$0x1E080] =	vst v63  }
0x160: {  	_ =	swait.ge [sflag:s8], $0x2800  }
0x161: {  	[sflag:s8] =	ssyncset.done $0x0  }
0x162: {  	s18 =	simm.s32 $0x1680;
	[sflag:s8] =	ssyncadd.s32 $0xFFFFD800  }
0x163: {  	[tilespmem:s15], [sflag:$0x3] =	stream.indirect.gather [hbm4b:s0+s10], $0x80, s18, s10, $0xb8;
	[tilespmem:$0x1E080] =	vst v63  }
0x164: {  	_ =	swait.ge [sflag:s17], $0x2800  }
0x165: {  	[sflag:s17] =	ssyncset.done $0x0  }
0x166: {  	s16 =	simm.s32 $0x2580;
	[sflag:s17] =	ssyncadd.s32 $0xFFFFD800  }
0x167: {  	[spmem:s2] =	stream.indirect.scatter.add.f32 [tilespmem:s11], [sflag:$0x5], $0x80, s16, s10, $0xb8;
	[tilespmem:$0x1E080] =	vst v63  }
0x168: {  	_ =	swait.ge [sflag:s8], $0x2800  }
0x169: {  	[sflag:s8] =	ssyncset.done $0x0  }
0x16a: {  	s20 =	simm.s32 $0x1700;
	[sflag:s8] =	ssyncadd.s32 $0xFFFFD800  }
0x16b: {  	[tilespmem:s11], [sflag:$0x1] =	stream.indirect.gather [hbm4b:s0+s10], $0x80, s20, s10, $0xb8;
	[tilespmem:$0x1E080] =	vst v63  }
0x16c: {  	_ =	swait.ge [sflag:s19], $0x2800  }
0x16d: {  	[sflag:s19] =	ssyncset.done $0x0  }
0x16e: {  	s21 =	simm.s32 $0x2600;
	[sflag:s19] =	ssyncadd.s32 $0xFFFFD800  }
0x16f: {  	[spmem:s2] =	stream.indirect.scatter.add.f32 [tilespmem:s13], [sflag:$0x5], $0x80, s21, s10, $0xb8;
	[tilespmem:$0x1E080] =	vst v63  }
0x170: {  	_ =	swait.ge [sflag:s8], $0x2800  }
0x171: {  	[sflag:s8] =	ssyncset.done $0x0  }
0x172: {  	s30 =	simm.s32 $0x1780;
	[sflag:s8] =	ssyncadd.s32 $0xFFFFD800  }
0x173: {  	[tilespmem:s13], [sflag:$0x2] =	stream.indirect.gather [hbm4b:s0+s10], $0x80, s30, s10, $0xb8;
	[tilespmem:$0x1E080] =	vst v63  }
0x174: {  	_ =	swait.ge [sflag:s22], $0x2800  }
0x175: {  	[sflag:s22] =	ssyncset.done $0x0  }
0x176: {  	s31 =	simm.s32 $0x2680;
	[sflag:s22] =	ssyncadd.s32 $0xFFFFD800  }
0x177: {  	[spmem:s2] =	stream.indirect.scatter.add.f32 [tilespmem:s15], [sflag:$0x5], $0x80, s31, s10, $0xb8;
	[tilespmem:$0x1E080] =	vst v63  }
0x178: {  	_ =	swait.ge [sflag:s8], $0x2800  }
0x179: {  	[sflag:s8] =	ssyncset.done $0x0  }
0x17a: {  	s7 =	simm.s32 $0x1800;
	[sflag:s8] =	ssyncadd.s32 $0xFFFFD800  }
0x17b: {  	[tilespmem:s15], [sflag:$0x3] =	stream.indirect.gather [hbm4b:s0+s10], $0x80, s7, s10, $0xb8;
	[tilespmem:$0x1E080] =	vst v63  }
0x17c: {  	_ =	swait.ge [sflag:s17], $0x2800  }
0x17d: {  	[sflag:s17] =	ssyncset.done $0x0  }
0x17e: {  	s21 =	simm.s32 $0x2700;
	[sflag:s17] =	ssyncadd.s32 $0xFFFFD800  }
0x17f: {  	[spmem:s2] =	stream.indirect.scatter.add.f32 [tilespmem:s11], [sflag:$0x5], $0x80, s21, s10, $0xb8;
	[tilespmem:$0x1E080] =	vst v63  }
0x180: {  	_ =	swait.ge [sflag:s8], $0x2800  }
0x181: {  	[sflag:s8] =	ssyncset.done $0x0  }
0x182: {  	s12 =	simm.s32 $0x1880;
	[sflag:s8] =	ssyncadd.s32 $0xFFFFD800  }
0x183: {  	[tilespmem:s11], [sflag:$0x1] =	stream.indirect.gather [hbm4b:s0+s10], $0x80, s12, s10, $0xb8;
	[tilespmem:$0x1E080] =	vst v63  }
0x184: {  	_ =	swait.ge [sflag:s19], $0x2800  }
0x185: {  	[sflag:s19] =	ssyncset.done $0x0  }
0x186: {  	s14 =	simm.s32 $0x2780;
	[sflag:s19] =	ssyncadd.s32 $0xFFFFD800  }
0x187: {  	[spmem:s2] =	stream.indirect.scatter.add.f32 [tilespmem:s13], [sflag:$0x5], $0x80, s14, s10, $0xb8;
	[tilespmem:$0x1E080] =	vst v63  }
0x188: {  	_ =	swait.ge [sflag:s8], $0x2800  }
0x189: {  	[sflag:s8] =	ssyncset.done $0x0  }
0x18a: {  	s16 =	simm.s32 $0x1900;
	[sflag:s8] =	ssyncadd.s32 $0xFFFFD800  }
0x18b: {  	[tilespmem:s13], [sflag:$0x2] =	stream.indirect.gather [hbm4b:s0+s10], $0x80, s16, s10, $0xb8;
	[tilespmem:$0x1E080] =	vst v63  }
0x18c: {  	_ =	swait.ge [sflag:s22], $0x2800  }
0x18d: {  	[sflag:s22] =	ssyncset.done $0x0  }
0x18e: {  	s18 =	simm.s32 $0x2800;
	[sflag:s22] =	ssyncadd.s32 $0xFFFFD800  }
0x18f: {  	[spmem:s2] =	stream.indirect.scatter.add.f32 [tilespmem:s15], [sflag:$0x5], $0x80, s18, s10, $0xb8;
	[tilespmem:$0x1E080] =	vst v63  }
0x190: {  	_ =	swait.ge [sflag:s8], $0x2800  }
0x191: {  	[sflag:s8] =	ssyncset.done $0x0  }
0x192: {  	s20 =	simm.s32 $0x1980;
	[sflag:s8] =	ssyncadd.s32 $0xFFFFD800  }
0x193: {  	[tilespmem:s15], [sflag:$0x3] =	stream.indirect.gather [hbm4b:s0+s10], $0x80, s20, s10, $0xb8;
	[tilespmem:$0x1E080] =	vst v63  }
0x194: {  	_ =	swait.ge [sflag:s17], $0x2800  }
0x195: {  	[sflag:s17] =	ssyncset.done $0x0  }
0x196: {  	s23 =	simm.s32 $0x2880;
	[sflag:s17] =	ssyncadd.s32 $0xFFFFD800  }
0x197: {  	[spmem:s2] =	stream.indirect.scatter.add.f32 [tilespmem:s11], [sflag:$0x5], $0x80, s23, s10, $0xb8;
	[tilespmem:$0x1E080] =	vst v63  }
0x198: {  	_ =	swait.ge [sflag:s8], $0x2800  }
0x199: {  	[sflag:s8] =	ssyncset.done $0x0  }
0x19a: {  	s23 =	simm.s32 $0x1A00;
	[sflag:s8] =	ssyncadd.s32 $0xFFFFD800  }
0x19b: {  	[tilespmem:s11], [sflag:$0x1] =	stream.indirect.gather [hbm4b:s0+s10], $0x80, s23, s10, $0xb8;
	[tilespmem:$0x1E080] =	vst v63  }
0x19c: {  	_ =	swait.ge [sflag:s19], $0x2800  }
0x19d: {  	[sflag:s19] =	ssyncset.done $0x0  }
0x19e: {  	s24 =	simm.s32 $0x2900;
	[sflag:s19] =	ssyncadd.s32 $0xFFFFD800  }
0x19f: {  	[spmem:s2] =	stream.indirect.scatter.add.f32 [tilespmem:s13], [sflag:$0x5], $0x80, s24, s10, $0xb8;
	[tilespmem:$0x1E080] =	vst v63  }
0x1a0: {  	_ =	swait.ge [sflag:s8], $0x2800  }
0x1a1: {  	[sflag:s8] =	ssyncset.done $0x0  }
0x1a2: {  	s30 =	simm.s32 $0x1A80;
	[sflag:s8] =	ssyncadd.s32 $0xFFFFD800  }
0x1a3: {  	[tilespmem:s13], [sflag:$0x2] =	stream.indirect.gather [hbm4b:s0+s10], $0x80, s30, s10, $0xb8;
	[tilespmem:$0x1E080] =	vst v63  }
0x1a4: {  	_ =	swait.ge [sflag:s22], $0x2800  }
0x1a5: {  	[sflag:s22] =	ssyncset.done $0x0  }
0x1a6: {  	s25 =	simm.s32 $0x2980;
	[sflag:s22] =	ssyncadd.s32 $0xFFFFD800  }
0x1a7: {  	[spmem:s2] =	stream.indirect.scatter.add.f32 [tilespmem:s15], [sflag:$0x5], $0x80, s25, s10, $0xb8;
	[tilespmem:$0x1E080] =	vst v63  }
0x1a8: {  	_ =	swait.ge [sflag:s8], $0x2800  }
0x1a9: {  	[sflag:s8] =	ssyncset.done $0x0  }
0x1aa: {  	s31 =	simm.s32 $0x1B00;
	[sflag:s8] =	ssyncadd.s32 $0xFFFFD800  }
0x1ab: {  	[tilespmem:s15], [sflag:$0x3] =	stream.indirect.gather [hbm4b:s0+s10], $0x80, s31, s10, $0xb8;
	[tilespmem:$0x1E080] =	vst v63  }
0x1ac: {  	_ =	swait.ge [sflag:s17], $0x2800  }
0x1ad: {  	[sflag:s17] =	ssyncset.done $0x0  }
0x1ae: {  	s28 =	simm.s32 $0x2A00;
	[sflag:s17] =	ssyncadd.s32 $0xFFFFD800  }
0x1af: {  	[spmem:s2] =	stream.indirect.scatter.add.f32 [tilespmem:s11], [sflag:$0x5], $0x80, s28, s10, $0xb8;
	[tilespmem:$0x1E080] =	vst v63  }
0x1b0: {  	_ =	swait.ge [sflag:s8], $0x2800  }
0x1b1: {  	[sflag:s8] =	ssyncset.done $0x0  }
0x1b2: {  	s4 =	simm.s32 $0x1B80;
	[sflag:s8] =	ssyncadd.s32 $0xFFFFD800  }
0x1b3: {  	[tilespmem:s11], [sflag:$0x1] =	stream.indirect.gather [hbm4b:s0+s10], $0x80, s4, s10, $0xb8;
	[tilespmem:$0x1E080] =	vst v63  }
0x1b4: {  	_ =	swait.ge [sflag:s19], $0x2800  }
0x1b5: {  	[sflag:s19] =	ssyncset.done $0x0  }
0x1b6: {  	s29 =	simm.s32 $0x2A80;
	[sflag:s19] =	ssyncadd.s32 $0xFFFFD800  }
0x1b7: {  	[spmem:s2] =	stream.indirect.scatter.add.f32 [tilespmem:s13], [sflag:$0x5], $0x80, s29, s10, $0xb8;
	[tilespmem:$0x1E080] =	vst v63  }
0x1b8: {  	_ =	swait.ge [sflag:s8], $0x2800  }
0x1b9: {  	[sflag:s8] =	ssyncset.done $0x0  }
0x1ba: {  	s12 =	simm.s32 $0x1C00;
	[sflag:s8] =	ssyncadd.s32 $0xFFFFD800  }
0x1bb: {  	[tilespmem:s13], [sflag:$0x2] =	stream.indirect.gather [hbm4b:s0+s10], $0x80, s12, s10, $0xb8;
	[tilespmem:$0x1E080] =	vst v63  }
0x1bc: {  	_ =	swait.ge [sflag:s3], $0xC80  }
0x1bd: {  	[sflag:s3] =	ssyncset.done $0x0  }
0x1be: {  	[sflag:s3] =	ssyncadd.s32 $0xFFFFF380  }
0x1bf: {  	_ =	swait.ge [sflag:s22], $0x2800  }
0x1c0: {  	[sflag:s22] =	ssyncset.done $0x0  }
0x1c1: {  	s26 =	simm.s32 $0x2B00;
	[sflag:s22] =	ssyncadd.s32 $0xFFFFD800  }
0x1c2: {  	[spmem:s2] =	stream.indirect.scatter.add.f32 [tilespmem:s15], [sflag:$0x5], $0x80, s26, s10, $0xb8;
	[tilespmem:$0x1E080] =	vst v63  }
0x1c3: {  	_ =	swait.ge [sflag:s8], $0x2800  }
0x1c4: {  	[sflag:s8] =	ssyncset.done $0x0  }
0x1c5: {  	[sflag:s8] =	ssyncadd.s32 $0xFFFFD800  }
0x1c6: {  	[tilespmem:s15], [sflag:$0x3] =	stream.indirect.gather [hbm4b:s0+s10], $0x80, s6, s10, $0xb8;
	[tilespmem:$0x1E080] =	vst v63  }
0x1c7: {  	_ =	swait.ge [sflag:s17], $0x2800  }
0x1c8: {  	[sflag:s17] =	ssyncset.done $0x0  }
0x1c9: {  	s14 =	simm.s32 $0x2B80;
	[sflag:s17] =	ssyncadd.s32 $0xFFFFD800  }
0x1ca: {  	[spmem:s2] =	stream.indirect.scatter.add.f32 [tilespmem:s11], [sflag:$0x5], $0x80, s14, s10, $0xb8;
	[tilespmem:$0x1E080] =	vst v63  }
0x1cb: {  	_ =	swait.ge [sflag:s8], $0x2800  }
0x1cc: {  	[sflag:s8] =	ssyncset.done $0x0  }
0x1cd: {  	s16 =	simm.s32 $0x80;
	[sflag:s8] =	ssyncadd.s32 $0xFFFFD800  }
0x1ce: {  	[tilespmem:s11], [sflag:$0x1] =	stream.indirect.gather [hbm4b:s0+s10], $0x80, s16, s10, $0xb8;
	[tilespmem:$0x1E080] =	vst v63  }
0x1cf: {  	_ =	swait.ge [sflag:s19], $0x2800  }
0x1d0: {  	[sflag:s19] =	ssyncset.done $0x0  }
0x1d1: {  	s18 =	simm.s32 $0x2C00;
	[sflag:s19] =	ssyncadd.s32 $0xFFFFD800  }
0x1d2: {  	[spmem:s2] =	stream.indirect.scatter.add.f32 [tilespmem:s13], [sflag:$0x5], $0x80, s18, s10, $0xb8;
	[tilespmem:$0x1E080] =	vst v63  }
0x1d3: {  	_ =	swait.ge [sflag:s8], $0x2800  }
0x1d4: {  	[sflag:s8] =	ssyncset.done $0x0  }
0x1d5: {  	s23 =	simm.s32 $0x100;
	[sflag:s8] =	ssyncadd.s32 $0xFFFFD800  }
0x1d6: {  	[tilespmem:s13], [sflag:$0x2] =	stream.indirect.gather [hbm4b:s0+s10], $0x80, s23, s10, $0xb8;
	[tilespmem:$0x1E080] =	vst v63  }
0x1d7: {  	s24 =	simm.s32 $0x2000;
	s20 =	rddreg [dreg:$0xb]  }
0x1d8: {  	[tilespmem:s24], [sflag:$0x5] =	stream.linear.gather [hbm4b:s20+s6], $0xC80, $0x38;
	[tilespmem:$0x1E080] =	vst v63  }
0x1d9: {  	_ =	swait.ge [sflag:s8], $0xC80  }
0x1da: {  	[sflag:s8] =	ssyncset.done $0x0  }
0x1db: {  	s4 =	simm.s32 $0x1000;
	s25 =	rddreg [dreg:$0xc];
	[sflag:s8] =	ssyncadd.s32 $0xFFFFF380  }
0x1dc: {  	[tilespmem:s4], [sflag:$0x4] =	stream.linear.gather [hbm4b:s25+s6], $0xC80, $0x38;
	[tilespmem:$0x1E080] =	vst v63  }
0x1dd: {  	_ =	swait.ge [sflag:s22], $0x2800  }
0x1de: {  	[sflag:s22] =	ssyncset.done $0x0  }
0x1df: {  	[sflag:s22] =	ssyncadd.s32 $0xFFFFD800  }
0x1e0: {  	[spmem:s2] =	stream.indirect.scatter.add.f32 [tilespmem:s15], [sflag:$0x5], $0x80, s24, s10, $0xb8;
	[tilespmem:$0x1E080] =	vst v63  }
0x1e1: {  	_ =	swait.ge [sflag:s8], $0x2800  }
0x1e2: {  	[sflag:s8] =	ssyncset.done $0x0  }
0x1e3: {  	s26 =	simm.s32 $0x180;
	[sflag:s8] =	ssyncadd.s32 $0xFFFFD800  }
0x1e4: {  	[tilespmem:s15], [sflag:$0x3] =	stream.indirect.gather [hbm4b:s0+s10], $0x80, s26, s10, $0xb8;
	[tilespmem:$0x1E080] =	vst v63  }
0x1e5: {  	_ =	swait.ge [sflag:s17], $0x2800  }
0x1e6: {  	[sflag:s17] =	ssyncset.done $0x0  }
0x1e7: {  	[sflag:s17] =	ssyncadd.s32 $0xFFFFD800  }
0x1e8: {  	[spmem:s2] =	stream.indirect.scatter.add.f32 [tilespmem:s11], [sflag:$0x5], $0x80, s5, s10, $0xb8;
	[tilespmem:$0x1E080] =	vst v63  }
0x1e9: {  	_ =	swait.ge [sflag:s8], $0x2800  }
0x1ea: {  	[sflag:s8] =	ssyncset.done $0x0  }
0x1eb: {  	s28 =	simm.s32 $0x200;
	[sflag:s8] =	ssyncadd.s32 $0xFFFFD800  }
0x1ec: {  	[tilespmem:s11], [sflag:$0x1] =	stream.indirect.gather [hbm4b:s0+s10], $0x80, s28, s10, $0xb8;
	[tilespmem:$0x1E080] =	vst v63  }
0x1ed: {  	_ =	swait.ge [sflag:s19], $0x2800  }
0x1ee: {  	[sflag:s19] =	ssyncset.done $0x0  }
0x1ef: {  	[sflag:s19] =	ssyncadd.s32 $0xFFFFD800  }
0x1f0: {  	[spmem:s2] =	stream.indirect.scatter.add.f32 [tilespmem:s13], [sflag:$0x5], $0x80, s1, s10, $0xb8;
	[tilespmem:$0x1E080] =	vst v63  }
0x1f1: {  	_ =	swait.ge [sflag:s8], $0x2800  }
0x1f2: {  	[sflag:s8] =	ssyncset.done $0x0  }
0x1f3: {  	s29 =	simm.s32 $0x280;
	[sflag:s8] =	ssyncadd.s32 $0xFFFFD800  }
0x1f4: {  	[tilespmem:s13], [sflag:$0x2] =	stream.indirect.gather [hbm4b:s0+s10], $0x80, s29, s10, $0xb8;
	[tilespmem:$0x1E080] =	vst v63  }
0x1f5: {  	_ =	swait.ge [sflag:s22], $0x2800  }
0x1f6: {  	[sflag:s22] =	ssyncset.done $0x0  }
0x1f7: {  	[sflag:s22] =	ssyncadd.s32 $0xFFFFD800  }
0x1f8: {  	[spmem:s2] =	stream.indirect.scatter.add.f32 [tilespmem:s15], [sflag:$0x5], $0x80, s9, s10, $0xb8;
	[tilespmem:$0x1E080] =	vst v63  }
0x1f9: {  	_ =	swait.ge [sflag:s8], $0x2800  }
0x1fa: {  	[sflag:s8] =	ssyncset.done $0x0  }
0x1fb: {  	s30 =	simm.s32 $0x300;
	[sflag:s8] =	ssyncadd.s32 $0xFFFFD800  }
0x1fc: {  	[tilespmem:s15], [sflag:$0x3] =	stream.indirect.gather [hbm4b:s0+s10], $0x80, s30, s10, $0xb8;
	[tilespmem:$0x1E080] =	vst v63  }
0x1fd: {  	_ =	swait.ge [sflag:s17], $0x2800  }
0x1fe: {  	[sflag:s17] =	ssyncset.done $0x0  }
0x1ff: {  	s31 =	simm.s32 $0x2200;
	[sflag:s17] =	ssyncadd.s32 $0xFFFFD800  }
0x200: {  	[spmem:s2] =	stream.indirect.scatter.add.f32 [tilespmem:s11], [sflag:$0x5], $0x80, s31, s10, $0xb8;
	[tilespmem:$0x1E080] =	vst v63  }
0x201: {  	_ =	swait.ge [sflag:s8], $0x2800  }
0x202: {  	[sflag:s8] =	ssyncset.done $0x0  }
0x203: {  	s5 =	simm.s32 $0x380;
	[sflag:s8] =	ssyncadd.s32 $0xFFFFD800  }
0x204: {  	[tilespmem:s11], [sflag:$0x1] =	stream.indirect.gather [hbm4b:s0+s10], $0x80, s5, s10, $0xb8;
	[tilespmem:$0x1E080] =	vst v63  }
0x205: {  	_ =	swait.ge [sflag:s19], $0x2800  }
0x206: {  	[sflag:s19] =	ssyncset.done $0x0  }
0x207: {  	s12 =	simm.s32 $0x2280;
	[sflag:s19] =	ssyncadd.s32 $0xFFFFD800  }
0x208: {  	[spmem:s2] =	stream.indirect.scatter.add.f32 [tilespmem:s13], [sflag:$0x5], $0x80, s12, s10, $0xb8;
	[tilespmem:$0x1E080] =	vst v63  }
0x209: {  	_ =	swait.ge [sflag:s8], $0x2800  }
0x20a: {  	[sflag:s8] =	ssyncset.done $0x0  }
0x20b: {  	s7 =	simm.s32 $0x400;
	[sflag:s8] =	ssyncadd.s32 $0xFFFFD800  }
0x20c: {  	[tilespmem:s13], [sflag:$0x2] =	stream.indirect.gather [hbm4b:s0+s10], $0x80, s7, s10, $0xb8;
	[tilespmem:$0x1E080] =	vst v63  }
0x20d: {  	_ =	swait.ge [sflag:s22], $0x2800  }
0x20e: {  	[sflag:s22] =	ssyncset.done $0x0  }
0x20f: {  	s14 =	simm.s32 $0x2300;
	[sflag:s22] =	ssyncadd.s32 $0xFFFFD800  }
0x210: {  	[spmem:s2] =	stream.indirect.scatter.add.f32 [tilespmem:s15], [sflag:$0x5], $0x80, s14, s10, $0xb8;
	[tilespmem:$0x1E080] =	vst v63  }
0x211: {  	_ =	swait.ge [sflag:s8], $0x2800  }
0x212: {  	[sflag:s8] =	ssyncset.done $0x0  }
0x213: {  	s9 =	simm.s32 $0x480;
	[sflag:s8] =	ssyncadd.s32 $0xFFFFD800  }
0x214: {  	[tilespmem:s15], [sflag:$0x3] =	stream.indirect.gather [hbm4b:s0+s10], $0x80, s9, s10, $0xb8;
	[tilespmem:$0x1E080] =	vst v63  }
0x215: {  	_ =	swait.ge [sflag:s17], $0x2800  }
0x216: {  	[sflag:s17] =	ssyncset.done $0x0  }
0x217: {  	s20 =	simm.s32 $0x2380;
	[sflag:s17] =	ssyncadd.s32 $0xFFFFD800  }
0x218: {  	[spmem:s2] =	stream.indirect.scatter.add.f32 [tilespmem:s11], [sflag:$0x5], $0x80, s20, s10, $0xb8;
	[tilespmem:$0x1E080] =	vst v63  }
0x219: {  	_ =	swait.ge [sflag:s8], $0x2800  }
0x21a: {  	[sflag:s8] =	ssyncset.done $0x0  }
0x21b: {  	s16 =	simm.s32 $0x500;
	[sflag:s8] =	ssyncadd.s32 $0xFFFFD800  }
0x21c: {  	[tilespmem:s11], [sflag:$0x1] =	stream.indirect.gather [hbm4b:s0+s10], $0x80, s16, s10, $0xb8;
	[tilespmem:$0x1E080] =	vst v63  }
0x21d: {  	_ =	swait.ge [sflag:s19], $0x2800  }
0x21e: {  	[sflag:s19] =	ssyncset.done $0x0  }
0x21f: {  	s31 =	simm.s32 $0x2400;
	[sflag:s19] =	ssyncadd.s32 $0xFFFFD800  }
0x220: {  	[spmem:s2] =	stream.indirect.scatter.add.f32 [tilespmem:s13], [sflag:$0x5], $0x80, s31, s10, $0xb8;
	[tilespmem:$0x1E080] =	vst v63  }
0x221: {  	_ =	swait.ge [sflag:s8], $0x2800  }
0x222: {  	[sflag:s8] =	ssyncset.done $0x0  }
0x223: {  	s23 =	simm.s32 $0x580;
	[sflag:s8] =	ssyncadd.s32 $0xFFFFD800  }
0x224: {  	[tilespmem:s13], [sflag:$0x2] =	stream.indirect.gather [hbm4b:s0+s10], $0x80, s23, s10, $0xb8;
	[tilespmem:$0x1E080] =	vst v63  }
0x225: {  	_ =	swait.ge [sflag:s22], $0x2800  }
0x226: {  	[sflag:s22] =	ssyncset.done $0x0  }
0x227: {  	s7 =	simm.s32 $0x2480;
	[sflag:s22] =	ssyncadd.s32 $0xFFFFD800  }
0x228: {  	[spmem:s2] =	stream.indirect.scatter.add.f32 [tilespmem:s15], [sflag:$0x5], $0x80, s7, s10, $0xb8;
	[tilespmem:$0x1E080] =	vst v63  }
0x229: {  	_ =	swait.ge [sflag:s8], $0x2800  }
0x22a: {  	[sflag:s8] =	ssyncset.done $0x0  }
0x22b: {  	s24 =	simm.s32 $0x600;
	[sflag:s8] =	ssyncadd.s32 $0xFFFFD800  }
0x22c: {  	[tilespmem:s15], [sflag:$0x3] =	stream.indirect.gather [hbm4b:s0+s10], $0x80, s24, s10, $0xb8;
	[tilespmem:$0x1E080] =	vst v63  }
0x22d: {  	_ =	swait.ge [sflag:s17], $0x2800  }
0x22e: {  	[sflag:s17] =	ssyncset.done $0x0  }
0x22f: {  	s30 =	simm.s32 $0x2500;
	[sflag:s17] =	ssyncadd.s32 $0xFFFFD800  }
0x230: {  	[spmem:s2] =	stream.indirect.scatter.add.f32 [tilespmem:s11], [sflag:$0x5], $0x80, s30, s10, $0xb8;
	[tilespmem:$0x1E080] =	vst v63  }
0x231: {  	_ =	swait.ge [sflag:s8], $0x2800  }
0x232: {  	[sflag:s8] =	ssyncset.done $0x0  }
0x233: {  	s25 =	simm.s32 $0x680;
	[sflag:s8] =	ssyncadd.s32 $0xFFFFD800  }
0x234: {  	[tilespmem:s11], [sflag:$0x1] =	stream.indirect.gather [hbm4b:s0+s10], $0x80, s25, s10, $0xb8;
	[tilespmem:$0x1E080] =	vst v63  }
0x235: {  	_ =	swait.ge [sflag:s19], $0x2800  }
0x236: {  	[sflag:s19] =	ssyncset.done $0x0  }
0x237: {  	s16 =	simm.s32 $0x2580;
	[sflag:s19] =	ssyncadd.s32 $0xFFFFD800  }
0x238: {  	[spmem:s2] =	stream.indirect.scatter.add.f32 [tilespmem:s13], [sflag:$0x5], $0x80, s16, s10, $0xb8;
	[tilespmem:$0x1E080] =	vst v63  }
0x239: {  	_ =	swait.ge [sflag:s8], $0x2800  }
0x23a: {  	[sflag:s8] =	ssyncset.done $0x0  }
0x23b: {  	s26 =	simm.s32 $0x700;
	[sflag:s8] =	ssyncadd.s32 $0xFFFFD800  }
0x23c: {  	[tilespmem:s13], [sflag:$0x2] =	stream.indirect.gather [hbm4b:s0+s10], $0x80, s26, s10, $0xb8;
	[tilespmem:$0x1E080] =	vst v63  }
0x23d: {  	_ =	swait.ge [sflag:s22], $0x2800  }
0x23e: {  	[sflag:s22] =	ssyncset.done $0x0  }
0x23f: {  	s9 =	simm.s32 $0x2600;
	[sflag:s22] =	ssyncadd.s32 $0xFFFFD800  }
0x240: {  	[spmem:s2] =	stream.indirect.scatter.add.f32 [tilespmem:s15], [sflag:$0x5], $0x80, s9, s10, $0xb8;
	[tilespmem:$0x1E080] =	vst v63  }
0x241: {  	_ =	swait.ge [sflag:s8], $0x2800  }
0x242: {  	[sflag:s8] =	ssyncset.done $0x0  }
0x243: {  	s28 =	simm.s32 $0x780;
	[sflag:s8] =	ssyncadd.s32 $0xFFFFD800  }
0x244: {  	[tilespmem:s15], [sflag:$0x3] =	stream.indirect.gather [hbm4b:s0+s10], $0x80, s28, s10, $0xb8;
	[tilespmem:$0x1E080] =	vst v63  }
0x245: {  	_ =	swait.ge [sflag:s17], $0x2800  }
0x246: {  	[sflag:s17] =	ssyncset.done $0x0  }
0x247: {  	s1 =	simm.s32 $0x2680;
	[sflag:s17] =	ssyncadd.s32 $0xFFFFD800  }
0x248: {  	[spmem:s2] =	stream.indirect.scatter.add.f32 [tilespmem:s11], [sflag:$0x5], $0x80, s1, s10, $0xb8;
	[tilespmem:$0x1E080] =	vst v63  }
0x249: {  	_ =	swait.ge [sflag:s8], $0x2800  }
0x24a: {  	[sflag:s8] =	ssyncset.done $0x0  }
0x24b: {  	s29 =	simm.s32 $0x800;
	[sflag:s8] =	ssyncadd.s32 $0xFFFFD800  }
0x24c: {  	[tilespmem:s11], [sflag:$0x1] =	stream.indirect.gather [hbm4b:s0+s10], $0x80, s29, s10, $0xb8;
	[tilespmem:$0x1E080] =	vst v63  }
0x24d: {  	_ =	swait.ge [sflag:s19], $0x2800  }
0x24e: {  	[sflag:s19] =	ssyncset.done $0x0  }
0x24f: {  	[sflag:s19] =	ssyncadd.s32 $0xFFFFD800  }
0x250: {  	[spmem:s2] =	stream.indirect.scatter.add.f32 [tilespmem:s13], [sflag:$0x5], $0x80, s21, s10, $0xb8;
	[tilespmem:$0x1E080] =	vst v63  }
0x251: {  	_ =	swait.ge [sflag:s8], $0x2800  }
0x252: {  	[sflag:s8] =	ssyncset.done $0x0  }
0x253: {  	s5 =	simm.s32 $0x880;
	[sflag:s8] =	ssyncadd.s32 $0xFFFFD800  }
0x254: {  	[tilespmem:s13], [sflag:$0x2] =	stream.indirect.gather [hbm4b:s0+s10], $0x80, s5, s10, $0xb8;
	[tilespmem:$0x1E080] =	vst v63  }
0x255: {  	_ =	swait.ge [sflag:s22], $0x2800  }
0x256: {  	[sflag:s22] =	ssyncset.done $0x0  }
0x257: {  	s21 =	simm.s32 $0x2780;
	[sflag:s22] =	ssyncadd.s32 $0xFFFFD800  }
0x258: {  	[spmem:s2] =	stream.indirect.scatter.add.f32 [tilespmem:s15], [sflag:$0x5], $0x80, s21, s10, $0xb8;
	[tilespmem:$0x1E080] =	vst v63  }
0x259: {  	_ =	swait.ge [sflag:s8], $0x2800  }
0x25a: {  	[sflag:s8] =	ssyncset.done $0x0  }
0x25b: {  	s23 =	simm.s32 $0x900;
	[sflag:s8] =	ssyncadd.s32 $0xFFFFD800  }
0x25c: {  	[tilespmem:s15], [sflag:$0x3] =	stream.indirect.gather [hbm4b:s0+s10], $0x80, s23, s10, $0xb8;
	[tilespmem:$0x1E080] =	vst v63  }
0x25d: {  	_ =	swait.ge [sflag:s17], $0x2800  }
0x25e: {  	[sflag:s17] =	ssyncset.done $0x0  }
0x25f: {  	s21 =	simm.s32 $0x2800;
	[sflag:s17] =	ssyncadd.s32 $0xFFFFD800  }
0x260: {  	[spmem:s2] =	stream.indirect.scatter.add.f32 [tilespmem:s11], [sflag:$0x5], $0x80, s21, s10, $0xb8;
	[tilespmem:$0x1E080] =	vst v63  }
0x261: {  	_ =	swait.ge [sflag:s8], $0x2800  }
0x262: {  	[sflag:s8] =	ssyncset.done $0x0  }
0x263: {  	s24 =	simm.s32 $0x980;
	[sflag:s8] =	ssyncadd.s32 $0xFFFFD800  }
0x264: {  	[tilespmem:s11], [sflag:$0x1] =	stream.indirect.gather [hbm4b:s0+s10], $0x80, s24, s10, $0xb8;
	[tilespmem:$0x1E080] =	vst v63  }
0x265: {  	_ =	swait.ge [sflag:s19], $0x2800  }
0x266: {  	[sflag:s19] =	ssyncset.done $0x0  }
0x267: {  	s23 =	simm.s32 $0x2880;
	[sflag:s19] =	ssyncadd.s32 $0xFFFFD800  }
0x268: {  	[spmem:s2] =	stream.indirect.scatter.add.f32 [tilespmem:s13], [sflag:$0x5], $0x80, s23, s10, $0xb8;
	[tilespmem:$0x1E080] =	vst v63  }
0x269: {  	_ =	swait.ge [sflag:s8], $0x2800  }
0x26a: {  	[sflag:s8] =	ssyncset.done $0x0  }
0x26b: {  	s25 =	simm.s32 $0xA00;
	[sflag:s8] =	ssyncadd.s32 $0xFFFFD800  }
0x26c: {  	[tilespmem:s13], [sflag:$0x2] =	stream.indirect.gather [hbm4b:s0+s10], $0x80, s25, s10, $0xb8;
	[tilespmem:$0x1E080] =	vst v63  }
0x26d: {  	_ =	swait.ge [sflag:s22], $0x2800  }
0x26e: {  	[sflag:s22] =	ssyncset.done $0x0  }
0x26f: {  	s24 =	simm.s32 $0x2900;
	[sflag:s22] =	ssyncadd.s32 $0xFFFFD800  }
0x270: {  	[spmem:s2] =	stream.indirect.scatter.add.f32 [tilespmem:s15], [sflag:$0x5], $0x80, s24, s10, $0xb8;
	[tilespmem:$0x1E080] =	vst v63  }
0x271: {  	_ =	swait.ge [sflag:s8], $0x2800  }
0x272: {  	[sflag:s8] =	ssyncset.done $0x0  }
0x273: {  	s26 =	simm.s32 $0xA80;
	[sflag:s8] =	ssyncadd.s32 $0xFFFFD800  }
0x274: {  	[tilespmem:s15], [sflag:$0x3] =	stream.indirect.gather [hbm4b:s0+s10], $0x80, s26, s10, $0xb8;
	[tilespmem:$0x1E080] =	vst v63  }
0x275: {  	_ =	swait.ge [sflag:s17], $0x2800  }
0x276: {  	[sflag:s17] =	ssyncset.done $0x0  }
0x277: {  	s25 =	simm.s32 $0x2980;
	[sflag:s17] =	ssyncadd.s32 $0xFFFFD800  }
0x278: {  	[spmem:s2] =	stream.indirect.scatter.add.f32 [tilespmem:s11], [sflag:$0x5], $0x80, s25, s10, $0xb8;
	[tilespmem:$0x1E080] =	vst v63  }
0x279: {  	_ =	swait.ge [sflag:s8], $0x2800  }
0x27a: {  	[sflag:s8] =	ssyncset.done $0x0  }
0x27b: {  	s28 =	simm.s32 $0xB00;
	[sflag:s8] =	ssyncadd.s32 $0xFFFFD800  }
0x27c: {  	[tilespmem:s11], [sflag:$0x1] =	stream.indirect.gather [hbm4b:s0+s10], $0x80, s28, s10, $0xb8;
	[tilespmem:$0x1E080] =	vst v63  }
0x27d: {  	_ =	swait.ge [sflag:s19], $0x2800  }
0x27e: {  	[sflag:s19] =	ssyncset.done $0x0  }
0x27f: {  	s28 =	simm.s32 $0x2A00;
	[sflag:s19] =	ssyncadd.s32 $0xFFFFD800  }
0x280: {  	[spmem:s2] =	stream.indirect.scatter.add.f32 [tilespmem:s13], [sflag:$0x5], $0x80, s28, s10, $0xb8;
	[tilespmem:$0x1E080] =	vst v63  }
0x281: {  	_ =	swait.ge [sflag:s8], $0x2800  }
0x282: {  	[sflag:s8] =	ssyncset.done $0x0  }
0x283: {  	s29 =	simm.s32 $0xB80;
	[sflag:s8] =	ssyncadd.s32 $0xFFFFD800  }
0x284: {  	[tilespmem:s13], [sflag:$0x2] =	stream.indirect.gather [hbm4b:s0+s10], $0x80, s29, s10, $0xb8;
	[tilespmem:$0x1E080] =	vst v63  }
0x285: {  	_ =	swait.ge [sflag:s22], $0x2800  }
0x286: {  	[sflag:s22] =	ssyncset.done $0x0  }
0x287: {  	s29 =	simm.s32 $0x2A80;
	[sflag:s22] =	ssyncadd.s32 $0xFFFFD800  }
0x288: {  	[spmem:s2] =	stream.indirect.scatter.add.f32 [tilespmem:s15], [sflag:$0x5], $0x80, s29, s10, $0xb8;
	[tilespmem:$0x1E080] =	vst v63  }
0x289: {  	_ =	swait.ge [sflag:s8], $0x2800  }
0x28a: {  	[sflag:s8] =	ssyncset.done $0x0  }
0x28b: {  	s5 =	simm.s32 $0xC00;
	[sflag:s8] =	ssyncadd.s32 $0xFFFFD800  }
0x28c: {  	[tilespmem:s15], [sflag:$0x3] =	stream.indirect.gather [hbm4b:s0+s10], $0x80, s5, s10, $0xb8;
	[tilespmem:$0x1E080] =	vst v63  }
0x28d: {  	_ =	swait.ge [sflag:s3], $0xC80  }
0x28e: {  	[sflag:s3] =	ssyncset.done $0x0  }
0x28f: {  	[sflag:s3] =	ssyncadd.s32 $0xFFFFF380  }
0x290: {  	_ =	swait.ge [sflag:s17], $0x2800  }
0x291: {  	[sflag:s17] =	ssyncset.done $0x0  }
0x292: {  	s26 =	simm.s32 $0x2B00;
	[sflag:s17] =	ssyncadd.s32 $0xFFFFD800  }
0x293: {  	[spmem:s2] =	stream.indirect.scatter.add.f32 [tilespmem:s11], [sflag:$0x5], $0x80, s26, s10, $0xb8;
	[tilespmem:$0x1E080] =	vst v63  }
0x294: {  	_ =	swait.ge [sflag:s8], $0x2800  }
0x295: {  	[sflag:s8] =	ssyncset.done $0x0  }
0x296: {  	[sflag:s8] =	ssyncadd.s32 $0xFFFFD800  }
0x297: {  	[tilespmem:s11], [sflag:$0x1] =	stream.indirect.gather [hbm4b:s0+s10], $0x80, s4, s10, $0xb8;
	[tilespmem:$0x1E080] =	vst v63  }
0x298: {  	_ =	swait.ge [sflag:s19], $0x2800  }
0x299: {  	[sflag:s19] =	ssyncset.done $0x0  }
0x29a: {  	s18 =	simm.s32 $0x2B80;
	[sflag:s19] =	ssyncadd.s32 $0xFFFFD800  }
0x29b: {  	[spmem:s2] =	stream.indirect.scatter.add.f32 [tilespmem:s13], [sflag:$0x5], $0x80, s18, s10, $0xb8;
	[tilespmem:$0x1E080] =	vst v63  }
0x29c: {  	_ =	swait.ge [sflag:s8], $0x2800  }
0x29d: {  	[sflag:s8] =	ssyncset.done $0x0  }
0x29e: {  	s5 =	simm.s32 $0x1080;
	[sflag:s8] =	ssyncadd.s32 $0xFFFFD800  }
0x29f: {  	[tilespmem:s13], [sflag:$0x2] =	stream.indirect.gather [hbm4b:s0+s10], $0x80, s5, s10, $0xb8;
	[tilespmem:$0x1E080] =	vst v63  }
0x2a0: {  	_ =	swait.ge [sflag:s22], $0x2800  }
0x2a1: {  	[sflag:s22] =	ssyncset.done $0x0  }
0x2a2: {  	s18 =	simm.s32 $0x2C00;
	[sflag:s22] =	ssyncadd.s32 $0xFFFFD800  }
0x2a3: {  	[spmem:s2] =	stream.indirect.scatter.add.f32 [tilespmem:s15], [sflag:$0x5], $0x80, s18, s10, $0xb8;
	[tilespmem:$0x1E080] =	vst v63  }
0x2a4: {  	_ =	swait.ge [sflag:s8], $0x2800  }
0x2a5: {  	[sflag:s8] =	ssyncset.done $0x0  }
0x2a6: {  	s5 =	simm.s32 $0x1100;
	[sflag:s8] =	ssyncadd.s32 $0xFFFFD800  }
0x2a7: {  	[tilespmem:s15], [sflag:$0x3] =	stream.indirect.gather [hbm4b:s0+s10], $0x80, s5, s10, $0xb8;
	[tilespmem:$0x1E080] =	vst v63  }
0x2a8: {  	s4 =	simm.s32 $0x2000;
	s18 =	rddreg [dreg:$0xd]  }
0x2a9: {  	[tilespmem:s4], [sflag:$0x5] =	stream.linear.gather [hbm4b:s18+s6], $0xC80, $0x38;
	[tilespmem:$0x1E080] =	vst v63  }
0x2aa: {  	_ =	swait.ge [sflag:s8], $0xC80  }
0x2ab: {  	[sflag:s8] =	ssyncset.done $0x0  }
0x2ac: {  	s5 =	rddreg [dreg:$0xe];
	[sflag:s8] =	ssyncadd.s32 $0xFFFFF380  }
0x2ad: {  	[tilespmem:s6], [sflag:$0x4] =	stream.linear.gather [hbm4b:s5+s6], $0xC80, $0x38;
	[tilespmem:$0x1E080] =	vst v63  }
0x2ae: {  	_ =	swait.ge [sflag:s17], $0x2800  }
0x2af: {  	[sflag:s17] =	ssyncset.done $0x0  }
0x2b0: {  	[sflag:s17] =	ssyncadd.s32 $0xFFFFD800  }
0x2b1: {  	[spmem:s2] =	stream.indirect.scatter.add.f32 [tilespmem:s11], [sflag:$0x5], $0x80, s4, s10, $0xb8;
	[tilespmem:$0x1E080] =	vst v63  }
0x2b2: {  	_ =	swait.ge [sflag:s8], $0x2800  }
0x2b3: {  	[sflag:s8] =	ssyncset.done $0x0  }
0x2b4: {  	s18 =	simm.s32 $0x1180;
	[sflag:s8] =	ssyncadd.s32 $0xFFFFD800  }
0x2b5: {  	[tilespmem:s11], [sflag:$0x1] =	stream.indirect.gather [hbm4b:s0+s10], $0x80, s18, s10, $0xb8;
	[tilespmem:$0x1E080] =	vst v63  }
0x2b6: {  	_ =	swait.ge [sflag:s19], $0x2800  }
0x2b7: {  	[sflag:s19] =	ssyncset.done $0x0  }
0x2b8: {  	s18 =	simm.s32 $0x2080;
	[sflag:s19] =	ssyncadd.s32 $0xFFFFD800  }
0x2b9: {  	[spmem:s2] =	stream.indirect.scatter.add.f32 [tilespmem:s13], [sflag:$0x5], $0x80, s18, s10, $0xb8;
	[tilespmem:$0x1E080] =	vst v63  }
0x2ba: {  	_ =	swait.ge [sflag:s8], $0x2800  }
0x2bb: {  	[sflag:s8] =	ssyncset.done $0x0  }
0x2bc: {  	s18 =	simm.s32 $0x1200;
	[sflag:s8] =	ssyncadd.s32 $0xFFFFD800  }
0x2bd: {  	[tilespmem:s13], [sflag:$0x2] =	stream.indirect.gather [hbm4b:s0+s10], $0x80, s18, s10, $0xb8;
	[tilespmem:$0x1E080] =	vst v63  }
0x2be: {  	_ =	swait.ge [sflag:s22], $0x2800  }
0x2bf: {  	[sflag:s22] =	ssyncset.done $0x0  }
0x2c0: {  	s18 =	simm.s32 $0x2100;
	[sflag:s22] =	ssyncadd.s32 $0xFFFFD800  }
0x2c1: {  	[spmem:s2] =	stream.indirect.scatter.add.f32 [tilespmem:s15], [sflag:$0x5], $0x80, s18, s10, $0xb8;
	[tilespmem:$0x1E080] =	vst v63  }
0x2c2: {  	_ =	swait.ge [sflag:s8], $0x2800  }
0x2c3: {  	[sflag:s8] =	ssyncset.done $0x0  }
0x2c4: {  	s18 =	simm.s32 $0x1280;
	[sflag:s8] =	ssyncadd.s32 $0xFFFFD800  }
0x2c5: {  	[tilespmem:s15], [sflag:$0x3] =	stream.indirect.gather [hbm4b:s0+s10], $0x80, s18, s10, $0xb8;
	[tilespmem:$0x1E080] =	vst v63  }
0x2c6: {  	_ =	swait.ge [sflag:s17], $0x2800  }
0x2c7: {  	[sflag:s17] =	ssyncset.done $0x0  }
0x2c8: {  	s18 =	simm.s32 $0x2180;
	[sflag:s17] =	ssyncadd.s32 $0xFFFFD800  }
0x2c9: {  	[spmem:s2] =	stream.indirect.scatter.add.f32 [tilespmem:s11], [sflag:$0x5], $0x80, s18, s10, $0xb8;
	[tilespmem:$0x1E080] =	vst v63  }
0x2ca: {  	_ =	swait.ge [sflag:s8], $0x2800  }
0x2cb: {  	[sflag:s8] =	ssyncset.done $0x0  }
0x2cc: {  	s18 =	simm.s32 $0x1300;
	[sflag:s8] =	ssyncadd.s32 $0xFFFFD800  }
0x2cd: {  	[tilespmem:s11], [sflag:$0x1] =	stream.indirect.gather [hbm4b:s0+s10], $0x80, s18, s10, $0xb8;
	[tilespmem:$0x1E080] =	vst v63  }
0x2ce: {  	_ =	swait.ge [sflag:s19], $0x2800  }
0x2cf: {  	[sflag:s19] =	ssyncset.done $0x0  }
0x2d0: {  	s18 =	simm.s32 $0x2200;
	[sflag:s19] =	ssyncadd.s32 $0xFFFFD800  }
0x2d1: {  	[spmem:s2] =	stream.indirect.scatter.add.f32 [tilespmem:s13], [sflag:$0x5], $0x80, s18, s10, $0xb8;
	[tilespmem:$0x1E080] =	vst v63  }
0x2d2: {  	_ =	swait.ge [sflag:s8], $0x2800  }
0x2d3: {  	[sflag:s8] =	ssyncset.done $0x0  }
0x2d4: {  	s18 =	simm.s32 $0x1380;
	[sflag:s8] =	ssyncadd.s32 $0xFFFFD800  }
0x2d5: {  	[tilespmem:s13], [sflag:$0x2] =	stream.indirect.gather [hbm4b:s0+s10], $0x80, s18, s10, $0xb8;
	[tilespmem:$0x1E080] =	vst v63  }
0x2d6: {  	_ =	swait.ge [sflag:s22], $0x2800  }
0x2d7: {  	[sflag:s22] =	ssyncset.done $0x0  }
0x2d8: {  	[sflag:s22] =	ssyncadd.s32 $0xFFFFD800  }
0x2d9: {  	[spmem:s2] =	stream.indirect.scatter.add.f32 [tilespmem:s15], [sflag:$0x5], $0x80, s12, s10, $0xb8;
	[tilespmem:$0x1E080] =	vst v63  }
0x2da: {  	_ =	swait.ge [sflag:s8], $0x2800  }
0x2db: {  	[sflag:s8] =	ssyncset.done $0x0  }
0x2dc: {  	s18 =	simm.s32 $0x1400;
	[sflag:s8] =	ssyncadd.s32 $0xFFFFD800  }
0x2dd: {  	[tilespmem:s15], [sflag:$0x3] =	stream.indirect.gather [hbm4b:s0+s10], $0x80, s18, s10, $0xb8;
	[tilespmem:$0x1E080] =	vst v63  }
0x2de: {  	_ =	swait.ge [sflag:s17], $0x2800  }
0x2df: {  	[sflag:s17] =	ssyncset.done $0x0  }
0x2e0: {  	[sflag:s17] =	ssyncadd.s32 $0xFFFFD800  }
0x2e1: {  	[spmem:s2] =	stream.indirect.scatter.add.f32 [tilespmem:s11], [sflag:$0x5], $0x80, s14, s10, $0xb8;
	[tilespmem:$0x1E080] =	vst v63  }
0x2e2: {  	_ =	swait.ge [sflag:s8], $0x2800  }
0x2e3: {  	[sflag:s8] =	ssyncset.done $0x0  }
0x2e4: {  	s18 =	simm.s32 $0x1480;
	[sflag:s8] =	ssyncadd.s32 $0xFFFFD800  }
0x2e5: {  	[tilespmem:s11], [sflag:$0x1] =	stream.indirect.gather [hbm4b:s0+s10], $0x80, s18, s10, $0xb8;
	[tilespmem:$0x1E080] =	vst v63  }
0x2e6: {  	_ =	swait.ge [sflag:s19], $0x2800  }
0x2e7: {  	[sflag:s19] =	ssyncset.done $0x0  }
0x2e8: {  	[sflag:s19] =	ssyncadd.s32 $0xFFFFD800  }
0x2e9: {  	[spmem:s2] =	stream.indirect.scatter.add.f32 [tilespmem:s13], [sflag:$0x5], $0x80, s20, s10, $0xb8;
	[tilespmem:$0x1E080] =	vst v63  }
0x2ea: {  	_ =	swait.ge [sflag:s8], $0x2800  }
0x2eb: {  	[sflag:s8] =	ssyncset.done $0x0  }
0x2ec: {  	s18 =	simm.s32 $0x1500;
	[sflag:s8] =	ssyncadd.s32 $0xFFFFD800  }
0x2ed: {  	[tilespmem:s13], [sflag:$0x2] =	stream.indirect.gather [hbm4b:s0+s10], $0x80, s18, s10, $0xb8;
	[tilespmem:$0x1E080] =	vst v63  }
0x2ee: {  	_ =	swait.ge [sflag:s22], $0x2800  }
0x2ef: {  	[sflag:s22] =	ssyncset.done $0x0  }
0x2f0: {  	[sflag:s22] =	ssyncadd.s32 $0xFFFFD800  }
0x2f1: {  	[spmem:s2] =	stream.indirect.scatter.add.f32 [tilespmem:s15], [sflag:$0x5], $0x80, s31, s10, $0xb8;
	[tilespmem:$0x1E080] =	vst v63  }
0x2f2: {  	_ =	swait.ge [sflag:s8], $0x2800  }
0x2f3: {  	[sflag:s8] =	ssyncset.done $0x0  }
0x2f4: {  	s20 =	simm.s32 $0x1580;
	[sflag:s8] =	ssyncadd.s32 $0xFFFFD800  }
0x2f5: {  	[tilespmem:s15], [sflag:$0x3] =	stream.indirect.gather [hbm4b:s0+s10], $0x80, s20, s10, $0xb8;
	[tilespmem:$0x1E080] =	vst v63  }
0x2f6: {  	_ =	swait.ge [sflag:s17], $0x2800  }
0x2f7: {  	[sflag:s17] =	ssyncset.done $0x0  }
0x2f8: {  	[sflag:s17] =	ssyncadd.s32 $0xFFFFD800  }
0x2f9: {  	[spmem:s2] =	stream.indirect.scatter.add.f32 [tilespmem:s11], [sflag:$0x5], $0x80, s7, s10, $0xb8;
	[tilespmem:$0x1E080] =	vst v63  }
0x2fa: {  	_ =	swait.ge [sflag:s8], $0x2800  }
0x2fb: {  	[sflag:s8] =	ssyncset.done $0x0  }
0x2fc: {  	s18 =	simm.s32 $0x1600;
	[sflag:s8] =	ssyncadd.s32 $0xFFFFD800  }
0x2fd: {  	[tilespmem:s11], [sflag:$0x1] =	stream.indirect.gather [hbm4b:s0+s10], $0x80, s18, s10, $0xb8;
	[tilespmem:$0x1E080] =	vst v63  }
0x2fe: {  	_ =	swait.ge [sflag:s19], $0x2800  }
0x2ff: {  	[sflag:s19] =	ssyncset.done $0x0  }
0x300: {  	[sflag:s19] =	ssyncadd.s32 $0xFFFFD800  }
0x301: {  	[spmem:s2] =	stream.indirect.scatter.add.f32 [tilespmem:s13], [sflag:$0x5], $0x80, s30, s10, $0xb8;
	[tilespmem:$0x1E080] =	vst v63  }
0x302: {  	_ =	swait.ge [sflag:s8], $0x2800  }
0x303: {  	[sflag:s8] =	ssyncset.done $0x0  }
0x304: {  	s20 =	simm.s32 $0x1680;
	[sflag:s8] =	ssyncadd.s32 $0xFFFFD800  }
0x305: {  	[tilespmem:s13], [sflag:$0x2] =	stream.indirect.gather [hbm4b:s0+s10], $0x80, s20, s10, $0xb8;
	[tilespmem:$0x1E080] =	vst v63  }
0x306: {  	_ =	swait.ge [sflag:s22], $0x2800  }
0x307: {  	[sflag:s22] =	ssyncset.done $0x0  }
0x308: {  	[sflag:s22] =	ssyncadd.s32 $0xFFFFD800  }
0x309: {  	[spmem:s2] =	stream.indirect.scatter.add.f32 [tilespmem:s15], [sflag:$0x5], $0x80, s16, s10, $0xb8;
	[tilespmem:$0x1E080] =	vst v63  }
0x30a: {  	_ =	swait.ge [sflag:s8], $0x2800  }
0x30b: {  	[sflag:s8] =	ssyncset.done $0x0  }
0x30c: {  	s18 =	simm.s32 $0x1700;
	[sflag:s8] =	ssyncadd.s32 $0xFFFFD800  }
0x30d: {  	[tilespmem:s15], [sflag:$0x3] =	stream.indirect.gather [hbm4b:s0+s10], $0x80, s18, s10, $0xb8;
	[tilespmem:$0x1E080] =	vst v63  }
0x30e: {  	_ =	swait.ge [sflag:s17], $0x2800  }
0x30f: {  	[sflag:s17] =	ssyncset.done $0x0  }
0x310: {  	[sflag:s17] =	ssyncadd.s32 $0xFFFFD800  }
0x311: {  	[spmem:s2] =	stream.indirect.scatter.add.f32 [tilespmem:s11], [sflag:$0x5], $0x80, s9, s10, $0xb8;
	[tilespmem:$0x1E080] =	vst v63  }
0x312: {  	_ =	swait.ge [sflag:s8], $0x2800  }
0x313: {  	[sflag:s8] =	ssyncset.done $0x0  }
0x314: {  	s20 =	simm.s32 $0x1780;
	[sflag:s8] =	ssyncadd.s32 $0xFFFFD800  }
0x315: {  	[tilespmem:s11], [sflag:$0x1] =	stream.indirect.gather [hbm4b:s0+s10], $0x80, s20, s10, $0xb8;
	[tilespmem:$0x1E080] =	vst v63  }
0x316: {  	_ =	swait.ge [sflag:s19], $0x2800  }
0x317: {  	[sflag:s19] =	ssyncset.done $0x0  }
0x318: {  	[sflag:s19] =	ssyncadd.s32 $0xFFFFD800  }
0x319: {  	[spmem:s2] =	stream.indirect.scatter.add.f32 [tilespmem:s13], [sflag:$0x5], $0x80, s1, s10, $0xb8;
	[tilespmem:$0x1E080] =	vst v63  }
0x31a: {  	_ =	swait.ge [sflag:s8], $0x2800  }
0x31b: {  	[sflag:s8] =	ssyncset.done $0x0  }
0x31c: {  	s4 =	simm.s32 $0x1800;
	[sflag:s8] =	ssyncadd.s32 $0xFFFFD800  }
0x31d: {  	[tilespmem:s13], [sflag:$0x2] =	stream.indirect.gather [hbm4b:s0+s10], $0x80, s4, s10, $0xb8;
	[tilespmem:$0x1E080] =	vst v63  }
0x31e: {  	_ =	swait.ge [sflag:s22], $0x2800  }
0x31f: {  	[sflag:s22] =	ssyncset.done $0x0  }
0x320: {  	s4 =	simm.s32 $0x2700;
	[sflag:s22] =	ssyncadd.s32 $0xFFFFD800  }
0x321: {  	[spmem:s2] =	stream.indirect.scatter.add.f32 [tilespmem:s15], [sflag:$0x5], $0x80, s4, s10, $0xb8;
	[tilespmem:$0x1E080] =	vst v63  }
0x322: {  	_ =	swait.ge [sflag:s8], $0x2800  }
0x323: {  	[sflag:s8] =	ssyncset.done $0x0  }
0x324: {  	s9 =	simm.s32 $0x1880;
	[sflag:s8] =	ssyncadd.s32 $0xFFFFD800  }
0x325: {  	[tilespmem:s15], [sflag:$0x3] =	stream.indirect.gather [hbm4b:s0+s10], $0x80, s9, s10, $0xb8;
	[tilespmem:$0x1E080] =	vst v63  }
0x326: {  	_ =	swait.ge [sflag:s17], $0x2800  }
0x327: {  	[sflag:s17] =	ssyncset.done $0x0  }
0x328: {  	s18 =	simm.s32 $0x2780;
	[sflag:s17] =	ssyncadd.s32 $0xFFFFD800  }
0x329: {  	[spmem:s2] =	stream.indirect.scatter.add.f32 [tilespmem:s11], [sflag:$0x5], $0x80, s18, s10, $0xb8;
	[tilespmem:$0x1E080] =	vst v63  }
0x32a: {  	_ =	swait.ge [sflag:s8], $0x2800  }
0x32b: {  	[sflag:s8] =	ssyncset.done $0x0  }
0x32c: {  	s20 =	simm.s32 $0x1900;
	[sflag:s8] =	ssyncadd.s32 $0xFFFFD800  }
0x32d: {  	[tilespmem:s11], [sflag:$0x1] =	stream.indirect.gather [hbm4b:s0+s10], $0x80, s20, s10, $0xb8;
	[tilespmem:$0x1E080] =	vst v63  }
0x32e: {  	_ =	swait.ge [sflag:s19], $0x2800  }
0x32f: {  	[sflag:s19] =	ssyncset.done $0x0  }
0x330: {  	[sflag:s19] =	ssyncadd.s32 $0xFFFFD800  }
0x331: {  	[spmem:s2] =	stream.indirect.scatter.add.f32 [tilespmem:s13], [sflag:$0x5], $0x80, s21, s10, $0xb8;
	[tilespmem:$0x1E080] =	vst v63  }
0x332: {  	_ =	swait.ge [sflag:s8], $0x2800  }
0x333: {  	[sflag:s8] =	ssyncset.done $0x0  }
0x334: {  	s21 =	simm.s32 $0x1980;
	[sflag:s8] =	ssyncadd.s32 $0xFFFFD800  }
0x335: {  	[tilespmem:s13], [sflag:$0x2] =	stream.indirect.gather [hbm4b:s0+s10], $0x80, s21, s10, $0xb8;
	[tilespmem:$0x1E080] =	vst v63  }
0x336: {  	_ =	swait.ge [sflag:s22], $0x2800  }
0x337: {  	[sflag:s22] =	ssyncset.done $0x0  }
0x338: {  	[sflag:s22] =	ssyncadd.s32 $0xFFFFD800  }
0x339: {  	[spmem:s2] =	stream.indirect.scatter.add.f32 [tilespmem:s15], [sflag:$0x5], $0x80, s23, s10, $0xb8;
	[tilespmem:$0x1E080] =	vst v63  }
0x33a: {  	_ =	swait.ge [sflag:s8], $0x2800  }
0x33b: {  	[sflag:s8] =	ssyncset.done $0x0  }
0x33c: {  	s23 =	simm.s32 $0x1A00;
	[sflag:s8] =	ssyncadd.s32 $0xFFFFD800  }
0x33d: {  	[tilespmem:s15], [sflag:$0x3] =	stream.indirect.gather [hbm4b:s0+s10], $0x80, s23, s10, $0xb8;
	[tilespmem:$0x1E080] =	vst v63  }
0x33e: {  	_ =	swait.ge [sflag:s17], $0x2800  }
0x33f: {  	[sflag:s17] =	ssyncset.done $0x0  }
0x340: {  	[sflag:s17] =	ssyncadd.s32 $0xFFFFD800  }
0x341: {  	[spmem:s2] =	stream.indirect.scatter.add.f32 [tilespmem:s11], [sflag:$0x5], $0x80, s24, s10, $0xb8;
	[tilespmem:$0x1E080] =	vst v63  }
0x342: {  	_ =	swait.ge [sflag:s8], $0x2800  }
0x343: {  	[sflag:s8] =	ssyncset.done $0x0  }
0x344: {  	s24 =	simm.s32 $0x1A80;
	[sflag:s8] =	ssyncadd.s32 $0xFFFFD800  }
0x345: {  	[tilespmem:s11], [sflag:$0x1] =	stream.indirect.gather [hbm4b:s0+s10], $0x80, s24, s10, $0xb8;
	[tilespmem:$0x1E080] =	vst v63  }
0x346: {  	_ =	swait.ge [sflag:s19], $0x2800  }
0x347: {  	[sflag:s19] =	ssyncset.done $0x0  }
0x348: {  	[sflag:s19] =	ssyncadd.s32 $0xFFFFD800  }
0x349: {  	[spmem:s2] =	stream.indirect.scatter.add.f32 [tilespmem:s13], [sflag:$0x5], $0x80, s25, s10, $0xb8;
	[tilespmem:$0x1E080] =	vst v63  }
0x34a: {  	_ =	swait.ge [sflag:s8], $0x2800  }
0x34b: {  	[sflag:s8] =	ssyncset.done $0x0  }
0x34c: {  	s25 =	simm.s32 $0x1B00;
	[sflag:s8] =	ssyncadd.s32 $0xFFFFD800  }
0x34d: {  	[tilespmem:s13], [sflag:$0x2] =	stream.indirect.gather [hbm4b:s0+s10], $0x80, s25, s10, $0xb8;
	[tilespmem:$0x1E080] =	vst v63  }
0x34e: {  	_ =	swait.ge [sflag:s22], $0x2800  }
0x34f: {  	[sflag:s22] =	ssyncset.done $0x0  }
0x350: {  	[sflag:s22] =	ssyncadd.s32 $0xFFFFD800  }
0x351: {  	[spmem:s2] =	stream.indirect.scatter.add.f32 [tilespmem:s15], [sflag:$0x5], $0x80, s28, s10, $0xb8;
	[tilespmem:$0x1E080] =	vst v63  }
0x352: {  	_ =	swait.ge [sflag:s8], $0x2800  }
0x353: {  	[sflag:s8] =	ssyncset.done $0x0  }
0x354: {  	s9 =	simm.s32 $0x1B80;
	[sflag:s8] =	ssyncadd.s32 $0xFFFFD800  }
0x355: {  	[tilespmem:s15], [sflag:$0x3] =	stream.indirect.gather [hbm4b:s0+s10], $0x80, s9, s10, $0xb8;
	[tilespmem:$0x1E080] =	vst v63  }
0x356: {  	_ =	swait.ge [sflag:s17], $0x2800  }
0x357: {  	[sflag:s17] =	ssyncset.done $0x0  }
0x358: {  	[sflag:s17] =	ssyncadd.s32 $0xFFFFD800  }
0x359: {  	[spmem:s2] =	stream.indirect.scatter.add.f32 [tilespmem:s11], [sflag:$0x5], $0x80, s29, s10, $0xb8;
	[tilespmem:$0x1E080] =	vst v63  }
0x35a: {  	_ =	swait.ge [sflag:s8], $0x2800  }
0x35b: {  	[sflag:s8] =	ssyncset.done $0x0  }
0x35c: {  	s18 =	simm.s32 $0x1C00;
	[sflag:s8] =	ssyncadd.s32 $0xFFFFD800  }
0x35d: {  	[tilespmem:s11], [sflag:$0x1] =	stream.indirect.gather [hbm4b:s0+s10], $0x80, s18, s10, $0xb8;
	[tilespmem:$0x1E080] =	vst v63  }
0x35e: {  	_ =	swait.ge [sflag:s3], $0xC80  }
0x35f: {  	[sflag:s3] =	ssyncset.done $0x0  }
0x360: {  	[sflag:s3] =	ssyncadd.s32 $0xFFFFF380  }
0x361: {  	s3 =	rddreg [dreg:$0x16];
	_ =	swait.ge [sflag:s19], $0x2800  }
0x362: {  	[sflag:s19] =	ssyncset.done $0x0  }
0x363: {  	[sflag:s19] =	ssyncadd.s32 $0xFFFFD800  }
0x364: {  	[spmem:s2] =	stream.indirect.scatter.add.f32 [tilespmem:s13], [sflag:$0x5], $0x80, s26, s10, $0xb8;
	[tilespmem:$0x1E080] =	vst v63  }
0x365: {  	_ =	swait.ge [sflag:s8], $0x2800  }
0x366: {  	[sflag:s8] =	ssyncset.done $0x0  }
0x367: {  	[sflag:s8] =	ssyncadd.s32 $0xFFFFD800  }
0x368: {  	[tilespmem:s13], [sflag:$0x2] =	stream.indirect.gather [hbm4b:s0+s10], $0x80, s6, s10, $0xb8;
	[tilespmem:$0x1E080] =	vst v63  }
0x369: {  	_ =	swait.ge [sflag:s22], $0x2800  }
0x36a: {  	[sflag:s22] =	ssyncset.done $0x0  }
0x36b: {  	s29 =	simm.s32 $0x2B80;
	[sflag:s22] =	ssyncadd.s32 $0xFFFFD800  }
0x36c: {  	[spmem:s2] =	stream.indirect.scatter.add.f32 [tilespmem:s15], [sflag:$0x5], $0x80, s29, s10, $0xb8;
	[tilespmem:$0x1E080] =	vst v63  }
0x36d: {  	_ =	swait.ge [sflag:s8], $0x2800  }
0x36e: {  	[sflag:s8] =	ssyncset.done $0x0  }
0x36f: {  	s9 =	simm.s32 $0x80;
	[sflag:s8] =	ssyncadd.s32 $0xFFFFD800  }
0x370: {  	[tilespmem:s15], [sflag:$0x3] =	stream.indirect.gather [hbm4b:s0+s10], $0x80, s9, s10, $0xb8;
	[tilespmem:$0x1E080] =	vst v63  }
0x371: {  	_ =	swait.ge [sflag:s17], $0x2800  }
0x372: {  	[sflag:s17] =	ssyncset.done $0x0  }
0x373: {  	s18 =	simm.s32 $0x2C00;
	[sflag:s17] =	ssyncadd.s32 $0xFFFFD800  }
0x374: {  	[spmem:s2] =	stream.indirect.scatter.add.f32 [tilespmem:s11], [sflag:$0x5], $0x80, s18, s10, $0xb8;
	[tilespmem:$0x1E080] =	vst v63  }
0x375: {  	_ =	swait.ge [sflag:s8], $0x2800  }
0x376: {  	[sflag:s8] =	ssyncset.done $0x0  }
0x377: {  	s9 =	simm.s32 $0x100;
	[sflag:s8] =	ssyncadd.s32 $0xFFFFD800  }
0x378: {  	[tilespmem:s11], [sflag:$0x1] =	stream.indirect.gather [hbm4b:s0+s10], $0x80, s9, s10, $0xb8;
	[tilespmem:$0x1E080] =	vst v63  }
0x379: {  	s5 =	simm.s32 $0x2000;
	s18 =	rddreg [dreg:$0xf]  }
0x37a: {  	[tilespmem:s5], [sflag:$0x5] =	stream.linear.gather [hbm4b:s18+s6], $0xC80, $0x38;
	[tilespmem:$0x1E080] =	vst v63  }
0x37b: {  	_ =	swait.ge [sflag:s8], $0xC80  }
0x37c: {  	[sflag:s8] =	ssyncset.done $0x0  }
0x37d: {  	[sflag:s8] =	ssyncadd.s32 $0xFFFFF380  }
0x37e: {  	_ =	swait.ge [sflag:s19], $0x2800  }
0x37f: {  	[sflag:s19] =	ssyncset.done $0x0  }
0x380: {  	[sflag:s19] =	ssyncadd.s32 $0xFFFFD800  }
0x381: {  	[spmem:s2] =	stream.indirect.scatter.add.f32 [tilespmem:s13], [sflag:$0x5], $0x80, s5, s10, $0xb8;
	[tilespmem:$0x1E080] =	vst v63  }
0x382: {  	_ =	swait.ge [sflag:s8], $0x2800  }
0x383: {  	[sflag:s8] =	ssyncset.done $0x0  }
0x384: {  	s5 =	simm.s32 $0x180;
	[sflag:s8] =	ssyncadd.s32 $0xFFFFD800  }
0x385: {  	[tilespmem:s13], [sflag:$0x2] =	stream.indirect.gather [hbm4b:s0+s10], $0x80, s5, s10, $0xb8;
	[tilespmem:$0x1E080] =	vst v63  }
0x386: {  	_ =	swait.ge [sflag:s22], $0x2800  }
0x387: {  	[sflag:s22] =	ssyncset.done $0x0  }
0x388: {  	s18 =	simm.s32 $0x2080;
	[sflag:s22] =	ssyncadd.s32 $0xFFFFD800  }
0x389: {  	[spmem:s2] =	stream.indirect.scatter.add.f32 [tilespmem:s15], [sflag:$0x5], $0x80, s18, s10, $0xb8;
	[tilespmem:$0x1E080] =	vst v63  }
0x38a: {  	_ =	swait.ge [sflag:s8], $0x2800  }
0x38b: {  	[sflag:s8] =	ssyncset.done $0x0  }
0x38c: {  	s5 =	simm.s32 $0x200;
	[sflag:s8] =	ssyncadd.s32 $0xFFFFD800  }
0x38d: {  	[tilespmem:s15], [sflag:$0x3] =	stream.indirect.gather [hbm4b:s0+s10], $0x80, s5, s10, $0xb8;
	[tilespmem:$0x1E080] =	vst v63  }
0x38e: {  	_ =	swait.ge [sflag:s17], $0x2800  }
0x38f: {  	[sflag:s17] =	ssyncset.done $0x0  }
0x390: {  	s18 =	simm.s32 $0x2100;
	[sflag:s17] =	ssyncadd.s32 $0xFFFFD800  }
0x391: {  	[spmem:s2] =	stream.indirect.scatter.add.f32 [tilespmem:s11], [sflag:$0x5], $0x80, s18, s10, $0xb8;
	[tilespmem:$0x1E080] =	vst v63  }
0x392: {  	_ =	swait.ge [sflag:s8], $0x2800  }
0x393: {  	[sflag:s8] =	ssyncset.done $0x0  }
0x394: {  	s5 =	simm.s32 $0x280;
	[sflag:s8] =	ssyncadd.s32 $0xFFFFD800  }
0x395: {  	[tilespmem:s11], [sflag:$0x1] =	stream.indirect.gather [hbm4b:s0+s10], $0x80, s5, s10, $0xb8;
	[tilespmem:$0x1E080] =	vst v63  }
0x396: {  	_ =	swait.ge [sflag:s19], $0x2800  }
0x397: {  	[sflag:s19] =	ssyncset.done $0x0  }
0x398: {  	s18 =	simm.s32 $0x2180;
	[sflag:s19] =	ssyncadd.s32 $0xFFFFD800  }
0x399: {  	[spmem:s2] =	stream.indirect.scatter.add.f32 [tilespmem:s13], [sflag:$0x5], $0x80, s18, s10, $0xb8;
	[tilespmem:$0x1E080] =	vst v63  }
0x39a: {  	_ =	swait.ge [sflag:s8], $0x2800  }
0x39b: {  	[sflag:s8] =	ssyncset.done $0x0  }
0x39c: {  	s5 =	simm.s32 $0x300;
	[sflag:s8] =	ssyncadd.s32 $0xFFFFD800  }
0x39d: {  	[tilespmem:s13], [sflag:$0x2] =	stream.indirect.gather [hbm4b:s0+s10], $0x80, s5, s10, $0xb8;
	[tilespmem:$0x1E080] =	vst v63  }
0x39e: {  	_ =	swait.ge [sflag:s22], $0x2800  }
0x39f: {  	[sflag:s22] =	ssyncset.done $0x0  }
0x3a0: {  	s18 =	simm.s32 $0x2200;
	[sflag:s22] =	ssyncadd.s32 $0xFFFFD800  }
0x3a1: {  	[spmem:s2] =	stream.indirect.scatter.add.f32 [tilespmem:s15], [sflag:$0x5], $0x80, s18, s10, $0xb8;
	[tilespmem:$0x1E080] =	vst v63  }
0x3a2: {  	_ =	swait.ge [sflag:s8], $0x2800  }
0x3a3: {  	[sflag:s8] =	ssyncset.done $0x0  }
0x3a4: {  	s5 =	simm.s32 $0x380;
	[sflag:s8] =	ssyncadd.s32 $0xFFFFD800  }
0x3a5: {  	[tilespmem:s15], [sflag:$0x3] =	stream.indirect.gather [hbm4b:s0+s10], $0x80, s5, s10, $0xb8;
	[tilespmem:$0x1E080] =	vst v63  }
0x3a6: {  	_ =	swait.ge [sflag:s17], $0x2800  }
0x3a7: {  	[sflag:s17] =	ssyncset.done $0x0  }
0x3a8: {  	s12 =	simm.s32 $0x2280;
	[sflag:s17] =	ssyncadd.s32 $0xFFFFD800  }
0x3a9: {  	[spmem:s2] =	stream.indirect.scatter.add.f32 [tilespmem:s11], [sflag:$0x5], $0x80, s12, s10, $0xb8;
	[tilespmem:$0x1E080] =	vst v63  }
0x3aa: {  	_ =	swait.ge [sflag:s8], $0x2800  }
0x3ab: {  	[sflag:s8] =	ssyncset.done $0x0  }
0x3ac: {  	s12 =	simm.s32 $0x400;
	[sflag:s8] =	ssyncadd.s32 $0xFFFFD800  }
0x3ad: {  	[tilespmem:s11], [sflag:$0x1] =	stream.indirect.gather [hbm4b:s0+s10], $0x80, s12, s10, $0xb8;
	[tilespmem:$0x1E080] =	vst v63  }
0x3ae: {  	_ =	swait.ge [sflag:s19], $0x2800  }
0x3af: {  	[sflag:s19] =	ssyncset.done $0x0  }
0x3b0: {  	s14 =	simm.s32 $0x2300;
	[sflag:s19] =	ssyncadd.s32 $0xFFFFD800  }
0x3b1: {  	[spmem:s2] =	stream.indirect.scatter.add.f32 [tilespmem:s13], [sflag:$0x5], $0x80, s14, s10, $0xb8;
	[tilespmem:$0x1E080] =	vst v63  }
0x3b2: {  	_ =	swait.ge [sflag:s8], $0x2800  }
0x3b3: {  	[sflag:s8] =	ssyncset.done $0x0  }
0x3b4: {  	s14 =	simm.s32 $0x480;
	[sflag:s8] =	ssyncadd.s32 $0xFFFFD800  }
0x3b5: {  	[tilespmem:s13], [sflag:$0x2] =	stream.indirect.gather [hbm4b:s0+s10], $0x80, s14, s10, $0xb8;
	[tilespmem:$0x1E080] =	vst v63  }
0x3b6: {  	_ =	swait.ge [sflag:s22], $0x2800  }
0x3b7: {  	[sflag:s22] =	ssyncset.done $0x0  }
0x3b8: {  	s18 =	simm.s32 $0x2380;
	[sflag:s22] =	ssyncadd.s32 $0xFFFFD800  }
0x3b9: {  	[spmem:s2] =	stream.indirect.scatter.add.f32 [tilespmem:s15], [sflag:$0x5], $0x80, s18, s10, $0xb8;
	[tilespmem:$0x1E080] =	vst v63  }
0x3ba: {  	_ =	swait.ge [sflag:s8], $0x2800  }
0x3bb: {  	[sflag:s8] =	ssyncset.done $0x0  }
0x3bc: {  	s9 =	simm.s32 $0x500;
	[sflag:s8] =	ssyncadd.s32 $0xFFFFD800  }
0x3bd: {  	[tilespmem:s15], [sflag:$0x3] =	stream.indirect.gather [hbm4b:s0+s10], $0x80, s9, s10, $0xb8;
	[tilespmem:$0x1E080] =	vst v63  }
0x3be: {  	_ =	swait.ge [sflag:s17], $0x2800  }
0x3bf: {  	[sflag:s17] =	ssyncset.done $0x0  }
0x3c0: {  	s31 =	simm.s32 $0x2400;
	[sflag:s17] =	ssyncadd.s32 $0xFFFFD800  }
0x3c1: {  	[spmem:s2] =	stream.indirect.scatter.add.f32 [tilespmem:s11], [sflag:$0x5], $0x80, s31, s10, $0xb8;
	[tilespmem:$0x1E080] =	vst v63  }
0x3c2: {  	_ =	swait.ge [sflag:s8], $0x2800  }
0x3c3: {  	[sflag:s8] =	ssyncset.done $0x0  }
0x3c4: {  	s12 =	simm.s32 $0x580;
	[sflag:s8] =	ssyncadd.s32 $0xFFFFD800  }
0x3c5: {  	[tilespmem:s11], [sflag:$0x1] =	stream.indirect.gather [hbm4b:s0+s10], $0x80, s12, s10, $0xb8;
	[tilespmem:$0x1E080] =	vst v63  }
0x3c6: {  	_ =	swait.ge [sflag:s19], $0x2800  }
0x3c7: {  	[sflag:s19] =	ssyncset.done $0x0  }
0x3c8: {  	s7 =	simm.s32 $0x2480;
	[sflag:s19] =	ssyncadd.s32 $0xFFFFD800  }
0x3c9: {  	[spmem:s2] =	stream.indirect.scatter.add.f32 [tilespmem:s13], [sflag:$0x5], $0x80, s7, s10, $0xb8;
	[tilespmem:$0x1E080] =	vst v63  }
0x3ca: {  	_ =	swait.ge [sflag:s8], $0x2800  }
0x3cb: {  	[sflag:s8] =	ssyncset.done $0x0  }
0x3cc: {  	s14 =	simm.s32 $0x600;
	[sflag:s8] =	ssyncadd.s32 $0xFFFFD800  }
0x3cd: {  	[tilespmem:s13], [sflag:$0x2] =	stream.indirect.gather [hbm4b:s0+s10], $0x80, s14, s10, $0xb8;
	[tilespmem:$0x1E080] =	vst v63  }
0x3ce: {  	_ =	swait.ge [sflag:s22], $0x2800  }
0x3cf: {  	[sflag:s22] =	ssyncset.done $0x0  }
0x3d0: {  	s30 =	simm.s32 $0x2500;
	[sflag:s22] =	ssyncadd.s32 $0xFFFFD800  }
0x3d1: {  	[spmem:s2] =	stream.indirect.scatter.add.f32 [tilespmem:s15], [sflag:$0x5], $0x80, s30, s10, $0xb8;
	[tilespmem:$0x1E080] =	vst v63  }
0x3d2: {  	_ =	swait.ge [sflag:s8], $0x2800  }
0x3d3: {  	[sflag:s8] =	ssyncset.done $0x0  }
0x3d4: {  	s18 =	simm.s32 $0x680;
	[sflag:s8] =	ssyncadd.s32 $0xFFFFD800  }
0x3d5: {  	[tilespmem:s15], [sflag:$0x3] =	stream.indirect.gather [hbm4b:s0+s10], $0x80, s18, s10, $0xb8;
	[tilespmem:$0x1E080] =	vst v63  }
0x3d6: {  	_ =	swait.ge [sflag:s17], $0x2800  }
0x3d7: {  	[sflag:s17] =	ssyncset.done $0x0  }
0x3d8: {  	s16 =	simm.s32 $0x2580;
	[sflag:s17] =	ssyncadd.s32 $0xFFFFD800  }
0x3d9: {  	[spmem:s2] =	stream.indirect.scatter.add.f32 [tilespmem:s11], [sflag:$0x5], $0x80, s16, s10, $0xb8;
	[tilespmem:$0x1E080] =	vst v63  }
0x3da: {  	_ =	swait.ge [sflag:s8], $0x2800  }
0x3db: {  	[sflag:s8] =	ssyncset.done $0x0  }
0x3dc: {  	s30 =	simm.s32 $0x700;
	[sflag:s8] =	ssyncadd.s32 $0xFFFFD800  }
0x3dd: {  	[tilespmem:s11], [sflag:$0x1] =	stream.indirect.gather [hbm4b:s0+s10], $0x80, s30, s10, $0xb8;
	[tilespmem:$0x1E080] =	vst v63  }
0x3de: {  	_ =	swait.ge [sflag:s19], $0x2800  }
0x3df: {  	[sflag:s19] =	ssyncset.done $0x0  }
0x3e0: {  	s31 =	simm.s32 $0x2600;
	[sflag:s19] =	ssyncadd.s32 $0xFFFFD800  }
0x3e1: {  	[spmem:s2] =	stream.indirect.scatter.add.f32 [tilespmem:s13], [sflag:$0x5], $0x80, s31, s10, $0xb8;
	[tilespmem:$0x1E080] =	vst v63  }
0x3e2: {  	_ =	swait.ge [sflag:s8], $0x2800  }
0x3e3: {  	[sflag:s8] =	ssyncset.done $0x0  }
0x3e4: {  	s7 =	simm.s32 $0x780;
	[sflag:s8] =	ssyncadd.s32 $0xFFFFD800  }
0x3e5: {  	[tilespmem:s13], [sflag:$0x2] =	stream.indirect.gather [hbm4b:s0+s10], $0x80, s7, s10, $0xb8;
	[tilespmem:$0x1E080] =	vst v63  }
0x3e6: {  	_ =	swait.ge [sflag:s22], $0x2800  }
0x3e7: {  	[sflag:s22] =	ssyncset.done $0x0  }
0x3e8: {  	s9 =	simm.s32 $0x2680;
	[sflag:s22] =	ssyncadd.s32 $0xFFFFD800  }
0x3e9: {  	[spmem:s2] =	stream.indirect.scatter.add.f32 [tilespmem:s15], [sflag:$0x5], $0x80, s9, s10, $0xb8;
	[tilespmem:$0x1E080] =	vst v63  }
0x3ea: {  	_ =	swait.ge [sflag:s8], $0x2800  }
0x3eb: {  	[sflag:s8] =	ssyncset.done $0x0  }
0x3ec: {  	s12 =	simm.s32 $0x800;
	[sflag:s8] =	ssyncadd.s32 $0xFFFFD800  }
0x3ed: {  	[tilespmem:s15], [sflag:$0x3] =	stream.indirect.gather [hbm4b:s0+s10], $0x80, s12, s10, $0xb8;
	[tilespmem:$0x1E080] =	vst v63  }
0x3ee: {  	_ =	swait.ge [sflag:s17], $0x2800  }
0x3ef: {  	[sflag:s17] =	ssyncset.done $0x0  }
0x3f0: {  	[sflag:s17] =	ssyncadd.s32 $0xFFFFD800  }
0x3f1: {  	[spmem:s2] =	stream.indirect.scatter.add.f32 [tilespmem:s11], [sflag:$0x5], $0x80, s4, s10, $0xb8;
	[tilespmem:$0x1E080] =	vst v63  }
0x3f2: {  	_ =	swait.ge [sflag:s8], $0x2800  }
0x3f3: {  	[sflag:s8] =	ssyncset.done $0x0  }
0x3f4: {  	s14 =	simm.s32 $0x880;
	[sflag:s8] =	ssyncadd.s32 $0xFFFFD800  }
0x3f5: {  	[tilespmem:s11], [sflag:$0x1] =	stream.indirect.gather [hbm4b:s0+s10], $0x80, s14, s10, $0xb8;
	[tilespmem:$0x1E080] =	vst v63  }
0x3f6: {  	_ =	swait.ge [sflag:s19], $0x2800  }
0x3f7: {  	[sflag:s19] =	ssyncset.done $0x0  }
0x3f8: {  	s16 =	simm.s32 $0x2780;
	[sflag:s19] =	ssyncadd.s32 $0xFFFFD800  }
0x3f9: {  	[spmem:s2] =	stream.indirect.scatter.add.f32 [tilespmem:s13], [sflag:$0x5], $0x80, s16, s10, $0xb8;
	[tilespmem:$0x1E080] =	vst v63  }
0x3fa: {  	_ =	swait.ge [sflag:s8], $0x2800  }
0x3fb: {  	[sflag:s8] =	ssyncset.done $0x0  }
0x3fc: {  	s18 =	simm.s32 $0x900;
	[sflag:s8] =	ssyncadd.s32 $0xFFFFD800  }
0x3fd: {  	[tilespmem:s13], [sflag:$0x2] =	stream.indirect.gather [hbm4b:s0+s10], $0x80, s18, s10, $0xb8;
	[tilespmem:$0x1E080] =	vst v63  }
0x3fe: {  	_ =	swait.ge [sflag:s22], $0x2800  }
0x3ff: {  	[sflag:s22] =	ssyncset.done $0x0  }
0x400: {  	s20 =	simm.s32 $0x2800;
	[sflag:s22] =	ssyncadd.s32 $0xFFFFD800  }
0x401: {  	[spmem:s2] =	stream.indirect.scatter.add.f32 [tilespmem:s15], [sflag:$0x5], $0x80, s20, s10, $0xb8;
	[tilespmem:$0x1E080] =	vst v63  }
0x402: {  	_ =	swait.ge [sflag:s8], $0x2800  }
0x403: {  	[sflag:s8] =	ssyncset.done $0x0  }
0x404: {  	s20 =	simm.s32 $0x980;
	[sflag:s8] =	ssyncadd.s32 $0xFFFFD800  }
0x405: {  	[tilespmem:s15], [sflag:$0x3] =	stream.indirect.gather [hbm4b:s0+s10], $0x80, s20, s10, $0xb8;
	[tilespmem:$0x1E080] =	vst v63  }
0x406: {  	_ =	swait.ge [sflag:s17], $0x2800  }
0x407: {  	[sflag:s17] =	ssyncset.done $0x0  }
0x408: {  	s21 =	simm.s32 $0x2880;
	[sflag:s17] =	ssyncadd.s32 $0xFFFFD800  }
0x409: {  	[spmem:s2] =	stream.indirect.scatter.add.f32 [tilespmem:s11], [sflag:$0x5], $0x80, s21, s10, $0xb8;
	[tilespmem:$0x1E080] =	vst v63  }
0x40a: {  	_ =	swait.ge [sflag:s8], $0x2800  }
0x40b: {  	[sflag:s8] =	ssyncset.done $0x0  }
0x40c: {  	s21 =	simm.s32 $0xA00;
	[sflag:s8] =	ssyncadd.s32 $0xFFFFD800  }
0x40d: {  	[tilespmem:s11], [sflag:$0x1] =	stream.indirect.gather [hbm4b:s0+s10], $0x80, s21, s10, $0xb8;
	[tilespmem:$0x1E080] =	vst v63  }
0x40e: {  	_ =	swait.ge [sflag:s19], $0x2800  }
0x40f: {  	[sflag:s19] =	ssyncset.done $0x0  }
0x410: {  	s23 =	simm.s32 $0x2900;
	[sflag:s19] =	ssyncadd.s32 $0xFFFFD800  }
0x411: {  	[spmem:s2] =	stream.indirect.scatter.add.f32 [tilespmem:s13], [sflag:$0x5], $0x80, s23, s10, $0xb8;
	[tilespmem:$0x1E080] =	vst v63  }
0x412: {  	_ =	swait.ge [sflag:s8], $0x2800  }
0x413: {  	[sflag:s8] =	ssyncset.done $0x0  }
0x414: {  	s23 =	simm.s32 $0xA80;
	[sflag:s8] =	ssyncadd.s32 $0xFFFFD800  }
0x415: {  	[tilespmem:s13], [sflag:$0x2] =	stream.indirect.gather [hbm4b:s0+s10], $0x80, s23, s10, $0xb8;
	[tilespmem:$0x1E080] =	vst v63  }
0x416: {  	_ =	swait.ge [sflag:s22], $0x2800  }
0x417: {  	[sflag:s22] =	ssyncset.done $0x0  }
0x418: {  	s24 =	simm.s32 $0x2980;
	[sflag:s22] =	ssyncadd.s32 $0xFFFFD800  }
0x419: {  	[spmem:s2] =	stream.indirect.scatter.add.f32 [tilespmem:s15], [sflag:$0x5], $0x80, s24, s10, $0xb8;
	[tilespmem:$0x1E080] =	vst v63  }
0x41a: {  	_ =	swait.ge [sflag:s8], $0x2800  }
0x41b: {  	[sflag:s8] =	ssyncset.done $0x0  }
0x41c: {  	s24 =	simm.s32 $0xB00;
	[sflag:s8] =	ssyncadd.s32 $0xFFFFD800  }
0x41d: {  	[tilespmem:s15], [sflag:$0x3] =	stream.indirect.gather [hbm4b:s0+s10], $0x80, s24, s10, $0xb8;
	[tilespmem:$0x1E080] =	vst v63  }
0x41e: {  	_ =	swait.ge [sflag:s17], $0x2800  }
0x41f: {  	[sflag:s17] =	ssyncset.done $0x0  }
0x420: {  	s25 =	simm.s32 $0x2A00;
	[sflag:s17] =	ssyncadd.s32 $0xFFFFD800  }
0x421: {  	[spmem:s2] =	stream.indirect.scatter.add.f32 [tilespmem:s11], [sflag:$0x5], $0x80, s25, s10, $0xb8;
	[tilespmem:$0x1E080] =	vst v63  }
0x422: {  	_ =	swait.ge [sflag:s8], $0x2800  }
0x423: {  	[sflag:s8] =	ssyncset.done $0x0  }
0x424: {  	s25 =	simm.s32 $0xB80;
	[sflag:s8] =	ssyncadd.s32 $0xFFFFD800  }
0x425: {  	[tilespmem:s11], [sflag:$0x1] =	stream.indirect.gather [hbm4b:s0+s10], $0x80, s25, s10, $0xb8;
	[tilespmem:$0x1E080] =	vst v63  }
0x426: {  	_ =	swait.ge [sflag:s19], $0x2800  }
0x427: {  	[sflag:s19] =	ssyncset.done $0x0  }
0x428: {  	s28 =	simm.s32 $0x2A80;
	[sflag:s19] =	ssyncadd.s32 $0xFFFFD800  }
0x429: {  	[spmem:s2] =	stream.indirect.scatter.add.f32 [tilespmem:s13], [sflag:$0x5], $0x80, s28, s10, $0xb8;
	[tilespmem:$0x1E080] =	vst v63  }
0x42a: {  	_ =	swait.ge [sflag:s8], $0x2800  }
0x42b: {  	[sflag:s8] =	ssyncset.done $0x0  }
0x42c: {  	s28 =	simm.s32 $0xC00;
	[sflag:s8] =	ssyncadd.s32 $0xFFFFD800  }
0x42d: {  	[tilespmem:s13], [sflag:$0x2] =	stream.indirect.gather [hbm4b:s0+s10], $0x80, s28, s10, $0xb8;
	[tilespmem:$0x1E080] =	vst v63  }
0x42e: {  	_ =	swait.ge [sflag:s22], $0x2800  }
0x42f: {  	[sflag:s22] =	ssyncset.done $0x0  }
0x430: {  	s26 =	simm.s32 $0x2B00;
	[sflag:s22] =	ssyncadd.s32 $0xFFFFD800  }
0x431: {  	[spmem:s2] =	stream.indirect.scatter.add.f32 [tilespmem:s15], [sflag:$0x5], $0x80, s26, s10, $0xb8;
	[tilespmem:$0x1E080] =	vst v63  }
0x432: {  	_ =	swait.ge [sflag:s8], $0x2800  }
0x433: {  	[sflag:s8] =	ssyncset.done $0x0  }
0x434: {  	[sflag:s8] =	ssyncadd.s32 $0xFFFFD800  }
0x435: {  	_ =	swait.ge [sflag:s17], $0x2800  }
0x436: {  	[sflag:s17] =	ssyncset.done $0x0  }
0x437: {  	s29 =	simm.s32 $0x2B80;
	[sflag:s17] =	ssyncadd.s32 $0xFFFFD800  }
0x438: {  	[spmem:s2] =	stream.indirect.scatter.add.f32 [tilespmem:s11], [sflag:$0x5], $0x80, s29, s10, $0xb8;
	[tilespmem:$0x1E080] =	vst v63  }
0x439: {  	_ =	swait.ge [sflag:s8], $0x2800  }
0x43a: {  	[sflag:s8] =	ssyncset.done $0x0  }
0x43b: {  	[sflag:s8] =	ssyncadd.s32 $0xFFFFD800  }
0x43c: {  	_ =	swait.ge [sflag:s19], $0x2800  }
0x43d: {  	[sflag:s19] =	ssyncset.done $0x0  }
0x43e: {  	s1 =	simm.s32 $0x2C00;
	[sflag:s19] =	ssyncadd.s32 $0xFFFFD800  }
0x43f: {  	[spmem:s2] =	stream.indirect.scatter.add.f32 [tilespmem:s13], [sflag:$0x5], $0x80, s1, s10, $0xb8;
	[tilespmem:$0x1E080] =	vst v63  }
0x440: {  	_ =	swait.ge [sflag:s8], $0x2800  }
0x441: {  	[sflag:s8] =	ssyncset.done $0x0  }
0x442: {  	[sflag:s8] =	ssyncadd.s32 $0xFFFFD800  }
0x443: {  	[bflag:$0x0] =	sbarrier.arrive $0xFFFF  }
0x444: {  	s29 =	rddreg [dreg:$0x12]  }
0x445: {  	[tilespmem:s6], [sflag:$0x5] =	stream.linear.gather [hbm4b:s29+s6], $0xC80, $0x38;
	[tilespmem:$0x1E080] =	vst v63  }
0x446: {  	_ =	swait.ge [sflag:s8], $0xC80  }
0x447: {  	[sflag:s8] =	ssyncset.done $0x0  }
0x448: {  	[sflag:s8] =	ssyncadd.s32 $0xFFFFF380  }
0x449: {  	[bflag:$0x0] =	sbarrier.arrive $0xFFFF  }
0x44a: {  	s30 =	rddreg [dreg:$0x10]  }
0x44b: {  	s31 =	rddreg [dreg:$0x13]  }
0x44c: {  	s1 =	rddreg [dreg:$0x14]  }
0x44d: {  	[hbm:s30], [sflag:s1] =	dma.local [spmem:s31], $0x2700  }
0x44e: {  	_ =	swait.ge [sflag:s8], $0x2700  }
0x44f: {  	s3 =	sadd.s32 $0xFFFFFFFF, s3;
	s18 =	rddreg [dreg:$0x11];
	[sflag:s8] =	ssyncset.done $0x0  }
0x450: {  	p1 =	sne.s32 s3, $0x0;
	s4 =	rddreg [dreg:$0x15];
	[sflag:s8] =	ssyncadd.s32 $0xFFFFD900  }
0x451: {  	[hbm:s18], [sflag:s1] =	dma.local @!p0 [spmem:s4], $0x100  }
.Ltmp0:
0x452: {  	_ = 	snop;
	(pc) =	sbr.rel @p1 .LBB2_1-.Ltmp0, $4  }
0x453: {  	s1 =	simm.s32 @!p0 $0x5  }
0x454: {  	_ =	swait.ge @!p0 [sflag:s1], $0x100  }
0x455: {  	[sflag:s1] =	ssyncset.done @!p0 $0x0;
	s1 =	simm.s32 @!p0 $0x5  }
0x456: {  	[sflag:s1] =	ssyncadd.s32 @!p0 $0xFFFFFF00  }
0x457: {  	_ =	sfence.sel $0x180000  }
0x458: {  	[bflag:$0x0] =	sbarrier.arrive $0xFFFF  }
0x459: {  	_ =	strace $0x90000047  }
0x45a: {  	[bflag:$0x2] =	sbarrier.arrive $0xFFFF  }
0x45b: {  	s0 =	rddreg [dreg:$0x3]  }
0x45c: {  	s0 =	sadd.s32 @!p0 $0x100000, s0  }
0x45d: {  	[sflag:s0] =	ssyncadd.tile.s32 @!p0 $0x1;
	_ =	shalt  }
.Lfunc_end2:
_tile_overlayer_lowered:
.L_overlay_start_2:
0x45e: {  	(tag) =	ssettag $0x2  }
0x45f: {  	s0 =	rddreg [dreg:$0x0];
	s2 =	stileid.u32  }
0x460: {  	s1 =	rddreg [dreg:$0x1];
	p0 =	sne.s32 s2, $0x0  }
0x461: {  	s3 =	rddreg [dreg:$0x2];
	[bflag:$0x3] =	sbarrier.arrive $0xFFFF;
	s2 =	simm.s32 @!p0 $0x1C05  }
0x462: {  	[timem:s3], [sflag:s2] =	dma.local @!p0 [hbm:s0], s1  }
0x463: {  	s0 =	simm.s32 @!p0 $0x5  }
0x464: {  	_ =	swait.ge @!p0 [sflag:s0], s1  }
0x465: {  	s1 =	ssub.s32 @!p0 $0x0, s1;
	[sflag:s0] =	ssyncset.done @!p0 $0x0  }
0x466: {  	[sflag:s0] =	ssyncadd.s32 @!p0 s1  }
0x467: {  	[bflag:$0x3] =	sbarrier.arrive $0xFFFF  }
0x468: {  	_ =	shalt  }

</sc_bundles>
